<compile_context>
chip_gen: v7x
topology: tpu7x:2x2x1
jax: 0.10.2.dev20260603
libtpu: 0.0.44.dev20260713+nightly
codegen_flags: <defaults>
</compile_context>

<pallas_src>
import functools

import jax
from jax import lax
import jax.numpy as jnp
import numpy as np
from jax.experimental import pallas as pl
from jax.experimental.pallas import tpu as pltpu

_SCORE_THRESH = 0.05
_NMS_THRESH = 0.5
_DETS = 100
_SCALE = 1.0 / 16.0
_POOL = 7
_NCLS = 91
_LANES = 128

_NPROP = 5000
_NPTS = 5120 * 49
_TILES = 32
_TPTS = _NPTS // _TILES
_CH = 160
_NSUB = _TPTS // _CH
_NPROPP = 5120
_BLK = 512
_ROWS = _NPROPP


def _sc_roi_body(table_hbm, px1_hbm, py1_hbm, px2_hbm, py2_hbm, out_hbm,
                 shared_v, px1_v, py1_v, px2_v, py2_v, i00_v, i01_v, i10_v,
                 i11_v, w_v, c00_v, c01_v, c10_v, c11_v, out_v, sem):
    from jax.experimental.pallas import tpu_sc as plsc
    wid = lax.axis_index("s") * 2 + lax.axis_index("c")

    @pl.when(lax.axis_index("s") == 0)
    def _stage():
        pltpu.sync_copy(table_hbm, shared_v)

    pltpu.sync_copy(px1_hbm, px1_v)
    pltpu.sync_copy(py1_hbm, py1_v)
    pltpu.sync_copy(px2_hbm, px2_v)
    pltpu.sync_copy(py2_hbm, py2_v)
    base = wid * _TPTS
    iota16 = lax.iota(jnp.int32, 16)
    plsc.subcore_barrier()

    def subchunk(scix, carry):
        cb = base + scix * _CH

        def group(g, carry2):
            pt = cb + g * 16 + iota16
            n = lax.div(pt, 49)
            p = pt - n * 49
            py = lax.div(p, 7)
            px = p - py * 7
            x1 = plsc.load_gather(px1_v, [n]) * _SCALE
            y1 = plsc.load_gather(py1_v, [n]) * _SCALE
            x2 = plsc.load_gather(px2_v, [n]) * _SCALE
            y2 = plsc.load_gather(py2_v, [n]) * _SCALE
            bw = jnp.maximum(x2 - x1, 1.0)
            bh = jnp.maximum(y2 - y1, 1.0)
            gx = (x1 + (px.astype(jnp.float32) + 0.5) * (bw / 7.0)) - 0.5
            gy = (y1 + (py.astype(jnp.float32) + 0.5) * (bh / 7.0)) - 0.5

            def fl(v):
                t = v.astype(jnp.int32)
                tf = t.astype(jnp.float32)
                return jnp.where((v < 0.0) & (tf != v), t - 1, t)

            x0i = fl(gx)
            y0i = fl(gy)
            lx = jnp.clip(gx - x0i.astype(jnp.float32), 0.0, 1.0)
            ly = jnp.clip(gy - y0i.astype(jnp.float32), 0.0, 1.0)
            x0c = jnp.clip(x0i, 0, 49)
            x1c = jnp.clip(x0i + 1, 0, 49)
            y0c = jnp.clip(y0i, 0, 49)
            y1c = jnp.clip(y0i + 1, 0, 49)
            sl = pl.ds(g * 16, 16)
            i00_v[sl] = y0c * 50 + x0c
            i01_v[sl] = y0c * 50 + x1c
            i10_v[sl] = y1c * 50 + x0c
            i11_v[sl] = y1c * 50 + x1c
            w_v[0, sl] = (1.0 - ly) * (1.0 - lx)
            w_v[1, sl] = (1.0 - ly) * lx
            w_v[2, sl] = ly * (1.0 - lx)
            w_v[3, sl] = ly * lx
            return carry2

        @plsc.parallel_loop(0, _CH // 16, unroll=2)
        def _g(g):
            group(g, 0)

        h00 = pltpu.async_copy(shared_v.at[i00_v], c00_v, sem)
        h01 = pltpu.async_copy(shared_v.at[i01_v], c01_v, sem)
        h10 = pltpu.async_copy(shared_v.at[i10_v], c10_v, sem)
        h11 = pltpu.async_copy(shared_v.at[i11_v], c11_v, sem)
        h00.wait()
        h01.wait()
        h10.wait()
        h11.wait()

        def pgroup(g, carry3):
            sl = pl.ds(g * 16, 16)
            wv00 = w_v[0, sl]
            wv01 = w_v[1, sl]
            wv10 = w_v[2, sl]
            wv11 = w_v[3, sl]
            for j in range(16):
                i = g * 16 + j
                for v in range(4):
                    cs = pl.ds(v * 16, 16)
                    out_v[i, cs] = (c00_v[i, cs] * wv00[j] + c01_v[i, cs] * wv01[j]
                                    + c10_v[i, cs] * wv10[j] + c11_v[i, cs] * wv11[j])
            return carry3

        @plsc.parallel_loop(0, _CH // 16, unroll=2)
        def _pg(g):
            pgroup(g, 0)

        pltpu.sync_copy(out_v, out_hbm.at[pl.ds(cb, _CH)])
        return carry

    lax.fori_loop(0, _NSUB, subchunk, 0)


@jax.jit
def _sc_roi(table, prop):
    from jax.experimental.pallas import tpu_sc as plsc
    f32 = jnp.float32
    fn = functools.partial(
        pl.kernel,
        mesh=plsc.VectorSubcoreMesh(core_axis_name="c", subcore_axis_name="s"),
        compiler_params=pltpu.CompilerParams(
            needs_layout_passes=False, use_tc_tiling_on_sc=False),
        out_type=jax.ShapeDtypeStruct((_NPTS, 64), f32),
        scratch_types=[
            pltpu.VMEM_SHARED((2500, 64), f32),
            pltpu.VMEM((_NPROPP,), f32),
            pltpu.VMEM((_NPROPP,), f32),
            pltpu.VMEM((_NPROPP,), f32),
            pltpu.VMEM((_NPROPP,), f32),
            pltpu.VMEM((_CH,), jnp.int32),
            pltpu.VMEM((_CH,), jnp.int32),
            pltpu.VMEM((_CH,), jnp.int32),
            pltpu.VMEM((_CH,), jnp.int32),
            pltpu.VMEM((4, _CH), f32),
            pltpu.VMEM((_CH, 64), f32),
            pltpu.VMEM((_CH, 64), f32),
            pltpu.VMEM((_CH, 64), f32),
            pltpu.VMEM((_CH, 64), f32),
            pltpu.VMEM((_CH, 64), f32),
            pltpu.SemaphoreType.DMA,
        ],
    )(_sc_roi_body)
    return fn(table, prop[:, 0], prop[:, 1], prop[:, 2], prop[:, 3])


def _head_body(x_ref, prop_ref, w6_ref, b6_ref, w7_ref, b7_ref,
               wc_ref, bc_ref, wr_ref, br_ref, bounds_ref,
               bx_ref, ms_ref):
    pid = pl.program_id(0)
    x = x_ref[...]
    a = jnp.maximum(
        jnp.dot(x, w6_ref[...], preferred_element_type=jnp.float32) + b6_ref[...], 0.0)
    h = jnp.maximum(
        jnp.dot(a, w7_ref[...], preferred_element_type=jnp.float32) + b7_ref[...], 0.0)
    lg = jnp.dot(h, wc_ref[...], preferred_element_type=jnp.float32) + bc_ref[...]
    lane = jax.lax.broadcasted_iota(jnp.int32, (_BLK, _LANES), 1)
    lg = jnp.where(lane < _NCLS, lg, -jnp.inf)
    e = jnp.exp(lg - jnp.max(lg, axis=1, keepdims=True))
    sm = e / jnp.sum(e, axis=1, keepdims=True)
    sc = sm[:, 1:_NCLS]
    rel = jnp.dot(h, wr_ref[...], preferred_element_type=jnp.float32) + br_ref[...]

    px1 = prop_ref[:, 0:1]
    py1 = prop_ref[:, 1:2]
    px2 = prop_ref[:, 2:3]
    py2 = prop_ref[:, 3:4]
    widths = px2 - px1
    heights = py2 - py1
    ctr_x = px1 + 0.5 * widths
    ctr_y = py1 + 0.5 * heights
    dx = rel[:, 0:90] / 10.0
    dy = rel[:, 96:186] / 10.0
    dw = jnp.minimum(rel[:, 192:282] / 5.0, np.log(1000.0 / 16))
    dh = jnp.minimum(rel[:, 288:378] / 5.0, np.log(1000.0 / 16))
    pcx = dx * widths + ctr_x
    pcy = dy * heights + ctr_y
    pw = jnp.exp(dw) * widths
    ph = jnp.exp(dh) * heights
    img_w = bounds_ref[0, 0]
    img_h = bounds_ref[0, 1]
    bx1 = jnp.clip(pcx - 0.5 * pw, 0.0, img_w)
    by1 = jnp.clip(pcy - 0.5 * ph, 0.0, img_h)
    bx2 = jnp.clip(pcx + 0.5 * pw, 0.0, img_w)
    by2 = jnp.clip(pcy + 0.5 * ph, 0.0, img_h)

    ws = bx2 - bx1
    hs = by2 - by1
    valid = (sc > _SCORE_THRESH) & (ws >= 0.01) & (hs >= 0.01)
    msk = jnp.where(valid, sc, -1.0)
    row = pid * _BLK + jax.lax.broadcasted_iota(jnp.int32, (_BLK, _NCLS - 1), 0)
    real = row < _NPROP
    msk = jnp.where(real, msk, -1.0)
    zero = jnp.zeros_like(bx1)
    lpad = jnp.zeros((_BLK, _LANES - (_NCLS - 1)), jnp.float32)
    def padl(p):
        return jnp.concatenate([p, lpad], axis=1)
    bx_ref[0] = padl(jnp.where(real, bx1, zero))
    bx_ref[1] = padl(jnp.where(real, by1, zero))
    bx_ref[2] = padl(jnp.where(real, bx2, zero))
    bx_ref[3] = padl(jnp.where(real, by2, zero))
    ms_ref[...] = padl(msk)


@jax.jit
def _head_pallas(x, prop, w6, b6, w7, b7, wc, bc, wr, br, bounds):
    f32 = jnp.float32
    nblk = _NPROPP // _BLK
    full = lambda shape: pl.BlockSpec(shape, lambda i: (0,) * len(shape))
    return pl.pallas_call(
        _head_body,
        grid=(nblk,),
        in_specs=[
            pl.BlockSpec((_BLK, 3136), lambda i: (i, 0)),
            pl.BlockSpec((_BLK, 4), lambda i: (i, 0)),
            full((3136, 256)),
            full((1, 256)),
            full((256, 256)),
            full((1, 256)),
            full((256, _LANES)),
            full((1, _LANES)),
            full((256, 384)),
            full((1, 384)),
            full((1, _LANES)),
        ],
        out_specs=[
            pl.BlockSpec((4, _BLK, _LANES), lambda i: (0, i, 0)),
            pl.BlockSpec((_BLK, _LANES), lambda i: (i, 0)),
        ],
        out_shape=[
            jax.ShapeDtypeStruct((4, _ROWS, _LANES), f32),
            jax.ShapeDtypeStruct((_ROWS, _LANES), f32),
        ],
    )(x, prop, w6, b6, w7, b7, wc, bc, wr, br, bounds)


def _nms_body(bxT_ref, msT_ref, outb_ref, outs_ref, outl_ref,
              nbT_ref, sT_ref, a2T_ref, rmax_ref, rix_ref):
    big = jnp.int32(2**30)
    m = jnp.max(bxT_ref[...])
    c_col = jax.lax.broadcasted_iota(jnp.int32, (_LANES, 1), 0)
    offsT = (c_col + 1).astype(jnp.float32) * (m + 1.0)
    for k in range(4):
        nbT_ref[k] = bxT_ref[k] + offsT
    a2T_ref[...] = (nbT_ref[2] - nbT_ref[0]) * (nbT_ref[3] - nbT_ref[1])
    sT_ref[...] = msT_ref[...]
    piota = jax.lax.broadcasted_iota(jnp.int32, (_LANES, _ROWS), 1)
    rmax_ref[...] = jnp.max(sT_ref[...], axis=1, keepdims=True)
    rix_ref[...] = jnp.min(
        jnp.where(sT_ref[...] == rmax_ref[...], piota, big), axis=1,
        keepdims=True)
    prow = jax.lax.broadcasted_iota(jnp.int32, (1, _ROWS), 1)

    def body(i, carry):
        rmax = rmax_ref[...]
        mv = jnp.max(rmax)
        cand = jnp.where(rmax == mv, rix_ref[...] * 90 + c_col, big)
        idx = jnp.min(cand)
        ok = mv > 0.0
        n = idx // 90
        c = idx - n * 90
        sel = prow == n

        def ext(row):
            return jnp.sum(jnp.where(sel, row, 0.0))

        nrow = [nbT_ref[k, pl.ds(c, 1), :] for k in range(4)]
        px = [ext(r) for r in nrow]
        rx = [ext(bxT_ref[k, pl.ds(c, 1), :]) for k in range(4)]
        area1 = (px[2] - px[0]) * (px[3] - px[1])
        ltx = jnp.maximum(px[0], nrow[0])
        lty = jnp.maximum(px[1], nrow[1])
        rbx = jnp.minimum(px[2], nrow[2])
        rby = jnp.minimum(px[3], nrow[3])
        w = jnp.clip(rbx - ltx, 0.0, None)
        h = jnp.clip(rby - lty, 0.0, None)
        inter = w * h
        iou = inter / (area1 + a2T_ref[pl.ds(c, 1), :] - inter + 1e-9)
        kill = (ok & (iou > _NMS_THRESH)) | sel
        newrow = jnp.where(kill, -1.0, sT_ref[pl.ds(c, 1), :])
        sT_ref[pl.ds(c, 1), :] = newrow
        newmax = jnp.max(newrow)
        newrix = jnp.min(jnp.where(newrow == newmax, prow, big))
        rmax_ref[pl.ds(c, 1), :] = jnp.full((1, 1), 0.0) + newmax
        rix_ref[pl.ds(c, 1), :] = jnp.full((1, 1), 0) + newrix
        for k in range(4):
            outb_ref[k, pl.ds(i, 1), :] = jnp.broadcast_to(
                jnp.where(ok, rx[k], 0.0), (1, _LANES))
        outs_ref[pl.ds(i, 1), :] = jnp.broadcast_to(
            jnp.where(ok, mv, 0.0), (1, _LANES))
        lab = jnp.where(ok, c + 1, 0)
        outl_ref[pl.ds(i, 1), :] = jnp.broadcast_to(lab, (1, _LANES))
        return carry

    jax.lax.fori_loop(0, _DETS, body, 0)


@jax.jit
def _nms_pallas(bx, ms):
    f32 = jnp.float32
    bxT = jnp.transpose(bx, (0, 2, 1))
    msT = ms.T
    return pl.pallas_call(
        _nms_body,
        out_shape=[
            jax.ShapeDtypeStruct((4, _DETS, _LANES), f32),
            jax.ShapeDtypeStruct((_DETS, _LANES), f32),
            jax.ShapeDtypeStruct((_DETS, _LANES), jnp.int32),
        ],
        scratch_shapes=[
            pltpu.VMEM((4, _LANES, _ROWS), f32),
            pltpu.VMEM((_LANES, _ROWS), f32),
            pltpu.VMEM((_LANES, _ROWS), f32),
            pltpu.VMEM((_LANES, 1), f32),
            pltpu.VMEM((_LANES, 1), jnp.int32),
        ],
    )(bxT, msT)


def kernel(features, proposals, fc6_w, fc6_b, fc7_w, fc7_b, cls_w, cls_b,
           reg_w, reg_b, img_h, img_w):
    f32 = jnp.float32
    feat = features[0]
    prop = jnp.concatenate(
        [proposals, jnp.zeros((_NPROPP - _NPROP, 4), f32)], axis=0)
    table = feat.transpose(1, 2, 0).reshape(2500, 64)
    pooled = _sc_roi(table, prop)
    x = pooled.reshape(_NPROPP, 3136)
    b6 = fc6_b.reshape(1, 256)
    b7 = fc7_b.reshape(1, 256)
    wc = jnp.concatenate([cls_w, jnp.zeros((256, _LANES - _NCLS), f32)], axis=1)
    bc = jnp.concatenate([cls_b, jnp.zeros((_LANES - _NCLS,), f32)]).reshape(1, _LANES)
    wr4 = reg_w.reshape(256, _NCLS, 4).transpose(0, 2, 1)[:, :, 1:]
    wr = jnp.concatenate([wr4, jnp.zeros((256, 4, 6), f32)], axis=2).reshape(256, 384)
    br4 = reg_b.reshape(_NCLS, 4).T[:, 1:]
    br = jnp.concatenate([br4, jnp.zeros((4, 6), f32)], axis=1).reshape(1, 384)
    bounds = jnp.zeros((1, _LANES), f32)
    bounds = bounds.at[0, 0].set(jnp.asarray(img_w).astype(f32))
    bounds = bounds.at[0, 1].set(jnp.asarray(img_h).astype(f32))
    w6p = fc6_w.reshape(64, 49, 256).transpose(1, 0, 2).reshape(3136, 256)
    bx, ms = _head_pallas(x, prop, w6p, b6, fc7_w, b7, wc, bc, wr, br, bounds)
    outb, outs, outl = _nms_pallas(bx, ms)
    out_boxes = outb[:, :, 0].T
    out_scores = outs[:, 0]
    out_labels = outl[:, 0]
    return out_boxes, out_scores, out_labels

# --- scband reference (transcript-rebuilt; emitter-appended) ---
"""Pipeline reference for scband-ro-iheads-29506425324310 (READ-ONLY COPY).

The authoritative reference and input builder live on the scoring server;
editing this copy changes nothing except your own understanding.
"""

import jax, jax.numpy as jnp
import numpy as np

SCORE_THRESH = 0.05
NMS_THRESH = 0.5
DETS_PER_IMG = 100
SPATIAL_SCALE = 1.0 / 16.0
POOL = 7
NUM_CLASSES = 91
BBOX_REG_W = (10.0, 10.0, 5.0, 5.0)


def roi_align(feat, boxes, spatial_scale, pool):
    C, H, W = feat.shape
    N = boxes.shape[0]
    b = boxes * spatial_scale
    x1, y1, x2, y2 = b[:, 0], b[:, 1], b[:, 2], b[:, 3]
    bw = jnp.maximum(x2 - x1, 1.0)
    bh = jnp.maximum(y2 - y1, 1.0)
    ix = jnp.arange(pool, dtype=feat.dtype) + 0.5
    sx = x1[:, None] + ix[None, :] * (bw / pool)[:, None]
    sy = y1[:, None] + ix[None, :] * (bh / pool)[:, None]
    xs = jnp.broadcast_to(sx[:, None, :], (N, pool, pool)) - 0.5
    ys = jnp.broadcast_to(sy[:, :, None], (N, pool, pool)) - 0.5
    x0 = jnp.floor(xs)
    y0 = jnp.floor(ys)
    lx = jnp.clip(xs - x0, 0.0, 1.0)
    ly = jnp.clip(ys - y0, 0.0, 1.0)
    x0i = jnp.clip(x0, 0, W - 1).astype(jnp.int32)
    x1i = jnp.clip(x0 + 1, 0, W - 1).astype(jnp.int32)
    y0i = jnp.clip(y0, 0, H - 1).astype(jnp.int32)
    y1i = jnp.clip(y0 + 1, 0, H - 1).astype(jnp.int32)
    f = feat.reshape(C, H * W)
    def g(yi, xi):
        return f[:, (yi * W + xi).reshape(-1)]
    w00 = ((1 - ly) * (1 - lx)).reshape(-1)[None, :]
    w01 = ((1 - ly) * lx).reshape(-1)[None, :]
    w10 = (ly * (1 - lx)).reshape(-1)[None, :]
    w11 = (ly * lx).reshape(-1)[None, :]
    v = g(y0i, x0i) * w00 + g(y0i, x1i) * w01 + g(y1i, x0i) * w10 + g(y1i, x1i) * w11
    return v.reshape(C, N, pool, pool).transpose(1, 0, 2, 3)


def decode_boxes(rel, boxes):
    wx, wy, ww, wh = BBOX_REG_W
    widths = boxes[:, 2] - boxes[:, 0]
    heights = boxes[:, 3] - boxes[:, 1]
    ctr_x = boxes[:, 0] + 0.5 * widths
    ctr_y = boxes[:, 1] + 0.5 * heights
    dx = rel[:, 0] / wx
    dy = rel[:, 1] / wy
    dw = jnp.minimum(rel[:, 2] / ww, np.log(1000.0 / 16))
    dh = jnp.minimum(rel[:, 3] / wh, np.log(1000.0 / 16))
    pcx = dx * widths + ctr_x
    pcy = dy * heights + ctr_y
    pw = jnp.exp(dw) * widths
    ph = jnp.exp(dh) * heights
    return jnp.stack([pcx - 0.5 * pw, pcy - 0.5 * ph, pcx + 0.5 * pw, pcy + 0.5 * ph], axis=1)


def iou_one_vs_all(box, boxes):
    area1 = (box[2] - box[0]) * (box[3] - box[1])
    area2 = (boxes[:, 2] - boxes[:, 0]) * (boxes[:, 3] - boxes[:, 1])
    lt = jnp.maximum(box[:2], boxes[:, :2])
    rb = jnp.minimum(box[2:], boxes[:, 2:])
    wh = jnp.clip(rb - lt, 0.0, None)
    inter = wh[:, 0] * wh[:, 1]
    return inter / (area1 + area2 - inter + 1e-9)


def nms_fixed(boxes, scores, thresh, max_out):
    def body(i, carry):
        s, keep = carry
        idx = jnp.argmax(s)
        ok = s[idx] > 0.0
        keep = keep.at[i].set(jnp.where(ok, idx.astype(jnp.int32), -1))
        iou = iou_one_vs_all(boxes[idx], boxes)
        s = jnp.where(ok & (iou > thresh), -1.0, s)
        s = s.at[idx].set(-1.0)
        return (s, keep)
    _, keep = jax.lax.fori_loop(0, max_out, body, (scores, -jnp.ones((max_out,), jnp.int32)))
    return keep


def forward_core(features, proposals, fc6_w, fc6_b, fc7_w, fc7_b, cls_w, cls_b, reg_w, reg_b, img_h, img_w):
    feat = features[0]
    N = proposals.shape[0]
    pooled = roi_align(feat, proposals, SPATIAL_SCALE, POOL)
    x = pooled.reshape(N, -1)
    x = jax.nn.relu(x @ fc6_w + fc6_b)
    x = jax.nn.relu(x @ fc7_w + fc7_b)
    class_logits = x @ cls_w + cls_b
    box_regression = x @ reg_w + reg_b
    props_rep = jnp.repeat(proposals[:, None, :], NUM_CLASSES, axis=1).reshape(-1, 4)
    boxes = decode_boxes(box_regression.reshape(-1, 4), props_rep).reshape(N, NUM_CLASSES, 4)
    scores = jax.nn.softmax(class_logits, axis=-1)
    img_w_f = jnp.asarray(img_w).astype(boxes.dtype)
    img_h_f = jnp.asarray(img_h).astype(boxes.dtype)
    boxes = jnp.stack([
        jnp.clip(boxes[..., 0], 0.0, img_w_f),
        jnp.clip(boxes[..., 1], 0.0, img_h_f),
        jnp.clip(boxes[..., 2], 0.0, img_w_f),
        jnp.clip(boxes[..., 3], 0.0, img_h_f),
    ], axis=-1)
    boxes = boxes[:, 1:, :].reshape(-1, 4)
    scores = scores[:, 1:].reshape(-1)
    labels = jnp.broadcast_to(jnp.arange(1, NUM_CLASSES)[None, :], (N, NUM_CLASSES - 1)).reshape(-1)
    ws = boxes[:, 2] - boxes[:, 0]
    hs = boxes[:, 3] - boxes[:, 1]
    valid = (scores > SCORE_THRESH) & (ws >= 0.01) & (hs >= 0.01)
    masked = jnp.where(valid, scores, -1.0)
    offs = labels.astype(boxes.dtype) * (jnp.max(boxes) + 1.0)
    nms_boxes = boxes + offs[:, None]
    return boxes, scores, labels, masked, nms_boxes


def setup_inputs(seed: int = 0):
    key = jax.random.key(seed)
    ks = jax.random.split(key, 10)
    N, C, H, W = 5000, 64, 50, 50
    REP = 256
    D = C * POOL * POOL
    features = jax.random.normal(ks[0], (1, C, H, W), jnp.float32)
    c = jax.random.uniform(ks[1], (N, 2), jnp.float32) * 800.0
    wh = jax.random.uniform(ks[2], (N, 2), jnp.float32) * 200.0 + 8.0
    x1y1 = jnp.clip(c - wh / 2, 0.0, 800.0)
    x2y2 = jnp.clip(c + wh / 2, 0.0, 800.0)
    proposals = jnp.concatenate([x1y1, x2y2], axis=1)
    fc6_w = jax.random.normal(ks[3], (D, REP), jnp.float32) * 0.02
    fc6_b = jnp.zeros((REP,), jnp.float32)
    fc7_w = jax.random.normal(ks[4], (REP, REP), jnp.float32) * 0.05
    fc7_b = jnp.zeros((REP,), jnp.float32)
    cls_w = jax.random.normal(ks[5], (REP, NUM_CLASSES), jnp.float32) * 0.5
    cls_b = jnp.zeros((NUM_CLASSES,), jnp.float32)
    reg_w = jax.random.normal(ks[6], (REP, NUM_CLASSES * 4), jnp.float32) * 0.05
    reg_b = jnp.zeros((NUM_CLASSES * 4,), jnp.float32)
    return {"features": features, "proposals": proposals, "fc6_w": fc6_w, "fc6_b": fc6_b,
            "fc7_w": fc7_w, "fc7_b": fc7_b, "cls_w": cls_w, "cls_b": cls_b,
            "reg_w": reg_w, "reg_b": reg_b, "img_h": 800, "img_w": 800}


def reference(features, proposals, fc6_w, fc6_b, fc7_w, fc7_b, cls_w, cls_b, reg_w, reg_b, img_h, img_w):
    boxes, scores, labels, masked, nms_boxes = forward_core(
        features, proposals, fc6_w, fc6_b, fc7_w, fc7_b, cls_w, cls_b, reg_w, reg_b, img_h, img_w)
    keep = nms_fixed(nms_boxes, masked, NMS_THRESH, DETS_PER_IMG)
    vmask = keep >= 0
    kidx = jnp.where(vmask, keep, 0)
    out_boxes = jnp.where(vmask[:, None], boxes[kidx], 0.0)
    out_scores = jnp.where(vmask, scores[kidx], 0.0)
    out_labels = jnp.where(vmask, labels[kidx], 0)
    return out_boxes, out_scores, out_labels

if __name__ == "__main__":
    import jax
    _d = setup_inputs()
    print(jax.jit(kernel)(*tuple(_d.values())))

</pallas_src>

<mosaic_0001>
#map = affine_map<(d0, d1) -> (0, 0)>
#map1 = affine_map<(d0, d1) -> (0)>
module attributes {stable_mosaic.version = 14 : i64} {
  func.func @_sc_roi_body(%arg0: i32, %arg1: i32, %arg2: memref<2500x64xf32, #tpu.memory_space<hbm>>, %arg3: memref<5120xf32, #tpu.memory_space<hbm>>, %arg4: memref<5120xf32, #tpu.memory_space<hbm>>, %arg5: memref<5120xf32, #tpu.memory_space<hbm>>, %arg6: memref<5120xf32, #tpu.memory_space<hbm>>, %arg7: memref<250880x64xf32, #tpu.memory_space<hbm>>, %arg8: memref<2500x64xf32, #tpu.memory_space<vmem_shared>>, %arg9: memref<5120xf32, #tpu.memory_space<vmem>>, %arg10: memref<5120xf32, #tpu.memory_space<vmem>>, %arg11: memref<5120xf32, #tpu.memory_space<vmem>>, %arg12: memref<5120xf32, #tpu.memory_space<vmem>>, %arg13: memref<160xi32, #tpu.memory_space<vmem>>, %arg14: memref<160xi32, #tpu.memory_space<vmem>>, %arg15: memref<160xi32, #tpu.memory_space<vmem>>, %arg16: memref<160xi32, #tpu.memory_space<vmem>>, %arg17: memref<4x160xf32, #tpu.memory_space<vmem>>, %arg18: memref<160x64xf32, #tpu.memory_space<vmem>>, %arg19: memref<160x64xf32, #tpu.memory_space<vmem>>, %arg20: memref<160x64xf32, #tpu.memory_space<vmem>>, %arg21: memref<160x64xf32, #tpu.memory_space<vmem>>, %arg22: memref<160x64xf32, #tpu.memory_space<vmem>>, %arg23: memref<!tpu.dma_semaphore, #tpu.memory_space<semaphore_mem>>) attributes {dimension_semantics = [#tpu.dimension_semantics<core_parallel>, #tpu.dimension_semantics<subcore_parallel>], iteration_bounds = array<i64: 2, 16>, scalar_prefetch = 0 : i64, scratch_operands = 16 : i64, tpu.core_type = #tpu.core_type<sc_vector_subcore>, window_params = [{transform_indices = #map}, {transform_indices = #map1}, {transform_indices = #map1}, {transform_indices = #map1}, {transform_indices = #map1}, {transform_indices = #map}]} {
    %mul3A = arith.constant 2 : i32
    %mul3A_0 = arith.muli %arg1, %mul3A : i32
    %add3A = arith.addi %mul3A_0, %arg0 : i32
    %eq3A = arith.constant 0 : i32
    %eq3A_1 = arith.cmpi eq, %arg1, %eq3A : i32
    %convert_element_type3A = arith.extui %eq3A_1 : i1 to i32
    %cond3A = arith.constant 0 : i32
    %cond3A_2 = arith.cmpi ne, %convert_element_type3A, %cond3A : i32
    scf.if %cond3A_2 {
      "tpu.region"() ({
        %run_scoped3A = tpu.sem_alloc : memref<!tpu.dma_semaphore, #tpu.memory_space<semaphore_mem>>
        tpu.enqueue_dma source(%arg2 : memref<2500x64xf32, #tpu.memory_space<hbm>>) target(%arg8 : memref<2500x64xf32, #tpu.memory_space<vmem_shared>>) target_semaphore(%run_scoped3A : memref<!tpu.dma_semaphore, #tpu.memory_space<semaphore_mem>>)
        tpu.wait_dma2 semaphore(%run_scoped3A : memref<!tpu.dma_semaphore, #tpu.memory_space<semaphore_mem>>) src(%arg2 : memref<2500x64xf32, #tpu.memory_space<hbm>>) dst(%arg8 : memref<2500x64xf32, #tpu.memory_space<vmem_shared>>)
        tpu.yield
      }) : () -> ()
    } else {
    }
    "tpu.region"() ({
      %run_scoped3A = tpu.sem_alloc : memref<!tpu.dma_semaphore, #tpu.memory_space<semaphore_mem>>
      tpu.enqueue_dma source(%arg3 : memref<5120xf32, #tpu.memory_space<hbm>>) target(%arg9 : memref<5120xf32, #tpu.memory_space<vmem>>) target_semaphore(%run_scoped3A : memref<!tpu.dma_semaphore, #tpu.memory_space<semaphore_mem>>)
      tpu.wait_dma2 semaphore(%run_scoped3A : memref<!tpu.dma_semaphore, #tpu.memory_space<semaphore_mem>>) src(%arg3 : memref<5120xf32, #tpu.memory_space<hbm>>) dst(%arg9 : memref<5120xf32, #tpu.memory_space<vmem>>)
      tpu.yield
    }) : () -> ()
    "tpu.region"() ({
      %run_scoped3A = tpu.sem_alloc : memref<!tpu.dma_semaphore, #tpu.memory_space<semaphore_mem>>
      tpu.enqueue_dma source(%arg4 : memref<5120xf32, #tpu.memory_space<hbm>>) target(%arg10 : memref<5120xf32, #tpu.memory_space<vmem>>) target_semaphore(%run_scoped3A : memref<!tpu.dma_semaphore, #tpu.memory_space<semaphore_mem>>)
      tpu.wait_dma2 semaphore(%run_scoped3A : memref<!tpu.dma_semaphore, #tpu.memory_space<semaphore_mem>>) src(%arg4 : memref<5120xf32, #tpu.memory_space<hbm>>) dst(%arg10 : memref<5120xf32, #tpu.memory_space<vmem>>)
      tpu.yield
    }) : () -> ()
    "tpu.region"() ({
      %run_scoped3A = tpu.sem_alloc : memref<!tpu.dma_semaphore, #tpu.memory_space<semaphore_mem>>
      tpu.enqueue_dma source(%arg5 : memref<5120xf32, #tpu.memory_space<hbm>>) target(%arg11 : memref<5120xf32, #tpu.memory_space<vmem>>) target_semaphore(%run_scoped3A : memref<!tpu.dma_semaphore, #tpu.memory_space<semaphore_mem>>)
      tpu.wait_dma2 semaphore(%run_scoped3A : memref<!tpu.dma_semaphore, #tpu.memory_space<semaphore_mem>>) src(%arg5 : memref<5120xf32, #tpu.memory_space<hbm>>) dst(%arg11 : memref<5120xf32, #tpu.memory_space<vmem>>)
      tpu.yield
    }) : () -> ()
    "tpu.region"() ({
      %run_scoped3A = tpu.sem_alloc : memref<!tpu.dma_semaphore, #tpu.memory_space<semaphore_mem>>
      tpu.enqueue_dma source(%arg6 : memref<5120xf32, #tpu.memory_space<hbm>>) target(%arg12 : memref<5120xf32, #tpu.memory_space<vmem>>) target_semaphore(%run_scoped3A : memref<!tpu.dma_semaphore, #tpu.memory_space<semaphore_mem>>)
      tpu.wait_dma2 semaphore(%run_scoped3A : memref<!tpu.dma_semaphore, #tpu.memory_space<semaphore_mem>>) src(%arg6 : memref<5120xf32, #tpu.memory_space<hbm>>) dst(%arg12 : memref<5120xf32, #tpu.memory_space<vmem>>)
      tpu.yield
    }) : () -> ()
    %mul3A_3 = arith.constant 7840 : i32
    %mul3A_4 = arith.muli %add3A, %mul3A_3 : i32
    %iota3A = tpu.iota {dimensions = array<i32: 0>} : vector<16xi32>
    %barrier3A = arith.constant 0 : index
    tpu.barrier barrier_id(%barrier3A)
    %scan3A = arith.constant 0 : i32
    %scan3A_5 = arith.constant 0 : i32
    %scan3A_6 = arith.constant 49 : i32
    %scan3A_7 = arith.addi %scan3A_5, %scan3A_6 : i32
    %scan3A_8 = arith.constant 1 : i32
    scf.for %scan3A_10 = %scan3A_5 to %scan3A_7 step %scan3A_8  : i32 {
      %mul3A_11 = arith.constant 160 : i32
      %mul3A_12 = arith.muli %scan3A_10, %mul3A_11 : i32
      %add3A_13 = arith.addi %mul3A_4, %mul3A_12 : i32
      %parallel_loop3A = arith.constant 0 : i32
      %parallel_loop3A_14 = arith.constant 10 : i32
      %parallel_loop3A_15 = arith.constant 1 : i32
      scf.for %parallel_loop3A_41 = %parallel_loop3A to %parallel_loop3A_14 step %parallel_loop3A_15  : i32 {
        %parallel_loop3A_42 = arith.constant 16 : i32
        %parallel_loop3A_43 = arith.muli %parallel_loop3A_41, %parallel_loop3A_42 : i32
        %parallel_loop3A_44 = arith.addi %add3A_13, %parallel_loop3A_43 : i32
        %parallel_loop3A_45 = vector.broadcast %parallel_loop3A_44 : i32 to vector<16xi32>
        %parallel_loop3A_46 = arith.addi %parallel_loop3A_45, %iota3A : vector<16xi32>
        %parallel_loop3A_47 = arith.constant 49 : i32
        %parallel_loop3A_48 = vector.broadcast %parallel_loop3A_47 : i32 to vector<16xi32>
        %parallel_loop3A_49 = arith.divsi %parallel_loop3A_46, %parallel_loop3A_48 : vector<16xi32>
        %parallel_loop3A_50 = arith.constant 49 : i32
        %parallel_loop3A_51 = vector.broadcast %parallel_loop3A_50 : i32 to vector<16xi32>
        %parallel_loop3A_52 = arith.muli %parallel_loop3A_49, %parallel_loop3A_51 : vector<16xi32>
        %parallel_loop3A_53 = arith.subi %parallel_loop3A_46, %parallel_loop3A_52 : vector<16xi32>
        %parallel_loop3A_54 = arith.constant 7 : i32
        %parallel_loop3A_55 = vector.broadcast %parallel_loop3A_54 : i32 to vector<16xi32>
        %parallel_loop3A_56 = arith.divsi %parallel_loop3A_53, %parallel_loop3A_55 : vector<16xi32>
        %parallel_loop3A_57 = arith.constant 7 : i32
        %parallel_loop3A_58 = vector.broadcast %parallel_loop3A_57 : i32 to vector<16xi32>
        %parallel_loop3A_59 = arith.muli %parallel_loop3A_56, %parallel_loop3A_58 : vector<16xi32>
        %parallel_loop3A_60 = arith.subi %parallel_loop3A_53, %parallel_loop3A_59 : vector<16xi32>
        %parallel_loop3A_61 = tpu.vector_load_idx %arg9[%parallel_loop3A_49] : memref<5120xf32, #tpu.memory_space<vmem>>[vector<16xi32>], vector<16xf32>,
        %parallel_loop3A_62 = arith.constant 6.250000e-02 : f32
        %parallel_loop3A_63 = vector.broadcast %parallel_loop3A_62 : f32 to vector<16xf32>
        %parallel_loop3A_64 = arith.mulf %parallel_loop3A_61, %parallel_loop3A_63 : vector<16xf32>
        %parallel_loop3A_65 = tpu.vector_load_idx %arg10[%parallel_loop3A_49] : memref<5120xf32, #tpu.memory_space<vmem>>[vector<16xi32>], vector<16xf32>,
        %parallel_loop3A_66 = arith.constant 6.250000e-02 : f32
        %parallel_loop3A_67 = vector.broadcast %parallel_loop3A_66 : f32 to vector<16xf32>
        %parallel_loop3A_68 = arith.mulf %parallel_loop3A_65, %parallel_loop3A_67 : vector<16xf32>
        %parallel_loop3A_69 = tpu.vector_load_idx %arg11[%parallel_loop3A_49] : memref<5120xf32, #tpu.memory_space<vmem>>[vector<16xi32>], vector<16xf32>,
        %parallel_loop3A_70 = arith.constant 6.250000e-02 : f32
        %parallel_loop3A_71 = vector.broadcast %parallel_loop3A_70 : f32 to vector<16xf32>
        %parallel_loop3A_72 = arith.mulf %parallel_loop3A_69, %parallel_loop3A_71 : vector<16xf32>
        %parallel_loop3A_73 = tpu.vector_load_idx %arg12[%parallel_loop3A_49] : memref<5120xf32, #tpu.memory_space<vmem>>[vector<16xi32>], vector<16xf32>,
        %parallel_loop3A_74 = arith.constant 6.250000e-02 : f32
        %parallel_loop3A_75 = vector.broadcast %parallel_loop3A_74 : f32 to vector<16xf32>
        %parallel_loop3A_76 = arith.mulf %parallel_loop3A_73, %parallel_loop3A_75 : vector<16xf32>
        %parallel_loop3A_77 = arith.subf %parallel_loop3A_72, %parallel_loop3A_64 : vector<16xf32>
        %parallel_loop3A_78 = arith.constant 1.000000e+00 : f32
        %parallel_loop3A_79 = vector.broadcast %parallel_loop3A_78 : f32 to vector<16xf32>
        %parallel_loop3A_80 = arith.maximumf %parallel_loop3A_77, %parallel_loop3A_79 : vector<16xf32>
        %parallel_loop3A_81 = arith.subf %parallel_loop3A_76, %parallel_loop3A_68 : vector<16xf32>
        %parallel_loop3A_82 = arith.constant 1.000000e+00 : f32
        %parallel_loop3A_83 = vector.broadcast %parallel_loop3A_82 : f32 to vector<16xf32>
        %parallel_loop3A_84 = arith.maximumf %parallel_loop3A_81, %parallel_loop3A_83 : vector<16xf32>
        %parallel_loop3A_85 = arith.sitofp %parallel_loop3A_60 : vector<16xi32> to vector<16xf32>
        %parallel_loop3A_86 = arith.constant 5.000000e-01 : f32
        %parallel_loop3A_87 = vector.broadcast %parallel_loop3A_86 : f32 to vector<16xf32>
        %parallel_loop3A_88 = arith.addf %parallel_loop3A_85, %parallel_loop3A_87 : vector<16xf32>
        %parallel_loop3A_89 = arith.constant 7.000000e+00 : f32
        %parallel_loop3A_90 = vector.broadcast %parallel_loop3A_89 : f32 to vector<16xf32>
        %parallel_loop3A_91 = arith.divf %parallel_loop3A_80, %parallel_loop3A_90 : vector<16xf32>
        %parallel_loop3A_92 = arith.mulf %parallel_loop3A_88, %parallel_loop3A_91 : vector<16xf32>
        %parallel_loop3A_93 = arith.addf %parallel_loop3A_64, %parallel_loop3A_92 : vector<16xf32>
        %parallel_loop3A_94 = arith.constant 5.000000e-01 : f32
        %parallel_loop3A_95 = vector.broadcast %parallel_loop3A_94 : f32 to vector<16xf32>
        %parallel_loop3A_96 = arith.subf %parallel_loop3A_93, %parallel_loop3A_95 : vector<16xf32>
        %parallel_loop3A_97 = arith.sitofp %parallel_loop3A_56 : vector<16xi32> to vector<16xf32>
        %parallel_loop3A_98 = arith.constant 5.000000e-01 : f32
        %parallel_loop3A_99 = vector.broadcast %parallel_loop3A_98 : f32 to vector<16xf32>
        %parallel_loop3A_100 = arith.addf %parallel_loop3A_97, %parallel_loop3A_99 : vector<16xf32>
        %parallel_loop3A_101 = arith.constant 7.000000e+00 : f32
        %parallel_loop3A_102 = vector.broadcast %parallel_loop3A_101 : f32 to vector<16xf32>
        %parallel_loop3A_103 = arith.divf %parallel_loop3A_84, %parallel_loop3A_102 : vector<16xf32>
        %parallel_loop3A_104 = arith.mulf %parallel_loop3A_100, %parallel_loop3A_103 : vector<16xf32>
        %parallel_loop3A_105 = arith.addf %parallel_loop3A_68, %parallel_loop3A_104 : vector<16xf32>
        %parallel_loop3A_106 = arith.constant 5.000000e-01 : f32
        %parallel_loop3A_107 = vector.broadcast %parallel_loop3A_106 : f32 to vector<16xf32>
        %parallel_loop3A_108 = arith.subf %parallel_loop3A_105, %parallel_loop3A_107 : vector<16xf32>
        %parallel_loop3A_109 = arith.fptosi %parallel_loop3A_96 : vector<16xf32> to vector<16xi32>
        %parallel_loop3A_110 = arith.sitofp %parallel_loop3A_109 : vector<16xi32> to vector<16xf32>
        %parallel_loop3A_111 = arith.constant 0.000000e+00 : f32
        %parallel_loop3A_112 = vector.broadcast %parallel_loop3A_111 : f32 to vector<16xf32>
        %parallel_loop3A_113 = arith.cmpf olt, %parallel_loop3A_96, %parallel_loop3A_112 : vector<16xf32>
        %parallel_loop3A_114 = arith.cmpf one, %parallel_loop3A_110, %parallel_loop3A_96 : vector<16xf32>
        %parallel_loop3A_115 = arith.andi %parallel_loop3A_113, %parallel_loop3A_114 : vector<16xi1>
        %parallel_loop3A_116 = arith.constant 1 : i32
        %parallel_loop3A_117 = vector.broadcast %parallel_loop3A_116 : i32 to vector<16xi32>
        %parallel_loop3A_118 = arith.subi %parallel_loop3A_109, %parallel_loop3A_117 : vector<16xi32>
        %parallel_loop3A_119 = arith.select %parallel_loop3A_115, %parallel_loop3A_118, %parallel_loop3A_109 : vector<16xi1>, vector<16xi32>
        %parallel_loop3A_120 = arith.fptosi %parallel_loop3A_108 : vector<16xf32> to vector<16xi32>
        %parallel_loop3A_121 = arith.sitofp %parallel_loop3A_120 : vector<16xi32> to vector<16xf32>
        %parallel_loop3A_122 = arith.constant 0.000000e+00 : f32
        %parallel_loop3A_123 = vector.broadcast %parallel_loop3A_122 : f32 to vector<16xf32>
        %parallel_loop3A_124 = arith.cmpf olt, %parallel_loop3A_108, %parallel_loop3A_123 : vector<16xf32>
        %parallel_loop3A_125 = arith.cmpf one, %parallel_loop3A_121, %parallel_loop3A_108 : vector<16xf32>
        %parallel_loop3A_126 = arith.andi %parallel_loop3A_124, %parallel_loop3A_125 : vector<16xi1>
        %parallel_loop3A_127 = arith.constant 1 : i32
        %parallel_loop3A_128 = vector.broadcast %parallel_loop3A_127 : i32 to vector<16xi32>
        %parallel_loop3A_129 = arith.subi %parallel_loop3A_120, %parallel_loop3A_128 : vector<16xi32>
        %parallel_loop3A_130 = arith.select %parallel_loop3A_126, %parallel_loop3A_129, %parallel_loop3A_120 : vector<16xi1>, vector<16xi32>
        %parallel_loop3A_131 = arith.sitofp %parallel_loop3A_119 : vector<16xi32> to vector<16xf32>
        %parallel_loop3A_132 = arith.subf %parallel_loop3A_96, %parallel_loop3A_131 : vector<16xf32>
        %parallel_loop3A_133 = arith.constant 0.000000e+00 : f32
        %parallel_loop3A_134 = arith.constant 1.000000e+00 : f32
        %parallel_loop3A_135 = vector.broadcast %parallel_loop3A_133 : f32 to vector<16xf32>
        %parallel_loop3A_136 = arith.maximumf %parallel_loop3A_135, %parallel_loop3A_132 : vector<16xf32>
        %parallel_loop3A_137 = vector.broadcast %parallel_loop3A_134 : f32 to vector<16xf32>
        %parallel_loop3A_138 = arith.minimumf %parallel_loop3A_137, %parallel_loop3A_136 : vector<16xf32>
        %parallel_loop3A_139 = arith.sitofp %parallel_loop3A_130 : vector<16xi32> to vector<16xf32>
        %parallel_loop3A_140 = arith.subf %parallel_loop3A_108, %parallel_loop3A_139 : vector<16xf32>
        %parallel_loop3A_141 = arith.constant 0.000000e+00 : f32
        %parallel_loop3A_142 = arith.constant 1.000000e+00 : f32
        %parallel_loop3A_143 = vector.broadcast %parallel_loop3A_141 : f32 to vector<16xf32>
        %parallel_loop3A_144 = arith.maximumf %parallel_loop3A_143, %parallel_loop3A_140 : vector<16xf32>
        %parallel_loop3A_145 = vector.broadcast %parallel_loop3A_142 : f32 to vector<16xf32>
        %parallel_loop3A_146 = arith.minimumf %parallel_loop3A_145, %parallel_loop3A_144 : vector<16xf32>
        %parallel_loop3A_147 = arith.constant 0 : i32
        %parallel_loop3A_148 = arith.constant 49 : i32
        %parallel_loop3A_149 = vector.broadcast %parallel_loop3A_147 : i32 to vector<16xi32>
        %parallel_loop3A_150 = arith.maxsi %parallel_loop3A_149, %parallel_loop3A_119 : vector<16xi32>
        %parallel_loop3A_151 = vector.broadcast %parallel_loop3A_148 : i32 to vector<16xi32>
        %parallel_loop3A_152 = arith.minsi %parallel_loop3A_151, %parallel_loop3A_150 : vector<16xi32>
        %parallel_loop3A_153 = arith.constant 1 : i32
        %parallel_loop3A_154 = vector.broadcast %parallel_loop3A_153 : i32 to vector<16xi32>
        %parallel_loop3A_155 = arith.addi %parallel_loop3A_119, %parallel_loop3A_154 : vector<16xi32>
        %parallel_loop3A_156 = arith.constant 0 : i32
        %parallel_loop3A_157 = arith.constant 49 : i32
        %parallel_loop3A_158 = vector.broadcast %parallel_loop3A_156 : i32 to vector<16xi32>
        %parallel_loop3A_159 = arith.maxsi %parallel_loop3A_158, %parallel_loop3A_155 : vector<16xi32>
        %parallel_loop3A_160 = vector.broadcast %parallel_loop3A_157 : i32 to vector<16xi32>
        %parallel_loop3A_161 = arith.minsi %parallel_loop3A_160, %parallel_loop3A_159 : vector<16xi32>
        %parallel_loop3A_162 = arith.constant 0 : i32
        %parallel_loop3A_163 = arith.constant 49 : i32
        %parallel_loop3A_164 = vector.broadcast %parallel_loop3A_162 : i32 to vector<16xi32>
        %parallel_loop3A_165 = arith.maxsi %parallel_loop3A_164, %parallel_loop3A_130 : vector<16xi32>
        %parallel_loop3A_166 = vector.broadcast %parallel_loop3A_163 : i32 to vector<16xi32>
        %parallel_loop3A_167 = arith.minsi %parallel_loop3A_166, %parallel_loop3A_165 : vector<16xi32>
        %parallel_loop3A_168 = arith.constant 1 : i32
        %parallel_loop3A_169 = vector.broadcast %parallel_loop3A_168 : i32 to vector<16xi32>
        %parallel_loop3A_170 = arith.addi %parallel_loop3A_130, %parallel_loop3A_169 : vector<16xi32>
        %parallel_loop3A_171 = arith.constant 0 : i32
        %parallel_loop3A_172 = arith.constant 49 : i32
        %parallel_loop3A_173 = vector.broadcast %parallel_loop3A_171 : i32 to vector<16xi32>
        %parallel_loop3A_174 = arith.maxsi %parallel_loop3A_173, %parallel_loop3A_170 : vector<16xi32>
        %parallel_loop3A_175 = vector.broadcast %parallel_loop3A_172 : i32 to vector<16xi32>
        %parallel_loop3A_176 = arith.minsi %parallel_loop3A_175, %parallel_loop3A_174 : vector<16xi32>
        %parallel_loop3A_177 = arith.constant 16 : i32
        %parallel_loop3A_178 = arith.muli %parallel_loop3A_41, %parallel_loop3A_177 : i32
        %parallel_loop3A_179 = arith.constant 50 : i32
        %parallel_loop3A_180 = vector.broadcast %parallel_loop3A_179 : i32 to vector<16xi32>
        %parallel_loop3A_181 = arith.muli %parallel_loop3A_167, %parallel_loop3A_180 : vector<16xi32>
        %parallel_loop3A_182 = arith.addi %parallel_loop3A_181, %parallel_loop3A_152 : vector<16xi32>
        %parallel_loop3A_183 = arith.index_cast %parallel_loop3A_178 : i32 to index
        %parallel_loop3A_184 = tpu.vector_load %arg13[%parallel_loop3A_183] {strides = array<i32>} : memref<160xi32, #tpu.memory_space<vmem>>, vector<16xi32>,
        tpu.vector_store %arg13[%parallel_loop3A_183], %parallel_loop3A_182 {strides = array<i32>} : memref<160xi32, #tpu.memory_space<vmem>>, vector<16xi32>,
        %parallel_loop3A_185 = arith.constant 50 : i32
        %parallel_loop3A_186 = vector.broadcast %parallel_loop3A_185 : i32 to vector<16xi32>
        %parallel_loop3A_187 = arith.muli %parallel_loop3A_167, %parallel_loop3A_186 : vector<16xi32>
        %parallel_loop3A_188 = arith.addi %parallel_loop3A_187, %parallel_loop3A_161 : vector<16xi32>
        %parallel_loop3A_189 = arith.index_cast %parallel_loop3A_178 : i32 to index
        %parallel_loop3A_190 = tpu.vector_load %arg14[%parallel_loop3A_189] {strides = array<i32>} : memref<160xi32, #tpu.memory_space<vmem>>, vector<16xi32>,
        tpu.vector_store %arg14[%parallel_loop3A_189], %parallel_loop3A_188 {strides = array<i32>} : memref<160xi32, #tpu.memory_space<vmem>>, vector<16xi32>,
        %parallel_loop3A_191 = arith.constant 50 : i32
        %parallel_loop3A_192 = vector.broadcast %parallel_loop3A_191 : i32 to vector<16xi32>
        %parallel_loop3A_193 = arith.muli %parallel_loop3A_176, %parallel_loop3A_192 : vector<16xi32>
        %parallel_loop3A_194 = arith.addi %parallel_loop3A_193, %parallel_loop3A_152 : vector<16xi32>
        %parallel_loop3A_195 = arith.index_cast %parallel_loop3A_178 : i32 to index
        %parallel_loop3A_196 = tpu.vector_load %arg15[%parallel_loop3A_195] {strides = array<i32>} : memref<160xi32, #tpu.memory_space<vmem>>, vector<16xi32>,
        tpu.vector_store %arg15[%parallel_loop3A_195], %parallel_loop3A_194 {strides = array<i32>} : memref<160xi32, #tpu.memory_space<vmem>>, vector<16xi32>,
        %parallel_loop3A_197 = arith.constant 50 : i32
        %parallel_loop3A_198 = vector.broadcast %parallel_loop3A_197 : i32 to vector<16xi32>
        %parallel_loop3A_199 = arith.muli %parallel_loop3A_176, %parallel_loop3A_198 : vector<16xi32>
        %parallel_loop3A_200 = arith.addi %parallel_loop3A_199, %parallel_loop3A_161 : vector<16xi32>
        %parallel_loop3A_201 = arith.index_cast %parallel_loop3A_178 : i32 to index
        %parallel_loop3A_202 = tpu.vector_load %arg16[%parallel_loop3A_201] {strides = array<i32>} : memref<160xi32, #tpu.memory_space<vmem>>, vector<16xi32>,
        tpu.vector_store %arg16[%parallel_loop3A_201], %parallel_loop3A_200 {strides = array<i32>} : memref<160xi32, #tpu.memory_space<vmem>>, vector<16xi32>,
        %parallel_loop3A_203 = arith.constant 1.000000e+00 : f32
        %parallel_loop3A_204 = vector.broadcast %parallel_loop3A_203 : f32 to vector<16xf32>
        %parallel_loop3A_205 = arith.subf %parallel_loop3A_204, %parallel_loop3A_146 : vector<16xf32>
        %parallel_loop3A_206 = arith.constant 1.000000e+00 : f32
        %parallel_loop3A_207 = vector.broadcast %parallel_loop3A_206 : f32 to vector<16xf32>
        %parallel_loop3A_208 = arith.subf %parallel_loop3A_207, %parallel_loop3A_138 : vector<16xf32>
        %parallel_loop3A_209 = arith.mulf %parallel_loop3A_205, %parallel_loop3A_208 : vector<16xf32>
        %parallel_loop3A_210 = arith.constant 0 : i32
        %parallel_loop3A_211 = arith.index_cast %parallel_loop3A_210 : i32 to index
        %parallel_loop3A_212 = arith.index_cast %parallel_loop3A_178 : i32 to index
        %parallel_loop3A_213 = tpu.vector_load %arg17[%parallel_loop3A_211, %parallel_loop3A_212] {strides = array<i32>} : memref<4x160xf32, #tpu.memory_space<vmem>>, vector<16xf32>,
        tpu.vector_store %arg17[%parallel_loop3A_211, %parallel_loop3A_212], %parallel_loop3A_209 {strides = array<i32>} : memref<4x160xf32, #tpu.memory_space<vmem>>, vector<16xf32>,
        %parallel_loop3A_214 = arith.constant 1.000000e+00 : f32
        %parallel_loop3A_215 = vector.broadcast %parallel_loop3A_214 : f32 to vector<16xf32>
        %parallel_loop3A_216 = arith.subf %parallel_loop3A_215, %parallel_loop3A_146 : vector<16xf32>
        %parallel_loop3A_217 = arith.mulf %parallel_loop3A_216, %parallel_loop3A_138 : vector<16xf32>
        %parallel_loop3A_218 = arith.constant 1 : i32
        %parallel_loop3A_219 = arith.index_cast %parallel_loop3A_218 : i32 to index
        %parallel_loop3A_220 = arith.index_cast %parallel_loop3A_178 : i32 to index
        %parallel_loop3A_221 = tpu.vector_load %arg17[%parallel_loop3A_219, %parallel_loop3A_220] {strides = array<i32>} : memref<4x160xf32, #tpu.memory_space<vmem>>, vector<16xf32>,
        tpu.vector_store %arg17[%parallel_loop3A_219, %parallel_loop3A_220], %parallel_loop3A_217 {strides = array<i32>} : memref<4x160xf32, #tpu.memory_space<vmem>>, vector<16xf32>,
        %parallel_loop3A_222 = arith.constant 1.000000e+00 : f32
        %parallel_loop3A_223 = vector.broadcast %parallel_loop3A_222 : f32 to vector<16xf32>
        %parallel_loop3A_224 = arith.subf %parallel_loop3A_223, %parallel_loop3A_138 : vector<16xf32>
        %parallel_loop3A_225 = arith.mulf %parallel_loop3A_146, %parallel_loop3A_224 : vector<16xf32>
        %parallel_loop3A_226 = arith.constant 2 : i32
        %parallel_loop3A_227 = arith.index_cast %parallel_loop3A_226 : i32 to index
        %parallel_loop3A_228 = arith.index_cast %parallel_loop3A_178 : i32 to index
        %parallel_loop3A_229 = tpu.vector_load %arg17[%parallel_loop3A_227, %parallel_loop3A_228] {strides = array<i32>} : memref<4x160xf32, #tpu.memory_space<vmem>>, vector<16xf32>,
        tpu.vector_store %arg17[%parallel_loop3A_227, %parallel_loop3A_228], %parallel_loop3A_225 {strides = array<i32>} : memref<4x160xf32, #tpu.memory_space<vmem>>, vector<16xf32>,
        %parallel_loop3A_230 = arith.mulf %parallel_loop3A_146, %parallel_loop3A_138 : vector<16xf32>
        %parallel_loop3A_231 = arith.constant 3 : i32
        %parallel_loop3A_232 = arith.index_cast %parallel_loop3A_231 : i32 to index
        %parallel_loop3A_233 = arith.index_cast %parallel_loop3A_178 : i32 to index
        %parallel_loop3A_234 = tpu.vector_load %arg17[%parallel_loop3A_232, %parallel_loop3A_233] {strides = array<i32>} : memref<4x160xf32, #tpu.memory_space<vmem>>, vector<16xf32>,
        tpu.vector_store %arg17[%parallel_loop3A_232, %parallel_loop3A_233], %parallel_loop3A_230 {strides = array<i32>} : memref<4x160xf32, #tpu.memory_space<vmem>>, vector<16xf32>,
      } {sc.loop_unroll_factor = 2 : i64, sc.parallel_access}
      %dma_start3A = arith.constant 0 : i32
      %dma_start3A_16 = arith.constant 0 : i32
      %dma_start3A_17 = tpu.memref_slice %arg8[%dma_start3A, %dma_start3A_16] : memref<2500x64xf32, #tpu.memory_space<vmem_shared>> -> memref<2500x64xf32, #tpu.memory_space<vmem_shared>>
      tpu.enqueue_indirect_dma source(%dma_start3A_17 : memref<2500x64xf32, #tpu.memory_space<vmem_shared>>) target(%arg18 : memref<160x64xf32, #tpu.memory_space<vmem>>) offsets(%arg13 : memref<160xi32, #tpu.memory_space<vmem>>) semaphore(%arg23 : memref<!tpu.dma_semaphore, #tpu.memory_space<semaphore_mem>>)
      %dma_start3A_18 = arith.constant 0 : i32
      %dma_start3A_19 = arith.constant 0 : i32
      %dma_start3A_20 = tpu.memref_slice %arg8[%dma_start3A_18, %dma_start3A_19] : memref<2500x64xf32, #tpu.memory_space<vmem_shared>> -> memref<2500x64xf32, #tpu.memory_space<vmem_shared>>
      tpu.enqueue_indirect_dma source(%dma_start3A_20 : memref<2500x64xf32, #tpu.memory_space<vmem_shared>>) target(%arg19 : memref<160x64xf32, #tpu.memory_space<vmem>>) offsets(%arg14 : memref<160xi32, #tpu.memory_space<vmem>>) semaphore(%arg23 : memref<!tpu.dma_semaphore, #tpu.memory_space<semaphore_mem>>)
      %dma_start3A_21 = arith.constant 0 : i32
      %dma_start3A_22 = arith.constant 0 : i32
      %dma_start3A_23 = tpu.memref_slice %arg8[%dma_start3A_21, %dma_start3A_22] : memref<2500x64xf32, #tpu.memory_space<vmem_shared>> -> memref<2500x64xf32, #tpu.memory_space<vmem_shared>>
      tpu.enqueue_indirect_dma source(%dma_start3A_23 : memref<2500x64xf32, #tpu.memory_space<vmem_shared>>) target(%arg20 : memref<160x64xf32, #tpu.memory_space<vmem>>) offsets(%arg15 : memref<160xi32, #tpu.memory_space<vmem>>) semaphore(%arg23 : memref<!tpu.dma_semaphore, #tpu.memory_space<semaphore_mem>>)
      %dma_start3A_24 = arith.constant 0 : i32
      %dma_start3A_25 = arith.constant 0 : i32
      %dma_start3A_26 = tpu.memref_slice %arg8[%dma_start3A_24, %dma_start3A_25] : memref<2500x64xf32, #tpu.memory_space<vmem_shared>> -> memref<2500x64xf32, #tpu.memory_space<vmem_shared>>
      tpu.enqueue_indirect_dma source(%dma_start3A_26 : memref<2500x64xf32, #tpu.memory_space<vmem_shared>>) target(%arg21 : memref<160x64xf32, #tpu.memory_space<vmem>>) offsets(%arg16 : memref<160xi32, #tpu.memory_space<vmem>>) semaphore(%arg23 : memref<!tpu.dma_semaphore, #tpu.memory_space<semaphore_mem>>)
      %dma_wait3A = arith.constant 0 : i32
      %dma_wait3A_27 = arith.constant 0 : i32
      %dma_wait3A_28 = tpu.memref_slice %arg8[%dma_wait3A, %dma_wait3A_27] : memref<2500x64xf32, #tpu.memory_space<vmem_shared>> -> memref<2500x64xf32, #tpu.memory_space<vmem_shared>>
      tpu.wait_indirect_dma semaphore(%arg23 : memref<!tpu.dma_semaphore, #tpu.memory_space<semaphore_mem>>) src(%dma_wait3A_28 : memref<2500x64xf32, #tpu.memory_space<vmem_shared>>) dst(%arg18 : memref<160x64xf32, #tpu.memory_space<vmem>>)
      %dma_wait3A_29 = arith.constant 0 : i32
      %dma_wait3A_30 = arith.constant 0 : i32
      %dma_wait3A_31 = tpu.memref_slice %arg8[%dma_wait3A_29, %dma_wait3A_30] : memref<2500x64xf32, #tpu.memory_space<vmem_shared>> -> memref<2500x64xf32, #tpu.memory_space<vmem_shared>>
      tpu.wait_indirect_dma semaphore(%arg23 : memref<!tpu.dma_semaphore, #tpu.memory_space<semaphore_mem>>) src(%dma_wait3A_31 : memref<2500x64xf32, #tpu.memory_space<vmem_shared>>) dst(%arg19 : memref<160x64xf32, #tpu.memory_space<vmem>>)
      %dma_wait3A_32 = arith.constant 0 : i32
      %dma_wait3A_33 = arith.constant 0 : i32
      %dma_wait3A_34 = tpu.memref_slice %arg8[%dma_wait3A_32, %dma_wait3A_33] : memref<2500x64xf32, #tpu.memory_space<vmem_shared>> -> memref<2500x64xf32, #tpu.memory_space<vmem_shared>>
      tpu.wait_indirect_dma semaphore(%arg23 : memref<!tpu.dma_semaphore, #tpu.memory_space<semaphore_mem>>) src(%dma_wait3A_34 : memref<2500x64xf32, #tpu.memory_space<vmem_shared>>) dst(%arg20 : memref<160x64xf32, #tpu.memory_space<vmem>>)
      %dma_wait3A_35 = arith.constant 0 : i32
      %dma_wait3A_36 = arith.constant 0 : i32
      %dma_wait3A_37 = tpu.memref_slice %arg8[%dma_wait3A_35, %dma_wait3A_36] : memref<2500x64xf32, #tpu.memory_space<vmem_shared>> -> memref<2500x64xf32, #tpu.memory_space<vmem_shared>>
      tpu.wait_indirect_dma semaphore(%arg23 : memref<!tpu.dma_semaphore, #tpu.memory_space<semaphore_mem>>) src(%dma_wait3A_37 : memref<2500x64xf32, #tpu.memory_space<vmem_shared>>) dst(%arg21 : memref<160x64xf32, #tpu.memory_space<vmem>>)
      %parallel_loop3A_38 = arith.constant 0 : i32
      %parallel_loop3A_39 = arith.constant 10 : i32
      %parallel_loop3A_40 = arith.constant 1 : i32
      scf.for %parallel_loop3A_41 = %parallel_loop3A_38 to %parallel_loop3A_39 step %parallel_loop3A_40  : i32 {
        %parallel_loop3A_42 = arith.constant 16 : i32
        %parallel_loop3A_43 = arith.muli %parallel_loop3A_41, %parallel_loop3A_42 : i32
        %parallel_loop3A_44 = arith.constant 0 : i32
        %parallel_loop3A_45 = arith.index_cast %parallel_loop3A_44 : i32 to index
        %parallel_loop3A_46 = arith.index_cast %parallel_loop3A_43 : i32 to index
        %parallel_loop3A_47 = tpu.vector_load %arg17[%parallel_loop3A_45, %parallel_loop3A_46] {strides = array<i32>} : memref<4x160xf32, #tpu.memory_space<vmem>>, vector<16xf32>,
        %parallel_loop3A_48 = arith.constant 1 : i32
        %parallel_loop3A_49 = arith.index_cast %parallel_loop3A_48 : i32 to index
        %parallel_loop3A_50 = arith.index_cast %parallel_loop3A_43 : i32 to index
        %parallel_loop3A_51 = tpu.vector_load %arg17[%parallel_loop3A_49, %parallel_loop3A_50] {strides = array<i32>} : memref<4x160xf32, #tpu.memory_space<vmem>>, vector<16xf32>,
        %parallel_loop3A_52 = arith.constant 2 : i32
        %parallel_loop3A_53 = arith.index_cast %parallel_loop3A_52 : i32 to index
        %parallel_loop3A_54 = arith.index_cast %parallel_loop3A_43 : i32 to index
        %parallel_loop3A_55 = tpu.vector_load %arg17[%parallel_loop3A_53, %parallel_loop3A_54] {strides = array<i32>} : memref<4x160xf32, #tpu.memory_space<vmem>>, vector<16xf32>,
        %parallel_loop3A_56 = arith.constant 3 : i32
        %parallel_loop3A_57 = arith.index_cast %parallel_loop3A_56 : i32 to index
        %parallel_loop3A_58 = arith.index_cast %parallel_loop3A_43 : i32 to index
        %parallel_loop3A_59 = tpu.vector_load %arg17[%parallel_loop3A_57, %parallel_loop3A_58] {strides = array<i32>} : memref<4x160xf32, #tpu.memory_space<vmem>>, vector<16xf32>,
        %parallel_loop3A_60 = arith.constant 16 : i32
        %parallel_loop3A_61 = arith.muli %parallel_loop3A_41, %parallel_loop3A_60 : i32
        %parallel_loop3A_62 = arith.constant 0 : i32
        %parallel_loop3A_63 = arith.addi %parallel_loop3A_61, %parallel_loop3A_62 : i32
        %parallel_loop3A_64 = arith.index_cast %parallel_loop3A_63 : i32 to index
        %parallel_loop3A_65 = arith.constant 0 : index
        %parallel_loop3A_66 = tpu.vector_load %arg18[%parallel_loop3A_64, %parallel_loop3A_65] {strides = array<i32>} : memref<160x64xf32, #tpu.memory_space<vmem>>, vector<16xf32>,
        %parallel_loop3A_67 = vector.extract_strided_slice %parallel_loop3A_47 {offsets = [0], sizes = [1], strides = [1]} : vector<16xf32> to vector<1xf32>
        %parallel_loop3A_68 = vector.extract %parallel_loop3A_67[0] : f32 from vector<1xf32>
        %parallel_loop3A_69 = vector.broadcast %parallel_loop3A_68 : f32 to vector<16xf32>
        %parallel_loop3A_70 = arith.mulf %parallel_loop3A_66, %parallel_loop3A_69 : vector<16xf32>
        %parallel_loop3A_71 = arith.index_cast %parallel_loop3A_63 : i32 to index
        %parallel_loop3A_72 = arith.constant 0 : index
        %parallel_loop3A_73 = tpu.vector_load %arg19[%parallel_loop3A_71, %parallel_loop3A_72] {strides = array<i32>} : memref<160x64xf32, #tpu.memory_space<vmem>>, vector<16xf32>,
        %parallel_loop3A_74 = vector.extract_strided_slice %parallel_loop3A_51 {offsets = [0], sizes = [1], strides = [1]} : vector<16xf32> to vector<1xf32>
        %parallel_loop3A_75 = vector.extract %parallel_loop3A_74[0] : f32 from vector<1xf32>
        %parallel_loop3A_76 = vector.broadcast %parallel_loop3A_75 : f32 to vector<16xf32>
        %parallel_loop3A_77 = arith.mulf %parallel_loop3A_73, %parallel_loop3A_76 : vector<16xf32>
        %parallel_loop3A_78 = arith.addf %parallel_loop3A_70, %parallel_loop3A_77 : vector<16xf32>
        %parallel_loop3A_79 = arith.index_cast %parallel_loop3A_63 : i32 to index
        %parallel_loop3A_80 = arith.constant 0 : index
        %parallel_loop3A_81 = tpu.vector_load %arg20[%parallel_loop3A_79, %parallel_loop3A_80] {strides = array<i32>} : memref<160x64xf32, #tpu.memory_space<vmem>>, vector<16xf32>,
        %parallel_loop3A_82 = vector.extract_strided_slice %parallel_loop3A_55 {offsets = [0], sizes = [1], strides = [1]} : vector<16xf32> to vector<1xf32>
        %parallel_loop3A_83 = vector.extract %parallel_loop3A_82[0] : f32 from vector<1xf32>
        %parallel_loop3A_84 = vector.broadcast %parallel_loop3A_83 : f32 to vector<16xf32>
        %parallel_loop3A_85 = arith.mulf %parallel_loop3A_81, %parallel_loop3A_84 : vector<16xf32>
        %parallel_loop3A_86 = arith.addf %parallel_loop3A_78, %parallel_loop3A_85 : vector<16xf32>
        %parallel_loop3A_87 = arith.index_cast %parallel_loop3A_63 : i32 to index
        %parallel_loop3A_88 = arith.constant 0 : index
        %parallel_loop3A_89 = tpu.vector_load %arg21[%parallel_loop3A_87, %parallel_loop3A_88] {strides = array<i32>} : memref<160x64xf32, #tpu.memory_space<vmem>>, vector<16xf32>,
        %parallel_loop3A_90 = vector.extract_strided_slice %parallel_loop3A_59 {offsets = [0], sizes = [1], strides = [1]} : vector<16xf32> to vector<1xf32>
        %parallel_loop3A_91 = vector.extract %parallel_loop3A_90[0] : f32 from vector<1xf32>
        %parallel_loop3A_92 = vector.broadcast %parallel_loop3A_91 : f32 to vector<16xf32>
        %parallel_loop3A_93 = arith.mulf %parallel_loop3A_89, %parallel_loop3A_92 : vector<16xf32>
        %parallel_loop3A_94 = arith.addf %parallel_loop3A_86, %parallel_loop3A_93 : vector<16xf32>
        %parallel_loop3A_95 = arith.index_cast %parallel_loop3A_63 : i32 to index
        %parallel_loop3A_96 = arith.constant 0 : index
        %parallel_loop3A_97 = tpu.vector_load %arg22[%parallel_loop3A_95, %parallel_loop3A_96] {strides = array<i32>} : memref<160x64xf32, #tpu.memory_space<vmem>>, vector<16xf32>,
        tpu.vector_store %arg22[%parallel_loop3A_95, %parallel_loop3A_96], %parallel_loop3A_94 {strides = array<i32>} : memref<160x64xf32, #tpu.memory_space<vmem>>, vector<16xf32>,
        %parallel_loop3A_98 = arith.index_cast %parallel_loop3A_63 : i32 to index
        %parallel_loop3A_99 = arith.constant 16 : index
        %parallel_loop3A_100 = tpu.vector_load %arg18[%parallel_loop3A_98, %parallel_loop3A_99] {strides = array<i32>} : memref<160x64xf32, #tpu.memory_space<vmem>>, vector<16xf32>,
        %parallel_loop3A_101 = vector.extract_strided_slice %parallel_loop3A_47 {offsets = [0], sizes = [1], strides = [1]} : vector<16xf32> to vector<1xf32>
        %parallel_loop3A_102 = vector.extract %parallel_loop3A_101[0] : f32 from vector<1xf32>
        %parallel_loop3A_103 = vector.broadcast %parallel_loop3A_102 : f32 to vector<16xf32>
        %parallel_loop3A_104 = arith.mulf %parallel_loop3A_100, %parallel_loop3A_103 : vector<16xf32>
        %parallel_loop3A_105 = arith.index_cast %parallel_loop3A_63 : i32 to index
        %parallel_loop3A_106 = arith.constant 16 : index
        %parallel_loop3A_107 = tpu.vector_load %arg19[%parallel_loop3A_105, %parallel_loop3A_106] {strides = array<i32>} : memref<160x64xf32, #tpu.memory_space<vmem>>, vector<16xf32>,
        %parallel_loop3A_108 = vector.extract_strided_slice %parallel_loop3A_51 {offsets = [0], sizes = [1], strides = [1]} : vector<16xf32> to vector<1xf32>
        %parallel_loop3A_109 = vector.extract %parallel_loop3A_108[0] : f32 from vector<1xf32>
        %parallel_loop3A_110 = vector.broadcast %parallel_loop3A_109 : f32 to vector<16xf32>
        %parallel_loop3A_111 = arith.mulf %parallel_loop3A_107, %parallel_loop3A_110 : vector<16xf32>
        %parallel_loop3A_112 = arith.addf %parallel_loop3A_104, %parallel_loop3A_111 : vector<16xf32>
        %parallel_loop3A_113 = arith.index_cast %parallel_loop3A_63 : i32 to index
        %parallel_loop3A_114 = arith.constant 16 : index
        %parallel_loop3A_115 = tpu.vector_load %arg20[%parallel_loop3A_113, %parallel_loop3A_114] {strides = array<i32>} : memref<160x64xf32, #tpu.memory_space<vmem>>, vector<16xf32>,
        %parallel_loop3A_116 = vector.extract_strided_slice %parallel_loop3A_55 {offsets = [0], sizes = [1], strides = [1]} : vector<16xf32> to vector<1xf32>
        %parallel_loop3A_117 = vector.extract %parallel_loop3A_116[0] : f32 from vector<1xf32>
        %parallel_loop3A_118 = vector.broadcast %parallel_loop3A_117 : f32 to vector<16xf32>
        %parallel_loop3A_119 = arith.mulf %parallel_loop3A_115, %parallel_loop3A_118 : vector<16xf32>
        %parallel_loop3A_120 = arith.addf %parallel_loop3A_112, %parallel_loop3A_119 : vector<16xf32>
        %parallel_loop3A_121 = arith.index_cast %parallel_loop3A_63 : i32 to index
        %parallel_loop3A_122 = arith.constant 16 : index
        %parallel_loop3A_123 = tpu.vector_load %arg21[%parallel_loop3A_121, %parallel_loop3A_122] {strides = array<i32>} : memref<160x64xf32, #tpu.memory_space<vmem>>, vector<16xf32>,
        %parallel_loop3A_124 = vector.extract_strided_slice %parallel_loop3A_59 {offsets = [0], sizes = [1], strides = [1]} : vector<16xf32> to vector<1xf32>
        %parallel_loop3A_125 = vector.extract %parallel_loop3A_124[0] : f32 from vector<1xf32>
        %parallel_loop3A_126 = vector.broadcast %parallel_loop3A_125 : f32 to vector<16xf32>
        %parallel_loop3A_127 = arith.mulf %parallel_loop3A_123, %parallel_loop3A_126 : vector<16xf32>
        %parallel_loop3A_128 = arith.addf %parallel_loop3A_120, %parallel_loop3A_127 : vector<16xf32>
        %parallel_loop3A_129 = arith.index_cast %parallel_loop3A_63 : i32 to index
        %parallel_loop3A_130 = arith.constant 16 : index
        %parallel_loop3A_131 = tpu.vector_load %arg22[%parallel_loop3A_129, %parallel_loop3A_130] {strides = array<i32>} : memref<160x64xf32, #tpu.memory_space<vmem>>, vector<16xf32>,
        tpu.vector_store %arg22[%parallel_loop3A_129, %parallel_loop3A_130], %parallel_loop3A_128 {strides = array<i32>} : memref<160x64xf32, #tpu.memory_space<vmem>>, vector<16xf32>,
        %parallel_loop3A_132 = arith.index_cast %parallel_loop3A_63 : i32 to index
        %parallel_loop3A_133 = arith.constant 32 : index
        %parallel_loop3A_134 = tpu.vector_load %arg18[%parallel_loop3A_132, %parallel_loop3A_133] {strides = array<i32>} : memref<160x64xf32, #tpu.memory_space<vmem>>, vector<16xf32>,
        %parallel_loop3A_135 = vector.extract_strided_slice %parallel_loop3A_47 {offsets = [0], sizes = [1], strides = [1]} : vector<16xf32> to vector<1xf32>
        %parallel_loop3A_136 = vector.extract %parallel_loop3A_135[0] : f32 from vector<1xf32>
        %parallel_loop3A_137 = vector.broadcast %parallel_loop3A_136 : f32 to vector<16xf32>
        %parallel_loop3A_138 = arith.mulf %parallel_loop3A_134, %parallel_loop3A_137 : vector<16xf32>
        %parallel_loop3A_139 = arith.index_cast %parallel_loop3A_63 : i32 to index
        %parallel_loop3A_140 = arith.constant 32 : index
        %parallel_loop3A_141 = tpu.vector_load %arg19[%parallel_loop3A_139, %parallel_loop3A_140] {strides = array<i32>} : memref<160x64xf32, #tpu.memory_space<vmem>>, vector<16xf32>,
        %parallel_loop3A_142 = vector.extract_strided_slice %parallel_loop3A_51 {offsets = [0], sizes = [1], strides = [1]} : vector<16xf32> to vector<1xf32>
        %parallel_loop3A_143 = vector.extract %parallel_loop3A_142[0] : f32 from vector<1xf32>
        %parallel_loop3A_144 = vector.broadcast %parallel_loop3A_143 : f32 to vector<16xf32>
        %parallel_loop3A_145 = arith.mulf %parallel_loop3A_141, %parallel_loop3A_144 : vector<16xf32>
        %parallel_loop3A_146 = arith.addf %parallel_loop3A_138, %parallel_loop3A_145 : vector<16xf32>
        %parallel_loop3A_147 = arith.index_cast %parallel_loop3A_63 : i32 to index
        %parallel_loop3A_148 = arith.constant 32 : index
        %parallel_loop3A_149 = tpu.vector_load %arg20[%parallel_loop3A_147, %parallel_loop3A_148] {strides = array<i32>} : memref<160x64xf32, #tpu.memory_space<vmem>>, vector<16xf32>,
        %parallel_loop3A_150 = vector.extract_strided_slice %parallel_loop3A_55 {offsets = [0], sizes = [1], strides = [1]} : vector<16xf32> to vector<1xf32>
        %parallel_loop3A_151 = vector.extract %parallel_loop3A_150[0] : f32 from vector<1xf32>
        %parallel_loop3A_152 = vector.broadcast %parallel_loop3A_151 : f32 to vector<16xf32>
        %parallel_loop3A_153 = arith.mulf %parallel_loop3A_149, %parallel_loop3A_152 : vector<16xf32>
        %parallel_loop3A_154 = arith.addf %parallel_loop3A_146, %parallel_loop3A_153 : vector<16xf32>
        %parallel_loop3A_155 = arith.index_cast %parallel_loop3A_63 : i32 to index
        %parallel_loop3A_156 = arith.constant 32 : index
        %parallel_loop3A_157 = tpu.vector_load %arg21[%parallel_loop3A_155, %parallel_loop3A_156] {strides = array<i32>} : memref<160x64xf32, #tpu.memory_space<vmem>>, vector<16xf32>,
        %parallel_loop3A_158 = vector.extract_strided_slice %parallel_loop3A_59 {offsets = [0], sizes = [1], strides = [1]} : vector<16xf32> to vector<1xf32>
        %parallel_loop3A_159 = vector.extract %parallel_loop3A_158[0] : f32 from vector<1xf32>
        %parallel_loop3A_160 = vector.broadcast %parallel_loop3A_159 : f32 to vector<16xf32>
        %parallel_loop3A_161 = arith.mulf %parallel_loop3A_157, %parallel_loop3A_160 : vector<16xf32>
        %parallel_loop3A_162 = arith.addf %parallel_loop3A_154, %parallel_loop3A_161 : vector<16xf32>
        %parallel_loop3A_163 = arith.index_cast %parallel_loop3A_63 : i32 to index
        %parallel_loop3A_164 = arith.constant 32 : index
        %parallel_loop3A_165 = tpu.vector_load %arg22[%parallel_loop3A_163, %parallel_loop3A_164] {strides = array<i32>} : memref<160x64xf32, #tpu.memory_space<vmem>>, vector<16xf32>,
        tpu.vector_store %arg22[%parallel_loop3A_163, %parallel_loop3A_164], %parallel_loop3A_162 {strides = array<i32>} : memref<160x64xf32, #tpu.memory_space<vmem>>, vector<16xf32>,
        %parallel_loop3A_166 = arith.index_cast %parallel_loop3A_63 : i32 to index
        %parallel_loop3A_167 = arith.constant 48 : index
        %parallel_loop3A_168 = tpu.vector_load %arg18[%parallel_loop3A_166, %parallel_loop3A_167] {strides = array<i32>} : memref<160x64xf32, #tpu.memory_space<vmem>>, vector<16xf32>,
        %parallel_loop3A_169 = vector.extract_strided_slice %parallel_loop3A_47 {offsets = [0], sizes = [1], strides = [1]} : vector<16xf32> to vector<1xf32>
        %parallel_loop3A_170 = vector.extract %parallel_loop3A_169[0] : f32 from vector<1xf32>
        %parallel_loop3A_171 = vector.broadcast %parallel_loop3A_170 : f32 to vector<16xf32>
        %parallel_loop3A_172 = arith.mulf %parallel_loop3A_168, %parallel_loop3A_171 : vector<16xf32>
        %parallel_loop3A_173 = arith.index_cast %parallel_loop3A_63 : i32 to index
        %parallel_loop3A_174 = arith.constant 48 : index
        %parallel_loop3A_175 = tpu.vector_load %arg19[%parallel_loop3A_173, %parallel_loop3A_174] {strides = array<i32>} : memref<160x64xf32, #tpu.memory_space<vmem>>, vector<16xf32>,
        %parallel_loop3A_176 = vector.extract_strided_slice %parallel_loop3A_51 {offsets = [0], sizes = [1], strides = [1]} : vector<16xf32> to vector<1xf32>
        %parallel_loop3A_177 = vector.extract %parallel_loop3A_176[0] : f32 from vector<1xf32>
        %parallel_loop3A_178 = vector.broadcast %parallel_loop3A_177 : f32 to vector<16xf32>
        %parallel_loop3A_179 = arith.mulf %parallel_loop3A_175, %parallel_loop3A_178 : vector<16xf32>
        %parallel_loop3A_180 = arith.addf %parallel_loop3A_172, %parallel_loop3A_179 : vector<16xf32>
        %parallel_loop3A_181 = arith.index_cast %parallel_loop3A_63 : i32 to index
        %parallel_loop3A_182 = arith.constant 48 : index
        %parallel_loop3A_183 = tpu.vector_load %arg20[%parallel_loop3A_181, %parallel_loop3A_182] {strides = array<i32>} : memref<160x64xf32, #tpu.memory_space<vmem>>, vector<16xf32>,
        %parallel_loop3A_184 = vector.extract_strided_slice %parallel_loop3A_55 {offsets = [0], sizes = [1], strides = [1]} : vector<16xf32> to vector<1xf32>
        %parallel_loop3A_185 = vector.extract %parallel_loop3A_184[0] : f32 from vector<1xf32>
        %parallel_loop3A_186 = vector.broadcast %parallel_loop3A_185 : f32 to vector<16xf32>
        %parallel_loop3A_187 = arith.mulf %parallel_loop3A_183, %parallel_loop3A_186 : vector<16xf32>
        %parallel_loop3A_188 = arith.addf %parallel_loop3A_180, %parallel_loop3A_187 : vector<16xf32>
        %parallel_loop3A_189 = arith.index_cast %parallel_loop3A_63 : i32 to index
        %parallel_loop3A_190 = arith.constant 48 : index
        %parallel_loop3A_191 = tpu.vector_load %arg21[%parallel_loop3A_189, %parallel_loop3A_190] {strides = array<i32>} : memref<160x64xf32, #tpu.memory_space<vmem>>, vector<16xf32>,
        %parallel_loop3A_192 = vector.extract_strided_slice %parallel_loop3A_59 {offsets = [0], sizes = [1], strides = [1]} : vector<16xf32> to vector<1xf32>
        %parallel_loop3A_193 = vector.extract %parallel_loop3A_192[0] : f32 from vector<1xf32>
        %parallel_loop3A_194 = vector.broadcast %parallel_loop3A_193 : f32 to vector<16xf32>
        %parallel_loop3A_195 = arith.mulf %parallel_loop3A_191, %parallel_loop3A_194 : vector<16xf32>
        %parallel_loop3A_196 = arith.addf %parallel_loop3A_188, %parallel_loop3A_195 : vector<16xf32>
        %parallel_loop3A_197 = arith.index_cast %parallel_loop3A_63 : i32 to index
        %parallel_loop3A_198 = arith.constant 48 : index
        %parallel_loop3A_199 = tpu.vector_load %arg22[%parallel_loop3A_197, %parallel_loop3A_198] {strides = array<i32>} : memref<160x64xf32, #tpu.memory_space<vmem>>, vector<16xf32>,
        tpu.vector_store %arg22[%parallel_loop3A_197, %parallel_loop3A_198], %parallel_loop3A_196 {strides = array<i32>} : memref<160x64xf32, #tpu.memory_space<vmem>>, vector<16xf32>,
        %parallel_loop3A_200 = arith.constant 16 : i32
        %parallel_loop3A_201 = arith.muli %parallel_loop3A_41, %parallel_loop3A_200 : i32
        %parallel_loop3A_202 = arith.constant 1 : i32
        %parallel_loop3A_203 = arith.addi %parallel_loop3A_201, %parallel_loop3A_202 : i32
        %parallel_loop3A_204 = arith.index_cast %parallel_loop3A_203 : i32 to index
        %parallel_loop3A_205 = arith.constant 0 : index
        %parallel_loop3A_206 = tpu.vector_load %arg18[%parallel_loop3A_204, %parallel_loop3A_205] {strides = array<i32>} : memref<160x64xf32, #tpu.memory_space<vmem>>, vector<16xf32>,
        %parallel_loop3A_207 = vector.extract_strided_slice %parallel_loop3A_47 {offsets = [1], sizes = [1], strides = [1]} : vector<16xf32> to vector<1xf32>
        %parallel_loop3A_208 = vector.extract %parallel_loop3A_207[0] : f32 from vector<1xf32>
        %parallel_loop3A_209 = vector.broadcast %parallel_loop3A_208 : f32 to vector<16xf32>
        %parallel_loop3A_210 = arith.mulf %parallel_loop3A_206, %parallel_loop3A_209 : vector<16xf32>
        %parallel_loop3A_211 = arith.index_cast %parallel_loop3A_203 : i32 to index
        %parallel_loop3A_212 = arith.constant 0 : index
        %parallel_loop3A_213 = tpu.vector_load %arg19[%parallel_loop3A_211, %parallel_loop3A_212] {strides = array<i32>} : memref<160x64xf32, #tpu.memory_space<vmem>>, vector<16xf32>,
        %parallel_loop3A_214 = vector.extract_strided_slice %parallel_loop3A_51 {offsets = [1], sizes = [1], strides = [1]} : vector<16xf32> to vector<1xf32>
        %parallel_loop3A_215 = vector.extract %parallel_loop3A_214[0] : f32 from vector<1xf32>
        %parallel_loop3A_216 = vector.broadcast %parallel_loop3A_215 : f32 to vector<16xf32>
        %parallel_loop3A_217 = arith.mulf %parallel_loop3A_213, %parallel_loop3A_216 : vector<16xf32>
        %parallel_loop3A_218 = arith.addf %parallel_loop3A_210, %parallel_loop3A_217 : vector<16xf32>
        %parallel_loop3A_219 = arith.index_cast %parallel_loop3A_203 : i32 to index
        %parallel_loop3A_220 = arith.constant 0 : index
        %parallel_loop3A_221 = tpu.vector_load %arg20[%parallel_loop3A_219, %parallel_loop3A_220] {strides = array<i32>} : memref<160x64xf32, #tpu.memory_space<vmem>>, vector<16xf32>,
        %parallel_loop3A_222 = vector.extract_strided_slice %parallel_loop3A_55 {offsets = [1], sizes = [1], strides = [1]} : vector<16xf32> to vector<1xf32>
        %parallel_loop3A_223 = vector.extract %parallel_loop3A_222[0] : f32 from vector<1xf32>
        %parallel_loop3A_224 = vector.broadcast %parallel_loop3A_223 : f32 to vector<16xf32>
        %parallel_loop3A_225 = arith.mulf %parallel_loop3A_221, %parallel_loop3A_224 : vector<16xf32>
        %parallel_loop3A_226 = arith.addf %parallel_loop3A_218, %parallel_loop3A_225 : vector<16xf32>
        %parallel_loop3A_227 = arith.index_cast %parallel_loop3A_203 : i32 to index
        %parallel_loop3A_228 = arith.constant 0 : index
        %parallel_loop3A_229 = tpu.vector_load %arg21[%parallel_loop3A_227, %parallel_loop3A_228] {strides = array<i32>} : memref<160x64xf32, #tpu.memory_space<vmem>>, vector<16xf32>,
        %parallel_loop3A_230 = vector.extract_strided_slice %parallel_loop3A_59 {offsets = [1], sizes = [1], strides = [1]} : vector<16xf32> to vector<1xf32>
        %parallel_loop3A_231 = vector.extract %parallel_loop3A_230[0] : f32 from vector<1xf32>
        %parallel_loop3A_232 = vector.broadcast %parallel_loop3A_231 : f32 to vector<16xf32>
        %parallel_loop3A_233 = arith.mulf %parallel_loop3A_229, %parallel_loop3A_232 : vector<16xf32>
        %parallel_loop3A_234 = arith.addf %parallel_loop3A_226, %parallel_loop3A_233 : vector<16xf32>
        %parallel_loop3A_235 = arith.index_cast %parallel_loop3A_203 : i32 to index
        %parallel_loop3A_236 = arith.constant 0 : index
        %parallel_loop3A_237 = tpu.vector_load %arg22[%parallel_loop3A_235, %parallel_loop3A_236] {strides = array<i32>} : memref<160x64xf32, #tpu.memory_space<vmem>>, vector<16xf32>,
        tpu.vector_store %arg22[%parallel_loop3A_235, %parallel_loop3A_236], %parallel_loop3A_234 {strides = array<i32>} : memref<160x64xf32, #tpu.memory_space<vmem>>, vector<16xf32>,
        %parallel_loop3A_238 = arith.index_cast %parallel_loop3A_203 : i32 to index
        %parallel_loop3A_239 = arith.constant 16 : index
        %parallel_loop3A_240 = tpu.vector_load %arg18[%parallel_loop3A_238, %parallel_loop3A_239] {strides = array<i32>} : memref<160x64xf32, #tpu.memory_space<vmem>>, vector<16xf32>,
        %parallel_loop3A_241 = vector.extract_strided_slice %parallel_loop3A_47 {offsets = [1], sizes = [1], strides = [1]} : vector<16xf32> to vector<1xf32>
        %parallel_loop3A_242 = vector.extract %parallel_loop3A_241[0] : f32 from vector<1xf32>
        %parallel_loop3A_243 = vector.broadcast %parallel_loop3A_242 : f32 to vector<16xf32>
        %parallel_loop3A_244 = arith.mulf %parallel_loop3A_240, %parallel_loop3A_243 : vector<16xf32>
        %parallel_loop3A_245 = arith.index_cast %parallel_loop3A_203 : i32 to index
        %parallel_loop3A_246 = arith.constant 16 : index
        %parallel_loop3A_247 = tpu.vector_load %arg19[%parallel_loop3A_245, %parallel_loop3A_246] {strides = array<i32>} : memref<160x64xf32, #tpu.memory_space<vmem>>, vector<16xf32>,
        %parallel_loop3A_248 = vector.extract_strided_slice %parallel_loop3A_51 {offsets = [1], sizes = [1], strides = [1]} : vector<16xf32> to vector<1xf32>
        %parallel_loop3A_249 = vector.extract %parallel_loop3A_248[0] : f32 from vector<1xf32>
        %parallel_loop3A_250 = vector.broadcast %parallel_loop3A_249 : f32 to vector<16xf32>
        %parallel_loop3A_251 = arith.mulf %parallel_loop3A_247, %parallel_loop3A_250 : vector<16xf32>
        %parallel_loop3A_252 = arith.addf %parallel_loop3A_244, %parallel_loop3A_251 : vector<16xf32>
        %parallel_loop3A_253 = arith.index_cast %parallel_loop3A_203 : i32 to index
        %parallel_loop3A_254 = arith.constant 16 : index
        %parallel_loop3A_255 = tpu.vector_load %arg20[%parallel_loop3A_253, %parallel_loop3A_254] {strides = array<i32>} : memref<160x64xf32, #tpu.memory_space<vmem>>, vector<16xf32>,
        %parallel_loop3A_256 = vector.extract_strided_slice %parallel_loop3A_55 {offsets = [1], sizes = [1], strides = [1]} : vector<16xf32> to vector<1xf32>
        %parallel_loop3A_257 = vector.extract %parallel_loop3A_256[0] : f32 from vector<1xf32>
        %parallel_loop3A_258 = vector.broadcast %parallel_loop3A_257 : f32 to vector<16xf32>
        %parallel_loop3A_259 = arith.mulf %parallel_loop3A_255, %parallel_loop3A_258 : vector<16xf32>
        %parallel_loop3A_260 = arith.addf %parallel_loop3A_252, %parallel_loop3A_259 : vector<16xf32>
        %parallel_loop3A_261 = arith.index_cast %parallel_loop3A_203 : i32 to index
        %parallel_loop3A_262 = arith.constant 16 : index
        %parallel_loop3A_263 = tpu.vector_load %arg21[%parallel_loop3A_261, %parallel_loop3A_262] {strides = array<i32>} : memref<160x64xf32, #tpu.memory_space<vmem>>, vector<16xf32>,
        %parallel_loop3A_264 = vector.extract_strided_slice %parallel_loop3A_59 {offsets = [1], sizes = [1], strides = [1]} : vector<16xf32> to vector<1xf32>
        %parallel_loop3A_265 = vector.extract %parallel_loop3A_264[0] : f32 from vector<1xf32>
        %parallel_loop3A_266 = vector.broadcast %parallel_loop3A_265 : f32 to vector<16xf32>
        %parallel_loop3A_267 = arith.mulf %parallel_loop3A_263, %parallel_loop3A_266 : vector<16xf32>
        %parallel_loop3A_268 = arith.addf %parallel_loop3A_260, %parallel_loop3A_267 : vector<16xf32>
        %parallel_loop3A_269 = arith.index_cast %parallel_loop3A_203 : i32 to index
        %parallel_loop3A_270 = arith.constant 16 : index
        %parallel_loop3A_271 = tpu.vector_load %arg22[%parallel_loop3A_269, %parallel_loop3A_270] {strides = array<i32>} : memref<160x64xf32, #tpu.memory_space<vmem>>, vector<16xf32>,
        tpu.vector_store %arg22[%parallel_loop3A_269, %parallel_loop3A_270], %parallel_loop3A_268 {strides = array<i32>} : memref<160x64xf32, #tpu.memory_space<vmem>>, vector<16xf32>,
        %parallel_loop3A_272 = arith.index_cast %parallel_loop3A_203 : i32 to index
        %parallel_loop3A_273 = arith.constant 32 : index
        %parallel_loop3A_274 = tpu.vector_load %arg18[%parallel_loop3A_272, %parallel_loop3A_273] {strides = array<i32>} : memref<160x64xf32, #tpu.memory_space<vmem>>, vector<16xf32>,
        %parallel_loop3A_275 = vector.extract_strided_slice %parallel_loop3A_47 {offsets = [1], sizes = [1], strides = [1]} : vector<16xf32> to vector<1xf32>
        %parallel_loop3A_276 = vector.extract %parallel_loop3A_275[0] : f32 from vector<1xf32>
        %parallel_loop3A_277 = vector.broadcast %parallel_loop3A_276 : f32 to vector<16xf32>
        %parallel_loop3A_278 = arith.mulf %parallel_loop3A_274, %parallel_loop3A_277 : vector<16xf32>
        %parallel_loop3A_279 = arith.index_cast %parallel_loop3A_203 : i32 to index
        %parallel_loop3A_280 = arith.constant 32 : index
        %parallel_loop3A_281 = tpu.vector_load %arg19[%parallel_loop3A_279, %parallel_loop3A_280] {strides = array<i32>} : memref<160x64xf32, #tpu.memory_space<vmem>>, vector<16xf32>,
        %parallel_loop3A_282 = vector.extract_strided_slice %parallel_loop3A_51 {offsets = [1], sizes = [1], strides = [1]} : vector<16xf32> to vector<1xf32>
        %parallel_loop3A_283 = vector.extract %parallel_loop3A_282[0] : f32 from vector<1xf32>
        %parallel_loop3A_284 = vector.broadcast %parallel_loop3A_283 : f32 to vector<16xf32>
        %parallel_loop3A_285 = arith.mulf %parallel_loop3A_281, %parallel_loop3A_284 : vector<16xf32>
        %parallel_loop3A_286 = arith.addf %parallel_loop3A_278, %parallel_loop3A_285 : vector<16xf32>
        %parallel_loop3A_287 = arith.index_cast %parallel_loop3A_203 : i32 to index
        %parallel_loop3A_288 = arith.constant 32 : index
        %parallel_loop3A_289 = tpu.vector_load %arg20[%parallel_loop3A_287, %parallel_loop3A_288] {strides = array<i32>} : memref<160x64xf32, #tpu.memory_space<vmem>>, vector<16xf32>,
        %parallel_loop3A_290 = vector.extract_strided_slice %parallel_loop3A_55 {offsets = [1], sizes = [1], strides = [1]} : vector<16xf32> to vector<1xf32>
        %parallel_loop3A_291 = vector.extract %parallel_loop3A_290[0] : f32 from vector<1xf32>
        %parallel_loop3A_292 = vector.broadcast %parallel_loop3A_291 : f32 to vector<16xf32>
        %parallel_loop3A_293 = arith.mulf %parallel_loop3A_289, %parallel_loop3A_292 : vector<16xf32>
        %parallel_loop3A_294 = arith.addf %parallel_loop3A_286, %parallel_loop3A_293 : vector<16xf32>
        %parallel_loop3A_295 = arith.index_cast %parallel_loop3A_203 : i32 to index
        %parallel_loop3A_296 = arith.constant 32 : index
        %parallel_loop3A_297 = tpu.vector_load %arg21[%parallel_loop3A_295, %parallel_loop3A_296] {strides = array<i32>} : memref<160x64xf32, #tpu.memory_space<vmem>>, vector<16xf32>,
        %parallel_loop3A_298 = vector.extract_strided_slice %parallel_loop3A_59 {offsets = [1], sizes = [1], strides = [1]} : vector<16xf32> to vector<1xf32>
        %parallel_loop3A_299 = vector.extract %parallel_loop3A_298[0] : f32 from vector<1xf32>
        %parallel_loop3A_300 = vector.broadcast %parallel_loop3A_299 : f32 to vector<16xf32>
        %parallel_loop3A_301 = arith.mulf %parallel_loop3A_297, %parallel_loop3A_300 : vector<16xf32>
        %parallel_loop3A_302 = arith.addf %parallel_loop3A_294, %parallel_loop3A_301 : vector<16xf32>
        %parallel_loop3A_303 = arith.index_cast %parallel_loop3A_203 : i32 to index
        %parallel_loop3A_304 = arith.constant 32 : index
        %parallel_loop3A_305 = tpu.vector_load %arg22[%parallel_loop3A_303, %parallel_loop3A_304] {strides = array<i32>} : memref<160x64xf32, #tpu.memory_space<vmem>>, vector<16xf32>,
        tpu.vector_store %arg22[%parallel_loop3A_303, %parallel_loop3A_304], %parallel_loop3A_302 {strides = array<i32>} : memref<160x64xf32, #tpu.memory_space<vmem>>, vector<16xf32>,
        %parallel_loop3A_306 = arith.index_cast %parallel_loop3A_203 : i32 to index
        %parallel_loop3A_307 = arith.constant 48 : index
        %parallel_loop3A_308 = tpu.vector_load %arg18[%parallel_loop3A_306, %parallel_loop3A_307] {strides = array<i32>} : memref<160x64xf32, #tpu.memory_space<vmem>>, vector<16xf32>,
        %parallel_loop3A_309 = vector.extract_strided_slice %parallel_loop3A_47 {offsets = [1], sizes = [1], strides = [1]} : vector<16xf32> to vector<1xf32>
        %parallel_loop3A_310 = vector.extract %parallel_loop3A_309[0] : f32 from vector<1xf32>
        %parallel_loop3A_311 = vector.broadcast %parallel_loop3A_310 : f32 to vector<16xf32>
        %parallel_loop3A_312 = arith.mulf %parallel_loop3A_308, %parallel_loop3A_311 : vector<16xf32>
        %parallel_loop3A_313 = arith.index_cast %parallel_loop3A_203 : i32 to index
        %parallel_loop3A_314 = arith.constant 48 : index
        %parallel_loop3A_315 = tpu.vector_load %arg19[%parallel_loop3A_313, %parallel_loop3A_314] {strides = array<i32>} : memref<160x64xf32, #tpu.memory_space<vmem>>, vector<16xf32>,
        %parallel_loop3A_316 = vector.extract_strided_slice %parallel_loop3A_51 {offsets = [1], sizes = [1], strides = [1]} : vector<16xf32> to vector<1xf32>
        %parallel_loop3A_317 = vector.extract %parallel_loop3A_316[0] : f32 from vector<1xf32>
        %parallel_loop3A_318 = vector.broadcast %parallel_loop3A_317 : f32 to vector<16xf32>
        %parallel_loop3A_319 = arith.mulf %parallel_loop3A_315, %parallel_loop3A_318 : vector<16xf32>
        %parallel_loop3A_320 = arith.addf %parallel_loop3A_312, %parallel_loop3A_319 : vector<16xf32>
        %parallel_loop3A_321 = arith.index_cast %parallel_loop3A_203 : i32 to index
        %parallel_loop3A_322 = arith.constant 48 : index
        %parallel_loop3A_323 = tpu.vector_load %arg20[%parallel_loop3A_321, %parallel_loop3A_322] {strides = array<i32>} : memref<160x64xf32, #tpu.memory_space<vmem>>, vector<16xf32>,
        %parallel_loop3A_324 = vector.extract_strided_slice %parallel_loop3A_55 {offsets = [1], sizes = [1], strides = [1]} : vector<16xf32> to vector<1xf32>
        %parallel_loop3A_325 = vector.extract %parallel_loop3A_324[0] : f32 from vector<1xf32>
        %parallel_loop3A_326 = vector.broadcast %parallel_loop3A_325 : f32 to vector<16xf32>
        %parallel_loop3A_327 = arith.mulf %parallel_loop3A_323, %parallel_loop3A_326 : vector<16xf32>
        %parallel_loop3A_328 = arith.addf %parallel_loop3A_320, %parallel_loop3A_327 : vector<16xf32>
        %parallel_loop3A_329 = arith.index_cast %parallel_loop3A_203 : i32 to index
        %parallel_loop3A_330 = arith.constant 48 : index
        %parallel_loop3A_331 = tpu.vector_load %arg21[%parallel_loop3A_329, %parallel_loop3A_330] {strides = array<i32>} : memref<160x64xf32, #tpu.memory_space<vmem>>, vector<16xf32>,
        %parallel_loop3A_332 = vector.extract_strided_slice %parallel_loop3A_59 {offsets = [1], sizes = [1], strides = [1]} : vector<16xf32> to vector<1xf32>
        %parallel_loop3A_333 = vector.extract %parallel_loop3A_332[0] : f32 from vector<1xf32>
        %parallel_loop3A_334 = vector.broadcast %parallel_loop3A_333 : f32 to vector<16xf32>
        %parallel_loop3A_335 = arith.mulf %parallel_loop3A_331, %parallel_loop3A_334 : vector<16xf32>
        %parallel_loop3A_336 = arith.addf %parallel_loop3A_328, %parallel_loop3A_335 : vector<16xf32>
        %parallel_loop3A_337 = arith.index_cast %parallel_loop3A_203 : i32 to index
        %parallel_loop3A_338 = arith.constant 48 : index
        %parallel_loop3A_339 = tpu.vector_load %arg22[%parallel_loop3A_337, %parallel_loop3A_338] {strides = array<i32>} : memref<160x64xf32, #tpu.memory_space<vmem>>, vector<16xf32>,
        tpu.vector_store %arg22[%parallel_loop3A_337, %parallel_loop3A_338], %parallel_loop3A_336 {strides = array<i32>} : memref<160x64xf32, #tpu.memory_space<vmem>>, vector<16xf32>,
        %parallel_loop3A_340 = arith.constant 16 : i32
        %parallel_loop3A_341 = arith.muli %parallel_loop3A_41, %parallel_loop3A_340 : i32
        %parallel_loop3A_342 = arith.constant 2 : i32
        %parallel_loop3A_343 = arith.addi %parallel_loop3A_341, %parallel_loop3A_342 : i32
        %parallel_loop3A_344 = arith.index_cast %parallel_loop3A_343 : i32 to index
        %parallel_loop3A_345 = arith.constant 0 : index
        %parallel_loop3A_346 = tpu.vector_load %arg18[%parallel_loop3A_344, %parallel_loop3A_345] {strides = array<i32>} : memref<160x64xf32, #tpu.memory_space<vmem>>, vector<16xf32>,
        %parallel_loop3A_347 = vector.extract_strided_slice %parallel_loop3A_47 {offsets = [2], sizes = [1], strides = [1]} : vector<16xf32> to vector<1xf32>
        %parallel_loop3A_348 = vector.extract %parallel_loop3A_347[0] : f32 from vector<1xf32>
        %parallel_loop3A_349 = vector.broadcast %parallel_loop3A_348 : f32 to vector<16xf32>
        %parallel_loop3A_350 = arith.mulf %parallel_loop3A_346, %parallel_loop3A_349 : vector<16xf32>
        %parallel_loop3A_351 = arith.index_cast %parallel_loop3A_343 : i32 to index
        %parallel_loop3A_352 = arith.constant 0 : index
        %parallel_loop3A_353 = tpu.vector_load %arg19[%parallel_loop3A_351, %parallel_loop3A_352] {strides = array<i32>} : memref<160x64xf32, #tpu.memory_space<vmem>>, vector<16xf32>,
        %parallel_loop3A_354 = vector.extract_strided_slice %parallel_loop3A_51 {offsets = [2], sizes = [1], strides = [1]} : vector<16xf32> to vector<1xf32>
        %parallel_loop3A_355 = vector.extract %parallel_loop3A_354[0] : f32 from vector<1xf32>
        %parallel_loop3A_356 = vector.broadcast %parallel_loop3A_355 : f32 to vector<16xf32>
        %parallel_loop3A_357 = arith.mulf %parallel_loop3A_353, %parallel_loop3A_356 : vector<16xf32>
        %parallel_loop3A_358 = arith.addf %parallel_loop3A_350, %parallel_loop3A_357 : vector<16xf32>
        %parallel_loop3A_359 = arith.index_cast %parallel_loop3A_343 : i32 to index
        %parallel_loop3A_360 = arith.constant 0 : index
        %parallel_loop3A_361 = tpu.vector_load %arg20[%parallel_loop3A_359, %parallel_loop3A_360] {strides = array<i32>} : memref<160x64xf32, #tpu.memory_space<vmem>>, vector<16xf32>,
        %parallel_loop3A_362 = vector.extract_strided_slice %parallel_loop3A_55 {offsets = [2], sizes = [1], strides = [1]} : vector<16xf32> to vector<1xf32>
        %parallel_loop3A_363 = vector.extract %parallel_loop3A_362[0] : f32 from vector<1xf32>
        %parallel_loop3A_364 = vector.broadcast %parallel_loop3A_363 : f32 to vector<16xf32>
        %parallel_loop3A_365 = arith.mulf %parallel_loop3A_361, %parallel_loop3A_364 : vector<16xf32>
        %parallel_loop3A_366 = arith.addf %parallel_loop3A_358, %parallel_loop3A_365 : vector<16xf32>
        %parallel_loop3A_367 = arith.index_cast %parallel_loop3A_343 : i32 to index
        %parallel_loop3A_368 = arith.constant 0 : index
        %parallel_loop3A_369 = tpu.vector_load %arg21[%parallel_loop3A_367, %parallel_loop3A_368] {strides = array<i32>} : memref<160x64xf32, #tpu.memory_space<vmem>>, vector<16xf32>,
        %parallel_loop3A_370 = vector.extract_strided_slice %parallel_loop3A_59 {offsets = [2], sizes = [1], strides = [1]} : vector<16xf32> to vector<1xf32>
        %parallel_loop3A_371 = vector.extract %parallel_loop3A_370[0] : f32 from vector<1xf32>
        %parallel_loop3A_372 = vector.broadcast %parallel_loop3A_371 : f32 to vector<16xf32>
        %parallel_loop3A_373 = arith.mulf %parallel_loop3A_369, %parallel_loop3A_372 : vector<16xf32>
        %parallel_loop3A_374 = arith.addf %parallel_loop3A_366, %parallel_loop3A_373 : vector<16xf32>
        %parallel_loop3A_375 = arith.index_cast %parallel_loop3A_343 : i32 to index
        %parallel_loop3A_376 = arith.constant 0 : index
        %parallel_loop3A_377 = tpu.vector_load %arg22[%parallel_loop3A_375, %parallel_loop3A_376] {strides = array<i32>} : memref<160x64xf32, #tpu.memory_space<vmem>>, vector<16xf32>,
        tpu.vector_store %arg22[%parallel_loop3A_375, %parallel_loop3A_376], %parallel_loop3A_374 {strides = array<i32>} : memref<160x64xf32, #tpu.memory_space<vmem>>, vector<16xf32>,
        %parallel_loop3A_378 = arith.index_cast %parallel_loop3A_343 : i32 to index
        %parallel_loop3A_379 = arith.constant 16 : index
        %parallel_loop3A_380 = tpu.vector_load %arg18[%parallel_loop3A_378, %parallel_loop3A_379] {strides = array<i32>} : memref<160x64xf32, #tpu.memory_space<vmem>>, vector<16xf32>,
        %parallel_loop3A_381 = vector.extract_strided_slice %parallel_loop3A_47 {offsets = [2], sizes = [1], strides = [1]} : vector<16xf32> to vector<1xf32>
        %parallel_loop3A_382 = vector.extract %parallel_loop3A_381[0] : f32 from vector<1xf32>
        %parallel_loop3A_383 = vector.broadcast %parallel_loop3A_382 : f32 to vector<16xf32>
        %parallel_loop3A_384 = arith.mulf %parallel_loop3A_380, %parallel_loop3A_383 : vector<16xf32>
        %parallel_loop3A_385 = arith.index_cast %parallel_loop3A_343 : i32 to index
        %parallel_loop3A_386 = arith.constant 16 : index
        %parallel_loop3A_387 = tpu.vector_load %arg19[%parallel_loop3A_385, %parallel_loop3A_386] {strides = array<i32>} : memref<160x64xf32, #tpu.memory_space<vmem>>, vector<16xf32>,
        %parallel_loop3A_388 = vector.extract_strided_slice %parallel_loop3A_51 {offsets = [2], sizes = [1], strides = [1]} : vector<16xf32> to vector<1xf32>
        %parallel_loop3A_389 = vector.extract %parallel_loop3A_388[0] : f32 from vector<1xf32>
        %parallel_loop3A_390 = vector.broadcast %parallel_loop3A_389 : f32 to vector<16xf32>
        %parallel_loop3A_391 = arith.mulf %parallel_loop3A_387, %parallel_loop3A_390 : vector<16xf32>
        %parallel_loop3A_392 = arith.addf %parallel_loop3A_384, %parallel_loop3A_391 : vector<16xf32>
        %parallel_loop3A_393 = arith.index_cast %parallel_loop3A_343 : i32 to index
        %parallel_loop3A_394 = arith.constant 16 : index
        %parallel_loop3A_395 = tpu.vector_load %arg20[%parallel_loop3A_393, %parallel_loop3A_394] {strides = array<i32>} : memref<160x64xf32, #tpu.memory_space<vmem>>, vector<16xf32>,
        %parallel_loop3A_396 = vector.extract_strided_slice %parallel_loop3A_55 {offsets = [2], sizes = [1], strides = [1]} : vector<16xf32> to vector<1xf32>
        %parallel_loop3A_397 = vector.extract %parallel_loop3A_396[0] : f32 from vector<1xf32>
        %parallel_loop3A_398 = vector.broadcast %parallel_loop3A_397 : f32 to vector<16xf32>
        %parallel_loop3A_399 = arith.mulf %parallel_loop3A_395, %parallel_loop3A_398 : vector<16xf32>
        %parallel_loop3A_400 = arith.addf %parallel_loop3A_392, %parallel_loop3A_399 : vector<16xf32>
        %parallel_loop3A_401 = arith.index_cast %parallel_loop3A_343 : i32 to index
        %parallel_loop3A_402 = arith.constant 16 : index
        %parallel_loop3A_403 = tpu.vector_load %arg21[%parallel_loop3A_401, %parallel_loop3A_402] {strides = array<i32>} : memref<160x64xf32, #tpu.memory_space<vmem>>, vector<16xf32>,
        %parallel_loop3A_404 = vector.extract_strided_slice %parallel_loop3A_59 {offsets = [2], sizes = [1], strides = [1]} : vector<16xf32> to vector<1xf32>
        %parallel_loop3A_405 = vector.extract %parallel_loop3A_404[0] : f32 from vector<1xf32>
        %parallel_loop3A_406 = vector.broadcast %parallel_loop3A_405 : f32 to vector<16xf32>
        %parallel_loop3A_407 = arith.mulf %parallel_loop3A_403, %parallel_loop3A_406 : vector<16xf32>
        %parallel_loop3A_408 = arith.addf %parallel_loop3A_400, %parallel_loop3A_407 : vector<16xf32>
        %parallel_loop3A_409 = arith.index_cast %parallel_loop3A_343 : i32 to index
        %parallel_loop3A_410 = arith.constant 16 : index
        %parallel_loop3A_411 = tpu.vector_load %arg22[%parallel_loop3A_409, %parallel_loop3A_410] {strides = array<i32>} : memref<160x64xf32, #tpu.memory_space<vmem>>, vector<16xf32>,
        tpu.vector_store %arg22[%parallel_loop3A_409, %parallel_loop3A_410], %parallel_loop3A_408 {strides = array<i32>} : memref<160x64xf32, #tpu.memory_space<vmem>>, vector<16xf32>,
        %parallel_loop3A_412 = arith.index_cast %parallel_loop3A_343 : i32 to index
        %parallel_loop3A_413 = arith.constant 32 : index
        %parallel_loop3A_414 = tpu.vector_load %arg18[%parallel_loop3A_412, %parallel_loop3A_413] {strides = array<i32>} : memref<160x64xf32, #tpu.memory_space<vmem>>, vector<16xf32>,
        %parallel_loop3A_415 = vector.extract_strided_slice %parallel_loop3A_47 {offsets = [2], sizes = [1], strides = [1]} : vector<16xf32> to vector<1xf32>
        %parallel_loop3A_416 = vector.extract %parallel_loop3A_415[0] : f32 from vector<1xf32>
        %parallel_loop3A_417 = vector.broadcast %parallel_loop3A_416 : f32 to vector<16xf32>
        %parallel_loop3A_418 = arith.mulf %parallel_loop3A_414, %parallel_loop3A_417 : vector<16xf32>
        %parallel_loop3A_419 = arith.index_cast %parallel_loop3A_343 : i32 to index
        %parallel_loop3A_420 = arith.constant 32 : index
        %parallel_loop3A_421 = tpu.vector_load %arg19[%parallel_loop3A_419, %parallel_loop3A_420] {strides = array<i32>} : memref<160x64xf32, #tpu.memory_space<vmem>>, vector<16xf32>,
        %parallel_loop3A_422 = vector.extract_strided_slice %parallel_loop3A_51 {offsets = [2], sizes = [1], strides = [1]} : vector<16xf32> to vector<1xf32>
        %parallel_loop3A_423 = vector.extract %parallel_loop3A_422[0] : f32 from vector<1xf32>
        %parallel_loop3A_424 = vector.broadcast %parallel_loop3A_423 : f32 to vector<16xf32>
        %parallel_loop3A_425 = arith.mulf %parallel_loop3A_421, %parallel_loop3A_424 : vector<16xf32>
        %parallel_loop3A_426 = arith.addf %parallel_loop3A_418, %parallel_loop3A_425 : vector<16xf32>
        %parallel_loop3A_427 = arith.index_cast %parallel_loop3A_343 : i32 to index
        %parallel_loop3A_428 = arith.constant 32 : index
        %parallel_loop3A_429 = tpu.vector_load %arg20[%parallel_loop3A_427, %parallel_loop3A_428] {strides = array<i32>} : memref<160x64xf32, #tpu.memory_space<vmem>>, vector<16xf32>,
        %parallel_loop3A_430 = vector.extract_strided_slice %parallel_loop3A_55 {offsets = [2], sizes = [1], strides = [1]} : vector<16xf32> to vector<1xf32>
        %parallel_loop3A_431 = vector.extract %parallel_loop3A_430[0] : f32 from vector<1xf32>
        %parallel_loop3A_432 = vector.broadcast %parallel_loop3A_431 : f32 to vector<16xf32>
        %parallel_loop3A_433 = arith.mulf %parallel_loop3A_429, %parallel_loop3A_432 : vector<16xf32>
        %parallel_loop3A_434 = arith.addf %parallel_loop3A_426, %parallel_loop3A_433 : vector<16xf32>
        %parallel_loop3A_435 = arith.index_cast %parallel_loop3A_343 : i32 to index
        %parallel_loop3A_436 = arith.constant 32 : index
        %parallel_loop3A_437 = tpu.vector_load %arg21[%parallel_loop3A_435, %parallel_loop3A_436] {strides = array<i32>} : memref<160x64xf32, #tpu.memory_space<vmem>>, vector<16xf32>,
        %parallel_loop3A_438 = vector.extract_strided_slice %parallel_loop3A_59 {offsets = [2], sizes = [1], strides = [1]} : vector<16xf32> to vector<1xf32>
        %parallel_loop3A_439 = vector.extract %parallel_loop3A_438[0] : f32 from vector<1xf32>
        %parallel_loop3A_440 = vector.broadcast %parallel_loop3A_439 : f32 to vector<16xf32>
        %parallel_loop3A_441 = arith.mulf %parallel_loop3A_437, %parallel_loop3A_440 : vector<16xf32>
        %parallel_loop3A_442 = arith.addf %parallel_loop3A_434, %parallel_loop3A_441 : vector<16xf32>
        %parallel_loop3A_443 = arith.index_cast %parallel_loop3A_343 : i32 to index
        %parallel_loop3A_444 = arith.constant 32 : index
        %parallel_loop3A_445 = tpu.vector_load %arg22[%parallel_loop3A_443, %parallel_loop3A_444] {strides = array<i32>} : memref<160x64xf32, #tpu.memory_space<vmem>>, vector<16xf32>,
        tpu.vector_store %arg22[%parallel_loop3A_443, %parallel_loop3A_444], %parallel_loop3A_442 {strides = array<i32>} : memref<160x64xf32, #tpu.memory_space<vmem>>, vector<16xf32>,
        %parallel_loop3A_446 = arith.index_cast %parallel_loop3A_343 : i32 to index
        %parallel_loop3A_447 = arith.constant 48 : index
        %parallel_loop3A_448 = tpu.vector_load %arg18[%parallel_loop3A_446, %parallel_loop3A_447] {strides = array<i32>} : memref<160x64xf32, #tpu.memory_space<vmem>>, vector<16xf32>,
        %parallel_loop3A_449 = vector.extract_strided_slice %parallel_loop3A_47 {offsets = [2], sizes = [1], strides = [1]} : vector<16xf32> to vector<1xf32>
        %parallel_loop3A_450 = vector.extract %parallel_loop3A_449[0] : f32 from vector<1xf32>
        %parallel_loop3A_451 = vector.broadcast %parallel_loop3A_450 : f32 to vector<16xf32>
        %parallel_loop3A_452 = arith.mulf %parallel_loop3A_448, %parallel_loop3A_451 : vector<16xf32>
        %parallel_loop3A_453 = arith.index_cast %parallel_loop3A_343 : i32 to index
        %parallel_loop3A_454 = arith.constant 48 : index
        %parallel_loop3A_455 = tpu.vector_load %arg19[%parallel_loop3A_453, %parallel_loop3A_454] {strides = array<i32>} : memref<160x64xf32, #tpu.memory_space<vmem>>, vector<16xf32>,
        %parallel_loop3A_456 = vector.extract_strided_slice %parallel_loop3A_51 {offsets = [2], sizes = [1], strides = [1]} : vector<16xf32> to vector<1xf32>
        %parallel_loop3A_457 = vector.extract %parallel_loop3A_456[0] : f32 from vector<1xf32>
        %parallel_loop3A_458 = vector.broadcast %parallel_loop3A_457 : f32 to vector<16xf32>
        %parallel_loop3A_459 = arith.mulf %parallel_loop3A_455, %parallel_loop3A_458 : vector<16xf32>
        %parallel_loop3A_460 = arith.addf %parallel_loop3A_452, %parallel_loop3A_459 : vector<16xf32>
        %parallel_loop3A_461 = arith.index_cast %parallel_loop3A_343 : i32 to index
        %parallel_loop3A_462 = arith.constant 48 : index
        %parallel_loop3A_463 = tpu.vector_load %arg20[%parallel_loop3A_461, %parallel_loop3A_462] {strides = array<i32>} : memref<160x64xf32, #tpu.memory_space<vmem>>, vector<16xf32>,
        %parallel_loop3A_464 = vector.extract_strided_slice %parallel_loop3A_55 {offsets = [2], sizes = [1], strides = [1]} : vector<16xf32> to vector<1xf32>
        %parallel_loop3A_465 = vector.extract %parallel_loop3A_464[0] : f32 from vector<1xf32>
        %parallel_loop3A_466 = vector.broadcast %parallel_loop3A_465 : f32 to vector<16xf32>
        %parallel_loop3A_467 = arith.mulf %parallel_loop3A_463, %parallel_loop3A_466 : vector<16xf32>
        %parallel_loop3A_468 = arith.addf %parallel_loop3A_460, %parallel_loop3A_467 : vector<16xf32>
        %parallel_loop3A_469 = arith.index_cast %parallel_loop3A_343 : i32 to index
        %parallel_loop3A_470 = arith.constant 48 : index
        %parallel_loop3A_471 = tpu.vector_load %arg21[%parallel_loop3A_469, %parallel_loop3A_470] {strides = array<i32>} : memref<160x64xf32, #tpu.memory_space<vmem>>, vector<16xf32>,
        %parallel_loop3A_472 = vector.extract_strided_slice %parallel_loop3A_59 {offsets = [2], sizes = [1], strides = [1]} : vector<16xf32> to vector<1xf32>
        %parallel_loop3A_473 = vector.extract %parallel_loop3A_472[0] : f32 from vector<1xf32>
        %parallel_loop3A_474 = vector.broadcast %parallel_loop3A_473 : f32 to vector<16xf32>
        %parallel_loop3A_475 = arith.mulf %parallel_loop3A_471, %parallel_loop3A_474 : vector<16xf32>
        %parallel_loop3A_476 = arith.addf %parallel_loop3A_468, %parallel_loop3A_475 : vector<16xf32>
        %parallel_loop3A_477 = arith.index_cast %parallel_loop3A_343 : i32 to index
        %parallel_loop3A_478 = arith.constant 48 : index
        %parallel_loop3A_479 = tpu.vector_load %arg22[%parallel_loop3A_477, %parallel_loop3A_478] {strides = array<i32>} : memref<160x64xf32, #tpu.memory_space<vmem>>, vector<16xf32>,
        tpu.vector_store %arg22[%parallel_loop3A_477, %parallel_loop3A_478], %parallel_loop3A_476 {strides = array<i32>} : memref<160x64xf32, #tpu.memory_space<vmem>>, vector<16xf32>,
        %parallel_loop3A_480 = arith.constant 16 : i32
        %parallel_loop3A_481 = arith.muli %parallel_loop3A_41, %parallel_loop3A_480 : i32
        %parallel_loop3A_482 = arith.constant 3 : i32
        %parallel_loop3A_483 = arith.addi %parallel_loop3A_481, %parallel_loop3A_482 : i32
        %parallel_loop3A_484 = arith.index_cast %parallel_loop3A_483 : i32 to index
        %parallel_loop3A_485 = arith.constant 0 : index
        %parallel_loop3A_486 = tpu.vector_load %arg18[%parallel_loop3A_484, %parallel_loop3A_485] {strides = array<i32>} : memref<160x64xf32, #tpu.memory_space<vmem>>, vector<16xf32>,
        %parallel_loop3A_487 = vector.extract_strided_slice %parallel_loop3A_47 {offsets = [3], sizes = [1], strides = [1]} : vector<16xf32> to vector<1xf32>
        %parallel_loop3A_488 = vector.extract %parallel_loop3A_487[0] : f32 from vector<1xf32>
        %parallel_loop3A_489 = vector.broadcast %parallel_loop3A_488 : f32 to vector<16xf32>
        %parallel_loop3A_490 = arith.mulf %parallel_loop3A_486, %parallel_loop3A_489 : vector<16xf32>
        %parallel_loop3A_491 = arith.index_cast %parallel_loop3A_483 : i32 to index
        %parallel_loop3A_492 = arith.constant 0 : index
        %parallel_loop3A_493 = tpu.vector_load %arg19[%parallel_loop3A_491, %parallel_loop3A_492] {strides = array<i32>} : memref<160x64xf32, #tpu.memory_space<vmem>>, vector<16xf32>,
        %parallel_loop3A_494 = vector.extract_strided_slice %parallel_loop3A_51 {offsets = [3], sizes = [1], strides = [1]} : vector<16xf32> to vector<1xf32>
        %parallel_loop3A_495 = vector.extract %parallel_loop3A_494[0] : f32 from vector<1xf32>
        %parallel_loop3A_496 = vector.broadcast %parallel_loop3A_495 : f32 to vector<16xf32>
        %parallel_loop3A_497 = arith.mulf %parallel_loop3A_493, %parallel_loop3A_496 : vector<16xf32>
        %parallel_loop3A_498 = arith.addf %parallel_loop3A_490, %parallel_loop3A_497 : vector<16xf32>
        %parallel_loop3A_499 = arith.index_cast %parallel_loop3A_483 : i32 to index
        %parallel_loop3A_500 = arith.constant 0 : index
        %parallel_loop3A_501 = tpu.vector_load %arg20[%parallel_loop3A_499, %parallel_loop3A_500] {strides = array<i32>} : memref<160x64xf32, #tpu.memory_space<vmem>>, vector<16xf32>,
        %parallel_loop3A_502 = vector.extract_strided_slice %parallel_loop3A_55 {offsets = [3], sizes = [1], strides = [1]} : vector<16xf32> to vector<1xf32>
        %parallel_loop3A_503 = vector.extract %parallel_loop3A_502[0] : f32 from vector<1xf32>
        %parallel_loop3A_504 = vector.broadcast %parallel_loop3A_503 : f32 to vector<16xf32>
        %parallel_loop3A_505 = arith.mulf %parallel_loop3A_501, %parallel_loop3A_504 : vector<16xf32>
        %parallel_loop3A_506 = arith.addf %parallel_loop3A_498, %parallel_loop3A_505 : vector<16xf32>
        %parallel_loop3A_507 = arith.index_cast %parallel_loop3A_483 : i32 to index
        %parallel_loop3A_508 = arith.constant 0 : index
        %parallel_loop3A_509 = tpu.vector_load %arg21[%parallel_loop3A_507, %parallel_loop3A_508] {strides = array<i32>} : memref<160x64xf32, #tpu.memory_space<vmem>>, vector<16xf32>,
        %parallel_loop3A_510 = vector.extract_strided_slice %parallel_loop3A_59 {offsets = [3], sizes = [1], strides = [1]} : vector<16xf32> to vector<1xf32>
        %parallel_loop3A_511 = vector.extract %parallel_loop3A_510[0] : f32 from vector<1xf32>
        %parallel_loop3A_512 = vector.broadcast %parallel_loop3A_511 : f32 to vector<16xf32>
        %parallel_loop3A_513 = arith.mulf %parallel_loop3A_509, %parallel_loop3A_512 : vector<16xf32>
        %parallel_loop3A_514 = arith.addf %parallel_loop3A_506, %parallel_loop3A_513 : vector<16xf32>
        %parallel_loop3A_515 = arith.index_cast %parallel_loop3A_483 : i32 to index
        %parallel_loop3A_516 = arith.constant 0 : index
        %parallel_loop3A_517 = tpu.vector_load %arg22[%parallel_loop3A_515, %parallel_loop3A_516] {strides = array<i32>} : memref<160x64xf32, #tpu.memory_space<vmem>>, vector<16xf32>,
        tpu.vector_store %arg22[%parallel_loop3A_515, %parallel_loop3A_516], %parallel_loop3A_514 {strides = array<i32>} : memref<160x64xf32, #tpu.memory_space<vmem>>, vector<16xf32>,
        %parallel_loop3A_518 = arith.index_cast %parallel_loop3A_483 : i32 to index
        %parallel_loop3A_519 = arith.constant 16 : index
        %parallel_loop3A_520 = tpu.vector_load %arg18[%parallel_loop3A_518, %parallel_loop3A_519] {strides = array<i32>} : memref<160x64xf32, #tpu.memory_space<vmem>>, vector<16xf32>,
        %parallel_loop3A_521 = vector.extract_strided_slice %parallel_loop3A_47 {offsets = [3], sizes = [1], strides = [1]} : vector<16xf32> to vector<1xf32>
        %parallel_loop3A_522 = vector.extract %parallel_loop3A_521[0] : f32 from vector<1xf32>
        %parallel_loop3A_523 = vector.broadcast %parallel_loop3A_522 : f32 to vector<16xf32>
        %parallel_loop3A_524 = arith.mulf %parallel_loop3A_520, %parallel_loop3A_523 : vector<16xf32>
        %parallel_loop3A_525 = arith.index_cast %parallel_loop3A_483 : i32 to index
        %parallel_loop3A_526 = arith.constant 16 : index
        %parallel_loop3A_527 = tpu.vector_load %arg19[%parallel_loop3A_525, %parallel_loop3A_526] {strides = array<i32>} : memref<160x64xf32, #tpu.memory_space<vmem>>, vector<16xf32>,
        %parallel_loop3A_528 = vector.extract_strided_slice %parallel_loop3A_51 {offsets = [3], sizes = [1], strides = [1]} : vector<16xf32> to vector<1xf32>
        %parallel_loop3A_529 = vector.extract %parallel_loop3A_528[0] : f32 from vector<1xf32>
        %parallel_loop3A_530 = vector.broadcast %parallel_loop3A_529 : f32 to vector<16xf32>
        %parallel_loop3A_531 = arith.mulf %parallel_loop3A_527, %parallel_loop3A_530 : vector<16xf32>
        %parallel_loop3A_532 = arith.addf %parallel_loop3A_524, %parallel_loop3A_531 : vector<16xf32>
        %parallel_loop3A_533 = arith.index_cast %parallel_loop3A_483 : i32 to index
        %parallel_loop3A_534 = arith.constant 16 : index
        %parallel_loop3A_535 = tpu.vector_load %arg20[%parallel_loop3A_533, %parallel_loop3A_534] {strides = array<i32>} : memref<160x64xf32, #tpu.memory_space<vmem>>, vector<16xf32>,
        %parallel_loop3A_536 = vector.extract_strided_slice %parallel_loop3A_55 {offsets = [3], sizes = [1], strides = [1]} : vector<16xf32> to vector<1xf32>
        %parallel_loop3A_537 = vector.extract %parallel_loop3A_536[0] : f32 from vector<1xf32>
        %parallel_loop3A_538 = vector.broadcast %parallel_loop3A_537 : f32 to vector<16xf32>
        %parallel_loop3A_539 = arith.mulf %parallel_loop3A_535, %parallel_loop3A_538 : vector<16xf32>
        %parallel_loop3A_540 = arith.addf %parallel_loop3A_532, %parallel_loop3A_539 : vector<16xf32>
        %parallel_loop3A_541 = arith.index_cast %parallel_loop3A_483 : i32 to index
        %parallel_loop3A_542 = arith.constant 16 : index
        %parallel_loop3A_543 = tpu.vector_load %arg21[%parallel_loop3A_541, %parallel_loop3A_542] {strides = array<i32>} : memref<160x64xf32, #tpu.memory_space<vmem>>, vector<16xf32>,
        %parallel_loop3A_544 = vector.extract_strided_slice %parallel_loop3A_59 {offsets = [3], sizes = [1], strides = [1]} : vector<16xf32> to vector<1xf32>
        %parallel_loop3A_545 = vector.extract %parallel_loop3A_544[0] : f32 from vector<1xf32>
        %parallel_loop3A_546 = vector.broadcast %parallel_loop3A_545 : f32 to vector<16xf32>
        %parallel_loop3A_547 = arith.mulf %parallel_loop3A_543, %parallel_loop3A_546 : vector<16xf32>
        %parallel_loop3A_548 = arith.addf %parallel_loop3A_540, %parallel_loop3A_547 : vector<16xf32>
        %parallel_loop3A_549 = arith.index_cast %parallel_loop3A_483 : i32 to index
        %parallel_loop3A_550 = arith.constant 16 : index
        %parallel_loop3A_551 = tpu.vector_load %arg22[%parallel_loop3A_549, %parallel_loop3A_550] {strides = array<i32>} : memref<160x64xf32, #tpu.memory_space<vmem>>, vector<16xf32>,
        tpu.vector_store %arg22[%parallel_loop3A_549, %parallel_loop3A_550], %parallel_loop3A_548 {strides = array<i32>} : memref<160x64xf32, #tpu.memory_space<vmem>>, vector<16xf32>,
        %parallel_loop3A_552 = arith.index_cast %parallel_loop3A_483 : i32 to index
        %parallel_loop3A_553 = arith.constant 32 : index
        %parallel_loop3A_554 = tpu.vector_load %arg18[%parallel_loop3A_552, %parallel_loop3A_553] {strides = array<i32>} : memref<160x64xf32, #tpu.memory_space<vmem>>, vector<16xf32>,
        %parallel_loop3A_555 = vector.extract_strided_slice %parallel_loop3A_47 {offsets = [3], sizes = [1], strides = [1]} : vector<16xf32> to vector<1xf32>
        %parallel_loop3A_556 = vector.extract %parallel_loop3A_555[0] : f32 from vector<1xf32>
        %parallel_loop3A_557 = vector.broadcast %parallel_loop3A_556 : f32 to vector<16xf32>
        %parallel_loop3A_558 = arith.mulf %parallel_loop3A_554, %parallel_loop3A_557 : vector<16xf32>
        %parallel_loop3A_559 = arith.index_cast %parallel_loop3A_483 : i32 to index
        %parallel_loop3A_560 = arith.constant 32 : index
        %parallel_loop3A_561 = tpu.vector_load %arg19[%parallel_loop3A_559, %parallel_loop3A_560] {strides = array<i32>} : memref<160x64xf32, #tpu.memory_space<vmem>>, vector<16xf32>,
        %parallel_loop3A_562 = vector.extract_strided_slice %parallel_loop3A_51 {offsets = [3], sizes = [1], strides = [1]} : vector<16xf32> to vector<1xf32>
        %parallel_loop3A_563 = vector.extract %parallel_loop3A_562[0] : f32 from vector<1xf32>
        %parallel_loop3A_564 = vector.broadcast %parallel_loop3A_563 : f32 to vector<16xf32>
        %parallel_loop3A_565 = arith.mulf %parallel_loop3A_561, %parallel_loop3A_564 : vector<16xf32>
        %parallel_loop3A_566 = arith.addf %parallel_loop3A_558, %parallel_loop3A_565 : vector<16xf32>
        %parallel_loop3A_567 = arith.index_cast %parallel_loop3A_483 : i32 to index
        %parallel_loop3A_568 = arith.constant 32 : index
        %parallel_loop3A_569 = tpu.vector_load %arg20[%parallel_loop3A_567, %parallel_loop3A_568] {strides = array<i32>} : memref<160x64xf32, #tpu.memory_space<vmem>>, vector<16xf32>,
        %parallel_loop3A_570 = vector.extract_strided_slice %parallel_loop3A_55 {offsets = [3], sizes = [1], strides = [1]} : vector<16xf32> to vector<1xf32>
        %parallel_loop3A_571 = vector.extract %parallel_loop3A_570[0] : f32 from vector<1xf32>
        %parallel_loop3A_572 = vector.broadcast %parallel_loop3A_571 : f32 to vector<16xf32>
        %parallel_loop3A_573 = arith.mulf %parallel_loop3A_569, %parallel_loop3A_572 : vector<16xf32>
        %parallel_loop3A_574 = arith.addf %parallel_loop3A_566, %parallel_loop3A_573 : vector<16xf32>
        %parallel_loop3A_575 = arith.index_cast %parallel_loop3A_483 : i32 to index
        %parallel_loop3A_576 = arith.constant 32 : index
        %parallel_loop3A_577 = tpu.vector_load %arg21[%parallel_loop3A_575, %parallel_loop3A_576] {strides = array<i32>} : memref<160x64xf32, #tpu.memory_space<vmem>>, vector<16xf32>,
        %parallel_loop3A_578 = vector.extract_strided_slice %parallel_loop3A_59 {offsets = [3], sizes = [1], strides = [1]} : vector<16xf32> to vector<1xf32>
        %parallel_loop3A_579 = vector.extract %parallel_loop3A_578[0] : f32 from vector<1xf32>
        %parallel_loop3A_580 = vector.broadcast %parallel_loop3A_579 : f32 to vector<16xf32>
        %parallel_loop3A_581 = arith.mulf %parallel_loop3A_577, %parallel_loop3A_580 : vector<16xf32>
        %parallel_loop3A_582 = arith.addf %parallel_loop3A_574, %parallel_loop3A_581 : vector<16xf32>
        %parallel_loop3A_583 = arith.index_cast %parallel_loop3A_483 : i32 to index
        %parallel_loop3A_584 = arith.constant 32 : index
        %parallel_loop3A_585 = tpu.vector_load %arg22[%parallel_loop3A_583, %parallel_loop3A_584] {strides = array<i32>} : memref<160x64xf32, #tpu.memory_space<vmem>>, vector<16xf32>,
        tpu.vector_store %arg22[%parallel_loop3A_583, %parallel_loop3A_584], %parallel_loop3A_582 {strides = array<i32>} : memref<160x64xf32, #tpu.memory_space<vmem>>, vector<16xf32>,
        %parallel_loop3A_586 = arith.index_cast %parallel_loop3A_483 : i32 to index
        %parallel_loop3A_587 = arith.constant 48 : index
        %parallel_loop3A_588 = tpu.vector_load %arg18[%parallel_loop3A_586, %parallel_loop3A_587] {strides = array<i32>} : memref<160x64xf32, #tpu.memory_space<vmem>>, vector<16xf32>,
        %parallel_loop3A_589 = vector.extract_strided_slice %parallel_loop3A_47 {offsets = [3], sizes = [1], strides = [1]} : vector<16xf32> to vector<1xf32>
        %parallel_loop3A_590 = vector.extract %parallel_loop3A_589[0] : f32 from vector<1xf32>
        %parallel_loop3A_591 = vector.broadcast %parallel_loop3A_590 : f32 to vector<16xf32>
        %parallel_loop3A_592 = arith.mulf %parallel_loop3A_588, %parallel_loop3A_591 : vector<16xf32>
        %parallel_loop3A_593 = arith.index_cast %parallel_loop3A_483 : i32 to index
        %parallel_loop3A_594 = arith.constant 48 : index
        %parallel_loop3A_595 = tpu.vector_load %arg19[%parallel_loop3A_593, %parallel_loop3A_594] {strides = array<i32>} : memref<160x64xf32, #tpu.memory_space<vmem>>, vector<16xf32>,
        %parallel_loop3A_596 = vector.extract_strided_slice %parallel_loop3A_51 {offsets = [3], sizes = [1], strides = [1]} : vector<16xf32> to vector<1xf32>
        %parallel_loop3A_597 = vector.extract %parallel_loop3A_596[0] : f32 from vector<1xf32>
        %parallel_loop3A_598 = vector.broadcast %parallel_loop3A_597 : f32 to vector<16xf32>
        %parallel_loop3A_599 = arith.mulf %parallel_loop3A_595, %parallel_loop3A_598 : vector<16xf32>
        %parallel_loop3A_600 = arith.addf %parallel_loop3A_592, %parallel_loop3A_599 : vector<16xf32>
        %parallel_loop3A_601 = arith.index_cast %parallel_loop3A_483 : i32 to index
        %parallel_loop3A_602 = arith.constant 48 : index
        %parallel_loop3A_603 = tpu.vector_load %arg20[%parallel_loop3A_601, %parallel_loop3A_602] {strides = array<i32>} : memref<160x64xf32, #tpu.memory_space<vmem>>, vector<16xf32>,
        %parallel_loop3A_604 = vector.extract_strided_slice %parallel_loop3A_55 {offsets = [3], sizes = [1], strides = [1]} : vector<16xf32> to vector<1xf32>
        %parallel_loop3A_605 = vector.extract %parallel_loop3A_604[0] : f32 from vector<1xf32>
        %parallel_loop3A_606 = vector.broadcast %parallel_loop3A_605 : f32 to vector<16xf32>
        %parallel_loop3A_607 = arith.mulf %parallel_loop3A_603, %parallel_loop3A_606 : vector<16xf32>
        %parallel_loop3A_608 = arith.addf %parallel_loop3A_600, %parallel_loop3A_607 : vector<16xf32>
        %parallel_loop3A_609 = arith.index_cast %parallel_loop3A_483 : i32 to index
        %parallel_loop3A_610 = arith.constant 48 : index
        %parallel_loop3A_611 = tpu.vector_load %arg21[%parallel_loop3A_609, %parallel_loop3A_610] {strides = array<i32>} : memref<160x64xf32, #tpu.memory_space<vmem>>, vector<16xf32>,
        %parallel_loop3A_612 = vector.extract_strided_slice %parallel_loop3A_59 {offsets = [3], sizes = [1], strides = [1]} : vector<16xf32> to vector<1xf32>
        %parallel_loop3A_613 = vector.extract %parallel_loop3A_612[0] : f32 from vector<1xf32>
        %parallel_loop3A_614 = vector.broadcast %parallel_loop3A_613 : f32 to vector<16xf32>
        %parallel_loop3A_615 = arith.mulf %parallel_loop3A_611, %parallel_loop3A_614 : vector<16xf32>
        %parallel_loop3A_616 = arith.addf %parallel_loop3A_608, %parallel_loop3A_615 : vector<16xf32>
        %parallel_loop3A_617 = arith.index_cast %parallel_loop3A_483 : i32 to index
        %parallel_loop3A_618 = arith.constant 48 : index
        %parallel_loop3A_619 = tpu.vector_load %arg22[%parallel_loop3A_617, %parallel_loop3A_618] {strides = array<i32>} : memref<160x64xf32, #tpu.memory_space<vmem>>, vector<16xf32>,
        tpu.vector_store %arg22[%parallel_loop3A_617, %parallel_loop3A_618], %parallel_loop3A_616 {strides = array<i32>} : memref<160x64xf32, #tpu.memory_space<vmem>>, vector<16xf32>,
        %parallel_loop3A_620 = arith.constant 16 : i32
        %parallel_loop3A_621 = arith.muli %parallel_loop3A_41, %parallel_loop3A_620 : i32
        %parallel_loop3A_622 = arith.constant 4 : i32
        %parallel_loop3A_623 = arith.addi %parallel_loop3A_621, %parallel_loop3A_622 : i32
        %parallel_loop3A_624 = arith.index_cast %parallel_loop3A_623 : i32 to index
        %parallel_loop3A_625 = arith.constant 0 : index
        %parallel_loop3A_626 = tpu.vector_load %arg18[%parallel_loop3A_624, %parallel_loop3A_625] {strides = array<i32>} : memref<160x64xf32, #tpu.memory_space<vmem>>, vector<16xf32>,
        %parallel_loop3A_627 = vector.extract_strided_slice %parallel_loop3A_47 {offsets = [4], sizes = [1], strides = [1]} : vector<16xf32> to vector<1xf32>
        %parallel_loop3A_628 = vector.extract %parallel_loop3A_627[0] : f32 from vector<1xf32>
        %parallel_loop3A_629 = vector.broadcast %parallel_loop3A_628 : f32 to vector<16xf32>
        %parallel_loop3A_630 = arith.mulf %parallel_loop3A_626, %parallel_loop3A_629 : vector<16xf32>
        %parallel_loop3A_631 = arith.index_cast %parallel_loop3A_623 : i32 to index
        %parallel_loop3A_632 = arith.constant 0 : index
        %parallel_loop3A_633 = tpu.vector_load %arg19[%parallel_loop3A_631, %parallel_loop3A_632] {strides = array<i32>} : memref<160x64xf32, #tpu.memory_space<vmem>>, vector<16xf32>,
        %parallel_loop3A_634 = vector.extract_strided_slice %parallel_loop3A_51 {offsets = [4], sizes = [1], strides = [1]} : vector<16xf32> to vector<1xf32>
        %parallel_loop3A_635 = vector.extract %parallel_loop3A_634[0] : f32 from vector<1xf32>
        %parallel_loop3A_636 = vector.broadcast %parallel_loop3A_635 : f32 to vector<16xf32>
        %parallel_loop3A_637 = arith.mulf %parallel_loop3A_633, %parallel_loop3A_636 : vector<16xf32>
        %parallel_loop3A_638 = arith.addf %parallel_loop3A_630, %parallel_loop3A_637 : vector<16xf32>
        %parallel_loop3A_639 = arith.index_cast %parallel_loop3A_623 : i32 to index
        %parallel_loop3A_640 = arith.constant 0 : index
        %parallel_loop3A_641 = tpu.vector_load %arg20[%parallel_loop3A_639, %parallel_loop3A_640] {strides = array<i32>} : memref<160x64xf32, #tpu.memory_space<vmem>>, vector<16xf32>,
        %parallel_loop3A_642 = vector.extract_strided_slice %parallel_loop3A_55 {offsets = [4], sizes = [1], strides = [1]} : vector<16xf32> to vector<1xf32>
        %parallel_loop3A_643 = vector.extract %parallel_loop3A_642[0] : f32 from vector<1xf32>
        %parallel_loop3A_644 = vector.broadcast %parallel_loop3A_643 : f32 to vector<16xf32>
        %parallel_loop3A_645 = arith.mulf %parallel_loop3A_641, %parallel_loop3A_644 : vector<16xf32>
        %parallel_loop3A_646 = arith.addf %parallel_loop3A_638, %parallel_loop3A_645 : vector<16xf32>
        %parallel_loop3A_647 = arith.index_cast %parallel_loop3A_623 : i32 to index
        %parallel_loop3A_648 = arith.constant 0 : index
        %parallel_loop3A_649 = tpu.vector_load %arg21[%parallel_loop3A_647, %parallel_loop3A_648] {strides = array<i32>} : memref<160x64xf32, #tpu.memory_space<vmem>>, vector<16xf32>,
        %parallel_loop3A_650 = vector.extract_strided_slice %parallel_loop3A_59 {offsets = [4], sizes = [1], strides = [1]} : vector<16xf32> to vector<1xf32>
        %parallel_loop3A_651 = vector.extract %parallel_loop3A_650[0] : f32 from vector<1xf32>
        %parallel_loop3A_652 = vector.broadcast %parallel_loop3A_651 : f32 to vector<16xf32>
        %parallel_loop3A_653 = arith.mulf %parallel_loop3A_649, %parallel_loop3A_652 : vector<16xf32>
        %parallel_loop3A_654 = arith.addf %parallel_loop3A_646, %parallel_loop3A_653 : vector<16xf32>
        %parallel_loop3A_655 = arith.index_cast %parallel_loop3A_623 : i32 to index
        %parallel_loop3A_656 = arith.constant 0 : index
        %parallel_loop3A_657 = tpu.vector_load %arg22[%parallel_loop3A_655, %parallel_loop3A_656] {strides = array<i32>} : memref<160x64xf32, #tpu.memory_space<vmem>>, vector<16xf32>,
        tpu.vector_store %arg22[%parallel_loop3A_655, %parallel_loop3A_656], %parallel_loop3A_654 {strides = array<i32>} : memref<160x64xf32, #tpu.memory_space<vmem>>, vector<16xf32>,
        %parallel_loop3A_658 = arith.index_cast %parallel_loop3A_623 : i32 to index
        %parallel_loop3A_659 = arith.constant 16 : index
        %parallel_loop3A_660 = tpu.vector_load %arg18[%parallel_loop3A_658, %parallel_loop3A_659] {strides = array<i32>} : memref<160x64xf32, #tpu.memory_space<vmem>>, vector<16xf32>,
        %parallel_loop3A_661 = vector.extract_strided_slice %parallel_loop3A_47 {offsets = [4], sizes = [1], strides = [1]} : vector<16xf32> to vector<1xf32>
        %parallel_loop3A_662 = vector.extract %parallel_loop3A_661[0] : f32 from vector<1xf32>
        %parallel_loop3A_663 = vector.broadcast %parallel_loop3A_662 : f32 to vector<16xf32>
        %parallel_loop3A_664 = arith.mulf %parallel_loop3A_660, %parallel_loop3A_663 : vector<16xf32>
        %parallel_loop3A_665 = arith.index_cast %parallel_loop3A_623 : i32 to index
        %parallel_loop3A_666 = arith.constant 16 : index
        %parallel_loop3A_667 = tpu.vector_load %arg19[%parallel_loop3A_665, %parallel_loop3A_666] {strides = array<i32>} : memref<160x64xf32, #tpu.memory_space<vmem>>, vector<16xf32>,
        %parallel_loop3A_668 = vector.extract_strided_slice %parallel_loop3A_51 {offsets = [4], sizes = [1], strides = [1]} : vector<16xf32> to vector<1xf32>
        %parallel_loop3A_669 = vector.extract %parallel_loop3A_668[0] : f32 from vector<1xf32>
        %parallel_loop3A_670 = vector.broadcast %parallel_loop3A_669 : f32 to vector<16xf32>
        %parallel_loop3A_671 = arith.mulf %parallel_loop3A_667, %parallel_loop3A_670 : vector<16xf32>
        %parallel_loop3A_672 = arith.addf %parallel_loop3A_664, %parallel_loop3A_671 : vector<16xf32>
        %parallel_loop3A_673 = arith.index_cast %parallel_loop3A_623 : i32 to index
        %parallel_loop3A_674 = arith.constant 16 : index
        %parallel_loop3A_675 = tpu.vector_load %arg20[%parallel_loop3A_673, %parallel_loop3A_674] {strides = array<i32>} : memref<160x64xf32, #tpu.memory_space<vmem>>, vector<16xf32>,
        %parallel_loop3A_676 = vector.extract_strided_slice %parallel_loop3A_55 {offsets = [4], sizes = [1], strides = [1]} : vector<16xf32> to vector<1xf32>
        %parallel_loop3A_677 = vector.extract %parallel_loop3A_676[0] : f32 from vector<1xf32>
        %parallel_loop3A_678 = vector.broadcast %parallel_loop3A_677 : f32 to vector<16xf32>
        %parallel_loop3A_679 = arith.mulf %parallel_loop3A_675, %parallel_loop3A_678 : vector<16xf32>
        %parallel_loop3A_680 = arith.addf %parallel_loop3A_672, %parallel_loop3A_679 : vector<16xf32>
        %parallel_loop3A_681 = arith.index_cast %parallel_loop3A_623 : i32 to index
        %parallel_loop3A_682 = arith.constant 16 : index
        %parallel_loop3A_683 = tpu.vector_load %arg21[%parallel_loop3A_681, %parallel_loop3A_682] {strides = array<i32>} : memref<160x64xf32, #tpu.memory_space<vmem>>, vector<16xf32>,
        %parallel_loop3A_684 = vector.extract_strided_slice %parallel_loop3A_59 {offsets = [4], sizes = [1], strides = [1]} : vector<16xf32> to vector<1xf32>
        %parallel_loop3A_685 = vector.extract %parallel_loop3A_684[0] : f32 from vector<1xf32>
        %parallel_loop3A_686 = vector.broadcast %parallel_loop3A_685 : f32 to vector<16xf32>
        %parallel_loop3A_687 = arith.mulf %parallel_loop3A_683, %parallel_loop3A_686 : vector<16xf32>
        %parallel_loop3A_688 = arith.addf %parallel_loop3A_680, %parallel_loop3A_687 : vector<16xf32>
        %parallel_loop3A_689 = arith.index_cast %parallel_loop3A_623 : i32 to index
        %parallel_loop3A_690 = arith.constant 16 : index
        %parallel_loop3A_691 = tpu.vector_load %arg22[%parallel_loop3A_689, %parallel_loop3A_690] {strides = array<i32>} : memref<160x64xf32, #tpu.memory_space<vmem>>, vector<16xf32>,
        tpu.vector_store %arg22[%parallel_loop3A_689, %parallel_loop3A_690], %parallel_loop3A_688 {strides = array<i32>} : memref<160x64xf32, #tpu.memory_space<vmem>>, vector<16xf32>,
        %parallel_loop3A_692 = arith.index_cast %parallel_loop3A_623 : i32 to index
        %parallel_loop3A_693 = arith.constant 32 : index
        %parallel_loop3A_694 = tpu.vector_load %arg18[%parallel_loop3A_692, %parallel_loop3A_693] {strides = array<i32>} : memref<160x64xf32, #tpu.memory_space<vmem>>, vector<16xf32>,
        %parallel_loop3A_695 = vector.extract_strided_slice %parallel_loop3A_47 {offsets = [4], sizes = [1], strides = [1]} : vector<16xf32> to vector<1xf32>
        %parallel_loop3A_696 = vector.extract %parallel_loop3A_695[0] : f32 from vector<1xf32>
        %parallel_loop3A_697 = vector.broadcast %parallel_loop3A_696 : f32 to vector<16xf32>
        %parallel_loop3A_698 = arith.mulf %parallel_loop3A_694, %parallel_loop3A_697 : vector<16xf32>
        %parallel_loop3A_699 = arith.index_cast %parallel_loop3A_623 : i32 to index
        %parallel_loop3A_700 = arith.constant 32 : index
        %parallel_loop3A_701 = tpu.vector_load %arg19[%parallel_loop3A_699, %parallel_loop3A_700] {strides = array<i32>} : memref<160x64xf32, #tpu.memory_space<vmem>>, vector<16xf32>,
        %parallel_loop3A_702 = vector.extract_strided_slice %parallel_loop3A_51 {offsets = [4], sizes = [1], strides = [1]} : vector<16xf32> to vector<1xf32>
        %parallel_loop3A_703 = vector.extract %parallel_loop3A_702[0] : f32 from vector<1xf32>
        %parallel_loop3A_704 = vector.broadcast %parallel_loop3A_703 : f32 to vector<16xf32>
        %parallel_loop3A_705 = arith.mulf %parallel_loop3A_701, %parallel_loop3A_704 : vector<16xf32>
        %parallel_loop3A_706 = arith.addf %parallel_loop3A_698, %parallel_loop3A_705 : vector<16xf32>
        %parallel_loop3A_707 = arith.index_cast %parallel_loop3A_623 : i32 to index
        %parallel_loop3A_708 = arith.constant 32 : index
        %parallel_loop3A_709 = tpu.vector_load %arg20[%parallel_loop3A_707, %parallel_loop3A_708] {strides = array<i32>} : memref<160x64xf32, #tpu.memory_space<vmem>>, vector<16xf32>,
        %parallel_loop3A_710 = vector.extract_strided_slice %parallel_loop3A_55 {offsets = [4], sizes = [1], strides = [1]} : vector<16xf32> to vector<1xf32>
        %parallel_loop3A_711 = vector.extract %parallel_loop3A_710[0] : f32 from vector<1xf32>
        %parallel_loop3A_712 = vector.broadcast %parallel_loop3A_711 : f32 to vector<16xf32>
        %parallel_loop3A_713 = arith.mulf %parallel_loop3A_709, %parallel_loop3A_712 : vector<16xf32>
        %parallel_loop3A_714 = arith.addf %parallel_loop3A_706, %parallel_loop3A_713 : vector<16xf32>
        %parallel_loop3A_715 = arith.index_cast %parallel_loop3A_623 : i32 to index
        %parallel_loop3A_716 = arith.constant 32 : index
        %parallel_loop3A_717 = tpu.vector_load %arg21[%parallel_loop3A_715, %parallel_loop3A_716] {strides = array<i32>} : memref<160x64xf32, #tpu.memory_space<vmem>>, vector<16xf32>,
        %parallel_loop3A_718 = vector.extract_strided_slice %parallel_loop3A_59 {offsets = [4], sizes = [1], strides = [1]} : vector<16xf32> to vector<1xf32>
        %parallel_loop3A_719 = vector.extract %parallel_loop3A_718[0] : f32 from vector<1xf32>
        %parallel_loop3A_720 = vector.broadcast %parallel_loop3A_719 : f32 to vector<16xf32>
        %parallel_loop3A_721 = arith.mulf %parallel_loop3A_717, %parallel_loop3A_720 : vector<16xf32>
        %parallel_loop3A_722 = arith.addf %parallel_loop3A_714, %parallel_loop3A_721 : vector<16xf32>
        %parallel_loop3A_723 = arith.index_cast %parallel_loop3A_623 : i32 to index
        %parallel_loop3A_724 = arith.constant 32 : index
        %parallel_loop3A_725 = tpu.vector_load %arg22[%parallel_loop3A_723, %parallel_loop3A_724] {strides = array<i32>} : memref<160x64xf32, #tpu.memory_space<vmem>>, vector<16xf32>,
        tpu.vector_store %arg22[%parallel_loop3A_723, %parallel_loop3A_724], %parallel_loop3A_722 {strides = array<i32>} : memref<160x64xf32, #tpu.memory_space<vmem>>, vector<16xf32>,
        %parallel_loop3A_726 = arith.index_cast %parallel_loop3A_623 : i32 to index
        %parallel_loop3A_727 = arith.constant 48 : index
        %parallel_loop3A_728 = tpu.vector_load %arg18[%parallel_loop3A_726, %parallel_loop3A_727] {strides = array<i32>} : memref<160x64xf32, #tpu.memory_space<vmem>>, vector<16xf32>,
        %parallel_loop3A_729 = vector.extract_strided_slice %parallel_loop3A_47 {offsets = [4], sizes = [1], strides = [1]} : vector<16xf32> to vector<1xf32>
        %parallel_loop3A_730 = vector.extract %parallel_loop3A_729[0] : f32 from vector<1xf32>
        %parallel_loop3A_731 = vector.broadcast %parallel_loop3A_730 : f32 to vector<16xf32>
        %parallel_loop3A_732 = arith.mulf %parallel_loop3A_728, %parallel_loop3A_731 : vector<16xf32>
        %parallel_loop3A_733 = arith.index_cast %parallel_loop3A_623 : i32 to index
        %parallel_loop3A_734 = arith.constant 48 : index
        %parallel_loop3A_735 = tpu.vector_load %arg19[%parallel_loop3A_733, %parallel_loop3A_734] {strides = array<i32>} : memref<160x64xf32, #tpu.memory_space<vmem>>, vector<16xf32>,
        %parallel_loop3A_736 = vector.extract_strided_slice %parallel_loop3A_51 {offsets = [4], sizes = [1], strides = [1]} : vector<16xf32> to vector<1xf32>
        %parallel_loop3A_737 = vector.extract %parallel_loop3A_736[0] : f32 from vector<1xf32>
        %parallel_loop3A_738 = vector.broadcast %parallel_loop3A_737 : f32 to vector<16xf32>
        %parallel_loop3A_739 = arith.mulf %parallel_loop3A_735, %parallel_loop3A_738 : vector<16xf32>
        %parallel_loop3A_740 = arith.addf %parallel_loop3A_732, %parallel_loop3A_739 : vector<16xf32>
        %parallel_loop3A_741 = arith.index_cast %parallel_loop3A_623 : i32 to index
        %parallel_loop3A_742 = arith.constant 48 : index
        %parallel_loop3A_743 = tpu.vector_load %arg20[%parallel_loop3A_741, %parallel_loop3A_742] {strides = array<i32>} : memref<160x64xf32, #tpu.memory_space<vmem>>, vector<16xf32>,
        %parallel_loop3A_744 = vector.extract_strided_slice %parallel_loop3A_55 {offsets = [4], sizes = [1], strides = [1]} : vector<16xf32> to vector<1xf32>
        %parallel_loop3A_745 = vector.extract %parallel_loop3A_744[0] : f32 from vector<1xf32>
        %parallel_loop3A_746 = vector.broadcast %parallel_loop3A_745 : f32 to vector<16xf32>
        %parallel_loop3A_747 = arith.mulf %parallel_loop3A_743, %parallel_loop3A_746 : vector<16xf32>
        %parallel_loop3A_748 = arith.addf %parallel_loop3A_740, %parallel_loop3A_747 : vector<16xf32>
        %parallel_loop3A_749 = arith.index_cast %parallel_loop3A_623 : i32 to index
        %parallel_loop3A_750 = arith.constant 48 : index
        %parallel_loop3A_751 = tpu.vector_load %arg21[%parallel_loop3A_749, %parallel_loop3A_750] {strides = array<i32>} : memref<160x64xf32, #tpu.memory_space<vmem>>, vector<16xf32>,
        %parallel_loop3A_752 = vector.extract_strided_slice %parallel_loop3A_59 {offsets = [4], sizes = [1], strides = [1]} : vector<16xf32> to vector<1xf32>
        %parallel_loop3A_753 = vector.extract %parallel_loop3A_752[0] : f32 from vector<1xf32>
        %parallel_loop3A_754 = vector.broadcast %parallel_loop3A_753 : f32 to vector<16xf32>
        %parallel_loop3A_755 = arith.mulf %parallel_loop3A_751, %parallel_loop3A_754 : vector<16xf32>
        %parallel_loop3A_756 = arith.addf %parallel_loop3A_748, %parallel_loop3A_755 : vector<16xf32>
        %parallel_loop3A_757 = arith.index_cast %parallel_loop3A_623 : i32 to index
        %parallel_loop3A_758 = arith.constant 48 : index
        %parallel_loop3A_759 = tpu.vector_load %arg22[%parallel_loop3A_757, %parallel_loop3A_758] {strides = array<i32>} : memref<160x64xf32, #tpu.memory_space<vmem>>, vector<16xf32>,
        tpu.vector_store %arg22[%parallel_loop3A_757, %parallel_loop3A_758], %parallel_loop3A_756 {strides = array<i32>} : memref<160x64xf32, #tpu.memory_space<vmem>>, vector<16xf32>,
        %parallel_loop3A_760 = arith.constant 16 : i32
        %parallel_loop3A_761 = arith.muli %parallel_loop3A_41, %parallel_loop3A_760 : i32
        %parallel_loop3A_762 = arith.constant 5 : i32
        %parallel_loop3A_763 = arith.addi %parallel_loop3A_761, %parallel_loop3A_762 : i32
        %parallel_loop3A_764 = arith.index_cast %parallel_loop3A_763 : i32 to index
        %parallel_loop3A_765 = arith.constant 0 : index
        %parallel_loop3A_766 = tpu.vector_load %arg18[%parallel_loop3A_764, %parallel_loop3A_765] {strides = array<i32>} : memref<160x64xf32, #tpu.memory_space<vmem>>, vector<16xf32>,
        %parallel_loop3A_767 = vector.extract_strided_slice %parallel_loop3A_47 {offsets = [5], sizes = [1], strides = [1]} : vector<16xf32> to vector<1xf32>
        %parallel_loop3A_768 = vector.extract %parallel_loop3A_767[0] : f32 from vector<1xf32>
        %parallel_loop3A_769 = vector.broadcast %parallel_loop3A_768 : f32 to vector<16xf32>
        %parallel_loop3A_770 = arith.mulf %parallel_loop3A_766, %parallel_loop3A_769 : vector<16xf32>
        %parallel_loop3A_771 = arith.index_cast %parallel_loop3A_763 : i32 to index
        %parallel_loop3A_772 = arith.constant 0 : index
        %parallel_loop3A_773 = tpu.vector_load %arg19[%parallel_loop3A_771, %parallel_loop3A_772] {strides = array<i32>} : memref<160x64xf32, #tpu.memory_space<vmem>>, vector<16xf32>,
        %parallel_loop3A_774 = vector.extract_strided_slice %parallel_loop3A_51 {offsets = [5], sizes = [1], strides = [1]} : vector<16xf32> to vector<1xf32>
        %parallel_loop3A_775 = vector.extract %parallel_loop3A_774[0] : f32 from vector<1xf32>
        %parallel_loop3A_776 = vector.broadcast %parallel_loop3A_775 : f32 to vector<16xf32>
        %parallel_loop3A_777 = arith.mulf %parallel_loop3A_773, %parallel_loop3A_776 : vector<16xf32>
        %parallel_loop3A_778 = arith.addf %parallel_loop3A_770, %parallel_loop3A_777 : vector<16xf32>
        %parallel_loop3A_779 = arith.index_cast %parallel_loop3A_763 : i32 to index
        %parallel_loop3A_780 = arith.constant 0 : index
        %parallel_loop3A_781 = tpu.vector_load %arg20[%parallel_loop3A_779, %parallel_loop3A_780] {strides = array<i32>} : memref<160x64xf32, #tpu.memory_space<vmem>>, vector<16xf32>,
        %parallel_loop3A_782 = vector.extract_strided_slice %parallel_loop3A_55 {offsets = [5], sizes = [1], strides = [1]} : vector<16xf32> to vector<1xf32>
        %parallel_loop3A_783 = vector.extract %parallel_loop3A_782[0] : f32 from vector<1xf32>
        %parallel_loop3A_784 = vector.broadcast %parallel_loop3A_783 : f32 to vector<16xf32>
        %parallel_loop3A_785 = arith.mulf %parallel_loop3A_781, %parallel_loop3A_784 : vector<16xf32>
        %parallel_loop3A_786 = arith.addf %parallel_loop3A_778, %parallel_loop3A_785 : vector<16xf32>
        %parallel_loop3A_787 = arith.index_cast %parallel_loop3A_763 : i32 to index
        %parallel_loop3A_788 = arith.constant 0 : index
        %parallel_loop3A_789 = tpu.vector_load %arg21[%parallel_loop3A_787, %parallel_loop3A_788] {strides = array<i32>} : memref<160x64xf32, #tpu.memory_space<vmem>>, vector<16xf32>,
        %parallel_loop3A_790 = vector.extract_strided_slice %parallel_loop3A_59 {offsets = [5], sizes = [1], strides = [1]} : vector<16xf32> to vector<1xf32>
        %parallel_loop3A_791 = vector.extract %parallel_loop3A_790[0] : f32 from vector<1xf32>
        %parallel_loop3A_792 = vector.broadcast %parallel_loop3A_791 : f32 to vector<16xf32>
        %parallel_loop3A_793 = arith.mulf %parallel_loop3A_789, %parallel_loop3A_792 : vector<16xf32>
        %parallel_loop3A_794 = arith.addf %parallel_loop3A_786, %parallel_loop3A_793 : vector<16xf32>
        %parallel_loop3A_795 = arith.index_cast %parallel_loop3A_763 : i32 to index
        %parallel_loop3A_796 = arith.constant 0 : index
        %parallel_loop3A_797 = tpu.vector_load %arg22[%parallel_loop3A_795, %parallel_loop3A_796] {strides = array<i32>} : memref<160x64xf32, #tpu.memory_space<vmem>>, vector<16xf32>,
        tpu.vector_store %arg22[%parallel_loop3A_795, %parallel_loop3A_796], %parallel_loop3A_794 {strides = array<i32>} : memref<160x64xf32, #tpu.memory_space<vmem>>, vector<16xf32>,
        %parallel_loop3A_798 = arith.index_cast %parallel_loop3A_763 : i32 to index
        %parallel_loop3A_799 = arith.constant 16 : index
        %parallel_loop3A_800 = tpu.vector_load %arg18[%parallel_loop3A_798, %parallel_loop3A_799] {strides = array<i32>} : memref<160x64xf32, #tpu.memory_space<vmem>>, vector<16xf32>,
        %parallel_loop3A_801 = vector.extract_strided_slice %parallel_loop3A_47 {offsets = [5], sizes = [1], strides = [1]} : vector<16xf32> to vector<1xf32>
        %parallel_loop3A_802 = vector.extract %parallel_loop3A_801[0] : f32 from vector<1xf32>
        %parallel_loop3A_803 = vector.broadcast %parallel_loop3A_802 : f32 to vector<16xf32>
        %parallel_loop3A_804 = arith.mulf %parallel_loop3A_800, %parallel_loop3A_803 : vector<16xf32>
        %parallel_loop3A_805 = arith.index_cast %parallel_loop3A_763 : i32 to index
        %parallel_loop3A_806 = arith.constant 16 : index
        %parallel_loop3A_807 = tpu.vector_load %arg19[%parallel_loop3A_805, %parallel_loop3A_806] {strides = array<i32>} : memref<160x64xf32, #tpu.memory_space<vmem>>, vector<16xf32>,
        %parallel_loop3A_808 = vector.extract_strided_slice %parallel_loop3A_51 {offsets = [5], sizes = [1], strides = [1]} : vector<16xf32> to vector<1xf32>
        %parallel_loop3A_809 = vector.extract %parallel_loop3A_808[0] : f32 from vector<1xf32>
        %parallel_loop3A_810 = vector.broadcast %parallel_loop3A_809 : f32 to vector<16xf32>
        %parallel_loop3A_811 = arith.mulf %parallel_loop3A_807, %parallel_loop3A_810 : vector<16xf32>
        %parallel_loop3A_812 = arith.addf %parallel_loop3A_804, %parallel_loop3A_811 : vector<16xf32>
        %parallel_loop3A_813 = arith.index_cast %parallel_loop3A_763 : i32 to index
        %parallel_loop3A_814 = arith.constant 16 : index
        %parallel_loop3A_815 = tpu.vector_load %arg20[%parallel_loop3A_813, %parallel_loop3A_814] {strides = array<i32>} : memref<160x64xf32, #tpu.memory_space<vmem>>, vector<16xf32>,
        %parallel_loop3A_816 = vector.extract_strided_slice %parallel_loop3A_55 {offsets = [5], sizes = [1], strides = [1]} : vector<16xf32> to vector<1xf32>
        %parallel_loop3A_817 = vector.extract %parallel_loop3A_816[0] : f32 from vector<1xf32>
        %parallel_loop3A_818 = vector.broadcast %parallel_loop3A_817 : f32 to vector<16xf32>
        %parallel_loop3A_819 = arith.mulf %parallel_loop3A_815, %parallel_loop3A_818 : vector<16xf32>
        %parallel_loop3A_820 = arith.addf %parallel_loop3A_812, %parallel_loop3A_819 : vector<16xf32>
        %parallel_loop3A_821 = arith.index_cast %parallel_loop3A_763 : i32 to index
        %parallel_loop3A_822 = arith.constant 16 : index
        %parallel_loop3A_823 = tpu.vector_load %arg21[%parallel_loop3A_821, %parallel_loop3A_822] {strides = array<i32>} : memref<160x64xf32, #tpu.memory_space<vmem>>, vector<16xf32>,
        %parallel_loop3A_824 = vector.extract_strided_slice %parallel_loop3A_59 {offsets = [5], sizes = [1], strides = [1]} : vector<16xf32> to vector<1xf32>
        %parallel_loop3A_825 = vector.extract %parallel_loop3A_824[0] : f32 from vector<1xf32>
        %parallel_loop3A_826 = vector.broadcast %parallel_loop3A_825 : f32 to vector<16xf32>
        %parallel_loop3A_827 = arith.mulf %parallel_loop3A_823, %parallel_loop3A_826 : vector<16xf32>
        %parallel_loop3A_828 = arith.addf %parallel_loop3A_820, %parallel_loop3A_827 : vector<16xf32>
        %parallel_loop3A_829 = arith.index_cast %parallel_loop3A_763 : i32 to index
        %parallel_loop3A_830 = arith.constant 16 : index
        %parallel_loop3A_831 = tpu.vector_load %arg22[%parallel_loop3A_829, %parallel_loop3A_830] {strides = array<i32>} : memref<160x64xf32, #tpu.memory_space<vmem>>, vector<16xf32>,
        tpu.vector_store %arg22[%parallel_loop3A_829, %parallel_loop3A_830], %parallel_loop3A_828 {strides = array<i32>} : memref<160x64xf32, #tpu.memory_space<vmem>>, vector<16xf32>,
        %parallel_loop3A_832 = arith.index_cast %parallel_loop3A_763 : i32 to index
        %parallel_loop3A_833 = arith.constant 32 : index
        %parallel_loop3A_834 = tpu.vector_load %arg18[%parallel_loop3A_832, %parallel_loop3A_833] {strides = array<i32>} : memref<160x64xf32, #tpu.memory_space<vmem>>, vector<16xf32>,
        %parallel_loop3A_835 = vector.extract_strided_slice %parallel_loop3A_47 {offsets = [5], sizes = [1], strides = [1]} : vector<16xf32> to vector<1xf32>
        %parallel_loop3A_836 = vector.extract %parallel_loop3A_835[0] : f32 from vector<1xf32>
        %parallel_loop3A_837 = vector.broadcast %parallel_loop3A_836 : f32 to vector<16xf32>
        %parallel_loop3A_838 = arith.mulf %parallel_loop3A_834, %parallel_loop3A_837 : vector<16xf32>
        %parallel_loop3A_839 = arith.index_cast %parallel_loop3A_763 : i32 to index
        %parallel_loop3A_840 = arith.constant 32 : index
        %parallel_loop3A_841 = tpu.vector_load %arg19[%parallel_loop3A_839, %parallel_loop3A_840] {strides = array<i32>} : memref<160x64xf32, #tpu.memory_space<vmem>>, vector<16xf32>,
        %parallel_loop3A_842 = vector.extract_strided_slice %parallel_loop3A_51 {offsets = [5], sizes = [1], strides = [1]} : vector<16xf32> to vector<1xf32>
        %parallel_loop3A_843 = vector.extract %parallel_loop3A_842[0] : f32 from vector<1xf32>
        %parallel_loop3A_844 = vector.broadcast %parallel_loop3A_843 : f32 to vector<16xf32>
        %parallel_loop3A_845 = arith.mulf %parallel_loop3A_841, %parallel_loop3A_844 : vector<16xf32>
        %parallel_loop3A_846 = arith.addf %parallel_loop3A_838, %parallel_loop3A_845 : vector<16xf32>
        %parallel_loop3A_847 = arith.index_cast %parallel_loop3A_763 : i32 to index
        %parallel_loop3A_848 = arith.constant 32 : index
        %parallel_loop3A_849 = tpu.vector_load %arg20[%parallel_loop3A_847, %parallel_loop3A_848] {strides = array<i32>} : memref<160x64xf32, #tpu.memory_space<vmem>>, vector<16xf32>,
        %parallel_loop3A_850 = vector.extract_strided_slice %parallel_loop3A_55 {offsets = [5], sizes = [1], strides = [1]} : vector<16xf32> to vector<1xf32>
        %parallel_loop3A_851 = vector.extract %parallel_loop3A_850[0] : f32 from vector<1xf32>
        %parallel_loop3A_852 = vector.broadcast %parallel_loop3A_851 : f32 to vector<16xf32>
        %parallel_loop3A_853 = arith.mulf %parallel_loop3A_849, %parallel_loop3A_852 : vector<16xf32>
        %parallel_loop3A_854 = arith.addf %parallel_loop3A_846, %parallel_loop3A_853 : vector<16xf32>
        %parallel_loop3A_855 = arith.index_cast %parallel_loop3A_763 : i32 to index
        %parallel_loop3A_856 = arith.constant 32 : index
        %parallel_loop3A_857 = tpu.vector_load %arg21[%parallel_loop3A_855, %parallel_loop3A_856] {strides = array<i32>} : memref<160x64xf32, #tpu.memory_space<vmem>>, vector<16xf32>,
        %parallel_loop3A_858 = vector.extract_strided_slice %parallel_loop3A_59 {offsets = [5], sizes = [1], strides = [1]} : vector<16xf32> to vector<1xf32>
        %parallel_loop3A_859 = vector.extract %parallel_loop3A_858[0] : f32 from vector<1xf32>
        %parallel_loop3A_860 = vector.broadcast %parallel_loop3A_859 : f32 to vector<16xf32>
        %parallel_loop3A_861 = arith.mulf %parallel_loop3A_857, %parallel_loop3A_860 : vector<16xf32>
        %parallel_loop3A_862 = arith.addf %parallel_loop3A_854, %parallel_loop3A_861 : vector<16xf32>
        %parallel_loop3A_863 = arith.index_cast %parallel_loop3A_763 : i32 to index
        %parallel_loop3A_864 = arith.constant 32 : index
        %parallel_loop3A_865 = tpu.vector_load %arg22[%parallel_loop3A_863, %parallel_loop3A_864] {strides = array<i32>} : memref<160x64xf32, #tpu.memory_space<vmem>>, vector<16xf32>,
        tpu.vector_store %arg22[%parallel_loop3A_863, %parallel_loop3A_864], %parallel_loop3A_862 {strides = array<i32>} : memref<160x64xf32, #tpu.memory_space<vmem>>, vector<16xf32>,
        %parallel_loop3A_866 = arith.index_cast %parallel_loop3A_763 : i32 to index
        %parallel_loop3A_867 = arith.constant 48 : index
        %parallel_loop3A_868 = tpu.vector_load %arg18[%parallel_loop3A_866, %parallel_loop3A_867] {strides = array<i32>} : memref<160x64xf32, #tpu.memory_space<vmem>>, vector<16xf32>,
        %parallel_loop3A_869 = vector.extract_strided_slice %parallel_loop3A_47 {offsets = [5], sizes = [1], strides = [1]} : vector<16xf32> to vector<1xf32>
        %parallel_loop3A_870 = vector.extract %parallel_loop3A_869[0] : f32 from vector<1xf32>
        %parallel_loop3A_871 = vector.broadcast %parallel_loop3A_870 : f32 to vector<16xf32>
        %parallel_loop3A_872 = arith.mulf %parallel_loop3A_868, %parallel_loop3A_871 : vector<16xf32>
        %parallel_loop3A_873 = arith.index_cast %parallel_loop3A_763 : i32 to index
        %parallel_loop3A_874 = arith.constant 48 : index
        %parallel_loop3A_875 = tpu.vector_load %arg19[%parallel_loop3A_873, %parallel_loop3A_874] {strides = array<i32>} : memref<160x64xf32, #tpu.memory_space<vmem>>, vector<16xf32>,
        %parallel_loop3A_876 = vector.extract_strided_slice %parallel_loop3A_51 {offsets = [5], sizes = [1], strides = [1]} : vector<16xf32> to vector<1xf32>
        %parallel_loop3A_877 = vector.extract %parallel_loop3A_876[0] : f32 from vector<1xf32>
        %parallel_loop3A_878 = vector.broadcast %parallel_loop3A_877 : f32 to vector<16xf32>
        %parallel_loop3A_879 = arith.mulf %parallel_loop3A_875, %parallel_loop3A_878 : vector<16xf32>
        %parallel_loop3A_880 = arith.addf %parallel_loop3A_872, %parallel_loop3A_879 : vector<16xf32>
        %parallel_loop3A_881 = arith.index_cast %parallel_loop3A_763 : i32 to index
        %parallel_loop3A_882 = arith.constant 48 : index
        %parallel_loop3A_883 = tpu.vector_load %arg20[%parallel_loop3A_881, %parallel_loop3A_882] {strides = array<i32>} : memref<160x64xf32, #tpu.memory_space<vmem>>, vector<16xf32>,
        %parallel_loop3A_884 = vector.extract_strided_slice %parallel_loop3A_55 {offsets = [5], sizes = [1], strides = [1]} : vector<16xf32> to vector<1xf32>
        %parallel_loop3A_885 = vector.extract %parallel_loop3A_884[0] : f32 from vector<1xf32>
        %parallel_loop3A_886 = vector.broadcast %parallel_loop3A_885 : f32 to vector<16xf32>
        %parallel_loop3A_887 = arith.mulf %parallel_loop3A_883, %parallel_loop3A_886 : vector<16xf32>
        %parallel_loop3A_888 = arith.addf %parallel_loop3A_880, %parallel_loop3A_887 : vector<16xf32>
        %parallel_loop3A_889 = arith.index_cast %parallel_loop3A_763 : i32 to index
        %parallel_loop3A_890 = arith.constant 48 : index
        %parallel_loop3A_891 = tpu.vector_load %arg21[%parallel_loop3A_889, %parallel_loop3A_890] {strides = array<i32>} : memref<160x64xf32, #tpu.memory_space<vmem>>, vector<16xf32>,
        %parallel_loop3A_892 = vector.extract_strided_slice %parallel_loop3A_59 {offsets = [5], sizes = [1], strides = [1]} : vector<16xf32> to vector<1xf32>
        %parallel_loop3A_893 = vector.extract %parallel_loop3A_892[0] : f32 from vector<1xf32>
        %parallel_loop3A_894 = vector.broadcast %parallel_loop3A_893 : f32 to vector<16xf32>
        %parallel_loop3A_895 = arith.mulf %parallel_loop3A_891, %parallel_loop3A_894 : vector<16xf32>
        %parallel_loop3A_896 = arith.addf %parallel_loop3A_888, %parallel_loop3A_895 : vector<16xf32>
        %parallel_loop3A_897 = arith.index_cast %parallel_loop3A_763 : i32 to index
        %parallel_loop3A_898 = arith.constant 48 : index
        %parallel_loop3A_899 = tpu.vector_load %arg22[%parallel_loop3A_897, %parallel_loop3A_898] {strides = array<i32>} : memref<160x64xf32, #tpu.memory_space<vmem>>, vector<16xf32>,
        tpu.vector_store %arg22[%parallel_loop3A_897, %parallel_loop3A_898], %parallel_loop3A_896 {strides = array<i32>} : memref<160x64xf32, #tpu.memory_space<vmem>>, vector<16xf32>,
        %parallel_loop3A_900 = arith.constant 16 : i32
        %parallel_loop3A_901 = arith.muli %parallel_loop3A_41, %parallel_loop3A_900 : i32
        %parallel_loop3A_902 = arith.constant 6 : i32
        %parallel_loop3A_903 = arith.addi %parallel_loop3A_901, %parallel_loop3A_902 : i32
        %parallel_loop3A_904 = arith.index_cast %parallel_loop3A_903 : i32 to index
        %parallel_loop3A_905 = arith.constant 0 : index
        %parallel_loop3A_906 = tpu.vector_load %arg18[%parallel_loop3A_904, %parallel_loop3A_905] {strides = array<i32>} : memref<160x64xf32, #tpu.memory_space<vmem>>, vector<16xf32>,
        %parallel_loop3A_907 = vector.extract_strided_slice %parallel_loop3A_47 {offsets = [6], sizes = [1], strides = [1]} : vector<16xf32> to vector<1xf32>
        %parallel_loop3A_908 = vector.extract %parallel_loop3A_907[0] : f32 from vector<1xf32>
        %parallel_loop3A_909 = vector.broadcast %parallel_loop3A_908 : f32 to vector<16xf32>
        %parallel_loop3A_910 = arith.mulf %parallel_loop3A_906, %parallel_loop3A_909 : vector<16xf32>
        %parallel_loop3A_911 = arith.index_cast %parallel_loop3A_903 : i32 to index
        %parallel_loop3A_912 = arith.constant 0 : index
        %parallel_loop3A_913 = tpu.vector_load %arg19[%parallel_loop3A_911, %parallel_loop3A_912] {strides = array<i32>} : memref<160x64xf32, #tpu.memory_space<vmem>>, vector<16xf32>,
        %parallel_loop3A_914 = vector.extract_strided_slice %parallel_loop3A_51 {offsets = [6], sizes = [1], strides = [1]} : vector<16xf32> to vector<1xf32>
        %parallel_loop3A_915 = vector.extract %parallel_loop3A_914[0] : f32 from vector<1xf32>
        %parallel_loop3A_916 = vector.broadcast %parallel_loop3A_915 : f32 to vector<16xf32>
        %parallel_loop3A_917 = arith.mulf %parallel_loop3A_913, %parallel_loop3A_916 : vector<16xf32>
        %parallel_loop3A_918 = arith.addf %parallel_loop3A_910, %parallel_loop3A_917 : vector<16xf32>
        %parallel_loop3A_919 = arith.index_cast %parallel_loop3A_903 : i32 to index
        %parallel_loop3A_920 = arith.constant 0 : index
        %parallel_loop3A_921 = tpu.vector_load %arg20[%parallel_loop3A_919, %parallel_loop3A_920] {strides = array<i32>} : memref<160x64xf32, #tpu.memory_space<vmem>>, vector<16xf32>,
        %parallel_loop3A_922 = vector.extract_strided_slice %parallel_loop3A_55 {offsets = [6], sizes = [1], strides = [1]} : vector<16xf32> to vector<1xf32>
        %parallel_loop3A_923 = vector.extract %parallel_loop3A_922[0] : f32 from vector<1xf32>
        %parallel_loop3A_924 = vector.broadcast %parallel_loop3A_923 : f32 to vector<16xf32>
        %parallel_loop3A_925 = arith.mulf %parallel_loop3A_921, %parallel_loop3A_924 : vector<16xf32>
        %parallel_loop3A_926 = arith.addf %parallel_loop3A_918, %parallel_loop3A_925 : vector<16xf32>
        %parallel_loop3A_927 = arith.index_cast %parallel_loop3A_903 : i32 to index
        %parallel_loop3A_928 = arith.constant 0 : index
        %parallel_loop3A_929 = tpu.vector_load %arg21[%parallel_loop3A_927, %parallel_loop3A_928] {strides = array<i32>} : memref<160x64xf32, #tpu.memory_space<vmem>>, vector<16xf32>,
        %parallel_loop3A_930 = vector.extract_strided_slice %parallel_loop3A_59 {offsets = [6], sizes = [1], strides = [1]} : vector<16xf32> to vector<1xf32>
        %parallel_loop3A_931 = vector.extract %parallel_loop3A_930[0] : f32 from vector<1xf32>
        %parallel_loop3A_932 = vector.broadcast %parallel_loop3A_931 : f32 to vector<16xf32>
        %parallel_loop3A_933 = arith.mulf %parallel_loop3A_929, %parallel_loop3A_932 : vector<16xf32>
        %parallel_loop3A_934 = arith.addf %parallel_loop3A_926, %parallel_loop3A_933 : vector<16xf32>
        %parallel_loop3A_935 = arith.index_cast %parallel_loop3A_903 : i32 to index
        %parallel_loop3A_936 = arith.constant 0 : index
        %parallel_loop3A_937 = tpu.vector_load %arg22[%parallel_loop3A_935, %parallel_loop3A_936] {strides = array<i32>} : memref<160x64xf32, #tpu.memory_space<vmem>>, vector<16xf32>,
        tpu.vector_store %arg22[%parallel_loop3A_935, %parallel_loop3A_936], %parallel_loop3A_934 {strides = array<i32>} : memref<160x64xf32, #tpu.memory_space<vmem>>, vector<16xf32>,
        %parallel_loop3A_938 = arith.index_cast %parallel_loop3A_903 : i32 to index
        %parallel_loop3A_939 = arith.constant 16 : index
        %parallel_loop3A_940 = tpu.vector_load %arg18[%parallel_loop3A_938, %parallel_loop3A_939] {strides = array<i32>} : memref<160x64xf32, #tpu.memory_space<vmem>>, vector<16xf32>,
        %parallel_loop3A_941 = vector.extract_strided_slice %parallel_loop3A_47 {offsets = [6], sizes = [1], strides = [1]} : vector<16xf32> to vector<1xf32>
        %parallel_loop3A_942 = vector.extract %parallel_loop3A_941[0] : f32 from vector<1xf32>
        %parallel_loop3A_943 = vector.broadcast %parallel_loop3A_942 : f32 to vector<16xf32>
        %parallel_loop3A_944 = arith.mulf %parallel_loop3A_940, %parallel_loop3A_943 : vector<16xf32>
        %parallel_loop3A_945 = arith.index_cast %parallel_loop3A_903 : i32 to index
        %parallel_loop3A_946 = arith.constant 16 : index
        %parallel_loop3A_947 = tpu.vector_load %arg19[%parallel_loop3A_945, %parallel_loop3A_946] {strides = array<i32>} : memref<160x64xf32, #tpu.memory_space<vmem>>, vector<16xf32>,
        %parallel_loop3A_948 = vector.extract_strided_slice %parallel_loop3A_51 {offsets = [6], sizes = [1], strides = [1]} : vector<16xf32> to vector<1xf32>
        %parallel_loop3A_949 = vector.extract %parallel_loop3A_948[0] : f32 from vector<1xf32>
        %parallel_loop3A_950 = vector.broadcast %parallel_loop3A_949 : f32 to vector<16xf32>
        %parallel_loop3A_951 = arith.mulf %parallel_loop3A_947, %parallel_loop3A_950 : vector<16xf32>
        %parallel_loop3A_952 = arith.addf %parallel_loop3A_944, %parallel_loop3A_951 : vector<16xf32>
        %parallel_loop3A_953 = arith.index_cast %parallel_loop3A_903 : i32 to index
        %parallel_loop3A_954 = arith.constant 16 : index
        %parallel_loop3A_955 = tpu.vector_load %arg20[%parallel_loop3A_953, %parallel_loop3A_954] {strides = array<i32>} : memref<160x64xf32, #tpu.memory_space<vmem>>, vector<16xf32>,
        %parallel_loop3A_956 = vector.extract_strided_slice %parallel_loop3A_55 {offsets = [6], sizes = [1], strides = [1]} : vector<16xf32> to vector<1xf32>
        %parallel_loop3A_957 = vector.extract %parallel_loop3A_956[0] : f32 from vector<1xf32>
        %parallel_loop3A_958 = vector.broadcast %parallel_loop3A_957 : f32 to vector<16xf32>
        %parallel_loop3A_959 = arith.mulf %parallel_loop3A_955, %parallel_loop3A_958 : vector<16xf32>
        %parallel_loop3A_960 = arith.addf %parallel_loop3A_952, %parallel_loop3A_959 : vector<16xf32>
        %parallel_loop3A_961 = arith.index_cast %parallel_loop3A_903 : i32 to index
        %parallel_loop3A_962 = arith.constant 16 : index
        %parallel_loop3A_963 = tpu.vector_load %arg21[%parallel_loop3A_961, %parallel_loop3A_962] {strides = array<i32>} : memref<160x64xf32, #tpu.memory_space<vmem>>, vector<16xf32>,
        %parallel_loop3A_964 = vector.extract_strided_slice %parallel_loop3A_59 {offsets = [6], sizes = [1], strides = [1]} : vector<16xf32> to vector<1xf32>
        %parallel_loop3A_965 = vector.extract %parallel_loop3A_964[0] : f32 from vector<1xf32>
        %parallel_loop3A_966 = vector.broadcast %parallel_loop3A_965 : f32 to vector<16xf32>
        %parallel_loop3A_967 = arith.mulf %parallel_loop3A_963, %parallel_loop3A_966 : vector<16xf32>
        %parallel_loop3A_968 = arith.addf %parallel_loop3A_960, %parallel_loop3A_967 : vector<16xf32>
        %parallel_loop3A_969 = arith.index_cast %parallel_loop3A_903 : i32 to index
        %parallel_loop3A_970 = arith.constant 16 : index
        %parallel_loop3A_971 = tpu.vector_load %arg22[%parallel_loop3A_969, %parallel_loop3A_970] {strides = array<i32>} : memref<160x64xf32, #tpu.memory_space<vmem>>, vector<16xf32>,
        tpu.vector_store %arg22[%parallel_loop3A_969, %parallel_loop3A_970], %parallel_loop3A_968 {strides = array<i32>} : memref<160x64xf32, #tpu.memory_space<vmem>>, vector<16xf32>,
        %parallel_loop3A_972 = arith.index_cast %parallel_loop3A_903 : i32 to index
        %parallel_loop3A_973 = arith.constant 32 : index
        %parallel_loop3A_974 = tpu.vector_load %arg18[%parallel_loop3A_972, %parallel_loop3A_973] {strides = array<i32>} : memref<160x64xf32, #tpu.memory_space<vmem>>, vector<16xf32>,
        %parallel_loop3A_975 = vector.extract_strided_slice %parallel_loop3A_47 {offsets = [6], sizes = [1], strides = [1]} : vector<16xf32> to vector<1xf32>
        %parallel_loop3A_976 = vector.extract %parallel_loop3A_975[0] : f32 from vector<1xf32>
        %parallel_loop3A_977 = vector.broadcast %parallel_loop3A_976 : f32 to vector<16xf32>
        %parallel_loop3A_978 = arith.mulf %parallel_loop3A_974, %parallel_loop3A_977 : vector<16xf32>
        %parallel_loop3A_979 = arith.index_cast %parallel_loop3A_903 : i32 to index
        %parallel_loop3A_980 = arith.constant 32 : index
        %parallel_loop3A_981 = tpu.vector_load %arg19[%parallel_loop3A_979, %parallel_loop3A_980] {strides = array<i32>} : memref<160x64xf32, #tpu.memory_space<vmem>>, vector<16xf32>,
        %parallel_loop3A_982 = vector.extract_strided_slice %parallel_loop3A_51 {offsets = [6], sizes = [1], strides = [1]} : vector<16xf32> to vector<1xf32>
        %parallel_loop3A_983 = vector.extract %parallel_loop3A_982[0] : f32 from vector<1xf32>
        %parallel_loop3A_984 = vector.broadcast %parallel_loop3A_983 : f32 to vector<16xf32>
        %parallel_loop3A_985 = arith.mulf %parallel_loop3A_981, %parallel_loop3A_984 : vector<16xf32>
        %parallel_loop3A_986 = arith.addf %parallel_loop3A_978, %parallel_loop3A_985 : vector<16xf32>
        %parallel_loop3A_987 = arith.index_cast %parallel_loop3A_903 : i32 to index
        %parallel_loop3A_988 = arith.constant 32 : index
        %parallel_loop3A_989 = tpu.vector_load %arg20[%parallel_loop3A_987, %parallel_loop3A_988] {strides = array<i32>} : memref<160x64xf32, #tpu.memory_space<vmem>>, vector<16xf32>,
        %parallel_loop3A_990 = vector.extract_strided_slice %parallel_loop3A_55 {offsets = [6], sizes = [1], strides = [1]} : vector<16xf32> to vector<1xf32>
        %parallel_loop3A_991 = vector.extract %parallel_loop3A_990[0] : f32 from vector<1xf32>
        %parallel_loop3A_992 = vector.broadcast %parallel_loop3A_991 : f32 to vector<16xf32>
        %parallel_loop3A_993 = arith.mulf %parallel_loop3A_989, %parallel_loop3A_992 : vector<16xf32>
        %parallel_loop3A_994 = arith.addf %parallel_loop3A_986, %parallel_loop3A_993 : vector<16xf32>
        %parallel_loop3A_995 = arith.index_cast %parallel_loop3A_903 : i32 to index
        %parallel_loop3A_996 = arith.constant 32 : index
        %parallel_loop3A_997 = tpu.vector_load %arg21[%parallel_loop3A_995, %parallel_loop3A_996] {strides = array<i32>} : memref<160x64xf32, #tpu.memory_space<vmem>>, vector<16xf32>,
        %parallel_loop3A_998 = vector.extract_strided_slice %parallel_loop3A_59 {offsets = [6], sizes = [1], strides = [1]} : vector<16xf32> to vector<1xf32>
        %parallel_loop3A_999 = vector.extract %parallel_loop3A_998[0] : f32 from vector<1xf32>
        %parallel_loop3A_1000 = vector.broadcast %parallel_loop3A_999 : f32 to vector<16xf32>
        %parallel_loop3A_1001 = arith.mulf %parallel_loop3A_997, %parallel_loop3A_1000 : vector<16xf32>
        %parallel_loop3A_1002 = arith.addf %parallel_loop3A_994, %parallel_loop3A_1001 : vector<16xf32>
        %parallel_loop3A_1003 = arith.index_cast %parallel_loop3A_903 : i32 to index
        %parallel_loop3A_1004 = arith.constant 32 : index
        %parallel_loop3A_1005 = tpu.vector_load %arg22[%parallel_loop3A_1003, %parallel_loop3A_1004] {strides = array<i32>} : memref<160x64xf32, #tpu.memory_space<vmem>>, vector<16xf32>,
        tpu.vector_store %arg22[%parallel_loop3A_1003, %parallel_loop3A_1004], %parallel_loop3A_1002 {strides = array<i32>} : memref<160x64xf32, #tpu.memory_space<vmem>>, vector<16xf32>,
        %parallel_loop3A_1006 = arith.index_cast %parallel_loop3A_903 : i32 to index
        %parallel_loop3A_1007 = arith.constant 48 : index
        %parallel_loop3A_1008 = tpu.vector_load %arg18[%parallel_loop3A_1006, %parallel_loop3A_1007] {strides = array<i32>} : memref<160x64xf32, #tpu.memory_space<vmem>>, vector<16xf32>,
        %parallel_loop3A_1009 = vector.extract_strided_slice %parallel_loop3A_47 {offsets = [6], sizes = [1], strides = [1]} : vector<16xf32> to vector<1xf32>
        %parallel_loop3A_1010 = vector.extract %parallel_loop3A_1009[0] : f32 from vector<1xf32>
        %parallel_loop3A_1011 = vector.broadcast %parallel_loop3A_1010 : f32 to vector<16xf32>
        %parallel_loop3A_1012 = arith.mulf %parallel_loop3A_1008, %parallel_loop3A_1011 : vector<16xf32>
        %parallel_loop3A_1013 = arith.index_cast %parallel_loop3A_903 : i32 to index
        %parallel_loop3A_1014 = arith.constant 48 : index
        %parallel_loop3A_1015 = tpu.vector_load %arg19[%parallel_loop3A_1013, %parallel_loop3A_1014] {strides = array<i32>} : memref<160x64xf32, #tpu.memory_space<vmem>>, vector<16xf32>,
        %parallel_loop3A_1016 = vector.extract_strided_slice %parallel_loop3A_51 {offsets = [6], sizes = [1], strides = [1]} : vector<16xf32> to vector<1xf32>
        %parallel_loop3A_1017 = vector.extract %parallel_loop3A_1016[0] : f32 from vector<1xf32>
        %parallel_loop3A_1018 = vector.broadcast %parallel_loop3A_1017 : f32 to vector<16xf32>
        %parallel_loop3A_1019 = arith.mulf %parallel_loop3A_1015, %parallel_loop3A_1018 : vector<16xf32>
        %parallel_loop3A_1020 = arith.addf %parallel_loop3A_1012, %parallel_loop3A_1019 : vector<16xf32>
        %parallel_loop3A_1021 = arith.index_cast %parallel_loop3A_903 : i32 to index
        %parallel_loop3A_1022 = arith.constant 48 : index
        %parallel_loop3A_1023 = tpu.vector_load %arg20[%parallel_loop3A_1021, %parallel_loop3A_1022] {strides = array<i32>} : memref<160x64xf32, #tpu.memory_space<vmem>>, vector<16xf32>,
        %parallel_loop3A_1024 = vector.extract_strided_slice %parallel_loop3A_55 {offsets = [6], sizes = [1], strides = [1]} : vector<16xf32> to vector<1xf32>
        %parallel_loop3A_1025 = vector.extract %parallel_loop3A_1024[0] : f32 from vector<1xf32>
        %parallel_loop3A_1026 = vector.broadcast %parallel_loop3A_1025 : f32 to vector<16xf32>
        %parallel_loop3A_1027 = arith.mulf %parallel_loop3A_1023, %parallel_loop3A_1026 : vector<16xf32>
        %parallel_loop3A_1028 = arith.addf %parallel_loop3A_1020, %parallel_loop3A_1027 : vector<16xf32>
        %parallel_loop3A_1029 = arith.index_cast %parallel_loop3A_903 : i32 to index
        %parallel_loop3A_1030 = arith.constant 48 : index
        %parallel_loop3A_1031 = tpu.vector_load %arg21[%parallel_loop3A_1029, %parallel_loop3A_1030] {strides = array<i32>} : memref<160x64xf32, #tpu.memory_space<vmem>>, vector<16xf32>,
        %parallel_loop3A_1032 = vector.extract_strided_slice %parallel_loop3A_59 {offsets = [6], sizes = [1], strides = [1]} : vector<16xf32> to vector<1xf32>
        %parallel_loop3A_1033 = vector.extract %parallel_loop3A_1032[0] : f32 from vector<1xf32>
        %parallel_loop3A_1034 = vector.broadcast %parallel_loop3A_1033 : f32 to vector<16xf32>
        %parallel_loop3A_1035 = arith.mulf %parallel_loop3A_1031, %parallel_loop3A_1034 : vector<16xf32>
        %parallel_loop3A_1036 = arith.addf %parallel_loop3A_1028, %parallel_loop3A_1035 : vector<16xf32>
        %parallel_loop3A_1037 = arith.index_cast %parallel_loop3A_903 : i32 to index
        %parallel_loop3A_1038 = arith.constant 48 : index
        %parallel_loop3A_1039 = tpu.vector_load %arg22[%parallel_loop3A_1037, %parallel_loop3A_1038] {strides = array<i32>} : memref<160x64xf32, #tpu.memory_space<vmem>>, vector<16xf32>,
        tpu.vector_store %arg22[%parallel_loop3A_1037, %parallel_loop3A_1038], %parallel_loop3A_1036 {strides = array<i32>} : memref<160x64xf32, #tpu.memory_space<vmem>>, vector<16xf32>,
        %parallel_loop3A_1040 = arith.constant 16 : i32
        %parallel_loop3A_1041 = arith.muli %parallel_loop3A_41, %parallel_loop3A_1040 : i32
        %parallel_loop3A_1042 = arith.constant 7 : i32
        %parallel_loop3A_1043 = arith.addi %parallel_loop3A_1041, %parallel_loop3A_1042 : i32
        %parallel_loop3A_1044 = arith.index_cast %parallel_loop3A_1043 : i32 to index
        %parallel_loop3A_1045 = arith.constant 0 : index
        %parallel_loop3A_1046 = tpu.vector_load %arg18[%parallel_loop3A_1044, %parallel_loop3A_1045] {strides = array<i32>} : memref<160x64xf32, #tpu.memory_space<vmem>>, vector<16xf32>,
        %parallel_loop3A_1047 = vector.extract_strided_slice %parallel_loop3A_47 {offsets = [7], sizes = [1], strides = [1]} : vector<16xf32> to vector<1xf32>
        %parallel_loop3A_1048 = vector.extract %parallel_loop3A_1047[0] : f32 from vector<1xf32>
        %parallel_loop3A_1049 = vector.broadcast %parallel_loop3A_1048 : f32 to vector<16xf32>
        %parallel_loop3A_1050 = arith.mulf %parallel_loop3A_1046, %parallel_loop3A_1049 : vector<16xf32>
        %parallel_loop3A_1051 = arith.index_cast %parallel_loop3A_1043 : i32 to index
        %parallel_loop3A_1052 = arith.constant 0 : index
        %parallel_loop3A_1053 = tpu.vector_load %arg19[%parallel_loop3A_1051, %parallel_loop3A_1052] {strides = array<i32>} : memref<160x64xf32, #tpu.memory_space<vmem>>, vector<16xf32>,
        %parallel_loop3A_1054 = vector.extract_strided_slice %parallel_loop3A_51 {offsets = [7], sizes = [1], strides = [1]} : vector<16xf32> to vector<1xf32>
        %parallel_loop3A_1055 = vector.extract %parallel_loop3A_1054[0] : f32 from vector<1xf32>
        %parallel_loop3A_1056 = vector.broadcast %parallel_loop3A_1055 : f32 to vector<16xf32>
        %parallel_loop3A_1057 = arith.mulf %parallel_loop3A_1053, %parallel_loop3A_1056 : vector<16xf32>
        %parallel_loop3A_1058 = arith.addf %parallel_loop3A_1050, %parallel_loop3A_1057 : vector<16xf32>
        %parallel_loop3A_1059 = arith.index_cast %parallel_loop3A_1043 : i32 to index
        %parallel_loop3A_1060 = arith.constant 0 : index
        %parallel_loop3A_1061 = tpu.vector_load %arg20[%parallel_loop3A_1059, %parallel_loop3A_1060] {strides = array<i32>} : memref<160x64xf32, #tpu.memory_space<vmem>>, vector<16xf32>,
        %parallel_loop3A_1062 = vector.extract_strided_slice %parallel_loop3A_55 {offsets = [7], sizes = [1], strides = [1]} : vector<16xf32> to vector<1xf32>
        %parallel_loop3A_1063 = vector.extract %parallel_loop3A_1062[0] : f32 from vector<1xf32>
        %parallel_loop3A_1064 = vector.broadcast %parallel_loop3A_1063 : f32 to vector<16xf32>
        %parallel_loop3A_1065 = arith.mulf %parallel_loop3A_1061, %parallel_loop3A_1064 : vector<16xf32>
        %parallel_loop3A_1066 = arith.addf %parallel_loop3A_1058, %parallel_loop3A_1065 : vector<16xf32>
        %parallel_loop3A_1067 = arith.index_cast %parallel_loop3A_1043 : i32 to index
        %parallel_loop3A_1068 = arith.constant 0 : index
        %parallel_loop3A_1069 = tpu.vector_load %arg21[%parallel_loop3A_1067, %parallel_loop3A_1068] {strides = array<i32>} : memref<160x64xf32, #tpu.memory_space<vmem>>, vector<16xf32>,
        %parallel_loop3A_1070 = vector.extract_strided_slice %parallel_loop3A_59 {offsets = [7], sizes = [1], strides = [1]} : vector<16xf32> to vector<1xf32>
        %parallel_loop3A_1071 = vector.extract %parallel_loop3A_1070[0] : f32 from vector<1xf32>
        %parallel_loop3A_1072 = vector.broadcast %parallel_loop3A_1071 : f32 to vector<16xf32>
        %parallel_loop3A_1073 = arith.mulf %parallel_loop3A_1069, %parallel_loop3A_1072 : vector<16xf32>
        %parallel_loop3A_1074 = arith.addf %parallel_loop3A_1066, %parallel_loop3A_1073 : vector<16xf32>
        %parallel_loop3A_1075 = arith.index_cast %parallel_loop3A_1043 : i32 to index
        %parallel_loop3A_1076 = arith.constant 0 : index
        %parallel_loop3A_1077 = tpu.vector_load %arg22[%parallel_loop3A_1075, %parallel_loop3A_1076] {strides = array<i32>} : memref<160x64xf32, #tpu.memory_space<vmem>>, vector<16xf32>,
        tpu.vector_store %arg22[%parallel_loop3A_1075, %parallel_loop3A_1076], %parallel_loop3A_1074 {strides = array<i32>} : memref<160x64xf32, #tpu.memory_space<vmem>>, vector<16xf32>,
        %parallel_loop3A_1078 = arith.index_cast %parallel_loop3A_1043 : i32 to index
        %parallel_loop3A_1079 = arith.constant 16 : index
        %parallel_loop3A_1080 = tpu.vector_load %arg18[%parallel_loop3A_1078, %parallel_loop3A_1079] {strides = array<i32>} : memref<160x64xf32, #tpu.memory_space<vmem>>, vector<16xf32>,
        %parallel_loop3A_1081 = vector.extract_strided_slice %parallel_loop3A_47 {offsets = [7], sizes = [1], strides = [1]} : vector<16xf32> to vector<1xf32>
        %parallel_loop3A_1082 = vector.extract %parallel_loop3A_1081[0] : f32 from vector<1xf32>
        %parallel_loop3A_1083 = vector.broadcast %parallel_loop3A_1082 : f32 to vector<16xf32>
        %parallel_loop3A_1084 = arith.mulf %parallel_loop3A_1080, %parallel_loop3A_1083 : vector<16xf32>
        %parallel_loop3A_1085 = arith.index_cast %parallel_loop3A_1043 : i32 to index
        %parallel_loop3A_1086 = arith.constant 16 : index
        %parallel_loop3A_1087 = tpu.vector_load %arg19[%parallel_loop3A_1085, %parallel_loop3A_1086] {strides = array<i32>} : memref<160x64xf32, #tpu.memory_space<vmem>>, vector<16xf32>,
        %parallel_loop3A_1088 = vector.extract_strided_slice %parallel_loop3A_51 {offsets = [7], sizes = [1], strides = [1]} : vector<16xf32> to vector<1xf32>
        %parallel_loop3A_1089 = vector.extract %parallel_loop3A_1088[0] : f32 from vector<1xf32>
        %parallel_loop3A_1090 = vector.broadcast %parallel_loop3A_1089 : f32 to vector<16xf32>
        %parallel_loop3A_1091 = arith.mulf %parallel_loop3A_1087, %parallel_loop3A_1090 : vector<16xf32>
        %parallel_loop3A_1092 = arith.addf %parallel_loop3A_1084, %parallel_loop3A_1091 : vector<16xf32>
        %parallel_loop3A_1093 = arith.index_cast %parallel_loop3A_1043 : i32 to index
        %parallel_loop3A_1094 = arith.constant 16 : index
        %parallel_loop3A_1095 = tpu.vector_load %arg20[%parallel_loop3A_1093, %parallel_loop3A_1094] {strides = array<i32>} : memref<160x64xf32, #tpu.memory_space<vmem>>, vector<16xf32>,
        %parallel_loop3A_1096 = vector.extract_strided_slice %parallel_loop3A_55 {offsets = [7], sizes = [1], strides = [1]} : vector<16xf32> to vector<1xf32>
        %parallel_loop3A_1097 = vector.extract %parallel_loop3A_1096[0] : f32 from vector<1xf32>
        %parallel_loop3A_1098 = vector.broadcast %parallel_loop3A_1097 : f32 to vector<16xf32>
        %parallel_loop3A_1099 = arith.mulf %parallel_loop3A_1095, %parallel_loop3A_1098 : vector<16xf32>
        %parallel_loop3A_1100 = arith.addf %parallel_loop3A_1092, %parallel_loop3A_1099 : vector<16xf32>
        %parallel_loop3A_1101 = arith.index_cast %parallel_loop3A_1043 : i32 to index
        %parallel_loop3A_1102 = arith.constant 16 : index
        %parallel_loop3A_1103 = tpu.vector_load %arg21[%parallel_loop3A_1101, %parallel_loop3A_1102] {strides = array<i32>} : memref<160x64xf32, #tpu.memory_space<vmem>>, vector<16xf32>,
        %parallel_loop3A_1104 = vector.extract_strided_slice %parallel_loop3A_59 {offsets = [7], sizes = [1], strides = [1]} : vector<16xf32> to vector<1xf32>
        %parallel_loop3A_1105 = vector.extract %parallel_loop3A_1104[0] : f32 from vector<1xf32>
        %parallel_loop3A_1106 = vector.broadcast %parallel_loop3A_1105 : f32 to vector<16xf32>
        %parallel_loop3A_1107 = arith.mulf %parallel_loop3A_1103, %parallel_loop3A_1106 : vector<16xf32>
        %parallel_loop3A_1108 = arith.addf %parallel_loop3A_1100, %parallel_loop3A_1107 : vector<16xf32>
        %parallel_loop3A_1109 = arith.index_cast %parallel_loop3A_1043 : i32 to index
        %parallel_loop3A_1110 = arith.constant 16 : index
        %parallel_loop3A_1111 = tpu.vector_load %arg22[%parallel_loop3A_1109, %parallel_loop3A_1110] {strides = array<i32>} : memref<160x64xf32, #tpu.memory_space<vmem>>, vector<16xf32>,
        tpu.vector_store %arg22[%parallel_loop3A_1109, %parallel_loop3A_1110], %parallel_loop3A_1108 {strides = array<i32>} : memref<160x64xf32, #tpu.memory_space<vmem>>, vector<16xf32>,
        %parallel_loop3A_1112 = arith.index_cast %parallel_loop3A_1043 : i32 to index
        %parallel_loop3A_1113 = arith.constant 32 : index
        %parallel_loop3A_1114 = tpu.vector_load %arg18[%parallel_loop3A_1112, %parallel_loop3A_1113] {strides = array<i32>} : memref<160x64xf32, #tpu.memory_space<vmem>>, vector<16xf32>,
        %parallel_loop3A_1115 = vector.extract_strided_slice %parallel_loop3A_47 {offsets = [7], sizes = [1], strides = [1]} : vector<16xf32> to vector<1xf32>
        %parallel_loop3A_1116 = vector.extract %parallel_loop3A_1115[0] : f32 from vector<1xf32>
        %parallel_loop3A_1117 = vector.broadcast %parallel_loop3A_1116 : f32 to vector<16xf32>
        %parallel_loop3A_1118 = arith.mulf %parallel_loop3A_1114, %parallel_loop3A_1117 : vector<16xf32>
        %parallel_loop3A_1119 = arith.index_cast %parallel_loop3A_1043 : i32 to index
        %parallel_loop3A_1120 = arith.constant 32 : index
        %parallel_loop3A_1121 = tpu.vector_load %arg19[%parallel_loop3A_1119, %parallel_loop3A_1120] {strides = array<i32>} : memref<160x64xf32, #tpu.memory_space<vmem>>, vector<16xf32>,
        %parallel_loop3A_1122 = vector.extract_strided_slice %parallel_loop3A_51 {offsets = [7], sizes = [1], strides = [1]} : vector<16xf32> to vector<1xf32>
        %parallel_loop3A_1123 = vector.extract %parallel_loop3A_1122[0] : f32 from vector<1xf32>
        %parallel_loop3A_1124 = vector.broadcast %parallel_loop3A_1123 : f32 to vector<16xf32>
        %parallel_loop3A_1125 = arith.mulf %parallel_loop3A_1121, %parallel_loop3A_1124 : vector<16xf32>
        %parallel_loop3A_1126 = arith.addf %parallel_loop3A_1118, %parallel_loop3A_1125 : vector<16xf32>
        %parallel_loop3A_1127 = arith.index_cast %parallel_loop3A_1043 : i32 to index
        %parallel_loop3A_1128 = arith.constant 32 : index
        %parallel_loop3A_1129 = tpu.vector_load %arg20[%parallel_loop3A_1127, %parallel_loop3A_1128] {strides = array<i32>} : memref<160x64xf32, #tpu.memory_space<vmem>>, vector<16xf32>,
        %parallel_loop3A_1130 = vector.extract_strided_slice %parallel_loop3A_55 {offsets = [7], sizes = [1], strides = [1]} : vector<16xf32> to vector<1xf32>
        %parallel_loop3A_1131 = vector.extract %parallel_loop3A_1130[0] : f32 from vector<1xf32>
        %parallel_loop3A_1132 = vector.broadcast %parallel_loop3A_1131 : f32 to vector<16xf32>
        %parallel_loop3A_1133 = arith.mulf %parallel_loop3A_1129, %parallel_loop3A_1132 : vector<16xf32>
        %parallel_loop3A_1134 = arith.addf %parallel_loop3A_1126, %parallel_loop3A_1133 : vector<16xf32>
        %parallel_loop3A_1135 = arith.index_cast %parallel_loop3A_1043 : i32 to index
        %parallel_loop3A_1136 = arith.constant 32 : index
        %parallel_loop3A_1137 = tpu.vector_load %arg21[%parallel_loop3A_1135, %parallel_loop3A_1136] {strides = array<i32>} : memref<160x64xf32, #tpu.memory_space<vmem>>, vector<16xf32>,
        %parallel_loop3A_1138 = vector.extract_strided_slice %parallel_loop3A_59 {offsets = [7], sizes = [1], strides = [1]} : vector<16xf32> to vector<1xf32>
        %parallel_loop3A_1139 = vector.extract %parallel_loop3A_1138[0] : f32 from vector<1xf32>
        %parallel_loop3A_1140 = vector.broadcast %parallel_loop3A_1139 : f32 to vector<16xf32>
        %parallel_loop3A_1141 = arith.mulf %parallel_loop3A_1137, %parallel_loop3A_1140 : vector<16xf32>
        %parallel_loop3A_1142 = arith.addf %parallel_loop3A_1134, %parallel_loop3A_1141 : vector<16xf32>
        %parallel_loop3A_1143 = arith.index_cast %parallel_loop3A_1043 : i32 to index
        %parallel_loop3A_1144 = arith.constant 32 : index
        %parallel_loop3A_1145 = tpu.vector_load %arg22[%parallel_loop3A_1143, %parallel_loop3A_1144] {strides = array<i32>} : memref<160x64xf32, #tpu.memory_space<vmem>>, vector<16xf32>,
        tpu.vector_store %arg22[%parallel_loop3A_1143, %parallel_loop3A_1144], %parallel_loop3A_1142 {strides = array<i32>} : memref<160x64xf32, #tpu.memory_space<vmem>>, vector<16xf32>,
        %parallel_loop3A_1146 = arith.index_cast %parallel_loop3A_1043 : i32 to index
        %parallel_loop3A_1147 = arith.constant 48 : index
        %parallel_loop3A_1148 = tpu.vector_load %arg18[%parallel_loop3A_1146, %parallel_loop3A_1147] {strides = array<i32>} : memref<160x64xf32, #tpu.memory_space<vmem>>, vector<16xf32>,
        %parallel_loop3A_1149 = vector.extract_strided_slice %parallel_loop3A_47 {offsets = [7], sizes = [1], strides = [1]} : vector<16xf32> to vector<1xf32>
        %parallel_loop3A_1150 = vector.extract %parallel_loop3A_1149[0] : f32 from vector<1xf32>
        %parallel_loop3A_1151 = vector.broadcast %parallel_loop3A_1150 : f32 to vector<16xf32>
        %parallel_loop3A_1152 = arith.mulf %parallel_loop3A_1148, %parallel_loop3A_1151 : vector<16xf32>
        %parallel_loop3A_1153 = arith.index_cast %parallel_loop3A_1043 : i32 to index
        %parallel_loop3A_1154 = arith.constant 48 : index
        %parallel_loop3A_1155 = tpu.vector_load %arg19[%parallel_loop3A_1153, %parallel_loop3A_1154] {strides = array<i32>} : memref<160x64xf32, #tpu.memory_space<vmem>>, vector<16xf32>,
        %parallel_loop3A_1156 = vector.extract_strided_slice %parallel_loop3A_51 {offsets = [7], sizes = [1], strides = [1]} : vector<16xf32> to vector<1xf32>
        %parallel_loop3A_1157 = vector.extract %parallel_loop3A_1156[0] : f32 from vector<1xf32>
        %parallel_loop3A_1158 = vector.broadcast %parallel_loop3A_1157 : f32 to vector<16xf32>
        %parallel_loop3A_1159 = arith.mulf %parallel_loop3A_1155, %parallel_loop3A_1158 : vector<16xf32>
        %parallel_loop3A_1160 = arith.addf %parallel_loop3A_1152, %parallel_loop3A_1159 : vector<16xf32>
        %parallel_loop3A_1161 = arith.index_cast %parallel_loop3A_1043 : i32 to index
        %parallel_loop3A_1162 = arith.constant 48 : index
        %parallel_loop3A_1163 = tpu.vector_load %arg20[%parallel_loop3A_1161, %parallel_loop3A_1162] {strides = array<i32>} : memref<160x64xf32, #tpu.memory_space<vmem>>, vector<16xf32>,
        %parallel_loop3A_1164 = vector.extract_strided_slice %parallel_loop3A_55 {offsets = [7], sizes = [1], strides = [1]} : vector<16xf32> to vector<1xf32>
        %parallel_loop3A_1165 = vector.extract %parallel_loop3A_1164[0] : f32 from vector<1xf32>
        %parallel_loop3A_1166 = vector.broadcast %parallel_loop3A_1165 : f32 to vector<16xf32>
        %parallel_loop3A_1167 = arith.mulf %parallel_loop3A_1163, %parallel_loop3A_1166 : vector<16xf32>
        %parallel_loop3A_1168 = arith.addf %parallel_loop3A_1160, %parallel_loop3A_1167 : vector<16xf32>
        %parallel_loop3A_1169 = arith.index_cast %parallel_loop3A_1043 : i32 to index
        %parallel_loop3A_1170 = arith.constant 48 : index
        %parallel_loop3A_1171 = tpu.vector_load %arg21[%parallel_loop3A_1169, %parallel_loop3A_1170] {strides = array<i32>} : memref<160x64xf32, #tpu.memory_space<vmem>>, vector<16xf32>,
        %parallel_loop3A_1172 = vector.extract_strided_slice %parallel_loop3A_59 {offsets = [7], sizes = [1], strides = [1]} : vector<16xf32> to vector<1xf32>
        %parallel_loop3A_1173 = vector.extract %parallel_loop3A_1172[0] : f32 from vector<1xf32>
        %parallel_loop3A_1174 = vector.broadcast %parallel_loop3A_1173 : f32 to vector<16xf32>
        %parallel_loop3A_1175 = arith.mulf %parallel_loop3A_1171, %parallel_loop3A_1174 : vector<16xf32>
        %parallel_loop3A_1176 = arith.addf %parallel_loop3A_1168, %parallel_loop3A_1175 : vector<16xf32>
        %parallel_loop3A_1177 = arith.index_cast %parallel_loop3A_1043 : i32 to index
        %parallel_loop3A_1178 = arith.constant 48 : index
        %parallel_loop3A_1179 = tpu.vector_load %arg22[%parallel_loop3A_1177, %parallel_loop3A_1178] {strides = array<i32>} : memref<160x64xf32, #tpu.memory_space<vmem>>, vector<16xf32>,
        tpu.vector_store %arg22[%parallel_loop3A_1177, %parallel_loop3A_1178], %parallel_loop3A_1176 {strides = array<i32>} : memref<160x64xf32, #tpu.memory_space<vmem>>, vector<16xf32>,
        %parallel_loop3A_1180 = arith.constant 16 : i32
        %parallel_loop3A_1181 = arith.muli %parallel_loop3A_41, %parallel_loop3A_1180 : i32
        %parallel_loop3A_1182 = arith.constant 8 : i32
        %parallel_loop3A_1183 = arith.addi %parallel_loop3A_1181, %parallel_loop3A_1182 : i32
        %parallel_loop3A_1184 = arith.index_cast %parallel_loop3A_1183 : i32 to index
        %parallel_loop3A_1185 = arith.constant 0 : index
        %parallel_loop3A_1186 = tpu.vector_load %arg18[%parallel_loop3A_1184, %parallel_loop3A_1185] {strides = array<i32>} : memref<160x64xf32, #tpu.memory_space<vmem>>, vector<16xf32>,
        %parallel_loop3A_1187 = vector.extract_strided_slice %parallel_loop3A_47 {offsets = [8], sizes = [1], strides = [1]} : vector<16xf32> to vector<1xf32>
        %parallel_loop3A_1188 = vector.extract %parallel_loop3A_1187[0] : f32 from vector<1xf32>
        %parallel_loop3A_1189 = vector.broadcast %parallel_loop3A_1188 : f32 to vector<16xf32>
        %parallel_loop3A_1190 = arith.mulf %parallel_loop3A_1186, %parallel_loop3A_1189 : vector<16xf32>
        %parallel_loop3A_1191 = arith.index_cast %parallel_loop3A_1183 : i32 to index
        %parallel_loop3A_1192 = arith.constant 0 : index
        %parallel_loop3A_1193 = tpu.vector_load %arg19[%parallel_loop3A_1191, %parallel_loop3A_1192] {strides = array<i32>} : memref<160x64xf32, #tpu.memory_space<vmem>>, vector<16xf32>,
        %parallel_loop3A_1194 = vector.extract_strided_slice %parallel_loop3A_51 {offsets = [8], sizes = [1], strides = [1]} : vector<16xf32> to vector<1xf32>
        %parallel_loop3A_1195 = vector.extract %parallel_loop3A_1194[0] : f32 from vector<1xf32>
        %parallel_loop3A_1196 = vector.broadcast %parallel_loop3A_1195 : f32 to vector<16xf32>
        %parallel_loop3A_1197 = arith.mulf %parallel_loop3A_1193, %parallel_loop3A_1196 : vector<16xf32>
        %parallel_loop3A_1198 = arith.addf %parallel_loop3A_1190, %parallel_loop3A_1197 : vector<16xf32>
        %parallel_loop3A_1199 = arith.index_cast %parallel_loop3A_1183 : i32 to index
        %parallel_loop3A_1200 = arith.constant 0 : index
        %parallel_loop3A_1201 = tpu.vector_load %arg20[%parallel_loop3A_1199, %parallel_loop3A_1200] {strides = array<i32>} : memref<160x64xf32, #tpu.memory_space<vmem>>, vector<16xf32>,
        %parallel_loop3A_1202 = vector.extract_strided_slice %parallel_loop3A_55 {offsets = [8], sizes = [1], strides = [1]} : vector<16xf32> to vector<1xf32>
        %parallel_loop3A_1203 = vector.extract %parallel_loop3A_1202[0] : f32 from vector<1xf32>
        %parallel_loop3A_1204 = vector.broadcast %parallel_loop3A_1203 : f32 to vector<16xf32>
        %parallel_loop3A_1205 = arith.mulf %parallel_loop3A_1201, %parallel_loop3A_1204 : vector<16xf32>
        %parallel_loop3A_1206 = arith.addf %parallel_loop3A_1198, %parallel_loop3A_1205 : vector<16xf32>
        %parallel_loop3A_1207 = arith.index_cast %parallel_loop3A_1183 : i32 to index
        %parallel_loop3A_1208 = arith.constant 0 : index
        %parallel_loop3A_1209 = tpu.vector_load %arg21[%parallel_loop3A_1207, %parallel_loop3A_1208] {strides = array<i32>} : memref<160x64xf32, #tpu.memory_space<vmem>>, vector<16xf32>,
        %parallel_loop3A_1210 = vector.extract_strided_slice %parallel_loop3A_59 {offsets = [8], sizes = [1], strides = [1]} : vector<16xf32> to vector<1xf32>
        %parallel_loop3A_1211 = vector.extract %parallel_loop3A_1210[0] : f32 from vector<1xf32>
        %parallel_loop3A_1212 = vector.broadcast %parallel_loop3A_1211 : f32 to vector<16xf32>
        %parallel_loop3A_1213 = arith.mulf %parallel_loop3A_1209, %parallel_loop3A_1212 : vector<16xf32>
        %parallel_loop3A_1214 = arith.addf %parallel_loop3A_1206, %parallel_loop3A_1213 : vector<16xf32>
        %parallel_loop3A_1215 = arith.index_cast %parallel_loop3A_1183 : i32 to index
        %parallel_loop3A_1216 = arith.constant 0 : index
        %parallel_loop3A_1217 = tpu.vector_load %arg22[%parallel_loop3A_1215, %parallel_loop3A_1216] {strides = array<i32>} : memref<160x64xf32, #tpu.memory_space<vmem>>, vector<16xf32>,
        tpu.vector_store %arg22[%parallel_loop3A_1215, %parallel_loop3A_1216], %parallel_loop3A_1214 {strides = array<i32>} : memref<160x64xf32, #tpu.memory_space<vmem>>, vector<16xf32>,
        %parallel_loop3A_1218 = arith.index_cast %parallel_loop3A_1183 : i32 to index
        %parallel_loop3A_1219 = arith.constant 16 : index
        %parallel_loop3A_1220 = tpu.vector_load %arg18[%parallel_loop3A_1218, %parallel_loop3A_1219] {strides = array<i32>} : memref<160x64xf32, #tpu.memory_space<vmem>>, vector<16xf32>,
        %parallel_loop3A_1221 = vector.extract_strided_slice %parallel_loop3A_47 {offsets = [8], sizes = [1], strides = [1]} : vector<16xf32> to vector<1xf32>
        %parallel_loop3A_1222 = vector.extract %parallel_loop3A_1221[0] : f32 from vector<1xf32>
        %parallel_loop3A_1223 = vector.broadcast %parallel_loop3A_1222 : f32 to vector<16xf32>
        %parallel_loop3A_1224 = arith.mulf %parallel_loop3A_1220, %parallel_loop3A_1223 : vector<16xf32>
        %parallel_loop3A_1225 = arith.index_cast %parallel_loop3A_1183 : i32 to index
        %parallel_loop3A_1226 = arith.constant 16 : index
        %parallel_loop3A_1227 = tpu.vector_load %arg19[%parallel_loop3A_1225, %parallel_loop3A_1226] {strides = array<i32>} : memref<160x64xf32, #tpu.memory_space<vmem>>, vector<16xf32>,
        %parallel_loop3A_1228 = vector.extract_strided_slice %parallel_loop3A_51 {offsets = [8], sizes = [1], strides = [1]} : vector<16xf32> to vector<1xf32>
        %parallel_loop3A_1229 = vector.extract %parallel_loop3A_1228[0] : f32 from vector<1xf32>
        %parallel_loop3A_1230 = vector.broadcast %parallel_loop3A_1229 : f32 to vector<16xf32>
        %parallel_loop3A_1231 = arith.mulf %parallel_loop3A_1227, %parallel_loop3A_1230 : vector<16xf32>
        %parallel_loop3A_1232 = arith.addf %parallel_loop3A_1224, %parallel_loop3A_1231 : vector<16xf32>
        %parallel_loop3A_1233 = arith.index_cast %parallel_loop3A_1183 : i32 to index
        %parallel_loop3A_1234 = arith.constant 16 : index
        %parallel_loop3A_1235 = tpu.vector_load %arg20[%parallel_loop3A_1233, %parallel_loop3A_1234] {strides = array<i32>} : memref<160x64xf32, #tpu.memory_space<vmem>>, vector<16xf32>,
        %parallel_loop3A_1236 = vector.extract_strided_slice %parallel_loop3A_55 {offsets = [8], sizes = [1], strides = [1]} : vector<16xf32> to vector<1xf32>
        %parallel_loop3A_1237 = vector.extract %parallel_loop3A_1236[0] : f32 from vector<1xf32>
        %parallel_loop3A_1238 = vector.broadcast %parallel_loop3A_1237 : f32 to vector<16xf32>
        %parallel_loop3A_1239 = arith.mulf %parallel_loop3A_1235, %parallel_loop3A_1238 : vector<16xf32>
        %parallel_loop3A_1240 = arith.addf %parallel_loop3A_1232, %parallel_loop3A_1239 : vector<16xf32>
        %parallel_loop3A_1241 = arith.index_cast %parallel_loop3A_1183 : i32 to index
        %parallel_loop3A_1242 = arith.constant 16 : index
        %parallel_loop3A_1243 = tpu.vector_load %arg21[%parallel_loop3A_1241, %parallel_loop3A_1242] {strides = array<i32>} : memref<160x64xf32, #tpu.memory_space<vmem>>, vector<16xf32>,
        %parallel_loop3A_1244 = vector.extract_strided_slice %parallel_loop3A_59 {offsets = [8], sizes = [1], strides = [1]} : vector<16xf32> to vector<1xf32>
        %parallel_loop3A_1245 = vector.extract %parallel_loop3A_1244[0] : f32 from vector<1xf32>
        %parallel_loop3A_1246 = vector.broadcast %parallel_loop3A_1245 : f32 to vector<16xf32>
        %parallel_loop3A_1247 = arith.mulf %parallel_loop3A_1243, %parallel_loop3A_1246 : vector<16xf32>
        %parallel_loop3A_1248 = arith.addf %parallel_loop3A_1240, %parallel_loop3A_1247 : vector<16xf32>
        %parallel_loop3A_1249 = arith.index_cast %parallel_loop3A_1183 : i32 to index
        %parallel_loop3A_1250 = arith.constant 16 : index
        %parallel_loop3A_1251 = tpu.vector_load %arg22[%parallel_loop3A_1249, %parallel_loop3A_1250] {strides = array<i32>} : memref<160x64xf32, #tpu.memory_space<vmem>>, vector<16xf32>,
        tpu.vector_store %arg22[%parallel_loop3A_1249, %parallel_loop3A_1250], %parallel_loop3A_1248 {strides = array<i32>} : memref<160x64xf32, #tpu.memory_space<vmem>>, vector<16xf32>,
        %parallel_loop3A_1252 = arith.index_cast %parallel_loop3A_1183 : i32 to index
        %parallel_loop3A_1253 = arith.constant 32 : index
        %parallel_loop3A_1254 = tpu.vector_load %arg18[%parallel_loop3A_1252, %parallel_loop3A_1253] {strides = array<i32>} : memref<160x64xf32, #tpu.memory_space<vmem>>, vector<16xf32>,
        %parallel_loop3A_1255 = vector.extract_strided_slice %parallel_loop3A_47 {offsets = [8], sizes = [1], strides = [1]} : vector<16xf32> to vector<1xf32>
        %parallel_loop3A_1256 = vector.extract %parallel_loop3A_1255[0] : f32 from vector<1xf32>
        %parallel_loop3A_1257 = vector.broadcast %parallel_loop3A_1256 : f32 to vector<16xf32>
        %parallel_loop3A_1258 = arith.mulf %parallel_loop3A_1254, %parallel_loop3A_1257 : vector<16xf32>
        %parallel_loop3A_1259 = arith.index_cast %parallel_loop3A_1183 : i32 to index
        %parallel_loop3A_1260 = arith.constant 32 : index
        %parallel_loop3A_1261 = tpu.vector_load %arg19[%parallel_loop3A_1259, %parallel_loop3A_1260] {strides = array<i32>} : memref<160x64xf32, #tpu.memory_space<vmem>>, vector<16xf32>,
        %parallel_loop3A_1262 = vector.extract_strided_slice %parallel_loop3A_51 {offsets = [8], sizes = [1], strides = [1]} : vector<16xf32> to vector<1xf32>
        %parallel_loop3A_1263 = vector.extract %parallel_loop3A_1262[0] : f32 from vector<1xf32>
        %parallel_loop3A_1264 = vector.broadcast %parallel_loop3A_1263 : f32 to vector<16xf32>
        %parallel_loop3A_1265 = arith.mulf %parallel_loop3A_1261, %parallel_loop3A_1264 : vector<16xf32>
        %parallel_loop3A_1266 = arith.addf %parallel_loop3A_1258, %parallel_loop3A_1265 : vector<16xf32>
        %parallel_loop3A_1267 = arith.index_cast %parallel_loop3A_1183 : i32 to index
        %parallel_loop3A_1268 = arith.constant 32 : index
        %parallel_loop3A_1269 = tpu.vector_load %arg20[%parallel_loop3A_1267, %parallel_loop3A_1268] {strides = array<i32>} : memref<160x64xf32, #tpu.memory_space<vmem>>, vector<16xf32>,
        %parallel_loop3A_1270 = vector.extract_strided_slice %parallel_loop3A_55 {offsets = [8], sizes = [1], strides = [1]} : vector<16xf32> to vector<1xf32>
        %parallel_loop3A_1271 = vector.extract %parallel_loop3A_1270[0] : f32 from vector<1xf32>
        %parallel_loop3A_1272 = vector.broadcast %parallel_loop3A_1271 : f32 to vector<16xf32>
        %parallel_loop3A_1273 = arith.mulf %parallel_loop3A_1269, %parallel_loop3A_1272 : vector<16xf32>
        %parallel_loop3A_1274 = arith.addf %parallel_loop3A_1266, %parallel_loop3A_1273 : vector<16xf32>
        %parallel_loop3A_1275 = arith.index_cast %parallel_loop3A_1183 : i32 to index
        %parallel_loop3A_1276 = arith.constant 32 : index
        %parallel_loop3A_1277 = tpu.vector_load %arg21[%parallel_loop3A_1275, %parallel_loop3A_1276] {strides = array<i32>} : memref<160x64xf32, #tpu.memory_space<vmem>>, vector<16xf32>,
        %parallel_loop3A_1278 = vector.extract_strided_slice %parallel_loop3A_59 {offsets = [8], sizes = [1], strides = [1]} : vector<16xf32> to vector<1xf32>
        %parallel_loop3A_1279 = vector.extract %parallel_loop3A_1278[0] : f32 from vector<1xf32>
        %parallel_loop3A_1280 = vector.broadcast %parallel_loop3A_1279 : f32 to vector<16xf32>
        %parallel_loop3A_1281 = arith.mulf %parallel_loop3A_1277, %parallel_loop3A_1280 : vector<16xf32>
        %parallel_loop3A_1282 = arith.addf %parallel_loop3A_1274, %parallel_loop3A_1281 : vector<16xf32>
        %parallel_loop3A_1283 = arith.index_cast %parallel_loop3A_1183 : i32 to index
        %parallel_loop3A_1284 = arith.constant 32 : index
        %parallel_loop3A_1285 = tpu.vector_load %arg22[%parallel_loop3A_1283, %parallel_loop3A_1284] {strides = array<i32>} : memref<160x64xf32, #tpu.memory_space<vmem>>, vector<16xf32>,
        tpu.vector_store %arg22[%parallel_loop3A_1283, %parallel_loop3A_1284], %parallel_loop3A_1282 {strides = array<i32>} : memref<160x64xf32, #tpu.memory_space<vmem>>, vector<16xf32>,
        %parallel_loop3A_1286 = arith.index_cast %parallel_loop3A_1183 : i32 to index
        %parallel_loop3A_1287 = arith.constant 48 : index
        %parallel_loop3A_1288 = tpu.vector_load %arg18[%parallel_loop3A_1286, %parallel_loop3A_1287] {strides = array<i32>} : memref<160x64xf32, #tpu.memory_space<vmem>>, vector<16xf32>,
        %parallel_loop3A_1289 = vector.extract_strided_slice %parallel_loop3A_47 {offsets = [8], sizes = [1], strides = [1]} : vector<16xf32> to vector<1xf32>
        %parallel_loop3A_1290 = vector.extract %parallel_loop3A_1289[0] : f32 from vector<1xf32>
        %parallel_loop3A_1291 = vector.broadcast %parallel_loop3A_1290 : f32 to vector<16xf32>
        %parallel_loop3A_1292 = arith.mulf %parallel_loop3A_1288, %parallel_loop3A_1291 : vector<16xf32>
        %parallel_loop3A_1293 = arith.index_cast %parallel_loop3A_1183 : i32 to index
        %parallel_loop3A_1294 = arith.constant 48 : index
        %parallel_loop3A_1295 = tpu.vector_load %arg19[%parallel_loop3A_1293, %parallel_loop3A_1294] {strides = array<i32>} : memref<160x64xf32, #tpu.memory_space<vmem>>, vector<16xf32>,
        %parallel_loop3A_1296 = vector.extract_strided_slice %parallel_loop3A_51 {offsets = [8], sizes = [1], strides = [1]} : vector<16xf32> to vector<1xf32>
        %parallel_loop3A_1297 = vector.extract %parallel_loop3A_1296[0] : f32 from vector<1xf32>
        %parallel_loop3A_1298 = vector.broadcast %parallel_loop3A_1297 : f32 to vector<16xf32>
        %parallel_loop3A_1299 = arith.mulf %parallel_loop3A_1295, %parallel_loop3A_1298 : vector<16xf32>
        %parallel_loop3A_1300 = arith.addf %parallel_loop3A_1292, %parallel_loop3A_1299 : vector<16xf32>
        %parallel_loop3A_1301 = arith.index_cast %parallel_loop3A_1183 : i32 to index
        %parallel_loop3A_1302 = arith.constant 48 : index
        %parallel_loop3A_1303 = tpu.vector_load %arg20[%parallel_loop3A_1301, %parallel_loop3A_1302] {strides = array<i32>} : memref<160x64xf32, #tpu.memory_space<vmem>>, vector<16xf32>,
        %parallel_loop3A_1304 = vector.extract_strided_slice %parallel_loop3A_55 {offsets = [8], sizes = [1], strides = [1]} : vector<16xf32> to vector<1xf32>
        %parallel_loop3A_1305 = vector.extract %parallel_loop3A_1304[0] : f32 from vector<1xf32>
        %parallel_loop3A_1306 = vector.broadcast %parallel_loop3A_1305 : f32 to vector<16xf32>
        %parallel_loop3A_1307 = arith.mulf %parallel_loop3A_1303, %parallel_loop3A_1306 : vector<16xf32>
        %parallel_loop3A_1308 = arith.addf %parallel_loop3A_1300, %parallel_loop3A_1307 : vector<16xf32>
        %parallel_loop3A_1309 = arith.index_cast %parallel_loop3A_1183 : i32 to index
        %parallel_loop3A_1310 = arith.constant 48 : index
        %parallel_loop3A_1311 = tpu.vector_load %arg21[%parallel_loop3A_1309, %parallel_loop3A_1310] {strides = array<i32>} : memref<160x64xf32, #tpu.memory_space<vmem>>, vector<16xf32>,
        %parallel_loop3A_1312 = vector.extract_strided_slice %parallel_loop3A_59 {offsets = [8], sizes = [1], strides = [1]} : vector<16xf32> to vector<1xf32>
        %parallel_loop3A_1313 = vector.extract %parallel_loop3A_1312[0] : f32 from vector<1xf32>
        %parallel_loop3A_1314 = vector.broadcast %parallel_loop3A_1313 : f32 to vector<16xf32>
        %parallel_loop3A_1315 = arith.mulf %parallel_loop3A_1311, %parallel_loop3A_1314 : vector<16xf32>
        %parallel_loop3A_1316 = arith.addf %parallel_loop3A_1308, %parallel_loop3A_1315 : vector<16xf32>
        %parallel_loop3A_1317 = arith.index_cast %parallel_loop3A_1183 : i32 to index
        %parallel_loop3A_1318 = arith.constant 48 : index
        %parallel_loop3A_1319 = tpu.vector_load %arg22[%parallel_loop3A_1317, %parallel_loop3A_1318] {strides = array<i32>} : memref<160x64xf32, #tpu.memory_space<vmem>>, vector<16xf32>,
        tpu.vector_store %arg22[%parallel_loop3A_1317, %parallel_loop3A_1318], %parallel_loop3A_1316 {strides = array<i32>} : memref<160x64xf32, #tpu.memory_space<vmem>>, vector<16xf32>,
        %parallel_loop3A_1320 = arith.constant 16 : i32
        %parallel_loop3A_1321 = arith.muli %parallel_loop3A_41, %parallel_loop3A_1320 : i32
        %parallel_loop3A_1322 = arith.constant 9 : i32
        %parallel_loop3A_1323 = arith.addi %parallel_loop3A_1321, %parallel_loop3A_1322 : i32
        %parallel_loop3A_1324 = arith.index_cast %parallel_loop3A_1323 : i32 to index
        %parallel_loop3A_1325 = arith.constant 0 : index
        %parallel_loop3A_1326 = tpu.vector_load %arg18[%parallel_loop3A_1324, %parallel_loop3A_1325] {strides = array<i32>} : memref<160x64xf32, #tpu.memory_space<vmem>>, vector<16xf32>,
        %parallel_loop3A_1327 = vector.extract_strided_slice %parallel_loop3A_47 {offsets = [9], sizes = [1], strides = [1]} : vector<16xf32> to vector<1xf32>
        %parallel_loop3A_1328 = vector.extract %parallel_loop3A_1327[0] : f32 from vector<1xf32>
        %parallel_loop3A_1329 = vector.broadcast %parallel_loop3A_1328 : f32 to vector<16xf32>
        %parallel_loop3A_1330 = arith.mulf %parallel_loop3A_1326, %parallel_loop3A_1329 : vector<16xf32>
        %parallel_loop3A_1331 = arith.index_cast %parallel_loop3A_1323 : i32 to index
        %parallel_loop3A_1332 = arith.constant 0 : index
        %parallel_loop3A_1333 = tpu.vector_load %arg19[%parallel_loop3A_1331, %parallel_loop3A_1332] {strides = array<i32>} : memref<160x64xf32, #tpu.memory_space<vmem>>, vector<16xf32>,
        %parallel_loop3A_1334 = vector.extract_strided_slice %parallel_loop3A_51 {offsets = [9], sizes = [1], strides = [1]} : vector<16xf32> to vector<1xf32>
        %parallel_loop3A_1335 = vector.extract %parallel_loop3A_1334[0] : f32 from vector<1xf32>
        %parallel_loop3A_1336 = vector.broadcast %parallel_loop3A_1335 : f32 to vector<16xf32>
        %parallel_loop3A_1337 = arith.mulf %parallel_loop3A_1333, %parallel_loop3A_1336 : vector<16xf32>
        %parallel_loop3A_1338 = arith.addf %parallel_loop3A_1330, %parallel_loop3A_1337 : vector<16xf32>
        %parallel_loop3A_1339 = arith.index_cast %parallel_loop3A_1323 : i32 to index
        %parallel_loop3A_1340 = arith.constant 0 : index
        %parallel_loop3A_1341 = tpu.vector_load %arg20[%parallel_loop3A_1339, %parallel_loop3A_1340] {strides = array<i32>} : memref<160x64xf32, #tpu.memory_space<vmem>>, vector<16xf32>,
        %parallel_loop3A_1342 = vector.extract_strided_slice %parallel_loop3A_55 {offsets = [9], sizes = [1], strides = [1]} : vector<16xf32> to vector<1xf32>
        %parallel_loop3A_1343 = vector.extract %parallel_loop3A_1342[0] : f32 from vector<1xf32>
        %parallel_loop3A_1344 = vector.broadcast %parallel_loop3A_1343 : f32 to vector<16xf32>
        %parallel_loop3A_1345 = arith.mulf %parallel_loop3A_1341, %parallel_loop3A_1344 : vector<16xf32>
        %parallel_loop3A_1346 = arith.addf %parallel_loop3A_1338, %parallel_loop3A_1345 : vector<16xf32>
        %parallel_loop3A_1347 = arith.index_cast %parallel_loop3A_1323 : i32 to index
        %parallel_loop3A_1348 = arith.constant 0 : index
        %parallel_loop3A_1349 = tpu.vector_load %arg21[%parallel_loop3A_1347, %parallel_loop3A_1348] {strides = array<i32>} : memref<160x64xf32, #tpu.memory_space<vmem>>, vector<16xf32>,
        %parallel_loop3A_1350 = vector.extract_strided_slice %parallel_loop3A_59 {offsets = [9], sizes = [1], strides = [1]} : vector<16xf32> to vector<1xf32>
        %parallel_loop3A_1351 = vector.extract %parallel_loop3A_1350[0] : f32 from vector<1xf32>
        %parallel_loop3A_1352 = vector.broadcast %parallel_loop3A_1351 : f32 to vector<16xf32>
        %parallel_loop3A_1353 = arith.mulf %parallel_loop3A_1349, %parallel_loop3A_1352 : vector<16xf32>
        %parallel_loop3A_1354 = arith.addf %parallel_loop3A_1346, %parallel_loop3A_1353 : vector<16xf32>
        %parallel_loop3A_1355 = arith.index_cast %parallel_loop3A_1323 : i32 to index
        %parallel_loop3A_1356 = arith.constant 0 : index
        %parallel_loop3A_1357 = tpu.vector_load %arg22[%parallel_loop3A_1355, %parallel_loop3A_1356] {strides = array<i32>} : memref<160x64xf32, #tpu.memory_space<vmem>>, vector<16xf32>,
        tpu.vector_store %arg22[%parallel_loop3A_1355, %parallel_loop3A_1356], %parallel_loop3A_1354 {strides = array<i32>} : memref<160x64xf32, #tpu.memory_space<vmem>>, vector<16xf32>,
        %parallel_loop3A_1358 = arith.index_cast %parallel_loop3A_1323 : i32 to index
        %parallel_loop3A_1359 = arith.constant 16 : index
        %parallel_loop3A_1360 = tpu.vector_load %arg18[%parallel_loop3A_1358, %parallel_loop3A_1359] {strides = array<i32>} : memref<160x64xf32, #tpu.memory_space<vmem>>, vector<16xf32>,
        %parallel_loop3A_1361 = vector.extract_strided_slice %parallel_loop3A_47 {offsets = [9], sizes = [1], strides = [1]} : vector<16xf32> to vector<1xf32>
        %parallel_loop3A_1362 = vector.extract %parallel_loop3A_1361[0] : f32 from vector<1xf32>
        %parallel_loop3A_1363 = vector.broadcast %parallel_loop3A_1362 : f32 to vector<16xf32>
        %parallel_loop3A_1364 = arith.mulf %parallel_loop3A_1360, %parallel_loop3A_1363 : vector<16xf32>
        %parallel_loop3A_1365 = arith.index_cast %parallel_loop3A_1323 : i32 to index
        %parallel_loop3A_1366 = arith.constant 16 : index
        %parallel_loop3A_1367 = tpu.vector_load %arg19[%parallel_loop3A_1365, %parallel_loop3A_1366] {strides = array<i32>} : memref<160x64xf32, #tpu.memory_space<vmem>>, vector<16xf32>,
        %parallel_loop3A_1368 = vector.extract_strided_slice %parallel_loop3A_51 {offsets = [9], sizes = [1], strides = [1]} : vector<16xf32> to vector<1xf32>
        %parallel_loop3A_1369 = vector.extract %parallel_loop3A_1368[0] : f32 from vector<1xf32>
        %parallel_loop3A_1370 = vector.broadcast %parallel_loop3A_1369 : f32 to vector<16xf32>
        %parallel_loop3A_1371 = arith.mulf %parallel_loop3A_1367, %parallel_loop3A_1370 : vector<16xf32>
        %parallel_loop3A_1372 = arith.addf %parallel_loop3A_1364, %parallel_loop3A_1371 : vector<16xf32>
        %parallel_loop3A_1373 = arith.index_cast %parallel_loop3A_1323 : i32 to index
        %parallel_loop3A_1374 = arith.constant 16 : index
        %parallel_loop3A_1375 = tpu.vector_load %arg20[%parallel_loop3A_1373, %parallel_loop3A_1374] {strides = array<i32>} : memref<160x64xf32, #tpu.memory_space<vmem>>, vector<16xf32>,
        %parallel_loop3A_1376 = vector.extract_strided_slice %parallel_loop3A_55 {offsets = [9], sizes = [1], strides = [1]} : vector<16xf32> to vector<1xf32>
        %parallel_loop3A_1377 = vector.extract %parallel_loop3A_1376[0] : f32 from vector<1xf32>
        %parallel_loop3A_1378 = vector.broadcast %parallel_loop3A_1377 : f32 to vector<16xf32>
        %parallel_loop3A_1379 = arith.mulf %parallel_loop3A_1375, %parallel_loop3A_1378 : vector<16xf32>
        %parallel_loop3A_1380 = arith.addf %parallel_loop3A_1372, %parallel_loop3A_1379 : vector<16xf32>
        %parallel_loop3A_1381 = arith.index_cast %parallel_loop3A_1323 : i32 to index
        %parallel_loop3A_1382 = arith.constant 16 : index
        %parallel_loop3A_1383 = tpu.vector_load %arg21[%parallel_loop3A_1381, %parallel_loop3A_1382] {strides = array<i32>} : memref<160x64xf32, #tpu.memory_space<vmem>>, vector<16xf32>,
        %parallel_loop3A_1384 = vector.extract_strided_slice %parallel_loop3A_59 {offsets = [9], sizes = [1], strides = [1]} : vector<16xf32> to vector<1xf32>
        %parallel_loop3A_1385 = vector.extract %parallel_loop3A_1384[0] : f32 from vector<1xf32>
        %parallel_loop3A_1386 = vector.broadcast %parallel_loop3A_1385 : f32 to vector<16xf32>
        %parallel_loop3A_1387 = arith.mulf %parallel_loop3A_1383, %parallel_loop3A_1386 : vector<16xf32>
        %parallel_loop3A_1388 = arith.addf %parallel_loop3A_1380, %parallel_loop3A_1387 : vector<16xf32>
        %parallel_loop3A_1389 = arith.index_cast %parallel_loop3A_1323 : i32 to index
        %parallel_loop3A_1390 = arith.constant 16 : index
        %parallel_loop3A_1391 = tpu.vector_load %arg22[%parallel_loop3A_1389, %parallel_loop3A_1390] {strides = array<i32>} : memref<160x64xf32, #tpu.memory_space<vmem>>, vector<16xf32>,
        tpu.vector_store %arg22[%parallel_loop3A_1389, %parallel_loop3A_1390], %parallel_loop3A_1388 {strides = array<i32>} : memref<160x64xf32, #tpu.memory_space<vmem>>, vector<16xf32>,
        %parallel_loop3A_1392 = arith.index_cast %parallel_loop3A_1323 : i32 to index
        %parallel_loop3A_1393 = arith.constant 32 : index
        %parallel_loop3A_1394 = tpu.vector_load %arg18[%parallel_loop3A_1392, %parallel_loop3A_1393] {strides = array<i32>} : memref<160x64xf32, #tpu.memory_space<vmem>>, vector<16xf32>,
        %parallel_loop3A_1395 = vector.extract_strided_slice %parallel_loop3A_47 {offsets = [9], sizes = [1], strides = [1]} : vector<16xf32> to vector<1xf32>
        %parallel_loop3A_1396 = vector.extract %parallel_loop3A_1395[0] : f32 from vector<1xf32>
        %parallel_loop3A_1397 = vector.broadcast %parallel_loop3A_1396 : f32 to vector<16xf32>
        %parallel_loop3A_1398 = arith.mulf %parallel_loop3A_1394, %parallel_loop3A_1397 : vector<16xf32>
        %parallel_loop3A_1399 = arith.index_cast %parallel_loop3A_1323 : i32 to index
        %parallel_loop3A_1400 = arith.constant 32 : index
        %parallel_loop3A_1401 = tpu.vector_load %arg19[%parallel_loop3A_1399, %parallel_loop3A_1400] {strides = array<i32>} : memref<160x64xf32, #tpu.memory_space<vmem>>, vector<16xf32>,
        %parallel_loop3A_1402 = vector.extract_strided_slice %parallel_loop3A_51 {offsets = [9], sizes = [1], strides = [1]} : vector<16xf32> to vector<1xf32>
        %parallel_loop3A_1403 = vector.extract %parallel_loop3A_1402[0] : f32 from vector<1xf32>
        %parallel_loop3A_1404 = vector.broadcast %parallel_loop3A_1403 : f32 to vector<16xf32>
        %parallel_loop3A_1405 = arith.mulf %parallel_loop3A_1401, %parallel_loop3A_1404 : vector<16xf32>
        %parallel_loop3A_1406 = arith.addf %parallel_loop3A_1398, %parallel_loop3A_1405 : vector<16xf32>
        %parallel_loop3A_1407 = arith.index_cast %parallel_loop3A_1323 : i32 to index
        %parallel_loop3A_1408 = arith.constant 32 : index
        %parallel_loop3A_1409 = tpu.vector_load %arg20[%parallel_loop3A_1407, %parallel_loop3A_1408] {strides = array<i32>} : memref<160x64xf32, #tpu.memory_space<vmem>>, vector<16xf32>,
        %parallel_loop3A_1410 = vector.extract_strided_slice %parallel_loop3A_55 {offsets = [9], sizes = [1], strides = [1]} : vector<16xf32> to vector<1xf32>
        %parallel_loop3A_1411 = vector.extract %parallel_loop3A_1410[0] : f32 from vector<1xf32>
        %parallel_loop3A_1412 = vector.broadcast %parallel_loop3A_1411 : f32 to vector<16xf32>
        %parallel_loop3A_1413 = arith.mulf %parallel_loop3A_1409, %parallel_loop3A_1412 : vector<16xf32>
        %parallel_loop3A_1414 = arith.addf %parallel_loop3A_1406, %parallel_loop3A_1413 : vector<16xf32>
        %parallel_loop3A_1415 = arith.index_cast %parallel_loop3A_1323 : i32 to index
        %parallel_loop3A_1416 = arith.constant 32 : index
        %parallel_loop3A_1417 = tpu.vector_load %arg21[%parallel_loop3A_1415, %parallel_loop3A_1416] {strides = array<i32>} : memref<160x64xf32, #tpu.memory_space<vmem>>, vector<16xf32>,
        %parallel_loop3A_1418 = vector.extract_strided_slice %parallel_loop3A_59 {offsets = [9], sizes = [1], strides = [1]} : vector<16xf32> to vector<1xf32>
        %parallel_loop3A_1419 = vector.extract %parallel_loop3A_1418[0] : f32 from vector<1xf32>
        %parallel_loop3A_1420 = vector.broadcast %parallel_loop3A_1419 : f32 to vector<16xf32>
        %parallel_loop3A_1421 = arith.mulf %parallel_loop3A_1417, %parallel_loop3A_1420 : vector<16xf32>
        %parallel_loop3A_1422 = arith.addf %parallel_loop3A_1414, %parallel_loop3A_1421 : vector<16xf32>
        %parallel_loop3A_1423 = arith.index_cast %parallel_loop3A_1323 : i32 to index
        %parallel_loop3A_1424 = arith.constant 32 : index
        %parallel_loop3A_1425 = tpu.vector_load %arg22[%parallel_loop3A_1423, %parallel_loop3A_1424] {strides = array<i32>} : memref<160x64xf32, #tpu.memory_space<vmem>>, vector<16xf32>,
        tpu.vector_store %arg22[%parallel_loop3A_1423, %parallel_loop3A_1424], %parallel_loop3A_1422 {strides = array<i32>} : memref<160x64xf32, #tpu.memory_space<vmem>>, vector<16xf32>,
        %parallel_loop3A_1426 = arith.index_cast %parallel_loop3A_1323 : i32 to index
        %parallel_loop3A_1427 = arith.constant 48 : index
        %parallel_loop3A_1428 = tpu.vector_load %arg18[%parallel_loop3A_1426, %parallel_loop3A_1427] {strides = array<i32>} : memref<160x64xf32, #tpu.memory_space<vmem>>, vector<16xf32>,
        %parallel_loop3A_1429 = vector.extract_strided_slice %parallel_loop3A_47 {offsets = [9], sizes = [1], strides = [1]} : vector<16xf32> to vector<1xf32>
        %parallel_loop3A_1430 = vector.extract %parallel_loop3A_1429[0] : f32 from vector<1xf32>
        %parallel_loop3A_1431 = vector.broadcast %parallel_loop3A_1430 : f32 to vector<16xf32>
        %parallel_loop3A_1432 = arith.mulf %parallel_loop3A_1428, %parallel_loop3A_1431 : vector<16xf32>
        %parallel_loop3A_1433 = arith.index_cast %parallel_loop3A_1323 : i32 to index
        %parallel_loop3A_1434 = arith.constant 48 : index
        %parallel_loop3A_1435 = tpu.vector_load %arg19[%parallel_loop3A_1433, %parallel_loop3A_1434] {strides = array<i32>} : memref<160x64xf32, #tpu.memory_space<vmem>>, vector<16xf32>,
        %parallel_loop3A_1436 = vector.extract_strided_slice %parallel_loop3A_51 {offsets = [9], sizes = [1], strides = [1]} : vector<16xf32> to vector<1xf32>
        %parallel_loop3A_1437 = vector.extract %parallel_loop3A_1436[0] : f32 from vector<1xf32>
        %parallel_loop3A_1438 = vector.broadcast %parallel_loop3A_1437 : f32 to vector<16xf32>
        %parallel_loop3A_1439 = arith.mulf %parallel_loop3A_1435, %parallel_loop3A_1438 : vector<16xf32>
        %parallel_loop3A_1440 = arith.addf %parallel_loop3A_1432, %parallel_loop3A_1439 : vector<16xf32>
        %parallel_loop3A_1441 = arith.index_cast %parallel_loop3A_1323 : i32 to index
        %parallel_loop3A_1442 = arith.constant 48 : index
        %parallel_loop3A_1443 = tpu.vector_load %arg20[%parallel_loop3A_1441, %parallel_loop3A_1442] {strides = array<i32>} : memref<160x64xf32, #tpu.memory_space<vmem>>, vector<16xf32>,
        %parallel_loop3A_1444 = vector.extract_strided_slice %parallel_loop3A_55 {offsets = [9], sizes = [1], strides = [1]} : vector<16xf32> to vector<1xf32>
        %parallel_loop3A_1445 = vector.extract %parallel_loop3A_1444[0] : f32 from vector<1xf32>
        %parallel_loop3A_1446 = vector.broadcast %parallel_loop3A_1445 : f32 to vector<16xf32>
        %parallel_loop3A_1447 = arith.mulf %parallel_loop3A_1443, %parallel_loop3A_1446 : vector<16xf32>
        %parallel_loop3A_1448 = arith.addf %parallel_loop3A_1440, %parallel_loop3A_1447 : vector<16xf32>
        %parallel_loop3A_1449 = arith.index_cast %parallel_loop3A_1323 : i32 to index
        %parallel_loop3A_1450 = arith.constant 48 : index
        %parallel_loop3A_1451 = tpu.vector_load %arg21[%parallel_loop3A_1449, %parallel_loop3A_1450] {strides = array<i32>} : memref<160x64xf32, #tpu.memory_space<vmem>>, vector<16xf32>,
        %parallel_loop3A_1452 = vector.extract_strided_slice %parallel_loop3A_59 {offsets = [9], sizes = [1], strides = [1]} : vector<16xf32> to vector<1xf32>
        %parallel_loop3A_1453 = vector.extract %parallel_loop3A_1452[0] : f32 from vector<1xf32>
        %parallel_loop3A_1454 = vector.broadcast %parallel_loop3A_1453 : f32 to vector<16xf32>
        %parallel_loop3A_1455 = arith.mulf %parallel_loop3A_1451, %parallel_loop3A_1454 : vector<16xf32>
        %parallel_loop3A_1456 = arith.addf %parallel_loop3A_1448, %parallel_loop3A_1455 : vector<16xf32>
        %parallel_loop3A_1457 = arith.index_cast %parallel_loop3A_1323 : i32 to index
        %parallel_loop3A_1458 = arith.constant 48 : index
        %parallel_loop3A_1459 = tpu.vector_load %arg22[%parallel_loop3A_1457, %parallel_loop3A_1458] {strides = array<i32>} : memref<160x64xf32, #tpu.memory_space<vmem>>, vector<16xf32>,
        tpu.vector_store %arg22[%parallel_loop3A_1457, %parallel_loop3A_1458], %parallel_loop3A_1456 {strides = array<i32>} : memref<160x64xf32, #tpu.memory_space<vmem>>, vector<16xf32>,
        %parallel_loop3A_1460 = arith.constant 16 : i32
        %parallel_loop3A_1461 = arith.muli %parallel_loop3A_41, %parallel_loop3A_1460 : i32
        %parallel_loop3A_1462 = arith.constant 10 : i32
        %parallel_loop3A_1463 = arith.addi %parallel_loop3A_1461, %parallel_loop3A_1462 : i32
        %parallel_loop3A_1464 = arith.index_cast %parallel_loop3A_1463 : i32 to index
        %parallel_loop3A_1465 = arith.constant 0 : index
        %parallel_loop3A_1466 = tpu.vector_load %arg18[%parallel_loop3A_1464, %parallel_loop3A_1465] {strides = array<i32>} : memref<160x64xf32, #tpu.memory_space<vmem>>, vector<16xf32>,
        %parallel_loop3A_1467 = vector.extract_strided_slice %parallel_loop3A_47 {offsets = [10], sizes = [1], strides = [1]} : vector<16xf32> to vector<1xf32>
        %parallel_loop3A_1468 = vector.extract %parallel_loop3A_1467[0] : f32 from vector<1xf32>
        %parallel_loop3A_1469 = vector.broadcast %parallel_loop3A_1468 : f32 to vector<16xf32>
        %parallel_loop3A_1470 = arith.mulf %parallel_loop3A_1466, %parallel_loop3A_1469 : vector<16xf32>
        %parallel_loop3A_1471 = arith.index_cast %parallel_loop3A_1463 : i32 to index
        %parallel_loop3A_1472 = arith.constant 0 : index
        %parallel_loop3A_1473 = tpu.vector_load %arg19[%parallel_loop3A_1471, %parallel_loop3A_1472] {strides = array<i32>} : memref<160x64xf32, #tpu.memory_space<vmem>>, vector<16xf32>,
        %parallel_loop3A_1474 = vector.extract_strided_slice %parallel_loop3A_51 {offsets = [10], sizes = [1], strides = [1]} : vector<16xf32> to vector<1xf32>
        %parallel_loop3A_1475 = vector.extract %parallel_loop3A_1474[0] : f32 from vector<1xf32>
        %parallel_loop3A_1476 = vector.broadcast %parallel_loop3A_1475 : f32 to vector<16xf32>
        %parallel_loop3A_1477 = arith.mulf %parallel_loop3A_1473, %parallel_loop3A_1476 : vector<16xf32>
        %parallel_loop3A_1478 = arith.addf %parallel_loop3A_1470, %parallel_loop3A_1477 : vector<16xf32>
        %parallel_loop3A_1479 = arith.index_cast %parallel_loop3A_1463 : i32 to index
        %parallel_loop3A_1480 = arith.constant 0 : index
        %parallel_loop3A_1481 = tpu.vector_load %arg20[%parallel_loop3A_1479, %parallel_loop3A_1480] {strides = array<i32>} : memref<160x64xf32, #tpu.memory_space<vmem>>, vector<16xf32>,
        %parallel_loop3A_1482 = vector.extract_strided_slice %parallel_loop3A_55 {offsets = [10], sizes = [1], strides = [1]} : vector<16xf32> to vector<1xf32>
        %parallel_loop3A_1483 = vector.extract %parallel_loop3A_1482[0] : f32 from vector<1xf32>
        %parallel_loop3A_1484 = vector.broadcast %parallel_loop3A_1483 : f32 to vector<16xf32>
        %parallel_loop3A_1485 = arith.mulf %parallel_loop3A_1481, %parallel_loop3A_1484 : vector<16xf32>
        %parallel_loop3A_1486 = arith.addf %parallel_loop3A_1478, %parallel_loop3A_1485 : vector<16xf32>
        %parallel_loop3A_1487 = arith.index_cast %parallel_loop3A_1463 : i32 to index
        %parallel_loop3A_1488 = arith.constant 0 : index
        %parallel_loop3A_1489 = tpu.vector_load %arg21[%parallel_loop3A_1487, %parallel_loop3A_1488] {strides = array<i32>} : memref<160x64xf32, #tpu.memory_space<vmem>>, vector<16xf32>,
        %parallel_loop3A_1490 = vector.extract_strided_slice %parallel_loop3A_59 {offsets = [10], sizes = [1], strides = [1]} : vector<16xf32> to vector<1xf32>
        %parallel_loop3A_1491 = vector.extract %parallel_loop3A_1490[0] : f32 from vector<1xf32>
        %parallel_loop3A_1492 = vector.broadcast %parallel_loop3A_1491 : f32 to vector<16xf32>
        %parallel_loop3A_1493 = arith.mulf %parallel_loop3A_1489, %parallel_loop3A_1492 : vector<16xf32>
        %parallel_loop3A_1494 = arith.addf %parallel_loop3A_1486, %parallel_loop3A_1493 : vector<16xf32>
        %parallel_loop3A_1495 = arith.index_cast %parallel_loop3A_1463 : i32 to index
        %parallel_loop3A_1496 = arith.constant 0 : index
        %parallel_loop3A_1497 = tpu.vector_load %arg22[%parallel_loop3A_1495, %parallel_loop3A_1496] {strides = array<i32>} : memref<160x64xf32, #tpu.memory_space<vmem>>, vector<16xf32>,
        tpu.vector_store %arg22[%parallel_loop3A_1495, %parallel_loop3A_1496], %parallel_loop3A_1494 {strides = array<i32>} : memref<160x64xf32, #tpu.memory_space<vmem>>, vector<16xf32>,
        %parallel_loop3A_1498 = arith.index_cast %parallel_loop3A_1463 : i32 to index
        %parallel_loop3A_1499 = arith.constant 16 : index
        %parallel_loop3A_1500 = tpu.vector_load %arg18[%parallel_loop3A_1498, %parallel_loop3A_1499] {strides = array<i32>} : memref<160x64xf32, #tpu.memory_space<vmem>>, vector<16xf32>,
        %parallel_loop3A_1501 = vector.extract_strided_slice %parallel_loop3A_47 {offsets = [10], sizes = [1], strides = [1]} : vector<16xf32> to vector<1xf32>
        %parallel_loop3A_1502 = vector.extract %parallel_loop3A_1501[0] : f32 from vector<1xf32>
        %parallel_loop3A_1503 = vector.broadcast %parallel_loop3A_1502 : f32 to vector<16xf32>
        %parallel_loop3A_1504 = arith.mulf %parallel_loop3A_1500, %parallel_loop3A_1503 : vector<16xf32>
        %parallel_loop3A_1505 = arith.index_cast %parallel_loop3A_1463 : i32 to index
        %parallel_loop3A_1506 = arith.constant 16 : index
        %parallel_loop3A_1507 = tpu.vector_load %arg19[%parallel_loop3A_1505, %parallel_loop3A_1506] {strides = array<i32>} : memref<160x64xf32, #tpu.memory_space<vmem>>, vector<16xf32>,
        %parallel_loop3A_1508 = vector.extract_strided_slice %parallel_loop3A_51 {offsets = [10], sizes = [1], strides = [1]} : vector<16xf32> to vector<1xf32>
        %parallel_loop3A_1509 = vector.extract %parallel_loop3A_1508[0] : f32 from vector<1xf32>
        %parallel_loop3A_1510 = vector.broadcast %parallel_loop3A_1509 : f32 to vector<16xf32>
        %parallel_loop3A_1511 = arith.mulf %parallel_loop3A_1507, %parallel_loop3A_1510 : vector<16xf32>
        %parallel_loop3A_1512 = arith.addf %parallel_loop3A_1504, %parallel_loop3A_1511 : vector<16xf32>
        %parallel_loop3A_1513 = arith.index_cast %parallel_loop3A_1463 : i32 to index
        %parallel_loop3A_1514 = arith.constant 16 : index
        %parallel_loop3A_1515 = tpu.vector_load %arg20[%parallel_loop3A_1513, %parallel_loop3A_1514] {strides = array<i32>} : memref<160x64xf32, #tpu.memory_space<vmem>>, vector<16xf32>,
        %parallel_loop3A_1516 = vector.extract_strided_slice %parallel_loop3A_55 {offsets = [10], sizes = [1], strides = [1]} : vector<16xf32> to vector<1xf32>
        %parallel_loop3A_1517 = vector.extract %parallel_loop3A_1516[0] : f32 from vector<1xf32>
        %parallel_loop3A_1518 = vector.broadcast %parallel_loop3A_1517 : f32 to vector<16xf32>
        %parallel_loop3A_1519 = arith.mulf %parallel_loop3A_1515, %parallel_loop3A_1518 : vector<16xf32>
        %parallel_loop3A_1520 = arith.addf %parallel_loop3A_1512, %parallel_loop3A_1519 : vector<16xf32>
        %parallel_loop3A_1521 = arith.index_cast %parallel_loop3A_1463 : i32 to index
        %parallel_loop3A_1522 = arith.constant 16 : index
        %parallel_loop3A_1523 = tpu.vector_load %arg21[%parallel_loop3A_1521, %parallel_loop3A_1522] {strides = array<i32>} : memref<160x64xf32, #tpu.memory_space<vmem>>, vector<16xf32>,
        %parallel_loop3A_1524 = vector.extract_strided_slice %parallel_loop3A_59 {offsets = [10], sizes = [1], strides = [1]} : vector<16xf32> to vector<1xf32>
        %parallel_loop3A_1525 = vector.extract %parallel_loop3A_1524[0] : f32 from vector<1xf32>
        %parallel_loop3A_1526 = vector.broadcast %parallel_loop3A_1525 : f32 to vector<16xf32>
        %parallel_loop3A_1527 = arith.mulf %parallel_loop3A_1523, %parallel_loop3A_1526 : vector<16xf32>
        %parallel_loop3A_1528 = arith.addf %parallel_loop3A_1520, %parallel_loop3A_1527 : vector<16xf32>
        %parallel_loop3A_1529 = arith.index_cast %parallel_loop3A_1463 : i32 to index
        %parallel_loop3A_1530 = arith.constant 16 : index
        %parallel_loop3A_1531 = tpu.vector_load %arg22[%parallel_loop3A_1529, %parallel_loop3A_1530] {strides = array<i32>} : memref<160x64xf32, #tpu.memory_space<vmem>>, vector<16xf32>,
        tpu.vector_store %arg22[%parallel_loop3A_1529, %parallel_loop3A_1530], %parallel_loop3A_1528 {strides = array<i32>} : memref<160x64xf32, #tpu.memory_space<vmem>>, vector<16xf32>,
        %parallel_loop3A_1532 = arith.index_cast %parallel_loop3A_1463 : i32 to index
        %parallel_loop3A_1533 = arith.constant 32 : index
        %parallel_loop3A_1534 = tpu.vector_load %arg18[%parallel_loop3A_1532, %parallel_loop3A_1533] {strides = array<i32>} : memref<160x64xf32, #tpu.memory_space<vmem>>, vector<16xf32>,
        %parallel_loop3A_1535 = vector.extract_strided_slice %parallel_loop3A_47 {offsets = [10], sizes = [1], strides = [1]} : vector<16xf32> to vector<1xf32>
        %parallel_loop3A_1536 = vector.extract %parallel_loop3A_1535[0] : f32 from vector<1xf32>
        %parallel_loop3A_1537 = vector.broadcast %parallel_loop3A_1536 : f32 to vector<16xf32>
        %parallel_loop3A_1538 = arith.mulf %parallel_loop3A_1534, %parallel_loop3A_1537 : vector<16xf32>
        %parallel_loop3A_1539 = arith.index_cast %parallel_loop3A_1463 : i32 to index
        %parallel_loop3A_1540 = arith.constant 32 : index
        %parallel_loop3A_1541 = tpu.vector_load %arg19[%parallel_loop3A_1539, %parallel_loop3A_1540] {strides = array<i32>} : memref<160x64xf32, #tpu.memory_space<vmem>>, vector<16xf32>,
        %parallel_loop3A_1542 = vector.extract_strided_slice %parallel_loop3A_51 {offsets = [10], sizes = [1], strides = [1]} : vector<16xf32> to vector<1xf32>
        %parallel_loop3A_1543 = vector.extract %parallel_loop3A_1542[0] : f32 from vector<1xf32>
        %parallel_loop3A_1544 = vector.broadcast %parallel_loop3A_1543 : f32 to vector<16xf32>
        %parallel_loop3A_1545 = arith.mulf %parallel_loop3A_1541, %parallel_loop3A_1544 : vector<16xf32>
        %parallel_loop3A_1546 = arith.addf %parallel_loop3A_1538, %parallel_loop3A_1545 : vector<16xf32>
        %parallel_loop3A_1547 = arith.index_cast %parallel_loop3A_1463 : i32 to index
        %parallel_loop3A_1548 = arith.constant 32 : index
        %parallel_loop3A_1549 = tpu.vector_load %arg20[%parallel_loop3A_1547, %parallel_loop3A_1548] {strides = array<i32>} : memref<160x64xf32, #tpu.memory_space<vmem>>, vector<16xf32>,
        %parallel_loop3A_1550 = vector.extract_strided_slice %parallel_loop3A_55 {offsets = [10], sizes = [1], strides = [1]} : vector<16xf32> to vector<1xf32>
        %parallel_loop3A_1551 = vector.extract %parallel_loop3A_1550[0] : f32 from vector<1xf32>
        %parallel_loop3A_1552 = vector.broadcast %parallel_loop3A_1551 : f32 to vector<16xf32>
        %parallel_loop3A_1553 = arith.mulf %parallel_loop3A_1549, %parallel_loop3A_1552 : vector<16xf32>
        %parallel_loop3A_1554 = arith.addf %parallel_loop3A_1546, %parallel_loop3A_1553 : vector<16xf32>
        %parallel_loop3A_1555 = arith.index_cast %parallel_loop3A_1463 : i32 to index
        %parallel_loop3A_1556 = arith.constant 32 : index
        %parallel_loop3A_1557 = tpu.vector_load %arg21[%parallel_loop3A_1555, %parallel_loop3A_1556] {strides = array<i32>} : memref<160x64xf32, #tpu.memory_space<vmem>>, vector<16xf32>,
        %parallel_loop3A_1558 = vector.extract_strided_slice %parallel_loop3A_59 {offsets = [10], sizes = [1], strides = [1]} : vector<16xf32> to vector<1xf32>
        %parallel_loop3A_1559 = vector.extract %parallel_loop3A_1558[0] : f32 from vector<1xf32>
        %parallel_loop3A_1560 = vector.broadcast %parallel_loop3A_1559 : f32 to vector<16xf32>
        %parallel_loop3A_1561 = arith.mulf %parallel_loop3A_1557, %parallel_loop3A_1560 : vector<16xf32>
        %parallel_loop3A_1562 = arith.addf %parallel_loop3A_1554, %parallel_loop3A_1561 : vector<16xf32>
        %parallel_loop3A_1563 = arith.index_cast %parallel_loop3A_1463 : i32 to index
        %parallel_loop3A_1564 = arith.constant 32 : index
        %parallel_loop3A_1565 = tpu.vector_load %arg22[%parallel_loop3A_1563, %parallel_loop3A_1564] {strides = array<i32>} : memref<160x64xf32, #tpu.memory_space<vmem>>, vector<16xf32>,
        tpu.vector_store %arg22[%parallel_loop3A_1563, %parallel_loop3A_1564], %parallel_loop3A_1562 {strides = array<i32>} : memref<160x64xf32, #tpu.memory_space<vmem>>, vector<16xf32>,
        %parallel_loop3A_1566 = arith.index_cast %parallel_loop3A_1463 : i32 to index
        %parallel_loop3A_1567 = arith.constant 48 : index
        %parallel_loop3A_1568 = tpu.vector_load %arg18[%parallel_loop3A_1566, %parallel_loop3A_1567] {strides = array<i32>} : memref<160x64xf32, #tpu.memory_space<vmem>>, vector<16xf32>,
        %parallel_loop3A_1569 = vector.extract_strided_slice %parallel_loop3A_47 {offsets = [10], sizes = [1], strides = [1]} : vector<16xf32> to vector<1xf32>
        %parallel_loop3A_1570 = vector.extract %parallel_loop3A_1569[0] : f32 from vector<1xf32>
        %parallel_loop3A_1571 = vector.broadcast %parallel_loop3A_1570 : f32 to vector<16xf32>
        %parallel_loop3A_1572 = arith.mulf %parallel_loop3A_1568, %parallel_loop3A_1571 : vector<16xf32>
        %parallel_loop3A_1573 = arith.index_cast %parallel_loop3A_1463 : i32 to index
        %parallel_loop3A_1574 = arith.constant 48 : index
        %parallel_loop3A_1575 = tpu.vector_load %arg19[%parallel_loop3A_1573, %parallel_loop3A_1574] {strides = array<i32>} : memref<160x64xf32, #tpu.memory_space<vmem>>, vector<16xf32>,
        %parallel_loop3A_1576 = vector.extract_strided_slice %parallel_loop3A_51 {offsets = [10], sizes = [1], strides = [1]} : vector<16xf32> to vector<1xf32>
        %parallel_loop3A_1577 = vector.extract %parallel_loop3A_1576[0] : f32 from vector<1xf32>
        %parallel_loop3A_1578 = vector.broadcast %parallel_loop3A_1577 : f32 to vector<16xf32>
        %parallel_loop3A_1579 = arith.mulf %parallel_loop3A_1575, %parallel_loop3A_1578 : vector<16xf32>
        %parallel_loop3A_1580 = arith.addf %parallel_loop3A_1572, %parallel_loop3A_1579 : vector<16xf32>
        %parallel_loop3A_1581 = arith.index_cast %parallel_loop3A_1463 : i32 to index
        %parallel_loop3A_1582 = arith.constant 48 : index
        %parallel_loop3A_1583 = tpu.vector_load %arg20[%parallel_loop3A_1581, %parallel_loop3A_1582] {strides = array<i32>} : memref<160x64xf32, #tpu.memory_space<vmem>>, vector<16xf32>,
        %parallel_loop3A_1584 = vector.extract_strided_slice %parallel_loop3A_55 {offsets = [10], sizes = [1], strides = [1]} : vector<16xf32> to vector<1xf32>
        %parallel_loop3A_1585 = vector.extract %parallel_loop3A_1584[0] : f32 from vector<1xf32>
        %parallel_loop3A_1586 = vector.broadcast %parallel_loop3A_1585 : f32 to vector<16xf32>
        %parallel_loop3A_1587 = arith.mulf %parallel_loop3A_1583, %parallel_loop3A_1586 : vector<16xf32>
        %parallel_loop3A_1588 = arith.addf %parallel_loop3A_1580, %parallel_loop3A_1587 : vector<16xf32>
        %parallel_loop3A_1589 = arith.index_cast %parallel_loop3A_1463 : i32 to index
        %parallel_loop3A_1590 = arith.constant 48 : index
        %parallel_loop3A_1591 = tpu.vector_load %arg21[%parallel_loop3A_1589, %parallel_loop3A_1590] {strides = array<i32>} : memref<160x64xf32, #tpu.memory_space<vmem>>, vector<16xf32>,
        %parallel_loop3A_1592 = vector.extract_strided_slice %parallel_loop3A_59 {offsets = [10], sizes = [1], strides = [1]} : vector<16xf32> to vector<1xf32>
        %parallel_loop3A_1593 = vector.extract %parallel_loop3A_1592[0] : f32 from vector<1xf32>
        %parallel_loop3A_1594 = vector.broadcast %parallel_loop3A_1593 : f32 to vector<16xf32>
        %parallel_loop3A_1595 = arith.mulf %parallel_loop3A_1591, %parallel_loop3A_1594 : vector<16xf32>
        %parallel_loop3A_1596 = arith.addf %parallel_loop3A_1588, %parallel_loop3A_1595 : vector<16xf32>
        %parallel_loop3A_1597 = arith.index_cast %parallel_loop3A_1463 : i32 to index
        %parallel_loop3A_1598 = arith.constant 48 : index
        %parallel_loop3A_1599 = tpu.vector_load %arg22[%parallel_loop3A_1597, %parallel_loop3A_1598] {strides = array<i32>} : memref<160x64xf32, #tpu.memory_space<vmem>>, vector<16xf32>,
        tpu.vector_store %arg22[%parallel_loop3A_1597, %parallel_loop3A_1598], %parallel_loop3A_1596 {strides = array<i32>} : memref<160x64xf32, #tpu.memory_space<vmem>>, vector<16xf32>,
        %parallel_loop3A_1600 = arith.constant 16 : i32
        %parallel_loop3A_1601 = arith.muli %parallel_loop3A_41, %parallel_loop3A_1600 : i32
        %parallel_loop3A_1602 = arith.constant 11 : i32
        %parallel_loop3A_1603 = arith.addi %parallel_loop3A_1601, %parallel_loop3A_1602 : i32
        %parallel_loop3A_1604 = arith.index_cast %parallel_loop3A_1603 : i32 to index
        %parallel_loop3A_1605 = arith.constant 0 : index
        %parallel_loop3A_1606 = tpu.vector_load %arg18[%parallel_loop3A_1604, %parallel_loop3A_1605] {strides = array<i32>} : memref<160x64xf32, #tpu.memory_space<vmem>>, vector<16xf32>,
        %parallel_loop3A_1607 = vector.extract_strided_slice %parallel_loop3A_47 {offsets = [11], sizes = [1], strides = [1]} : vector<16xf32> to vector<1xf32>
        %parallel_loop3A_1608 = vector.extract %parallel_loop3A_1607[0] : f32 from vector<1xf32>
        %parallel_loop3A_1609 = vector.broadcast %parallel_loop3A_1608 : f32 to vector<16xf32>
        %parallel_loop3A_1610 = arith.mulf %parallel_loop3A_1606, %parallel_loop3A_1609 : vector<16xf32>
        %parallel_loop3A_1611 = arith.index_cast %parallel_loop3A_1603 : i32 to index
        %parallel_loop3A_1612 = arith.constant 0 : index
        %parallel_loop3A_1613 = tpu.vector_load %arg19[%parallel_loop3A_1611, %parallel_loop3A_1612] {strides = array<i32>} : memref<160x64xf32, #tpu.memory_space<vmem>>, vector<16xf32>,
        %parallel_loop3A_1614 = vector.extract_strided_slice %parallel_loop3A_51 {offsets = [11], sizes = [1], strides = [1]} : vector<16xf32> to vector<1xf32>
        %parallel_loop3A_1615 = vector.extract %parallel_loop3A_1614[0] : f32 from vector<1xf32>
        %parallel_loop3A_1616 = vector.broadcast %parallel_loop3A_1615 : f32 to vector<16xf32>
        %parallel_loop3A_1617 = arith.mulf %parallel_loop3A_1613, %parallel_loop3A_1616 : vector<16xf32>
        %parallel_loop3A_1618 = arith.addf %parallel_loop3A_1610, %parallel_loop3A_1617 : vector<16xf32>
        %parallel_loop3A_1619 = arith.index_cast %parallel_loop3A_1603 : i32 to index
        %parallel_loop3A_1620 = arith.constant 0 : index
        %parallel_loop3A_1621 = tpu.vector_load %arg20[%parallel_loop3A_1619, %parallel_loop3A_1620] {strides = array<i32>} : memref<160x64xf32, #tpu.memory_space<vmem>>, vector<16xf32>,
        %parallel_loop3A_1622 = vector.extract_strided_slice %parallel_loop3A_55 {offsets = [11], sizes = [1], strides = [1]} : vector<16xf32> to vector<1xf32>
        %parallel_loop3A_1623 = vector.extract %parallel_loop3A_1622[0] : f32 from vector<1xf32>
        %parallel_loop3A_1624 = vector.broadcast %parallel_loop3A_1623 : f32 to vector<16xf32>
        %parallel_loop3A_1625 = arith.mulf %parallel_loop3A_1621, %parallel_loop3A_1624 : vector<16xf32>
        %parallel_loop3A_1626 = arith.addf %parallel_loop3A_1618, %parallel_loop3A_1625 : vector<16xf32>
        %parallel_loop3A_1627 = arith.index_cast %parallel_loop3A_1603 : i32 to index
        %parallel_loop3A_1628 = arith.constant 0 : index
        %parallel_loop3A_1629 = tpu.vector_load %arg21[%parallel_loop3A_1627, %parallel_loop3A_1628] {strides = array<i32>} : memref<160x64xf32, #tpu.memory_space<vmem>>, vector<16xf32>,
        %parallel_loop3A_1630 = vector.extract_strided_slice %parallel_loop3A_59 {offsets = [11], sizes = [1], strides = [1]} : vector<16xf32> to vector<1xf32>
        %parallel_loop3A_1631 = vector.extract %parallel_loop3A_1630[0] : f32 from vector<1xf32>
        %parallel_loop3A_1632 = vector.broadcast %parallel_loop3A_1631 : f32 to vector<16xf32>
        %parallel_loop3A_1633 = arith.mulf %parallel_loop3A_1629, %parallel_loop3A_1632 : vector<16xf32>
        %parallel_loop3A_1634 = arith.addf %parallel_loop3A_1626, %parallel_loop3A_1633 : vector<16xf32>
        %parallel_loop3A_1635 = arith.index_cast %parallel_loop3A_1603 : i32 to index
        %parallel_loop3A_1636 = arith.constant 0 : index
        %parallel_loop3A_1637 = tpu.vector_load %arg22[%parallel_loop3A_1635, %parallel_loop3A_1636] {strides = array<i32>} : memref<160x64xf32, #tpu.memory_space<vmem>>, vector<16xf32>,
        tpu.vector_store %arg22[%parallel_loop3A_1635, %parallel_loop3A_1636], %parallel_loop3A_1634 {strides = array<i32>} : memref<160x64xf32, #tpu.memory_space<vmem>>, vector<16xf32>,
        %parallel_loop3A_1638 = arith.index_cast %parallel_loop3A_1603 : i32 to index
        %parallel_loop3A_1639 = arith.constant 16 : index
        %parallel_loop3A_1640 = tpu.vector_load %arg18[%parallel_loop3A_1638, %parallel_loop3A_1639] {strides = array<i32>} : memref<160x64xf32, #tpu.memory_space<vmem>>, vector<16xf32>,
        %parallel_loop3A_1641 = vector.extract_strided_slice %parallel_loop3A_47 {offsets = [11], sizes = [1], strides = [1]} : vector<16xf32> to vector<1xf32>
        %parallel_loop3A_1642 = vector.extract %parallel_loop3A_1641[0] : f32 from vector<1xf32>
        %parallel_loop3A_1643 = vector.broadcast %parallel_loop3A_1642 : f32 to vector<16xf32>
        %parallel_loop3A_1644 = arith.mulf %parallel_loop3A_1640, %parallel_loop3A_1643 : vector<16xf32>
        %parallel_loop3A_1645 = arith.index_cast %parallel_loop3A_1603 : i32 to index
        %parallel_loop3A_1646 = arith.constant 16 : index
        %parallel_loop3A_1647 = tpu.vector_load %arg19[%parallel_loop3A_1645, %parallel_loop3A_1646] {strides = array<i32>} : memref<160x64xf32, #tpu.memory_space<vmem>>, vector<16xf32>,
        %parallel_loop3A_1648 = vector.extract_strided_slice %parallel_loop3A_51 {offsets = [11], sizes = [1], strides = [1]} : vector<16xf32> to vector<1xf32>
        %parallel_loop3A_1649 = vector.extract %parallel_loop3A_1648[0] : f32 from vector<1xf32>
        %parallel_loop3A_1650 = vector.broadcast %parallel_loop3A_1649 : f32 to vector<16xf32>
        %parallel_loop3A_1651 = arith.mulf %parallel_loop3A_1647, %parallel_loop3A_1650 : vector<16xf32>
        %parallel_loop3A_1652 = arith.addf %parallel_loop3A_1644, %parallel_loop3A_1651 : vector<16xf32>
        %parallel_loop3A_1653 = arith.index_cast %parallel_loop3A_1603 : i32 to index
        %parallel_loop3A_1654 = arith.constant 16 : index
        %parallel_loop3A_1655 = tpu.vector_load %arg20[%parallel_loop3A_1653, %parallel_loop3A_1654] {strides = array<i32>} : memref<160x64xf32, #tpu.memory_space<vmem>>, vector<16xf32>,
        %parallel_loop3A_1656 = vector.extract_strided_slice %parallel_loop3A_55 {offsets = [11], sizes = [1], strides = [1]} : vector<16xf32> to vector<1xf32>
        %parallel_loop3A_1657 = vector.extract %parallel_loop3A_1656[0] : f32 from vector<1xf32>
        %parallel_loop3A_1658 = vector.broadcast %parallel_loop3A_1657 : f32 to vector<16xf32>
        %parallel_loop3A_1659 = arith.mulf %parallel_loop3A_1655, %parallel_loop3A_1658 : vector<16xf32>
        %parallel_loop3A_1660 = arith.addf %parallel_loop3A_1652, %parallel_loop3A_1659 : vector<16xf32>
        %parallel_loop3A_1661 = arith.index_cast %parallel_loop3A_1603 : i32 to index
        %parallel_loop3A_1662 = arith.constant 16 : index
        %parallel_loop3A_1663 = tpu.vector_load %arg21[%parallel_loop3A_1661, %parallel_loop3A_1662] {strides = array<i32>} : memref<160x64xf32, #tpu.memory_space<vmem>>, vector<16xf32>,
        %parallel_loop3A_1664 = vector.extract_strided_slice %parallel_loop3A_59 {offsets = [11], sizes = [1], strides = [1]} : vector<16xf32> to vector<1xf32>
        %parallel_loop3A_1665 = vector.extract %parallel_loop3A_1664[0] : f32 from vector<1xf32>
        %parallel_loop3A_1666 = vector.broadcast %parallel_loop3A_1665 : f32 to vector<16xf32>
        %parallel_loop3A_1667 = arith.mulf %parallel_loop3A_1663, %parallel_loop3A_1666 : vector<16xf32>
        %parallel_loop3A_1668 = arith.addf %parallel_loop3A_1660, %parallel_loop3A_1667 : vector<16xf32>
        %parallel_loop3A_1669 = arith.index_cast %parallel_loop3A_1603 : i32 to index
        %parallel_loop3A_1670 = arith.constant 16 : index
        %parallel_loop3A_1671 = tpu.vector_load %arg22[%parallel_loop3A_1669, %parallel_loop3A_1670] {strides = array<i32>} : memref<160x64xf32, #tpu.memory_space<vmem>>, vector<16xf32>,
        tpu.vector_store %arg22[%parallel_loop3A_1669, %parallel_loop3A_1670], %parallel_loop3A_1668 {strides = array<i32>} : memref<160x64xf32, #tpu.memory_space<vmem>>, vector<16xf32>,
        %parallel_loop3A_1672 = arith.index_cast %parallel_loop3A_1603 : i32 to index
        %parallel_loop3A_1673 = arith.constant 32 : index
        %parallel_loop3A_1674 = tpu.vector_load %arg18[%parallel_loop3A_1672, %parallel_loop3A_1673] {strides = array<i32>} : memref<160x64xf32, #tpu.memory_space<vmem>>, vector<16xf32>,
        %parallel_loop3A_1675 = vector.extract_strided_slice %parallel_loop3A_47 {offsets = [11], sizes = [1], strides = [1]} : vector<16xf32> to vector<1xf32>
        %parallel_loop3A_1676 = vector.extract %parallel_loop3A_1675[0] : f32 from vector<1xf32>
        %parallel_loop3A_1677 = vector.broadcast %parallel_loop3A_1676 : f32 to vector<16xf32>
        %parallel_loop3A_1678 = arith.mulf %parallel_loop3A_1674, %parallel_loop3A_1677 : vector<16xf32>
        %parallel_loop3A_1679 = arith.index_cast %parallel_loop3A_1603 : i32 to index
        %parallel_loop3A_1680 = arith.constant 32 : index
        %parallel_loop3A_1681 = tpu.vector_load %arg19[%parallel_loop3A_1679, %parallel_loop3A_1680] {strides = array<i32>} : memref<160x64xf32, #tpu.memory_space<vmem>>, vector<16xf32>,
        %parallel_loop3A_1682 = vector.extract_strided_slice %parallel_loop3A_51 {offsets = [11], sizes = [1], strides = [1]} : vector<16xf32> to vector<1xf32>
        %parallel_loop3A_1683 = vector.extract %parallel_loop3A_1682[0] : f32 from vector<1xf32>
        %parallel_loop3A_1684 = vector.broadcast %parallel_loop3A_1683 : f32 to vector<16xf32>
        %parallel_loop3A_1685 = arith.mulf %parallel_loop3A_1681, %parallel_loop3A_1684 : vector<16xf32>
        %parallel_loop3A_1686 = arith.addf %parallel_loop3A_1678, %parallel_loop3A_1685 : vector<16xf32>
        %parallel_loop3A_1687 = arith.index_cast %parallel_loop3A_1603 : i32 to index
        %parallel_loop3A_1688 = arith.constant 32 : index
        %parallel_loop3A_1689 = tpu.vector_load %arg20[%parallel_loop3A_1687, %parallel_loop3A_1688] {strides = array<i32>} : memref<160x64xf32, #tpu.memory_space<vmem>>, vector<16xf32>,
        %parallel_loop3A_1690 = vector.extract_strided_slice %parallel_loop3A_55 {offsets = [11], sizes = [1], strides = [1]} : vector<16xf32> to vector<1xf32>
        %parallel_loop3A_1691 = vector.extract %parallel_loop3A_1690[0] : f32 from vector<1xf32>
        %parallel_loop3A_1692 = vector.broadcast %parallel_loop3A_1691 : f32 to vector<16xf32>
        %parallel_loop3A_1693 = arith.mulf %parallel_loop3A_1689, %parallel_loop3A_1692 : vector<16xf32>
        %parallel_loop3A_1694 = arith.addf %parallel_loop3A_1686, %parallel_loop3A_1693 : vector<16xf32>
        %parallel_loop3A_1695 = arith.index_cast %parallel_loop3A_1603 : i32 to index
        %parallel_loop3A_1696 = arith.constant 32 : index
        %parallel_loop3A_1697 = tpu.vector_load %arg21[%parallel_loop3A_1695, %parallel_loop3A_1696] {strides = array<i32>} : memref<160x64xf32, #tpu.memory_space<vmem>>, vector<16xf32>,
        %parallel_loop3A_1698 = vector.extract_strided_slice %parallel_loop3A_59 {offsets = [11], sizes = [1], strides = [1]} : vector<16xf32> to vector<1xf32>
        %parallel_loop3A_1699 = vector.extract %parallel_loop3A_1698[0] : f32 from vector<1xf32>
        %parallel_loop3A_1700 = vector.broadcast %parallel_loop3A_1699 : f32 to vector<16xf32>
        %parallel_loop3A_1701 = arith.mulf %parallel_loop3A_1697, %parallel_loop3A_1700 : vector<16xf32>
        %parallel_loop3A_1702 = arith.addf %parallel_loop3A_1694, %parallel_loop3A_1701 : vector<16xf32>
        %parallel_loop3A_1703 = arith.index_cast %parallel_loop3A_1603 : i32 to index
        %parallel_loop3A_1704 = arith.constant 32 : index
        %parallel_loop3A_1705 = tpu.vector_load %arg22[%parallel_loop3A_1703, %parallel_loop3A_1704] {strides = array<i32>} : memref<160x64xf32, #tpu.memory_space<vmem>>, vector<16xf32>,
        tpu.vector_store %arg22[%parallel_loop3A_1703, %parallel_loop3A_1704], %parallel_loop3A_1702 {strides = array<i32>} : memref<160x64xf32, #tpu.memory_space<vmem>>, vector<16xf32>,
        %parallel_loop3A_1706 = arith.index_cast %parallel_loop3A_1603 : i32 to index
        %parallel_loop3A_1707 = arith.constant 48 : index
        %parallel_loop3A_1708 = tpu.vector_load %arg18[%parallel_loop3A_1706, %parallel_loop3A_1707] {strides = array<i32>} : memref<160x64xf32, #tpu.memory_space<vmem>>, vector<16xf32>,
        %parallel_loop3A_1709 = vector.extract_strided_slice %parallel_loop3A_47 {offsets = [11], sizes = [1], strides = [1]} : vector<16xf32> to vector<1xf32>
        %parallel_loop3A_1710 = vector.extract %parallel_loop3A_1709[0] : f32 from vector<1xf32>
        %parallel_loop3A_1711 = vector.broadcast %parallel_loop3A_1710 : f32 to vector<16xf32>
        %parallel_loop3A_1712 = arith.mulf %parallel_loop3A_1708, %parallel_loop3A_1711 : vector<16xf32>
        %parallel_loop3A_1713 = arith.index_cast %parallel_loop3A_1603 : i32 to index
        %parallel_loop3A_1714 = arith.constant 48 : index
        %parallel_loop3A_1715 = tpu.vector_load %arg19[%parallel_loop3A_1713, %parallel_loop3A_1714] {strides = array<i32>} : memref<160x64xf32, #tpu.memory_space<vmem>>, vector<16xf32>,
        %parallel_loop3A_1716 = vector.extract_strided_slice %parallel_loop3A_51 {offsets = [11], sizes = [1], strides = [1]} : vector<16xf32> to vector<1xf32>
        %parallel_loop3A_1717 = vector.extract %parallel_loop3A_1716[0] : f32 from vector<1xf32>
        %parallel_loop3A_1718 = vector.broadcast %parallel_loop3A_1717 : f32 to vector<16xf32>
        %parallel_loop3A_1719 = arith.mulf %parallel_loop3A_1715, %parallel_loop3A_1718 : vector<16xf32>
        %parallel_loop3A_1720 = arith.addf %parallel_loop3A_1712, %parallel_loop3A_1719 : vector<16xf32>
        %parallel_loop3A_1721 = arith.index_cast %parallel_loop3A_1603 : i32 to index
        %parallel_loop3A_1722 = arith.constant 48 : index
        %parallel_loop3A_1723 = tpu.vector_load %arg20[%parallel_loop3A_1721, %parallel_loop3A_1722] {strides = array<i32>} : memref<160x64xf32, #tpu.memory_space<vmem>>, vector<16xf32>,
        %parallel_loop3A_1724 = vector.extract_strided_slice %parallel_loop3A_55 {offsets = [11], sizes = [1], strides = [1]} : vector<16xf32> to vector<1xf32>
        %parallel_loop3A_1725 = vector.extract %parallel_loop3A_1724[0] : f32 from vector<1xf32>
        %parallel_loop3A_1726 = vector.broadcast %parallel_loop3A_1725 : f32 to vector<16xf32>
        %parallel_loop3A_1727 = arith.mulf %parallel_loop3A_1723, %parallel_loop3A_1726 : vector<16xf32>
        %parallel_loop3A_1728 = arith.addf %parallel_loop3A_1720, %parallel_loop3A_1727 : vector<16xf32>
        %parallel_loop3A_1729 = arith.index_cast %parallel_loop3A_1603 : i32 to index
        %parallel_loop3A_1730 = arith.constant 48 : index
        %parallel_loop3A_1731 = tpu.vector_load %arg21[%parallel_loop3A_1729, %parallel_loop3A_1730] {strides = array<i32>} : memref<160x64xf32, #tpu.memory_space<vmem>>, vector<16xf32>,
        %parallel_loop3A_1732 = vector.extract_strided_slice %parallel_loop3A_59 {offsets = [11], sizes = [1], strides = [1]} : vector<16xf32> to vector<1xf32>
        %parallel_loop3A_1733 = vector.extract %parallel_loop3A_1732[0] : f32 from vector<1xf32>
        %parallel_loop3A_1734 = vector.broadcast %parallel_loop3A_1733 : f32 to vector<16xf32>
        %parallel_loop3A_1735 = arith.mulf %parallel_loop3A_1731, %parallel_loop3A_1734 : vector<16xf32>
        %parallel_loop3A_1736 = arith.addf %parallel_loop3A_1728, %parallel_loop3A_1735 : vector<16xf32>
        %parallel_loop3A_1737 = arith.index_cast %parallel_loop3A_1603 : i32 to index
        %parallel_loop3A_1738 = arith.constant 48 : index
        %parallel_loop3A_1739 = tpu.vector_load %arg22[%parallel_loop3A_1737, %parallel_loop3A_1738] {strides = array<i32>} : memref<160x64xf32, #tpu.memory_space<vmem>>, vector<16xf32>,
        tpu.vector_store %arg22[%parallel_loop3A_1737, %parallel_loop3A_1738], %parallel_loop3A_1736 {strides = array<i32>} : memref<160x64xf32, #tpu.memory_space<vmem>>, vector<16xf32>,
        %parallel_loop3A_1740 = arith.constant 16 : i32
        %parallel_loop3A_1741 = arith.muli %parallel_loop3A_41, %parallel_loop3A_1740 : i32
        %parallel_loop3A_1742 = arith.constant 12 : i32
        %parallel_loop3A_1743 = arith.addi %parallel_loop3A_1741, %parallel_loop3A_1742 : i32
        %parallel_loop3A_1744 = arith.index_cast %parallel_loop3A_1743 : i32 to index
        %parallel_loop3A_1745 = arith.constant 0 : index
        %parallel_loop3A_1746 = tpu.vector_load %arg18[%parallel_loop3A_1744, %parallel_loop3A_1745] {strides = array<i32>} : memref<160x64xf32, #tpu.memory_space<vmem>>, vector<16xf32>,
        %parallel_loop3A_1747 = vector.extract_strided_slice %parallel_loop3A_47 {offsets = [12], sizes = [1], strides = [1]} : vector<16xf32> to vector<1xf32>
        %parallel_loop3A_1748 = vector.extract %parallel_loop3A_1747[0] : f32 from vector<1xf32>
        %parallel_loop3A_1749 = vector.broadcast %parallel_loop3A_1748 : f32 to vector<16xf32>
        %parallel_loop3A_1750 = arith.mulf %parallel_loop3A_1746, %parallel_loop3A_1749 : vector<16xf32>
        %parallel_loop3A_1751 = arith.index_cast %parallel_loop3A_1743 : i32 to index
        %parallel_loop3A_1752 = arith.constant 0 : index
        %parallel_loop3A_1753 = tpu.vector_load %arg19[%parallel_loop3A_1751, %parallel_loop3A_1752] {strides = array<i32>} : memref<160x64xf32, #tpu.memory_space<vmem>>, vector<16xf32>,
        %parallel_loop3A_1754 = vector.extract_strided_slice %parallel_loop3A_51 {offsets = [12], sizes = [1], strides = [1]} : vector<16xf32> to vector<1xf32>
        %parallel_loop3A_1755 = vector.extract %parallel_loop3A_1754[0] : f32 from vector<1xf32>
        %parallel_loop3A_1756 = vector.broadcast %parallel_loop3A_1755 : f32 to vector<16xf32>
        %parallel_loop3A_1757 = arith.mulf %parallel_loop3A_1753, %parallel_loop3A_1756 : vector<16xf32>
        %parallel_loop3A_1758 = arith.addf %parallel_loop3A_1750, %parallel_loop3A_1757 : vector<16xf32>
        %parallel_loop3A_1759 = arith.index_cast %parallel_loop3A_1743 : i32 to index
        %parallel_loop3A_1760 = arith.constant 0 : index
        %parallel_loop3A_1761 = tpu.vector_load %arg20[%parallel_loop3A_1759, %parallel_loop3A_1760] {strides = array<i32>} : memref<160x64xf32, #tpu.memory_space<vmem>>, vector<16xf32>,
        %parallel_loop3A_1762 = vector.extract_strided_slice %parallel_loop3A_55 {offsets = [12], sizes = [1], strides = [1]} : vector<16xf32> to vector<1xf32>
        %parallel_loop3A_1763 = vector.extract %parallel_loop3A_1762[0] : f32 from vector<1xf32>
        %parallel_loop3A_1764 = vector.broadcast %parallel_loop3A_1763 : f32 to vector<16xf32>
        %parallel_loop3A_1765 = arith.mulf %parallel_loop3A_1761, %parallel_loop3A_1764 : vector<16xf32>
        %parallel_loop3A_1766 = arith.addf %parallel_loop3A_1758, %parallel_loop3A_1765 : vector<16xf32>
        %parallel_loop3A_1767 = arith.index_cast %parallel_loop3A_1743 : i32 to index
        %parallel_loop3A_1768 = arith.constant 0 : index
        %parallel_loop3A_1769 = tpu.vector_load %arg21[%parallel_loop3A_1767, %parallel_loop3A_1768] {strides = array<i32>} : memref<160x64xf32, #tpu.memory_space<vmem>>, vector<16xf32>,
        %parallel_loop3A_1770 = vector.extract_strided_slice %parallel_loop3A_59 {offsets = [12], sizes = [1], strides = [1]} : vector<16xf32> to vector<1xf32>
        %parallel_loop3A_1771 = vector.extract %parallel_loop3A_1770[0] : f32 from vector<1xf32>
        %parallel_loop3A_1772 = vector.broadcast %parallel_loop3A_1771 : f32 to vector<16xf32>
        %parallel_loop3A_1773 = arith.mulf %parallel_loop3A_1769, %parallel_loop3A_1772 : vector<16xf32>
        %parallel_loop3A_1774 = arith.addf %parallel_loop3A_1766, %parallel_loop3A_1773 : vector<16xf32>
        %parallel_loop3A_1775 = arith.index_cast %parallel_loop3A_1743 : i32 to index
        %parallel_loop3A_1776 = arith.constant 0 : index
        %parallel_loop3A_1777 = tpu.vector_load %arg22[%parallel_loop3A_1775, %parallel_loop3A_1776] {strides = array<i32>} : memref<160x64xf32, #tpu.memory_space<vmem>>, vector<16xf32>,
        tpu.vector_store %arg22[%parallel_loop3A_1775, %parallel_loop3A_1776], %parallel_loop3A_1774 {strides = array<i32>} : memref<160x64xf32, #tpu.memory_space<vmem>>, vector<16xf32>,
        %parallel_loop3A_1778 = arith.index_cast %parallel_loop3A_1743 : i32 to index
        %parallel_loop3A_1779 = arith.constant 16 : index
        %parallel_loop3A_1780 = tpu.vector_load %arg18[%parallel_loop3A_1778, %parallel_loop3A_1779] {strides = array<i32>} : memref<160x64xf32, #tpu.memory_space<vmem>>, vector<16xf32>,
        %parallel_loop3A_1781 = vector.extract_strided_slice %parallel_loop3A_47 {offsets = [12], sizes = [1], strides = [1]} : vector<16xf32> to vector<1xf32>
        %parallel_loop3A_1782 = vector.extract %parallel_loop3A_1781[0] : f32 from vector<1xf32>
        %parallel_loop3A_1783 = vector.broadcast %parallel_loop3A_1782 : f32 to vector<16xf32>
        %parallel_loop3A_1784 = arith.mulf %parallel_loop3A_1780, %parallel_loop3A_1783 : vector<16xf32>
        %parallel_loop3A_1785 = arith.index_cast %parallel_loop3A_1743 : i32 to index
        %parallel_loop3A_1786 = arith.constant 16 : index
        %parallel_loop3A_1787 = tpu.vector_load %arg19[%parallel_loop3A_1785, %parallel_loop3A_1786] {strides = array<i32>} : memref<160x64xf32, #tpu.memory_space<vmem>>, vector<16xf32>,
        %parallel_loop3A_1788 = vector.extract_strided_slice %parallel_loop3A_51 {offsets = [12], sizes = [1], strides = [1]} : vector<16xf32> to vector<1xf32>
        %parallel_loop3A_1789 = vector.extract %parallel_loop3A_1788[0] : f32 from vector<1xf32>
        %parallel_loop3A_1790 = vector.broadcast %parallel_loop3A_1789 : f32 to vector<16xf32>
        %parallel_loop3A_1791 = arith.mulf %parallel_loop3A_1787, %parallel_loop3A_1790 : vector<16xf32>
        %parallel_loop3A_1792 = arith.addf %parallel_loop3A_1784, %parallel_loop3A_1791 : vector<16xf32>
        %parallel_loop3A_1793 = arith.index_cast %parallel_loop3A_1743 : i32 to index
        %parallel_loop3A_1794 = arith.constant 16 : index
        %parallel_loop3A_1795 = tpu.vector_load %arg20[%parallel_loop3A_1793, %parallel_loop3A_1794] {strides = array<i32>} : memref<160x64xf32, #tpu.memory_space<vmem>>, vector<16xf32>,
        %parallel_loop3A_1796 = vector.extract_strided_slice %parallel_loop3A_55 {offsets = [12], sizes = [1], strides = [1]} : vector<16xf32> to vector<1xf32>
        %parallel_loop3A_1797 = vector.extract %parallel_loop3A_1796[0] : f32 from vector<1xf32>
        %parallel_loop3A_1798 = vector.broadcast %parallel_loop3A_1797 : f32 to vector<16xf32>
        %parallel_loop3A_1799 = arith.mulf %parallel_loop3A_1795, %parallel_loop3A_1798 : vector<16xf32>
        %parallel_loop3A_1800 = arith.addf %parallel_loop3A_1792, %parallel_loop3A_1799 : vector<16xf32>
        %parallel_loop3A_1801 = arith.index_cast %parallel_loop3A_1743 : i32 to index
        %parallel_loop3A_1802 = arith.constant 16 : index
        %parallel_loop3A_1803 = tpu.vector_load %arg21[%parallel_loop3A_1801, %parallel_loop3A_1802] {strides = array<i32>} : memref<160x64xf32, #tpu.memory_space<vmem>>, vector<16xf32>,
        %parallel_loop3A_1804 = vector.extract_strided_slice %parallel_loop3A_59 {offsets = [12], sizes = [1], strides = [1]} : vector<16xf32> to vector<1xf32>
        %parallel_loop3A_1805 = vector.extract %parallel_loop3A_1804[0] : f32 from vector<1xf32>
        %parallel_loop3A_1806 = vector.broadcast %parallel_loop3A_1805 : f32 to vector<16xf32>
        %parallel_loop3A_1807 = arith.mulf %parallel_loop3A_1803, %parallel_loop3A_1806 : vector<16xf32>
        %parallel_loop3A_1808 = arith.addf %parallel_loop3A_1800, %parallel_loop3A_1807 : vector<16xf32>
        %parallel_loop3A_1809 = arith.index_cast %parallel_loop3A_1743 : i32 to index
        %parallel_loop3A_1810 = arith.constant 16 : index
        %parallel_loop3A_1811 = tpu.vector_load %arg22[%parallel_loop3A_1809, %parallel_loop3A_1810] {strides = array<i32>} : memref<160x64xf32, #tpu.memory_space<vmem>>, vector<16xf32>,
        tpu.vector_store %arg22[%parallel_loop3A_1809, %parallel_loop3A_1810], %parallel_loop3A_1808 {strides = array<i32>} : memref<160x64xf32, #tpu.memory_space<vmem>>, vector<16xf32>,
        %parallel_loop3A_1812 = arith.index_cast %parallel_loop3A_1743 : i32 to index
        %parallel_loop3A_1813 = arith.constant 32 : index
        %parallel_loop3A_1814 = tpu.vector_load %arg18[%parallel_loop3A_1812, %parallel_loop3A_1813] {strides = array<i32>} : memref<160x64xf32, #tpu.memory_space<vmem>>, vector<16xf32>,
        %parallel_loop3A_1815 = vector.extract_strided_slice %parallel_loop3A_47 {offsets = [12], sizes = [1], strides = [1]} : vector<16xf32> to vector<1xf32>
        %parallel_loop3A_1816 = vector.extract %parallel_loop3A_1815[0] : f32 from vector<1xf32>
        %parallel_loop3A_1817 = vector.broadcast %parallel_loop3A_1816 : f32 to vector<16xf32>
        %parallel_loop3A_1818 = arith.mulf %parallel_loop3A_1814, %parallel_loop3A_1817 : vector<16xf32>
        %parallel_loop3A_1819 = arith.index_cast %parallel_loop3A_1743 : i32 to index
        %parallel_loop3A_1820 = arith.constant 32 : index
        %parallel_loop3A_1821 = tpu.vector_load %arg19[%parallel_loop3A_1819, %parallel_loop3A_1820] {strides = array<i32>} : memref<160x64xf32, #tpu.memory_space<vmem>>, vector<16xf32>,
        %parallel_loop3A_1822 = vector.extract_strided_slice %parallel_loop3A_51 {offsets = [12], sizes = [1], strides = [1]} : vector<16xf32> to vector<1xf32>
        %parallel_loop3A_1823 = vector.extract %parallel_loop3A_1822[0] : f32 from vector<1xf32>
        %parallel_loop3A_1824 = vector.broadcast %parallel_loop3A_1823 : f32 to vector<16xf32>
        %parallel_loop3A_1825 = arith.mulf %parallel_loop3A_1821, %parallel_loop3A_1824 : vector<16xf32>
        %parallel_loop3A_1826 = arith.addf %parallel_loop3A_1818, %parallel_loop3A_1825 : vector<16xf32>
        %parallel_loop3A_1827 = arith.index_cast %parallel_loop3A_1743 : i32 to index
        %parallel_loop3A_1828 = arith.constant 32 : index
        %parallel_loop3A_1829 = tpu.vector_load %arg20[%parallel_loop3A_1827, %parallel_loop3A_1828] {strides = array<i32>} : memref<160x64xf32, #tpu.memory_space<vmem>>, vector<16xf32>,
        %parallel_loop3A_1830 = vector.extract_strided_slice %parallel_loop3A_55 {offsets = [12], sizes = [1], strides = [1]} : vector<16xf32> to vector<1xf32>
        %parallel_loop3A_1831 = vector.extract %parallel_loop3A_1830[0] : f32 from vector<1xf32>
        %parallel_loop3A_1832 = vector.broadcast %parallel_loop3A_1831 : f32 to vector<16xf32>
        %parallel_loop3A_1833 = arith.mulf %parallel_loop3A_1829, %parallel_loop3A_1832 : vector<16xf32>
        %parallel_loop3A_1834 = arith.addf %parallel_loop3A_1826, %parallel_loop3A_1833 : vector<16xf32>
        %parallel_loop3A_1835 = arith.index_cast %parallel_loop3A_1743 : i32 to index
        %parallel_loop3A_1836 = arith.constant 32 : index
        %parallel_loop3A_1837 = tpu.vector_load %arg21[%parallel_loop3A_1835, %parallel_loop3A_1836] {strides = array<i32>} : memref<160x64xf32, #tpu.memory_space<vmem>>, vector<16xf32>,
        %parallel_loop3A_1838 = vector.extract_strided_slice %parallel_loop3A_59 {offsets = [12], sizes = [1], strides = [1]} : vector<16xf32> to vector<1xf32>
        %parallel_loop3A_1839 = vector.extract %parallel_loop3A_1838[0] : f32 from vector<1xf32>
        %parallel_loop3A_1840 = vector.broadcast %parallel_loop3A_1839 : f32 to vector<16xf32>
        %parallel_loop3A_1841 = arith.mulf %parallel_loop3A_1837, %parallel_loop3A_1840 : vector<16xf32>
        %parallel_loop3A_1842 = arith.addf %parallel_loop3A_1834, %parallel_loop3A_1841 : vector<16xf32>
        %parallel_loop3A_1843 = arith.index_cast %parallel_loop3A_1743 : i32 to index
        %parallel_loop3A_1844 = arith.constant 32 : index
        %parallel_loop3A_1845 = tpu.vector_load %arg22[%parallel_loop3A_1843, %parallel_loop3A_1844] {strides = array<i32>} : memref<160x64xf32, #tpu.memory_space<vmem>>, vector<16xf32>,
        tpu.vector_store %arg22[%parallel_loop3A_1843, %parallel_loop3A_1844], %parallel_loop3A_1842 {strides = array<i32>} : memref<160x64xf32, #tpu.memory_space<vmem>>, vector<16xf32>,
        %parallel_loop3A_1846 = arith.index_cast %parallel_loop3A_1743 : i32 to index
        %parallel_loop3A_1847 = arith.constant 48 : index
        %parallel_loop3A_1848 = tpu.vector_load %arg18[%parallel_loop3A_1846, %parallel_loop3A_1847] {strides = array<i32>} : memref<160x64xf32, #tpu.memory_space<vmem>>, vector<16xf32>,
        %parallel_loop3A_1849 = vector.extract_strided_slice %parallel_loop3A_47 {offsets = [12], sizes = [1], strides = [1]} : vector<16xf32> to vector<1xf32>
        %parallel_loop3A_1850 = vector.extract %parallel_loop3A_1849[0] : f32 from vector<1xf32>
        %parallel_loop3A_1851 = vector.broadcast %parallel_loop3A_1850 : f32 to vector<16xf32>
        %parallel_loop3A_1852 = arith.mulf %parallel_loop3A_1848, %parallel_loop3A_1851 : vector<16xf32>
        %parallel_loop3A_1853 = arith.index_cast %parallel_loop3A_1743 : i32 to index
        %parallel_loop3A_1854 = arith.constant 48 : index
        %parallel_loop3A_1855 = tpu.vector_load %arg19[%parallel_loop3A_1853, %parallel_loop3A_1854] {strides = array<i32>} : memref<160x64xf32, #tpu.memory_space<vmem>>, vector<16xf32>,
        %parallel_loop3A_1856 = vector.extract_strided_slice %parallel_loop3A_51 {offsets = [12], sizes = [1], strides = [1]} : vector<16xf32> to vector<1xf32>
        %parallel_loop3A_1857 = vector.extract %parallel_loop3A_1856[0] : f32 from vector<1xf32>
        %parallel_loop3A_1858 = vector.broadcast %parallel_loop3A_1857 : f32 to vector<16xf32>
        %parallel_loop3A_1859 = arith.mulf %parallel_loop3A_1855, %parallel_loop3A_1858 : vector<16xf32>
        %parallel_loop3A_1860 = arith.addf %parallel_loop3A_1852, %parallel_loop3A_1859 : vector<16xf32>
        %parallel_loop3A_1861 = arith.index_cast %parallel_loop3A_1743 : i32 to index
        %parallel_loop3A_1862 = arith.constant 48 : index
        %parallel_loop3A_1863 = tpu.vector_load %arg20[%parallel_loop3A_1861, %parallel_loop3A_1862] {strides = array<i32>} : memref<160x64xf32, #tpu.memory_space<vmem>>, vector<16xf32>,
        %parallel_loop3A_1864 = vector.extract_strided_slice %parallel_loop3A_55 {offsets = [12], sizes = [1], strides = [1]} : vector<16xf32> to vector<1xf32>
        %parallel_loop3A_1865 = vector.extract %parallel_loop3A_1864[0] : f32 from vector<1xf32>
        %parallel_loop3A_1866 = vector.broadcast %parallel_loop3A_1865 : f32 to vector<16xf32>
        %parallel_loop3A_1867 = arith.mulf %parallel_loop3A_1863, %parallel_loop3A_1866 : vector<16xf32>
        %parallel_loop3A_1868 = arith.addf %parallel_loop3A_1860, %parallel_loop3A_1867 : vector<16xf32>
        %parallel_loop3A_1869 = arith.index_cast %parallel_loop3A_1743 : i32 to index
        %parallel_loop3A_1870 = arith.constant 48 : index
        %parallel_loop3A_1871 = tpu.vector_load %arg21[%parallel_loop3A_1869, %parallel_loop3A_1870] {strides = array<i32>} : memref<160x64xf32, #tpu.memory_space<vmem>>, vector<16xf32>,
        %parallel_loop3A_1872 = vector.extract_strided_slice %parallel_loop3A_59 {offsets = [12], sizes = [1], strides = [1]} : vector<16xf32> to vector<1xf32>
        %parallel_loop3A_1873 = vector.extract %parallel_loop3A_1872[0] : f32 from vector<1xf32>
        %parallel_loop3A_1874 = vector.broadcast %parallel_loop3A_1873 : f32 to vector<16xf32>
        %parallel_loop3A_1875 = arith.mulf %parallel_loop3A_1871, %parallel_loop3A_1874 : vector<16xf32>
        %parallel_loop3A_1876 = arith.addf %parallel_loop3A_1868, %parallel_loop3A_1875 : vector<16xf32>
        %parallel_loop3A_1877 = arith.index_cast %parallel_loop3A_1743 : i32 to index
        %parallel_loop3A_1878 = arith.constant 48 : index
        %parallel_loop3A_1879 = tpu.vector_load %arg22[%parallel_loop3A_1877, %parallel_loop3A_1878] {strides = array<i32>} : memref<160x64xf32, #tpu.memory_space<vmem>>, vector<16xf32>,
        tpu.vector_store %arg22[%parallel_loop3A_1877, %parallel_loop3A_1878], %parallel_loop3A_1876 {strides = array<i32>} : memref<160x64xf32, #tpu.memory_space<vmem>>, vector<16xf32>,
        %parallel_loop3A_1880 = arith.constant 16 : i32
        %parallel_loop3A_1881 = arith.muli %parallel_loop3A_41, %parallel_loop3A_1880 : i32
        %parallel_loop3A_1882 = arith.constant 13 : i32
        %parallel_loop3A_1883 = arith.addi %parallel_loop3A_1881, %parallel_loop3A_1882 : i32
        %parallel_loop3A_1884 = arith.index_cast %parallel_loop3A_1883 : i32 to index
        %parallel_loop3A_1885 = arith.constant 0 : index
        %parallel_loop3A_1886 = tpu.vector_load %arg18[%parallel_loop3A_1884, %parallel_loop3A_1885] {strides = array<i32>} : memref<160x64xf32, #tpu.memory_space<vmem>>, vector<16xf32>,
        %parallel_loop3A_1887 = vector.extract_strided_slice %parallel_loop3A_47 {offsets = [13], sizes = [1], strides = [1]} : vector<16xf32> to vector<1xf32>
        %parallel_loop3A_1888 = vector.extract %parallel_loop3A_1887[0] : f32 from vector<1xf32>
        %parallel_loop3A_1889 = vector.broadcast %parallel_loop3A_1888 : f32 to vector<16xf32>
        %parallel_loop3A_1890 = arith.mulf %parallel_loop3A_1886, %parallel_loop3A_1889 : vector<16xf32>
        %parallel_loop3A_1891 = arith.index_cast %parallel_loop3A_1883 : i32 to index
        %parallel_loop3A_1892 = arith.constant 0 : index
        %parallel_loop3A_1893 = tpu.vector_load %arg19[%parallel_loop3A_1891, %parallel_loop3A_1892] {strides = array<i32>} : memref<160x64xf32, #tpu.memory_space<vmem>>, vector<16xf32>,
        %parallel_loop3A_1894 = vector.extract_strided_slice %parallel_loop3A_51 {offsets = [13], sizes = [1], strides = [1]} : vector<16xf32> to vector<1xf32>
        %parallel_loop3A_1895 = vector.extract %parallel_loop3A_1894[0] : f32 from vector<1xf32>
        %parallel_loop3A_1896 = vector.broadcast %parallel_loop3A_1895 : f32 to vector<16xf32>
        %parallel_loop3A_1897 = arith.mulf %parallel_loop3A_1893, %parallel_loop3A_1896 : vector<16xf32>
        %parallel_loop3A_1898 = arith.addf %parallel_loop3A_1890, %parallel_loop3A_1897 : vector<16xf32>
        %parallel_loop3A_1899 = arith.index_cast %parallel_loop3A_1883 : i32 to index
        %parallel_loop3A_1900 = arith.constant 0 : index
        %parallel_loop3A_1901 = tpu.vector_load %arg20[%parallel_loop3A_1899, %parallel_loop3A_1900] {strides = array<i32>} : memref<160x64xf32, #tpu.memory_space<vmem>>, vector<16xf32>,
        %parallel_loop3A_1902 = vector.extract_strided_slice %parallel_loop3A_55 {offsets = [13], sizes = [1], strides = [1]} : vector<16xf32> to vector<1xf32>
        %parallel_loop3A_1903 = vector.extract %parallel_loop3A_1902[0] : f32 from vector<1xf32>
        %parallel_loop3A_1904 = vector.broadcast %parallel_loop3A_1903 : f32 to vector<16xf32>
        %parallel_loop3A_1905 = arith.mulf %parallel_loop3A_1901, %parallel_loop3A_1904 : vector<16xf32>
        %parallel_loop3A_1906 = arith.addf %parallel_loop3A_1898, %parallel_loop3A_1905 : vector<16xf32>
        %parallel_loop3A_1907 = arith.index_cast %parallel_loop3A_1883 : i32 to index
        %parallel_loop3A_1908 = arith.constant 0 : index
        %parallel_loop3A_1909 = tpu.vector_load %arg21[%parallel_loop3A_1907, %parallel_loop3A_1908] {strides = array<i32>} : memref<160x64xf32, #tpu.memory_space<vmem>>, vector<16xf32>,
        %parallel_loop3A_1910 = vector.extract_strided_slice %parallel_loop3A_59 {offsets = [13], sizes = [1], strides = [1]} : vector<16xf32> to vector<1xf32>
        %parallel_loop3A_1911 = vector.extract %parallel_loop3A_1910[0] : f32 from vector<1xf32>
        %parallel_loop3A_1912 = vector.broadcast %parallel_loop3A_1911 : f32 to vector<16xf32>
        %parallel_loop3A_1913 = arith.mulf %parallel_loop3A_1909, %parallel_loop3A_1912 : vector<16xf32>
        %parallel_loop3A_1914 = arith.addf %parallel_loop3A_1906, %parallel_loop3A_1913 : vector<16xf32>
        %parallel_loop3A_1915 = arith.index_cast %parallel_loop3A_1883 : i32 to index
        %parallel_loop3A_1916 = arith.constant 0 : index
        %parallel_loop3A_1917 = tpu.vector_load %arg22[%parallel_loop3A_1915, %parallel_loop3A_1916] {strides = array<i32>} : memref<160x64xf32, #tpu.memory_space<vmem>>, vector<16xf32>,
        tpu.vector_store %arg22[%parallel_loop3A_1915, %parallel_loop3A_1916], %parallel_loop3A_1914 {strides = array<i32>} : memref<160x64xf32, #tpu.memory_space<vmem>>, vector<16xf32>,
        %parallel_loop3A_1918 = arith.index_cast %parallel_loop3A_1883 : i32 to index
        %parallel_loop3A_1919 = arith.constant 16 : index
        %parallel_loop3A_1920 = tpu.vector_load %arg18[%parallel_loop3A_1918, %parallel_loop3A_1919] {strides = array<i32>} : memref<160x64xf32, #tpu.memory_space<vmem>>, vector<16xf32>,
        %parallel_loop3A_1921 = vector.extract_strided_slice %parallel_loop3A_47 {offsets = [13], sizes = [1], strides = [1]} : vector<16xf32> to vector<1xf32>
        %parallel_loop3A_1922 = vector.extract %parallel_loop3A_1921[0] : f32 from vector<1xf32>
        %parallel_loop3A_1923 = vector.broadcast %parallel_loop3A_1922 : f32 to vector<16xf32>
        %parallel_loop3A_1924 = arith.mulf %parallel_loop3A_1920, %parallel_loop3A_1923 : vector<16xf32>
        %parallel_loop3A_1925 = arith.index_cast %parallel_loop3A_1883 : i32 to index
        %parallel_loop3A_1926 = arith.constant 16 : index
        %parallel_loop3A_1927 = tpu.vector_load %arg19[%parallel_loop3A_1925, %parallel_loop3A_1926] {strides = array<i32>} : memref<160x64xf32, #tpu.memory_space<vmem>>, vector<16xf32>,
        %parallel_loop3A_1928 = vector.extract_strided_slice %parallel_loop3A_51 {offsets = [13], sizes = [1], strides = [1]} : vector<16xf32> to vector<1xf32>
        %parallel_loop3A_1929 = vector.extract %parallel_loop3A_1928[0] : f32 from vector<1xf32>
        %parallel_loop3A_1930 = vector.broadcast %parallel_loop3A_1929 : f32 to vector<16xf32>
        %parallel_loop3A_1931 = arith.mulf %parallel_loop3A_1927, %parallel_loop3A_1930 : vector<16xf32>
        %parallel_loop3A_1932 = arith.addf %parallel_loop3A_1924, %parallel_loop3A_1931 : vector<16xf32>
        %parallel_loop3A_1933 = arith.index_cast %parallel_loop3A_1883 : i32 to index
        %parallel_loop3A_1934 = arith.constant 16 : index
        %parallel_loop3A_1935 = tpu.vector_load %arg20[%parallel_loop3A_1933, %parallel_loop3A_1934] {strides = array<i32>} : memref<160x64xf32, #tpu.memory_space<vmem>>, vector<16xf32>,
        %parallel_loop3A_1936 = vector.extract_strided_slice %parallel_loop3A_55 {offsets = [13], sizes = [1], strides = [1]} : vector<16xf32> to vector<1xf32>
        %parallel_loop3A_1937 = vector.extract %parallel_loop3A_1936[0] : f32 from vector<1xf32>
        %parallel_loop3A_1938 = vector.broadcast %parallel_loop3A_1937 : f32 to vector<16xf32>
        %parallel_loop3A_1939 = arith.mulf %parallel_loop3A_1935, %parallel_loop3A_1938 : vector<16xf32>
        %parallel_loop3A_1940 = arith.addf %parallel_loop3A_1932, %parallel_loop3A_1939 : vector<16xf32>
        %parallel_loop3A_1941 = arith.index_cast %parallel_loop3A_1883 : i32 to index
        %parallel_loop3A_1942 = arith.constant 16 : index
        %parallel_loop3A_1943 = tpu.vector_load %arg21[%parallel_loop3A_1941, %parallel_loop3A_1942] {strides = array<i32>} : memref<160x64xf32, #tpu.memory_space<vmem>>, vector<16xf32>,
        %parallel_loop3A_1944 = vector.extract_strided_slice %parallel_loop3A_59 {offsets = [13], sizes = [1], strides = [1]} : vector<16xf32> to vector<1xf32>
        %parallel_loop3A_1945 = vector.extract %parallel_loop3A_1944[0] : f32 from vector<1xf32>
        %parallel_loop3A_1946 = vector.broadcast %parallel_loop3A_1945 : f32 to vector<16xf32>
        %parallel_loop3A_1947 = arith.mulf %parallel_loop3A_1943, %parallel_loop3A_1946 : vector<16xf32>
        %parallel_loop3A_1948 = arith.addf %parallel_loop3A_1940, %parallel_loop3A_1947 : vector<16xf32>
        %parallel_loop3A_1949 = arith.index_cast %parallel_loop3A_1883 : i32 to index
        %parallel_loop3A_1950 = arith.constant 16 : index
        %parallel_loop3A_1951 = tpu.vector_load %arg22[%parallel_loop3A_1949, %parallel_loop3A_1950] {strides = array<i32>} : memref<160x64xf32, #tpu.memory_space<vmem>>, vector<16xf32>,
        tpu.vector_store %arg22[%parallel_loop3A_1949, %parallel_loop3A_1950], %parallel_loop3A_1948 {strides = array<i32>} : memref<160x64xf32, #tpu.memory_space<vmem>>, vector<16xf32>,
        %parallel_loop3A_1952 = arith.index_cast %parallel_loop3A_1883 : i32 to index
        %parallel_loop3A_1953 = arith.constant 32 : index
        %parallel_loop3A_1954 = tpu.vector_load %arg18[%parallel_loop3A_1952, %parallel_loop3A_1953] {strides = array<i32>} : memref<160x64xf32, #tpu.memory_space<vmem>>, vector<16xf32>,
        %parallel_loop3A_1955 = vector.extract_strided_slice %parallel_loop3A_47 {offsets = [13], sizes = [1], strides = [1]} : vector<16xf32> to vector<1xf32>
        %parallel_loop3A_1956 = vector.extract %parallel_loop3A_1955[0] : f32 from vector<1xf32>
        %parallel_loop3A_1957 = vector.broadcast %parallel_loop3A_1956 : f32 to vector<16xf32>
        %parallel_loop3A_1958 = arith.mulf %parallel_loop3A_1954, %parallel_loop3A_1957 : vector<16xf32>
        %parallel_loop3A_1959 = arith.index_cast %parallel_loop3A_1883 : i32 to index
        %parallel_loop3A_1960 = arith.constant 32 : index
        %parallel_loop3A_1961 = tpu.vector_load %arg19[%parallel_loop3A_1959, %parallel_loop3A_1960] {strides = array<i32>} : memref<160x64xf32, #tpu.memory_space<vmem>>, vector<16xf32>,
        %parallel_loop3A_1962 = vector.extract_strided_slice %parallel_loop3A_51 {offsets = [13], sizes = [1], strides = [1]} : vector<16xf32> to vector<1xf32>
        %parallel_loop3A_1963 = vector.extract %parallel_loop3A_1962[0] : f32 from vector<1xf32>
        %parallel_loop3A_1964 = vector.broadcast %parallel_loop3A_1963 : f32 to vector<16xf32>
        %parallel_loop3A_1965 = arith.mulf %parallel_loop3A_1961, %parallel_loop3A_1964 : vector<16xf32>
        %parallel_loop3A_1966 = arith.addf %parallel_loop3A_1958, %parallel_loop3A_1965 : vector<16xf32>
        %parallel_loop3A_1967 = arith.index_cast %parallel_loop3A_1883 : i32 to index
        %parallel_loop3A_1968 = arith.constant 32 : index
        %parallel_loop3A_1969 = tpu.vector_load %arg20[%parallel_loop3A_1967, %parallel_loop3A_1968] {strides = array<i32>} : memref<160x64xf32, #tpu.memory_space<vmem>>, vector<16xf32>,
        %parallel_loop3A_1970 = vector.extract_strided_slice %parallel_loop3A_55 {offsets = [13], sizes = [1], strides = [1]} : vector<16xf32> to vector<1xf32>
        %parallel_loop3A_1971 = vector.extract %parallel_loop3A_1970[0] : f32 from vector<1xf32>
        %parallel_loop3A_1972 = vector.broadcast %parallel_loop3A_1971 : f32 to vector<16xf32>
        %parallel_loop3A_1973 = arith.mulf %parallel_loop3A_1969, %parallel_loop3A_1972 : vector<16xf32>
        %parallel_loop3A_1974 = arith.addf %parallel_loop3A_1966, %parallel_loop3A_1973 : vector<16xf32>
        %parallel_loop3A_1975 = arith.index_cast %parallel_loop3A_1883 : i32 to index
        %parallel_loop3A_1976 = arith.constant 32 : index
        %parallel_loop3A_1977 = tpu.vector_load %arg21[%parallel_loop3A_1975, %parallel_loop3A_1976] {strides = array<i32>} : memref<160x64xf32, #tpu.memory_space<vmem>>, vector<16xf32>,
        %parallel_loop3A_1978 = vector.extract_strided_slice %parallel_loop3A_59 {offsets = [13], sizes = [1], strides = [1]} : vector<16xf32> to vector<1xf32>
        %parallel_loop3A_1979 = vector.extract %parallel_loop3A_1978[0] : f32 from vector<1xf32>
        %parallel_loop3A_1980 = vector.broadcast %parallel_loop3A_1979 : f32 to vector<16xf32>
        %parallel_loop3A_1981 = arith.mulf %parallel_loop3A_1977, %parallel_loop3A_1980 : vector<16xf32>
        %parallel_loop3A_1982 = arith.addf %parallel_loop3A_1974, %parallel_loop3A_1981 : vector<16xf32>
        %parallel_loop3A_1983 = arith.index_cast %parallel_loop3A_1883 : i32 to index
        %parallel_loop3A_1984 = arith.constant 32 : index
        %parallel_loop3A_1985 = tpu.vector_load %arg22[%parallel_loop3A_1983, %parallel_loop3A_1984] {strides = array<i32>} : memref<160x64xf32, #tpu.memory_space<vmem>>, vector<16xf32>,
        tpu.vector_store %arg22[%parallel_loop3A_1983, %parallel_loop3A_1984], %parallel_loop3A_1982 {strides = array<i32>} : memref<160x64xf32, #tpu.memory_space<vmem>>, vector<16xf32>,
        %parallel_loop3A_1986 = arith.index_cast %parallel_loop3A_1883 : i32 to index
        %parallel_loop3A_1987 = arith.constant 48 : index
        %parallel_loop3A_1988 = tpu.vector_load %arg18[%parallel_loop3A_1986, %parallel_loop3A_1987] {strides = array<i32>} : memref<160x64xf32, #tpu.memory_space<vmem>>, vector<16xf32>,
        %parallel_loop3A_1989 = vector.extract_strided_slice %parallel_loop3A_47 {offsets = [13], sizes = [1], strides = [1]} : vector<16xf32> to vector<1xf32>
        %parallel_loop3A_1990 = vector.extract %parallel_loop3A_1989[0] : f32 from vector<1xf32>
        %parallel_loop3A_1991 = vector.broadcast %parallel_loop3A_1990 : f32 to vector<16xf32>
        %parallel_loop3A_1992 = arith.mulf %parallel_loop3A_1988, %parallel_loop3A_1991 : vector<16xf32>
        %parallel_loop3A_1993 = arith.index_cast %parallel_loop3A_1883 : i32 to index
        %parallel_loop3A_1994 = arith.constant 48 : index
        %parallel_loop3A_1995 = tpu.vector_load %arg19[%parallel_loop3A_1993, %parallel_loop3A_1994] {strides = array<i32>} : memref<160x64xf32, #tpu.memory_space<vmem>>, vector<16xf32>,
        %parallel_loop3A_1996 = vector.extract_strided_slice %parallel_loop3A_51 {offsets = [13], sizes = [1], strides = [1]} : vector<16xf32> to vector<1xf32>
        %parallel_loop3A_1997 = vector.extract %parallel_loop3A_1996[0] : f32 from vector<1xf32>
        %parallel_loop3A_1998 = vector.broadcast %parallel_loop3A_1997 : f32 to vector<16xf32>
        %parallel_loop3A_1999 = arith.mulf %parallel_loop3A_1995, %parallel_loop3A_1998 : vector<16xf32>
        %parallel_loop3A_2000 = arith.addf %parallel_loop3A_1992, %parallel_loop3A_1999 : vector<16xf32>
        %parallel_loop3A_2001 = arith.index_cast %parallel_loop3A_1883 : i32 to index
        %parallel_loop3A_2002 = arith.constant 48 : index
        %parallel_loop3A_2003 = tpu.vector_load %arg20[%parallel_loop3A_2001, %parallel_loop3A_2002] {strides = array<i32>} : memref<160x64xf32, #tpu.memory_space<vmem>>, vector<16xf32>,
        %parallel_loop3A_2004 = vector.extract_strided_slice %parallel_loop3A_55 {offsets = [13], sizes = [1], strides = [1]} : vector<16xf32> to vector<1xf32>
        %parallel_loop3A_2005 = vector.extract %parallel_loop3A_2004[0] : f32 from vector<1xf32>
        %parallel_loop3A_2006 = vector.broadcast %parallel_loop3A_2005 : f32 to vector<16xf32>
        %parallel_loop3A_2007 = arith.mulf %parallel_loop3A_2003, %parallel_loop3A_2006 : vector<16xf32>
        %parallel_loop3A_2008 = arith.addf %parallel_loop3A_2000, %parallel_loop3A_2007 : vector<16xf32>
        %parallel_loop3A_2009 = arith.index_cast %parallel_loop3A_1883 : i32 to index
        %parallel_loop3A_2010 = arith.constant 48 : index
        %parallel_loop3A_2011 = tpu.vector_load %arg21[%parallel_loop3A_2009, %parallel_loop3A_2010] {strides = array<i32>} : memref<160x64xf32, #tpu.memory_space<vmem>>, vector<16xf32>,
        %parallel_loop3A_2012 = vector.extract_strided_slice %parallel_loop3A_59 {offsets = [13], sizes = [1], strides = [1]} : vector<16xf32> to vector<1xf32>
        %parallel_loop3A_2013 = vector.extract %parallel_loop3A_2012[0] : f32 from vector<1xf32>
        %parallel_loop3A_2014 = vector.broadcast %parallel_loop3A_2013 : f32 to vector<16xf32>
        %parallel_loop3A_2015 = arith.mulf %parallel_loop3A_2011, %parallel_loop3A_2014 : vector<16xf32>
        %parallel_loop3A_2016 = arith.addf %parallel_loop3A_2008, %parallel_loop3A_2015 : vector<16xf32>
        %parallel_loop3A_2017 = arith.index_cast %parallel_loop3A_1883 : i32 to index
        %parallel_loop3A_2018 = arith.constant 48 : index
        %parallel_loop3A_2019 = tpu.vector_load %arg22[%parallel_loop3A_2017, %parallel_loop3A_2018] {strides = array<i32>} : memref<160x64xf32, #tpu.memory_space<vmem>>, vector<16xf32>,
        tpu.vector_store %arg22[%parallel_loop3A_2017, %parallel_loop3A_2018], %parallel_loop3A_2016 {strides = array<i32>} : memref<160x64xf32, #tpu.memory_space<vmem>>, vector<16xf32>,
        %parallel_loop3A_2020 = arith.constant 16 : i32
        %parallel_loop3A_2021 = arith.muli %parallel_loop3A_41, %parallel_loop3A_2020 : i32
        %parallel_loop3A_2022 = arith.constant 14 : i32
        %parallel_loop3A_2023 = arith.addi %parallel_loop3A_2021, %parallel_loop3A_2022 : i32
        %parallel_loop3A_2024 = arith.index_cast %parallel_loop3A_2023 : i32 to index
        %parallel_loop3A_2025 = arith.constant 0 : index
        %parallel_loop3A_2026 = tpu.vector_load %arg18[%parallel_loop3A_2024, %parallel_loop3A_2025] {strides = array<i32>} : memref<160x64xf32, #tpu.memory_space<vmem>>, vector<16xf32>,
        %parallel_loop3A_2027 = vector.extract_strided_slice %parallel_loop3A_47 {offsets = [14], sizes = [1], strides = [1]} : vector<16xf32> to vector<1xf32>
        %parallel_loop3A_2028 = vector.extract %parallel_loop3A_2027[0] : f32 from vector<1xf32>
        %parallel_loop3A_2029 = vector.broadcast %parallel_loop3A_2028 : f32 to vector<16xf32>
        %parallel_loop3A_2030 = arith.mulf %parallel_loop3A_2026, %parallel_loop3A_2029 : vector<16xf32>
        %parallel_loop3A_2031 = arith.index_cast %parallel_loop3A_2023 : i32 to index
        %parallel_loop3A_2032 = arith.constant 0 : index
        %parallel_loop3A_2033 = tpu.vector_load %arg19[%parallel_loop3A_2031, %parallel_loop3A_2032] {strides = array<i32>} : memref<160x64xf32, #tpu.memory_space<vmem>>, vector<16xf32>,
        %parallel_loop3A_2034 = vector.extract_strided_slice %parallel_loop3A_51 {offsets = [14], sizes = [1], strides = [1]} : vector<16xf32> to vector<1xf32>
        %parallel_loop3A_2035 = vector.extract %parallel_loop3A_2034[0] : f32 from vector<1xf32>
        %parallel_loop3A_2036 = vector.broadcast %parallel_loop3A_2035 : f32 to vector<16xf32>
        %parallel_loop3A_2037 = arith.mulf %parallel_loop3A_2033, %parallel_loop3A_2036 : vector<16xf32>
        %parallel_loop3A_2038 = arith.addf %parallel_loop3A_2030, %parallel_loop3A_2037 : vector<16xf32>
        %parallel_loop3A_2039 = arith.index_cast %parallel_loop3A_2023 : i32 to index
        %parallel_loop3A_2040 = arith.constant 0 : index
        %parallel_loop3A_2041 = tpu.vector_load %arg20[%parallel_loop3A_2039, %parallel_loop3A_2040] {strides = array<i32>} : memref<160x64xf32, #tpu.memory_space<vmem>>, vector<16xf32>,
        %parallel_loop3A_2042 = vector.extract_strided_slice %parallel_loop3A_55 {offsets = [14], sizes = [1], strides = [1]} : vector<16xf32> to vector<1xf32>
        %parallel_loop3A_2043 = vector.extract %parallel_loop3A_2042[0] : f32 from vector<1xf32>
        %parallel_loop3A_2044 = vector.broadcast %parallel_loop3A_2043 : f32 to vector<16xf32>
        %parallel_loop3A_2045 = arith.mulf %parallel_loop3A_2041, %parallel_loop3A_2044 : vector<16xf32>
        %parallel_loop3A_2046 = arith.addf %parallel_loop3A_2038, %parallel_loop3A_2045 : vector<16xf32>
        %parallel_loop3A_2047 = arith.index_cast %parallel_loop3A_2023 : i32 to index
        %parallel_loop3A_2048 = arith.constant 0 : index
        %parallel_loop3A_2049 = tpu.vector_load %arg21[%parallel_loop3A_2047, %parallel_loop3A_2048] {strides = array<i32>} : memref<160x64xf32, #tpu.memory_space<vmem>>, vector<16xf32>,
        %parallel_loop3A_2050 = vector.extract_strided_slice %parallel_loop3A_59 {offsets = [14], sizes = [1], strides = [1]} : vector<16xf32> to vector<1xf32>
        %parallel_loop3A_2051 = vector.extract %parallel_loop3A_2050[0] : f32 from vector<1xf32>
        %parallel_loop3A_2052 = vector.broadcast %parallel_loop3A_2051 : f32 to vector<16xf32>
        %parallel_loop3A_2053 = arith.mulf %parallel_loop3A_2049, %parallel_loop3A_2052 : vector<16xf32>
        %parallel_loop3A_2054 = arith.addf %parallel_loop3A_2046, %parallel_loop3A_2053 : vector<16xf32>
        %parallel_loop3A_2055 = arith.index_cast %parallel_loop3A_2023 : i32 to index
        %parallel_loop3A_2056 = arith.constant 0 : index
        %parallel_loop3A_2057 = tpu.vector_load %arg22[%parallel_loop3A_2055, %parallel_loop3A_2056] {strides = array<i32>} : memref<160x64xf32, #tpu.memory_space<vmem>>, vector<16xf32>,
        tpu.vector_store %arg22[%parallel_loop3A_2055, %parallel_loop3A_2056], %parallel_loop3A_2054 {strides = array<i32>} : memref<160x64xf32, #tpu.memory_space<vmem>>, vector<16xf32>,
        %parallel_loop3A_2058 = arith.index_cast %parallel_loop3A_2023 : i32 to index
        %parallel_loop3A_2059 = arith.constant 16 : index
        %parallel_loop3A_2060 = tpu.vector_load %arg18[%parallel_loop3A_2058, %parallel_loop3A_2059] {strides = array<i32>} : memref<160x64xf32, #tpu.memory_space<vmem>>, vector<16xf32>,
        %parallel_loop3A_2061 = vector.extract_strided_slice %parallel_loop3A_47 {offsets = [14], sizes = [1], strides = [1]} : vector<16xf32> to vector<1xf32>
        %parallel_loop3A_2062 = vector.extract %parallel_loop3A_2061[0] : f32 from vector<1xf32>
        %parallel_loop3A_2063 = vector.broadcast %parallel_loop3A_2062 : f32 to vector<16xf32>
        %parallel_loop3A_2064 = arith.mulf %parallel_loop3A_2060, %parallel_loop3A_2063 : vector<16xf32>
        %parallel_loop3A_2065 = arith.index_cast %parallel_loop3A_2023 : i32 to index
        %parallel_loop3A_2066 = arith.constant 16 : index
        %parallel_loop3A_2067 = tpu.vector_load %arg19[%parallel_loop3A_2065, %parallel_loop3A_2066] {strides = array<i32>} : memref<160x64xf32, #tpu.memory_space<vmem>>, vector<16xf32>,
        %parallel_loop3A_2068 = vector.extract_strided_slice %parallel_loop3A_51 {offsets = [14], sizes = [1], strides = [1]} : vector<16xf32> to vector<1xf32>
        %parallel_loop3A_2069 = vector.extract %parallel_loop3A_2068[0] : f32 from vector<1xf32>
        %parallel_loop3A_2070 = vector.broadcast %parallel_loop3A_2069 : f32 to vector<16xf32>
        %parallel_loop3A_2071 = arith.mulf %parallel_loop3A_2067, %parallel_loop3A_2070 : vector<16xf32>
        %parallel_loop3A_2072 = arith.addf %parallel_loop3A_2064, %parallel_loop3A_2071 : vector<16xf32>
        %parallel_loop3A_2073 = arith.index_cast %parallel_loop3A_2023 : i32 to index
        %parallel_loop3A_2074 = arith.constant 16 : index
        %parallel_loop3A_2075 = tpu.vector_load %arg20[%parallel_loop3A_2073, %parallel_loop3A_2074] {strides = array<i32>} : memref<160x64xf32, #tpu.memory_space<vmem>>, vector<16xf32>,
        %parallel_loop3A_2076 = vector.extract_strided_slice %parallel_loop3A_55 {offsets = [14], sizes = [1], strides = [1]} : vector<16xf32> to vector<1xf32>
        %parallel_loop3A_2077 = vector.extract %parallel_loop3A_2076[0] : f32 from vector<1xf32>
        %parallel_loop3A_2078 = vector.broadcast %parallel_loop3A_2077 : f32 to vector<16xf32>
        %parallel_loop3A_2079 = arith.mulf %parallel_loop3A_2075, %parallel_loop3A_2078 : vector<16xf32>
        %parallel_loop3A_2080 = arith.addf %parallel_loop3A_2072, %parallel_loop3A_2079 : vector<16xf32>
        %parallel_loop3A_2081 = arith.index_cast %parallel_loop3A_2023 : i32 to index
        %parallel_loop3A_2082 = arith.constant 16 : index
        %parallel_loop3A_2083 = tpu.vector_load %arg21[%parallel_loop3A_2081, %parallel_loop3A_2082] {strides = array<i32>} : memref<160x64xf32, #tpu.memory_space<vmem>>, vector<16xf32>,
        %parallel_loop3A_2084 = vector.extract_strided_slice %parallel_loop3A_59 {offsets = [14], sizes = [1], strides = [1]} : vector<16xf32> to vector<1xf32>
        %parallel_loop3A_2085 = vector.extract %parallel_loop3A_2084[0] : f32 from vector<1xf32>
        %parallel_loop3A_2086 = vector.broadcast %parallel_loop3A_2085 : f32 to vector<16xf32>
        %parallel_loop3A_2087 = arith.mulf %parallel_loop3A_2083, %parallel_loop3A_2086 : vector<16xf32>
        %parallel_loop3A_2088 = arith.addf %parallel_loop3A_2080, %parallel_loop3A_2087 : vector<16xf32>
        %parallel_loop3A_2089 = arith.index_cast %parallel_loop3A_2023 : i32 to index
        %parallel_loop3A_2090 = arith.constant 16 : index
        %parallel_loop3A_2091 = tpu.vector_load %arg22[%parallel_loop3A_2089, %parallel_loop3A_2090] {strides = array<i32>} : memref<160x64xf32, #tpu.memory_space<vmem>>, vector<16xf32>,
        tpu.vector_store %arg22[%parallel_loop3A_2089, %parallel_loop3A_2090], %parallel_loop3A_2088 {strides = array<i32>} : memref<160x64xf32, #tpu.memory_space<vmem>>, vector<16xf32>,
        %parallel_loop3A_2092 = arith.index_cast %parallel_loop3A_2023 : i32 to index
        %parallel_loop3A_2093 = arith.constant 32 : index
        %parallel_loop3A_2094 = tpu.vector_load %arg18[%parallel_loop3A_2092, %parallel_loop3A_2093] {strides = array<i32>} : memref<160x64xf32, #tpu.memory_space<vmem>>, vector<16xf32>,
        %parallel_loop3A_2095 = vector.extract_strided_slice %parallel_loop3A_47 {offsets = [14], sizes = [1], strides = [1]} : vector<16xf32> to vector<1xf32>
        %parallel_loop3A_2096 = vector.extract %parallel_loop3A_2095[0] : f32 from vector<1xf32>
        %parallel_loop3A_2097 = vector.broadcast %parallel_loop3A_2096 : f32 to vector<16xf32>
        %parallel_loop3A_2098 = arith.mulf %parallel_loop3A_2094, %parallel_loop3A_2097 : vector<16xf32>
        %parallel_loop3A_2099 = arith.index_cast %parallel_loop3A_2023 : i32 to index
        %parallel_loop3A_2100 = arith.constant 32 : index
        %parallel_loop3A_2101 = tpu.vector_load %arg19[%parallel_loop3A_2099, %parallel_loop3A_2100] {strides = array<i32>} : memref<160x64xf32, #tpu.memory_space<vmem>>, vector<16xf32>,
        %parallel_loop3A_2102 = vector.extract_strided_slice %parallel_loop3A_51 {offsets = [14], sizes = [1], strides = [1]} : vector<16xf32> to vector<1xf32>
        %parallel_loop3A_2103 = vector.extract %parallel_loop3A_2102[0] : f32 from vector<1xf32>
        %parallel_loop3A_2104 = vector.broadcast %parallel_loop3A_2103 : f32 to vector<16xf32>
        %parallel_loop3A_2105 = arith.mulf %parallel_loop3A_2101, %parallel_loop3A_2104 : vector<16xf32>
        %parallel_loop3A_2106 = arith.addf %parallel_loop3A_2098, %parallel_loop3A_2105 : vector<16xf32>
        %parallel_loop3A_2107 = arith.index_cast %parallel_loop3A_2023 : i32 to index
        %parallel_loop3A_2108 = arith.constant 32 : index
        %parallel_loop3A_2109 = tpu.vector_load %arg20[%parallel_loop3A_2107, %parallel_loop3A_2108] {strides = array<i32>} : memref<160x64xf32, #tpu.memory_space<vmem>>, vector<16xf32>,
        %parallel_loop3A_2110 = vector.extract_strided_slice %parallel_loop3A_55 {offsets = [14], sizes = [1], strides = [1]} : vector<16xf32> to vector<1xf32>
        %parallel_loop3A_2111 = vector.extract %parallel_loop3A_2110[0] : f32 from vector<1xf32>
        %parallel_loop3A_2112 = vector.broadcast %parallel_loop3A_2111 : f32 to vector<16xf32>
        %parallel_loop3A_2113 = arith.mulf %parallel_loop3A_2109, %parallel_loop3A_2112 : vector<16xf32>
        %parallel_loop3A_2114 = arith.addf %parallel_loop3A_2106, %parallel_loop3A_2113 : vector<16xf32>
        %parallel_loop3A_2115 = arith.index_cast %parallel_loop3A_2023 : i32 to index
        %parallel_loop3A_2116 = arith.constant 32 : index
        %parallel_loop3A_2117 = tpu.vector_load %arg21[%parallel_loop3A_2115, %parallel_loop3A_2116] {strides = array<i32>} : memref<160x64xf32, #tpu.memory_space<vmem>>, vector<16xf32>,
        %parallel_loop3A_2118 = vector.extract_strided_slice %parallel_loop3A_59 {offsets = [14], sizes = [1], strides = [1]} : vector<16xf32> to vector<1xf32>
        %parallel_loop3A_2119 = vector.extract %parallel_loop3A_2118[0] : f32 from vector<1xf32>
        %parallel_loop3A_2120 = vector.broadcast %parallel_loop3A_2119 : f32 to vector<16xf32>
        %parallel_loop3A_2121 = arith.mulf %parallel_loop3A_2117, %parallel_loop3A_2120 : vector<16xf32>
        %parallel_loop3A_2122 = arith.addf %parallel_loop3A_2114, %parallel_loop3A_2121 : vector<16xf32>
        %parallel_loop3A_2123 = arith.index_cast %parallel_loop3A_2023 : i32 to index
        %parallel_loop3A_2124 = arith.constant 32 : index
        %parallel_loop3A_2125 = tpu.vector_load %arg22[%parallel_loop3A_2123, %parallel_loop3A_2124] {strides = array<i32>} : memref<160x64xf32, #tpu.memory_space<vmem>>, vector<16xf32>,
        tpu.vector_store %arg22[%parallel_loop3A_2123, %parallel_loop3A_2124], %parallel_loop3A_2122 {strides = array<i32>} : memref<160x64xf32, #tpu.memory_space<vmem>>, vector<16xf32>,
        %parallel_loop3A_2126 = arith.index_cast %parallel_loop3A_2023 : i32 to index
        %parallel_loop3A_2127 = arith.constant 48 : index
        %parallel_loop3A_2128 = tpu.vector_load %arg18[%parallel_loop3A_2126, %parallel_loop3A_2127] {strides = array<i32>} : memref<160x64xf32, #tpu.memory_space<vmem>>, vector<16xf32>,
        %parallel_loop3A_2129 = vector.extract_strided_slice %parallel_loop3A_47 {offsets = [14], sizes = [1], strides = [1]} : vector<16xf32> to vector<1xf32>
        %parallel_loop3A_2130 = vector.extract %parallel_loop3A_2129[0] : f32 from vector<1xf32>
        %parallel_loop3A_2131 = vector.broadcast %parallel_loop3A_2130 : f32 to vector<16xf32>
        %parallel_loop3A_2132 = arith.mulf %parallel_loop3A_2128, %parallel_loop3A_2131 : vector<16xf32>
        %parallel_loop3A_2133 = arith.index_cast %parallel_loop3A_2023 : i32 to index
        %parallel_loop3A_2134 = arith.constant 48 : index
        %parallel_loop3A_2135 = tpu.vector_load %arg19[%parallel_loop3A_2133, %parallel_loop3A_2134] {strides = array<i32>} : memref<160x64xf32, #tpu.memory_space<vmem>>, vector<16xf32>,
        %parallel_loop3A_2136 = vector.extract_strided_slice %parallel_loop3A_51 {offsets = [14], sizes = [1], strides = [1]} : vector<16xf32> to vector<1xf32>
        %parallel_loop3A_2137 = vector.extract %parallel_loop3A_2136[0] : f32 from vector<1xf32>
        %parallel_loop3A_2138 = vector.broadcast %parallel_loop3A_2137 : f32 to vector<16xf32>
        %parallel_loop3A_2139 = arith.mulf %parallel_loop3A_2135, %parallel_loop3A_2138 : vector<16xf32>
        %parallel_loop3A_2140 = arith.addf %parallel_loop3A_2132, %parallel_loop3A_2139 : vector<16xf32>
        %parallel_loop3A_2141 = arith.index_cast %parallel_loop3A_2023 : i32 to index
        %parallel_loop3A_2142 = arith.constant 48 : index
        %parallel_loop3A_2143 = tpu.vector_load %arg20[%parallel_loop3A_2141, %parallel_loop3A_2142] {strides = array<i32>} : memref<160x64xf32, #tpu.memory_space<vmem>>, vector<16xf32>,
        %parallel_loop3A_2144 = vector.extract_strided_slice %parallel_loop3A_55 {offsets = [14], sizes = [1], strides = [1]} : vector<16xf32> to vector<1xf32>
        %parallel_loop3A_2145 = vector.extract %parallel_loop3A_2144[0] : f32 from vector<1xf32>
        %parallel_loop3A_2146 = vector.broadcast %parallel_loop3A_2145 : f32 to vector<16xf32>
        %parallel_loop3A_2147 = arith.mulf %parallel_loop3A_2143, %parallel_loop3A_2146 : vector<16xf32>
        %parallel_loop3A_2148 = arith.addf %parallel_loop3A_2140, %parallel_loop3A_2147 : vector<16xf32>
        %parallel_loop3A_2149 = arith.index_cast %parallel_loop3A_2023 : i32 to index
        %parallel_loop3A_2150 = arith.constant 48 : index
        %parallel_loop3A_2151 = tpu.vector_load %arg21[%parallel_loop3A_2149, %parallel_loop3A_2150] {strides = array<i32>} : memref<160x64xf32, #tpu.memory_space<vmem>>, vector<16xf32>,
        %parallel_loop3A_2152 = vector.extract_strided_slice %parallel_loop3A_59 {offsets = [14], sizes = [1], strides = [1]} : vector<16xf32> to vector<1xf32>
        %parallel_loop3A_2153 = vector.extract %parallel_loop3A_2152[0] : f32 from vector<1xf32>
        %parallel_loop3A_2154 = vector.broadcast %parallel_loop3A_2153 : f32 to vector<16xf32>
        %parallel_loop3A_2155 = arith.mulf %parallel_loop3A_2151, %parallel_loop3A_2154 : vector<16xf32>
        %parallel_loop3A_2156 = arith.addf %parallel_loop3A_2148, %parallel_loop3A_2155 : vector<16xf32>
        %parallel_loop3A_2157 = arith.index_cast %parallel_loop3A_2023 : i32 to index
        %parallel_loop3A_2158 = arith.constant 48 : index
        %parallel_loop3A_2159 = tpu.vector_load %arg22[%parallel_loop3A_2157, %parallel_loop3A_2158] {strides = array<i32>} : memref<160x64xf32, #tpu.memory_space<vmem>>, vector<16xf32>,
        tpu.vector_store %arg22[%parallel_loop3A_2157, %parallel_loop3A_2158], %parallel_loop3A_2156 {strides = array<i32>} : memref<160x64xf32, #tpu.memory_space<vmem>>, vector<16xf32>,
        %parallel_loop3A_2160 = arith.constant 16 : i32
        %parallel_loop3A_2161 = arith.muli %parallel_loop3A_41, %parallel_loop3A_2160 : i32
        %parallel_loop3A_2162 = arith.constant 15 : i32
        %parallel_loop3A_2163 = arith.addi %parallel_loop3A_2161, %parallel_loop3A_2162 : i32
        %parallel_loop3A_2164 = arith.index_cast %parallel_loop3A_2163 : i32 to index
        %parallel_loop3A_2165 = arith.constant 0 : index
        %parallel_loop3A_2166 = tpu.vector_load %arg18[%parallel_loop3A_2164, %parallel_loop3A_2165] {strides = array<i32>} : memref<160x64xf32, #tpu.memory_space<vmem>>, vector<16xf32>,
        %parallel_loop3A_2167 = vector.extract_strided_slice %parallel_loop3A_47 {offsets = [15], sizes = [1], strides = [1]} : vector<16xf32> to vector<1xf32>
        %parallel_loop3A_2168 = vector.extract %parallel_loop3A_2167[0] : f32 from vector<1xf32>
        %parallel_loop3A_2169 = vector.broadcast %parallel_loop3A_2168 : f32 to vector<16xf32>
        %parallel_loop3A_2170 = arith.mulf %parallel_loop3A_2166, %parallel_loop3A_2169 : vector<16xf32>
        %parallel_loop3A_2171 = arith.index_cast %parallel_loop3A_2163 : i32 to index
        %parallel_loop3A_2172 = arith.constant 0 : index
        %parallel_loop3A_2173 = tpu.vector_load %arg19[%parallel_loop3A_2171, %parallel_loop3A_2172] {strides = array<i32>} : memref<160x64xf32, #tpu.memory_space<vmem>>, vector<16xf32>,
        %parallel_loop3A_2174 = vector.extract_strided_slice %parallel_loop3A_51 {offsets = [15], sizes = [1], strides = [1]} : vector<16xf32> to vector<1xf32>
        %parallel_loop3A_2175 = vector.extract %parallel_loop3A_2174[0] : f32 from vector<1xf32>
        %parallel_loop3A_2176 = vector.broadcast %parallel_loop3A_2175 : f32 to vector<16xf32>
        %parallel_loop3A_2177 = arith.mulf %parallel_loop3A_2173, %parallel_loop3A_2176 : vector<16xf32>
        %parallel_loop3A_2178 = arith.addf %parallel_loop3A_2170, %parallel_loop3A_2177 : vector<16xf32>
        %parallel_loop3A_2179 = arith.index_cast %parallel_loop3A_2163 : i32 to index
        %parallel_loop3A_2180 = arith.constant 0 : index
        %parallel_loop3A_2181 = tpu.vector_load %arg20[%parallel_loop3A_2179, %parallel_loop3A_2180] {strides = array<i32>} : memref<160x64xf32, #tpu.memory_space<vmem>>, vector<16xf32>,
        %parallel_loop3A_2182 = vector.extract_strided_slice %parallel_loop3A_55 {offsets = [15], sizes = [1], strides = [1]} : vector<16xf32> to vector<1xf32>
        %parallel_loop3A_2183 = vector.extract %parallel_loop3A_2182[0] : f32 from vector<1xf32>
        %parallel_loop3A_2184 = vector.broadcast %parallel_loop3A_2183 : f32 to vector<16xf32>
        %parallel_loop3A_2185 = arith.mulf %parallel_loop3A_2181, %parallel_loop3A_2184 : vector<16xf32>
        %parallel_loop3A_2186 = arith.addf %parallel_loop3A_2178, %parallel_loop3A_2185 : vector<16xf32>
        %parallel_loop3A_2187 = arith.index_cast %parallel_loop3A_2163 : i32 to index
        %parallel_loop3A_2188 = arith.constant 0 : index
        %parallel_loop3A_2189 = tpu.vector_load %arg21[%parallel_loop3A_2187, %parallel_loop3A_2188] {strides = array<i32>} : memref<160x64xf32, #tpu.memory_space<vmem>>, vector<16xf32>,
        %parallel_loop3A_2190 = vector.extract_strided_slice %parallel_loop3A_59 {offsets = [15], sizes = [1], strides = [1]} : vector<16xf32> to vector<1xf32>
        %parallel_loop3A_2191 = vector.extract %parallel_loop3A_2190[0] : f32 from vector<1xf32>
        %parallel_loop3A_2192 = vector.broadcast %parallel_loop3A_2191 : f32 to vector<16xf32>
        %parallel_loop3A_2193 = arith.mulf %parallel_loop3A_2189, %parallel_loop3A_2192 : vector<16xf32>
        %parallel_loop3A_2194 = arith.addf %parallel_loop3A_2186, %parallel_loop3A_2193 : vector<16xf32>
        %parallel_loop3A_2195 = arith.index_cast %parallel_loop3A_2163 : i32 to index
        %parallel_loop3A_2196 = arith.constant 0 : index
        %parallel_loop3A_2197 = tpu.vector_load %arg22[%parallel_loop3A_2195, %parallel_loop3A_2196] {strides = array<i32>} : memref<160x64xf32, #tpu.memory_space<vmem>>, vector<16xf32>,
        tpu.vector_store %arg22[%parallel_loop3A_2195, %parallel_loop3A_2196], %parallel_loop3A_2194 {strides = array<i32>} : memref<160x64xf32, #tpu.memory_space<vmem>>, vector<16xf32>,
        %parallel_loop3A_2198 = arith.index_cast %parallel_loop3A_2163 : i32 to index
        %parallel_loop3A_2199 = arith.constant 16 : index
        %parallel_loop3A_2200 = tpu.vector_load %arg18[%parallel_loop3A_2198, %parallel_loop3A_2199] {strides = array<i32>} : memref<160x64xf32, #tpu.memory_space<vmem>>, vector<16xf32>,
        %parallel_loop3A_2201 = vector.extract_strided_slice %parallel_loop3A_47 {offsets = [15], sizes = [1], strides = [1]} : vector<16xf32> to vector<1xf32>
        %parallel_loop3A_2202 = vector.extract %parallel_loop3A_2201[0] : f32 from vector<1xf32>
        %parallel_loop3A_2203 = vector.broadcast %parallel_loop3A_2202 : f32 to vector<16xf32>
        %parallel_loop3A_2204 = arith.mulf %parallel_loop3A_2200, %parallel_loop3A_2203 : vector<16xf32>
        %parallel_loop3A_2205 = arith.index_cast %parallel_loop3A_2163 : i32 to index
        %parallel_loop3A_2206 = arith.constant 16 : index
        %parallel_loop3A_2207 = tpu.vector_load %arg19[%parallel_loop3A_2205, %parallel_loop3A_2206] {strides = array<i32>} : memref<160x64xf32, #tpu.memory_space<vmem>>, vector<16xf32>,
        %parallel_loop3A_2208 = vector.extract_strided_slice %parallel_loop3A_51 {offsets = [15], sizes = [1], strides = [1]} : vector<16xf32> to vector<1xf32>
        %parallel_loop3A_2209 = vector.extract %parallel_loop3A_2208[0] : f32 from vector<1xf32>
        %parallel_loop3A_2210 = vector.broadcast %parallel_loop3A_2209 : f32 to vector<16xf32>
        %parallel_loop3A_2211 = arith.mulf %parallel_loop3A_2207, %parallel_loop3A_2210 : vector<16xf32>
        %parallel_loop3A_2212 = arith.addf %parallel_loop3A_2204, %parallel_loop3A_2211 : vector<16xf32>
        %parallel_loop3A_2213 = arith.index_cast %parallel_loop3A_2163 : i32 to index
        %parallel_loop3A_2214 = arith.constant 16 : index
        %parallel_loop3A_2215 = tpu.vector_load %arg20[%parallel_loop3A_2213, %parallel_loop3A_2214] {strides = array<i32>} : memref<160x64xf32, #tpu.memory_space<vmem>>, vector<16xf32>,
        %parallel_loop3A_2216 = vector.extract_strided_slice %parallel_loop3A_55 {offsets = [15], sizes = [1], strides = [1]} : vector<16xf32> to vector<1xf32>
        %parallel_loop3A_2217 = vector.extract %parallel_loop3A_2216[0] : f32 from vector<1xf32>
        %parallel_loop3A_2218 = vector.broadcast %parallel_loop3A_2217 : f32 to vector<16xf32>
        %parallel_loop3A_2219 = arith.mulf %parallel_loop3A_2215, %parallel_loop3A_2218 : vector<16xf32>
        %parallel_loop3A_2220 = arith.addf %parallel_loop3A_2212, %parallel_loop3A_2219 : vector<16xf32>
        %parallel_loop3A_2221 = arith.index_cast %parallel_loop3A_2163 : i32 to index
        %parallel_loop3A_2222 = arith.constant 16 : index
        %parallel_loop3A_2223 = tpu.vector_load %arg21[%parallel_loop3A_2221, %parallel_loop3A_2222] {strides = array<i32>} : memref<160x64xf32, #tpu.memory_space<vmem>>, vector<16xf32>,
        %parallel_loop3A_2224 = vector.extract_strided_slice %parallel_loop3A_59 {offsets = [15], sizes = [1], strides = [1]} : vector<16xf32> to vector<1xf32>
        %parallel_loop3A_2225 = vector.extract %parallel_loop3A_2224[0] : f32 from vector<1xf32>
        %parallel_loop3A_2226 = vector.broadcast %parallel_loop3A_2225 : f32 to vector<16xf32>
        %parallel_loop3A_2227 = arith.mulf %parallel_loop3A_2223, %parallel_loop3A_2226 : vector<16xf32>
        %parallel_loop3A_2228 = arith.addf %parallel_loop3A_2220, %parallel_loop3A_2227 : vector<16xf32>
        %parallel_loop3A_2229 = arith.index_cast %parallel_loop3A_2163 : i32 to index
        %parallel_loop3A_2230 = arith.constant 16 : index
        %parallel_loop3A_2231 = tpu.vector_load %arg22[%parallel_loop3A_2229, %parallel_loop3A_2230] {strides = array<i32>} : memref<160x64xf32, #tpu.memory_space<vmem>>, vector<16xf32>,
        tpu.vector_store %arg22[%parallel_loop3A_2229, %parallel_loop3A_2230], %parallel_loop3A_2228 {strides = array<i32>} : memref<160x64xf32, #tpu.memory_space<vmem>>, vector<16xf32>,
        %parallel_loop3A_2232 = arith.index_cast %parallel_loop3A_2163 : i32 to index
        %parallel_loop3A_2233 = arith.constant 32 : index
        %parallel_loop3A_2234 = tpu.vector_load %arg18[%parallel_loop3A_2232, %parallel_loop3A_2233] {strides = array<i32>} : memref<160x64xf32, #tpu.memory_space<vmem>>, vector<16xf32>,
        %parallel_loop3A_2235 = vector.extract_strided_slice %parallel_loop3A_47 {offsets = [15], sizes = [1], strides = [1]} : vector<16xf32> to vector<1xf32>
        %parallel_loop3A_2236 = vector.extract %parallel_loop3A_2235[0] : f32 from vector<1xf32>
        %parallel_loop3A_2237 = vector.broadcast %parallel_loop3A_2236 : f32 to vector<16xf32>
        %parallel_loop3A_2238 = arith.mulf %parallel_loop3A_2234, %parallel_loop3A_2237 : vector<16xf32>
        %parallel_loop3A_2239 = arith.index_cast %parallel_loop3A_2163 : i32 to index
        %parallel_loop3A_2240 = arith.constant 32 : index
        %parallel_loop3A_2241 = tpu.vector_load %arg19[%parallel_loop3A_2239, %parallel_loop3A_2240] {strides = array<i32>} : memref<160x64xf32, #tpu.memory_space<vmem>>, vector<16xf32>,
        %parallel_loop3A_2242 = vector.extract_strided_slice %parallel_loop3A_51 {offsets = [15], sizes = [1], strides = [1]} : vector<16xf32> to vector<1xf32>
        %parallel_loop3A_2243 = vector.extract %parallel_loop3A_2242[0] : f32 from vector<1xf32>
        %parallel_loop3A_2244 = vector.broadcast %parallel_loop3A_2243 : f32 to vector<16xf32>
        %parallel_loop3A_2245 = arith.mulf %parallel_loop3A_2241, %parallel_loop3A_2244 : vector<16xf32>
        %parallel_loop3A_2246 = arith.addf %parallel_loop3A_2238, %parallel_loop3A_2245 : vector<16xf32>
        %parallel_loop3A_2247 = arith.index_cast %parallel_loop3A_2163 : i32 to index
        %parallel_loop3A_2248 = arith.constant 32 : index
        %parallel_loop3A_2249 = tpu.vector_load %arg20[%parallel_loop3A_2247, %parallel_loop3A_2248] {strides = array<i32>} : memref<160x64xf32, #tpu.memory_space<vmem>>, vector<16xf32>,
        %parallel_loop3A_2250 = vector.extract_strided_slice %parallel_loop3A_55 {offsets = [15], sizes = [1], strides = [1]} : vector<16xf32> to vector<1xf32>
        %parallel_loop3A_2251 = vector.extract %parallel_loop3A_2250[0] : f32 from vector<1xf32>
        %parallel_loop3A_2252 = vector.broadcast %parallel_loop3A_2251 : f32 to vector<16xf32>
        %parallel_loop3A_2253 = arith.mulf %parallel_loop3A_2249, %parallel_loop3A_2252 : vector<16xf32>
        %parallel_loop3A_2254 = arith.addf %parallel_loop3A_2246, %parallel_loop3A_2253 : vector<16xf32>
        %parallel_loop3A_2255 = arith.index_cast %parallel_loop3A_2163 : i32 to index
        %parallel_loop3A_2256 = arith.constant 32 : index
        %parallel_loop3A_2257 = tpu.vector_load %arg21[%parallel_loop3A_2255, %parallel_loop3A_2256] {strides = array<i32>} : memref<160x64xf32, #tpu.memory_space<vmem>>, vector<16xf32>,
        %parallel_loop3A_2258 = vector.extract_strided_slice %parallel_loop3A_59 {offsets = [15], sizes = [1], strides = [1]} : vector<16xf32> to vector<1xf32>
        %parallel_loop3A_2259 = vector.extract %parallel_loop3A_2258[0] : f32 from vector<1xf32>
        %parallel_loop3A_2260 = vector.broadcast %parallel_loop3A_2259 : f32 to vector<16xf32>
        %parallel_loop3A_2261 = arith.mulf %parallel_loop3A_2257, %parallel_loop3A_2260 : vector<16xf32>
        %parallel_loop3A_2262 = arith.addf %parallel_loop3A_2254, %parallel_loop3A_2261 : vector<16xf32>
        %parallel_loop3A_2263 = arith.index_cast %parallel_loop3A_2163 : i32 to index
        %parallel_loop3A_2264 = arith.constant 32 : index
        %parallel_loop3A_2265 = tpu.vector_load %arg22[%parallel_loop3A_2263, %parallel_loop3A_2264] {strides = array<i32>} : memref<160x64xf32, #tpu.memory_space<vmem>>, vector<16xf32>,
        tpu.vector_store %arg22[%parallel_loop3A_2263, %parallel_loop3A_2264], %parallel_loop3A_2262 {strides = array<i32>} : memref<160x64xf32, #tpu.memory_space<vmem>>, vector<16xf32>,
        %parallel_loop3A_2266 = arith.index_cast %parallel_loop3A_2163 : i32 to index
        %parallel_loop3A_2267 = arith.constant 48 : index
        %parallel_loop3A_2268 = tpu.vector_load %arg18[%parallel_loop3A_2266, %parallel_loop3A_2267] {strides = array<i32>} : memref<160x64xf32, #tpu.memory_space<vmem>>, vector<16xf32>,
        %parallel_loop3A_2269 = vector.extract_strided_slice %parallel_loop3A_47 {offsets = [15], sizes = [1], strides = [1]} : vector<16xf32> to vector<1xf32>
        %parallel_loop3A_2270 = vector.extract %parallel_loop3A_2269[0] : f32 from vector<1xf32>
        %parallel_loop3A_2271 = vector.broadcast %parallel_loop3A_2270 : f32 to vector<16xf32>
        %parallel_loop3A_2272 = arith.mulf %parallel_loop3A_2268, %parallel_loop3A_2271 : vector<16xf32>
        %parallel_loop3A_2273 = arith.index_cast %parallel_loop3A_2163 : i32 to index
        %parallel_loop3A_2274 = arith.constant 48 : index
        %parallel_loop3A_2275 = tpu.vector_load %arg19[%parallel_loop3A_2273, %parallel_loop3A_2274] {strides = array<i32>} : memref<160x64xf32, #tpu.memory_space<vmem>>, vector<16xf32>,
        %parallel_loop3A_2276 = vector.extract_strided_slice %parallel_loop3A_51 {offsets = [15], sizes = [1], strides = [1]} : vector<16xf32> to vector<1xf32>
        %parallel_loop3A_2277 = vector.extract %parallel_loop3A_2276[0] : f32 from vector<1xf32>
        %parallel_loop3A_2278 = vector.broadcast %parallel_loop3A_2277 : f32 to vector<16xf32>
        %parallel_loop3A_2279 = arith.mulf %parallel_loop3A_2275, %parallel_loop3A_2278 : vector<16xf32>
        %parallel_loop3A_2280 = arith.addf %parallel_loop3A_2272, %parallel_loop3A_2279 : vector<16xf32>
        %parallel_loop3A_2281 = arith.index_cast %parallel_loop3A_2163 : i32 to index
        %parallel_loop3A_2282 = arith.constant 48 : index
        %parallel_loop3A_2283 = tpu.vector_load %arg20[%parallel_loop3A_2281, %parallel_loop3A_2282] {strides = array<i32>} : memref<160x64xf32, #tpu.memory_space<vmem>>, vector<16xf32>,
        %parallel_loop3A_2284 = vector.extract_strided_slice %parallel_loop3A_55 {offsets = [15], sizes = [1], strides = [1]} : vector<16xf32> to vector<1xf32>
        %parallel_loop3A_2285 = vector.extract %parallel_loop3A_2284[0] : f32 from vector<1xf32>
        %parallel_loop3A_2286 = vector.broadcast %parallel_loop3A_2285 : f32 to vector<16xf32>
        %parallel_loop3A_2287 = arith.mulf %parallel_loop3A_2283, %parallel_loop3A_2286 : vector<16xf32>
        %parallel_loop3A_2288 = arith.addf %parallel_loop3A_2280, %parallel_loop3A_2287 : vector<16xf32>
        %parallel_loop3A_2289 = arith.index_cast %parallel_loop3A_2163 : i32 to index
        %parallel_loop3A_2290 = arith.constant 48 : index
        %parallel_loop3A_2291 = tpu.vector_load %arg21[%parallel_loop3A_2289, %parallel_loop3A_2290] {strides = array<i32>} : memref<160x64xf32, #tpu.memory_space<vmem>>, vector<16xf32>,
        %parallel_loop3A_2292 = vector.extract_strided_slice %parallel_loop3A_59 {offsets = [15], sizes = [1], strides = [1]} : vector<16xf32> to vector<1xf32>
        %parallel_loop3A_2293 = vector.extract %parallel_loop3A_2292[0] : f32 from vector<1xf32>
        %parallel_loop3A_2294 = vector.broadcast %parallel_loop3A_2293 : f32 to vector<16xf32>
        %parallel_loop3A_2295 = arith.mulf %parallel_loop3A_2291, %parallel_loop3A_2294 : vector<16xf32>
        %parallel_loop3A_2296 = arith.addf %parallel_loop3A_2288, %parallel_loop3A_2295 : vector<16xf32>
        %parallel_loop3A_2297 = arith.index_cast %parallel_loop3A_2163 : i32 to index
        %parallel_loop3A_2298 = arith.constant 48 : index
        %parallel_loop3A_2299 = tpu.vector_load %arg22[%parallel_loop3A_2297, %parallel_loop3A_2298] {strides = array<i32>} : memref<160x64xf32, #tpu.memory_space<vmem>>, vector<16xf32>,
        tpu.vector_store %arg22[%parallel_loop3A_2297, %parallel_loop3A_2298], %parallel_loop3A_2296 {strides = array<i32>} : memref<160x64xf32, #tpu.memory_space<vmem>>, vector<16xf32>,
      } {sc.loop_unroll_factor = 2 : i64, sc.parallel_access}
      "tpu.region"() ({
        %run_scoped3A = tpu.sem_alloc : memref<!tpu.dma_semaphore, #tpu.memory_space<semaphore_mem>>
        %dma_start3A_41 = arith.constant 0 : i32
        %dma_start3A_42 = tpu.memref_slice %arg7[%add3A_13, %dma_start3A_41] : memref<250880x64xf32, #tpu.memory_space<hbm>> -> memref<160x64xf32, #tpu.memory_space<hbm>>
        %dma_start3A_43 = arith.constant 0 : i32
        %dma_start3A_44 = tpu.memref_slice %arg7[%add3A_13, %dma_start3A_43] : memref<250880x64xf32, #tpu.memory_space<hbm>> -> memref<160x64xf32, #tpu.memory_space<hbm>>
        tpu.enqueue_dma source(%arg22 : memref<160x64xf32, #tpu.memory_space<vmem>>) target(%dma_start3A_44 : memref<160x64xf32, #tpu.memory_space<hbm>>) target_semaphore(%run_scoped3A : memref<!tpu.dma_semaphore, #tpu.memory_space<semaphore_mem>>)
        %dma_wait3A_45 = arith.constant 0 : i32
        %dma_wait3A_46 = tpu.memref_slice %arg7[%add3A_13, %dma_wait3A_45] : memref<250880x64xf32, #tpu.memory_space<hbm>> -> memref<160x64xf32, #tpu.memory_space<hbm>>
        %dma_wait3A_47 = arith.constant 0 : i32
        %dma_wait3A_48 = tpu.memref_slice %arg7[%add3A_13, %dma_wait3A_47] : memref<250880x64xf32, #tpu.memory_space<hbm>> -> memref<160x64xf32, #tpu.memory_space<hbm>>
        tpu.wait_dma2 semaphore(%run_scoped3A : memref<!tpu.dma_semaphore, #tpu.memory_space<semaphore_mem>>) src(%arg22 : memref<160x64xf32, #tpu.memory_space<vmem>>) dst(%dma_wait3A_48 : memref<160x64xf32, #tpu.memory_space<hbm>>)
        tpu.yield
      }) : () -> ()
    }
    %scan3A_9 = arith.constant 49 : i32
    return
  }
}

</mosaic_0001>

<sc_bundles>
// kernel: _sc_roi.3.cloned.1.call-start
scs
__scs_entry_jumppad:
0x0: {  	(pc) =	sbr.rel $0x88, $3  }
0x1: {  	(tag) =	ssettag $0x0;
	lr =	simm.s32 $0x1  }
0x2: {  	[smem:$0x3F9F] =	sst lr;
	_ =	strace $0xD0000000  }
0x3: {  	_ = 	snop  }
0x4: {  	_ = 	snop  }
0x5: {  	_ = 	snop  }
0x6: {  	_ = 	snop  }
0x7: {  	_ = 	snop  }
__scs_overlays_trampoline_lowered:
0x8: {  	[smem:$0x3FAE] =	sst s0  }
0x9: {  	[smem:$0x3FAF] =	sst s1  }
0xa: {  	[smem:$0x3FB0] =	sst s2  }
0xb: {  	[smem:$0x3FB1] =	sst s3  }
0xc: {  	[smem:$0x3FB2] =	sst s4  }
0xd: {  	[smem:$0x3FB3] =	sst s5  }
0xe: {  	[smem:$0x3FB4] =	sst s6  }
0xf: {  	[smem:$0x3FB5] =	sst s7  }
0x10: {  	[smem:$0x3FB6] =	sst s8  }
0x11: {  	[smem:$0x3FB7] =	sst s9;
	s0 =	simm.s32 @!p0 $0x0  }
0x12: {  	s1 =	sld [smem:$0x3F9D];
	s0 =	simm.s32 @p0 $0x1  }
0x13: {  	[smem:$0x3FB8] =	sst s0;
	s0 =	simm.s32 @!p1 $0x0  }
0x14: {  	s2 =	sld [smem:$0x3F9C];
	s0 =	simm.s32 @p1 $0x1  }
0x15: {  	[smem:$0x3FB9] =	sst s0;
	s0 =	simm.s32 @!p2 $0x0  }
0x16: {  	s3 =	sld [smem:$0x3FDB];
	s0 =	simm.s32 @p2 $0x1  }
0x17: {  	s4 =	simm.s32 $0x1BF5;
	[smem:$0x3FBB] =	sst s0  }
0x18: {  	s0 =	sld [smem:$0x3F9E];
	_ =	swait.ge [sflag:s4], $0x0  }
0x19: {  	s7 =	sld [smem:$0x3F9F]  }
0x1a: {  	s8 =	sadd.s32 $0xFFFFE003, lr  }
0x1b: {  	s9 =	sadd.s32 $0xFFFFFEF7, lr;
	s5 =	simm.s32 $0xFFFFFFFF;
	p2 =	slt.u32 s8, $0xFFFFF086  }
0x1c: {  	p1 =	slt.u32 s9, $0xF7A;
	s5 =	simm.s32 @!p2 $0x0  }
0x1d: {  	s5 =	simm.s32 @p1 $0x1;
	p0 =	seq.s32 s7, s2  }
0x1e: {  	s7 =	smul.u32 @!p0 $0xF7A, s2;
	p2 =	seq.s32 @!p0 s5, $0x0  }
0x1f: {  	s9 =	smul.u32 $0xF7A, s1;
	s8 =	simm.s32 @!p0 $0x1BF5;
	p2 =	por !p2, p0  }
0x20: {  	[sflag:s8] =	ssyncset.s32 @!p0 $0xFFFFF086;
	s6 =	sadd.s32 @!p0 s3, s7;
	s7 =	simm.s32 @!p0 $0x108  }
0x21: {  	s3 =	sadd.s32 s3, s9;
	s6 =	sadd.s32 @!p0 $0x88, s6;
	s7 =	simm.s32 @p2 $0x1082  }
0x22: {  	[simem:s7], [sflag:s8] =	dma.local @!p0 [hbm:s6], $0xF7A  }
0x23: {  	s9 =	sor.u32 $0xD0000000, s2;
	s6 =	simm.s32 $0x108;
	_ =	swait.ge @!p0 [sflag:s8], $0x0  }
0x24: {  	s3 =	sadd.s32 $0x88, s3;
	s6 =	simm.s32 @!p1 $0x1082;
	[sflag:s4] =	ssyncset.s32 $0xFFFFF086  }
0x25: {  	[simem:s6], [sflag:s4] =	dma.local [hbm:s3], $0xF7A  }
0x26: {  	[smem:$0x3F9F] =	sst s1;
	(tag) =	ssettag s2;
	_ =	strace s9  }
0x27: {  	s1 =	sld [smem:$0x3FAF]  }
0x28: {  	s2 =	sld [smem:$0x3FB0]  }
0x29: {  	s4 =	sld [smem:$0x3FB2]  }
0x2a: {  	p0 =	seq.s32 s5, $0x0;
	s5 =	sld [smem:$0x3FB3]  }
0x2b: {  	s6 =	sld [smem:$0x3FB4]  }
0x2c: {  	s7 =	sld [smem:$0x3FB5]  }
0x2d: {  	s3 =	simm.s32 $0x108;
	s8 =	sld [smem:$0x3FB6]  }
0x2e: {  	s3 =	simm.s32 @!p0 $0x1082;
	s9 =	sld [smem:$0x3FB7]  }
0x2f: {  	lr =	sadd.s32 s0, s3;
	s0 =	sld [smem:$0x3FAE]  }
0x30: {  	s3 =	sld [smem:$0x3FB1]  }
0x31: {  	[smem:$0x3FBA] =	sst s10  }
0x32: {  	s10 =	sld [smem:$0x3FB8];
	_ =	sdelay $0x3  }
0x33: {  	p0 =	seq.s32 s10, $0x1;
	s10 =	sld [smem:$0x3FBA];
	_ =	sdelay $0x3  }
0x34: {  	[smem:$0x3FBA] =	sst s10  }
0x35: {  	s10 =	sld [smem:$0x3FB9];
	_ =	sdelay $0x3  }
0x36: {  	p1 =	seq.s32 s10, $0x1;
	s10 =	sld [smem:$0x3FBA];
	_ =	sdelay $0x3  }
0x37: {  	[smem:$0x3FBA] =	sst s10  }
0x38: {  	s10 =	sld [smem:$0x3FBB]  }
0x39: {  	_ = 	snop;
	(pc) =	sbr.ind lr, $3  }
0x3a: {  	_ = 	snop  }
0x3b: {  	_ = 	snop  }
0x3c: {  	p2 =	seq.s32 s10, $0x1;
	s10 =	sld [smem:$0x3FBA]  }
0x3d: {  	_ =	shalt  }
0x3e: {  	_ =	shalt  }
0x3f: {  	_ =	shalt  }
0x40: {  	_ =	shalt  }
0x41: {  	_ =	shalt  }
0x42: {  	_ =	shalt  }
0x43: {  	_ =	shalt  }
0x44: {  	_ =	shalt  }
0x45: {  	_ =	shalt  }
0x46: {  	_ =	shalt  }
0x47: {  	_ =	shalt  }
0x48: {  	_ =	shalt  }
0x49: {  	_ =	shalt  }
0x4a: {  	_ =	shalt  }
0x4b: {  	_ =	shalt  }
0x4c: {  	_ =	shalt  }
0x4d: {  	_ =	shalt  }
0x4e: {  	_ =	shalt  }
0x4f: {  	_ =	shalt  }
0x50: {  	_ =	shalt  }
0x51: {  	_ =	shalt  }
0x52: {  	_ =	shalt  }
0x53: {  	_ =	shalt  }
0x54: {  	_ =	shalt  }
0x55: {  	_ =	shalt  }
0x56: {  	_ =	shalt  }
0x57: {  	_ =	shalt  }
0x58: {  	_ =	shalt  }
0x59: {  	_ =	shalt  }
0x5a: {  	_ =	shalt  }
0x5b: {  	_ =	shalt  }
0x5c: {  	_ =	shalt  }
0x5d: {  	_ =	shalt  }
0x5e: {  	_ =	shalt  }
0x5f: {  	_ =	shalt  }
0x60: {  	_ =	shalt  }
0x61: {  	_ =	shalt  }
0x62: {  	_ =	shalt  }
0x63: {  	_ =	shalt  }
0x64: {  	_ =	shalt  }
0x65: {  	_ =	shalt  }
0x66: {  	_ =	shalt  }
0x67: {  	_ =	shalt  }
0x68: {  	_ =	shalt  }
0x69: {  	_ =	shalt  }
0x6a: {  	_ =	shalt  }
0x6b: {  	_ =	shalt  }
0x6c: {  	_ =	shalt  }
0x6d: {  	_ =	shalt  }
0x6e: {  	_ =	shalt  }
0x6f: {  	_ =	shalt  }
0x70: {  	_ =	shalt  }
0x71: {  	_ =	shalt  }
0x72: {  	_ =	shalt  }
0x73: {  	_ =	shalt  }
0x74: {  	_ =	shalt  }
0x75: {  	_ =	shalt  }
0x76: {  	_ =	shalt  }
0x77: {  	_ =	shalt  }
0x78: {  	_ =	shalt  }
0x79: {  	_ =	shalt  }
0x7a: {  	_ =	shalt  }
0x7b: {  	_ =	shalt  }
0x7c: {  	_ =	shalt  }
0x7d: {  	_ =	shalt  }
0x7e: {  	_ =	shalt  }
0x7f: {  	_ =	shalt  }
0x80: {  	_ =	shalt  }
0x81: {  	_ =	shalt  }
0x82: {  	_ =	shalt  }
0x83: {  	_ =	shalt  }
0x84: {  	_ =	shalt  }
0x85: {  	_ =	shalt  }
0x86: {  	_ =	shalt  }
0x87: {  	_ =	shalt  }
.Lfunc_end0:
.L_simem_size_0:
called_computation.1_lowered:
.L_overlay_start_0:
0x88: {  	s2 =	sld [smem:$0x3FD9]  }
0x89: {  	s3 =	sld [smem:$0x3FFE];
	_ =	sdelay $0x1  }
0x8a: {  	s1 =	srdreg.scid  }
0x8b: {  	s0 =	sand.u32 $0x1, s1  }
0x8c: {  	s17 =	sshll.u32 s0, $0xA;
	s2 =	sadd.s32 s3, s2  }
0x8d: {  	s2 =	sadd.s32 s2, s17  }
0x8e: {  	[smem:$0x3FC6] =	sst s2  }
0x8f: {  	_ = 	snop  }
0x90: {  	s2 =	sld [smem:$0x3FD0];
	(tm) =	ssettm $0x1  }
0x91: {  	s18 =	sld [smem:$0x3FFB];
	_ =	sdelay $0x3  }
0x92: {  	_ =	strace s18  }
0x93: {  	s3 =	sld [smem:$0x3FFC];
	_ =	sdelay $0x3  }
0x94: {  	_ =	strace s3  }
0x95: {  	s3 =	sld [smem:$0x3FFD];
	_ =	sdelay $0x3  }
0x96: {  	_ =	strace s3  }
0x97: {  	_ =	strace $0x8FFFFFFF  }
0x98: {  	s19 =	sld [smem:$0x3FDB];
	_ =	sdelay $0x1  }
0x99: {  	s4 =	simm.s32 $_scs_section_size  }
0x9a: {  	s5 =	simm.s32 $_size__tile_overlayer_lowered;
	s6 =	simm.s32 $_tile_overlayer_lowered  }
0x9b: {  	s22 =	simm.s32 $0x1BFF;
	s21 =	sshll.u32 s6, $0x1;
	s3 =	sadd.s32 s4, s19  }
0x9c: {  	s7 =	simm.s32 $0x0;
	s20 =	sshll.u32 s5, $0x1;
	s5 =	sadd.s32 s21, s3  }
0x9d: {  	[timem:s7], [sflag:s22] =	dma.local [hbm:s5], s20  }
0x9e: {  	_ =	swait.ge [sflag:s22], s20  }
0x9f: {  	s4 =	ssub.s32 $0x0, s20;
	[sflag:s22] =	ssyncset.done $0x0  }
0xa0: {  	[sflag:s22] =	ssyncadd.s32 s4;
	_ =	sdelay $0x1  }
0xa1: {  	s23 =	simm.s32 $0x1B8B  }
0xa2: {  	_ =	swait.ge [sflag:s23], $0x1  }
0xa3: {  	[sflag:s23] =	ssyncset.done $0x0  }
0xa4: {  	s25 =	simm.s32 $0x1B8E;
	s24 =	sld [smem:$0x3FFE];
	[sflag:s23] =	ssyncadd.s32 $0xFFFFFFFF  }
0xa5: {  	s26 =	simm.s32 $execute0_lowered;
	[smem:$0x3FD2] =	sst s25  }
0xa6: {  	s5 =	sshll.u32 s26, $0x1;
	_ =	strace $0x80000046;
	[dreg:$0x1] =	wrdreg $0xFFFFFFFF  }
0xa7: {  	s28 =	simm.s32 $_size_execute0_lowered;
	s3 =	sadd.s32 s3, s5;
	[dreg:$0x0] =	wrdreg $0x0  }
0xa8: {  	s5 =	sshll.u32 s28, $0x1;
	[dreg:$0x2] =	wrdreg s3  }
0xa9: {  	[dreg:$0x3] =	wrdreg s5  }
0xaa: {  	[dreg:$0x4] =	wrdreg $0xC0  }
0xab: {  	_ =	task [dreg:s7], $0x5FFFF  }
0xac: {  	[dreg:$0x1] =	wrdreg $0xFFFFFFFF  }
0xad: {  	[dreg:$0x0] =	wrdreg $0x60  }
0xae: {  	[dreg:$0x2] =	wrdreg s24  }
0xaf: {  	[dreg:$0x3] =	wrdreg s2  }
0xb0: {  	[dreg:$0x4] =	wrdreg $0x0  }
0xb1: {  	[dreg:$0x5] =	wrdreg $0x9  }
0xb2: {  	_ =	task.clear_ibuf [dreg:s7], $0x6FFFF;
	_ =	strace $0x90000046  }
0xb3: {  	s29 =	simm.s32 $0x9;
	_ =	strace $0x80000048  }
0xb4: {  	_ =	swait.ge [sflag:s29], $0x1  }
0xb5: {  	[sflag:s29] =	ssyncadd.s32 $0xFFFFFFFF  }
0xb6: {  	_ =	strace $0x90000048  }
0xb7: {  	_ =	sfence  }
0xb8: {  	s30 =	sld [smem:$0x0];
	_ =	sdelay $0x2  }
0xb9: {  	s31 =	sshll.u32 s1, $0xD;
	s1 =	sshrl.u32 s1, $0x2  }
0xba: {  	s3 =	sand.u32 $0x4000, s31;
	s1 =	sadd.s32 s1, s30  }
0xbb: {  	s0 =	sor.u32 s3, s0;
	s1 =	sshll.u32 s1, $0x11  }
0xbc: {  	s0 =	sor.u32 s1, s0  }
0xbd: {  	s0 =	sadd.s32 $0x8F2B, s0  }
0xbe: {  	[sflag:s0] =	ssyncadd.remote.s32 $0x1  }
0xbf: {  	_ =	sfence.sel $0xFFFF  }
0xc0: {  	[dreg:$0x0] =	wrdreg $0xFFFFFFFF;
	(pc) =	sbr.abs _section_cstart, $3  }
0xc1: {  	[dreg:$0x1] =	wrdreg $0xFFFFFFFF  }
0xc2: {  	_ =	task.clear_ibuf [dreg:s7], $0x2FFFF;
	_ =	strace $0x9FFFFFFF  }
0xc3: {  	(tm) =	ssettm $0x7FFFFFFF  }
tec
execute0_lowered:
.L_overlay_start_1:
0x0: {  	(tag) =	ssettag $0x1  }
0x1: {  	s0 =	rddreg [dreg:$0x0];
	s1 =	simm.s32 $0x0  }
0x2: {  	[smem:$0x7FF] =	sst s1  }
0x3: {  	s7 =	rddreg [dreg:$0x2];
	s23 =	srdreg.scid;
	v0 =	vimm.f32 $7.000000000e+00;
	_ =	strace $0x80000047  }
0x4: {  	s24 =	stileid.u32;
	s29 =	simm.s32 $0x2710;
	s20 =	sadd.s32 $0x1A00, s0;
	(erf) = vrcp.f32 v0  }
0x5: {  	s21 =	sadd.s32 $0x1600, s0;
	s22 =	sadd.s32 $0x1200, s0;
	[smem:$0x7F5] =	sst s20  }
0x6: {  	s2 =	sadd.s32 $0xE00, s0;
	s1 =	sand.u32 $0x1, s23;
	[smem:$0x7F6] =	sst s21  }
0x7: {  	s4 =	sshll.u32 s24, $0x1;
	s5 =	smul.u32 $0x3D40, s24;
	[smem:$0x7F7] =	sst s22  }
0x8: {  	s3 =	ssub.s32 $0x2, s1;
	s4 =	sor.u32 s1, s4;
	s1 =	smul.u32 $0x1EA0, s1;
	v0 =	vimm.s32 $0xECA86420  }
0x9: {  	v1 =	vlaneseq.u32;
	s0 =	sadd.s32 $0xA00, s0;
	[smem:$0x7F8] =	sst s2;
	s26 =	smul.u32 $0x1EA0, s4;
	v0 =	vunpack.c.l.s4.s8 v0  }
0xa: {  	s30 =	simm.s32 $0x3B10;
	v4 =	vmul.u32 $0x2, v1;
	[smem:$0x7F9] =	sst s0;
	s6 =	sshrl.u32 s3, $0x1  }
0xb: {  	vm0 =	vcmask $0xB08;
	s25 =	ssub.s32 s3, s6;
	s28 =	sadd.s32 s1, s5;
	[smem:$0x7FA] =	sst s26;
	v2 =	vunpack.c.0.s8.s32 v0  }
0xc: {  	vm1 =	vcmask $0x1310;
	vm2 =	vcmask $0x1B18;
	vm3 =	vcmask $0x300;
	p0 =	sne.s32 s24, $0x0;
	[tilespmem:$0x1FFF0] =	vst v4;
	s0 =	smax.u32 s25, $0x1;
	[smem:$0x7FC] =	sst s28  }
0xd: {  	s31 =	simm.s32 $0x4F10;
	vm4 =	vcmask $0x2320;
	vm5 =	vcmask $0x2B28;
	vm6 =	vcmask $0x3330;
	[smem:$0x7FB] =	sst s0;
	s0 =	sshrl.u32 @!p0 s7, $0x3;
	[tilespmem:$0x1FFD0] =	vst v2;
	v3 =	vpop (erf)  }
0xe: {  	vm7 =	vcmask $0x3B38;
	vm8 =	vmmov $0xff;
	v30 =	vimm.s32 $0x0;
	s3 =	simm.s32 $0x6310;
	s1 =	simm.s32 $0x0;
	[smem:$0x7FD] =	sst s0;
	[tilespmem:$0x1FFE0] =	vst v3  }
.LBB2_1:
0xf: {  	[smem:$0x7F4] =	sst s1  }
0x10: {  	s1 =	sld [smem:$0x7F5]  }
0x11: {  	s2 =	sld [smem:$0x7FD];
	_ =	sdelay $0x1  }
0x12: {  	s0 =	simm.s32 @!p0 $0x1C02  }
0x13: {  	[spmem:s2], [sflag:s0] =	dma.local @!p0 [hbm:s1], $0x4E20  }
0x14: {  	s0 =	simm.s32 @!p0 $0x2  }
0x15: {  	_ =	swait.ge @!p0 [sflag:s0], $0x4E20  }
0x16: {  	s26 =	sld [smem:$0x7F6]  }
0x17: {  	[sflag:s0] =	ssyncset.done @!p0 $0x0  }
0x18: {  	s25 =	simm.s32 $0x0;
	s28 =	simm.s32 $0x2;
	[sflag:s0] =	ssyncadd.s32 @!p0 $0xFFFFB1E0  }
0x19: {  	[tilespmem:s29], [sflag:$0x2] =	stream.linear.gather [hbm4b:s26+s25], $0x1400, $0x38;
	[tilespmem:$0x14410] =	vst v63  }
0x1a: {  	_ =	swait.ge [sflag:s28], $0x1400  }
0x1b: {  	s29 =	sld [smem:$0x7F7]  }
0x1c: {  	[sflag:s28] =	ssyncset.done $0x0  }
0x1d: {  	[sflag:s28] =	ssyncadd.s32 $0xFFFFEC00  }
0x1e: {  	[tilespmem:s30], [sflag:$0x2] =	stream.linear.gather [hbm4b:s29+s25], $0x1400, $0x38;
	[tilespmem:$0x14410] =	vst v63  }
0x1f: {  	_ =	swait.ge [sflag:s28], $0x1400  }
0x20: {  	s30 =	sld [smem:$0x7F8]  }
0x21: {  	[sflag:s28] =	ssyncset.done $0x0  }
0x22: {  	[sflag:s28] =	ssyncadd.s32 $0xFFFFEC00  }
0x23: {  	[tilespmem:s31], [sflag:$0x2] =	stream.linear.gather [hbm4b:s30+s25], $0x1400, $0x38;
	[tilespmem:$0x14410] =	vst v63  }
0x24: {  	_ =	swait.ge [sflag:s28], $0x1400  }
0x25: {  	s31 =	sld [smem:$0x7F9]  }
0x26: {  	[sflag:s28] =	ssyncset.done $0x0  }
0x27: {  	[sflag:s28] =	ssyncadd.s32 $0xFFFFEC00  }
0x28: {  	[tilespmem:s3], [sflag:$0x2] =	stream.linear.gather [hbm4b:s31+s25], $0x1400, $0x38;
	[tilespmem:$0x14410] =	vst v63  }
0x29: {  	_ =	swait.ge [sflag:s28], $0x1400  }
0x2a: {  	[sflag:s28] =	ssyncset.done $0x0  }
0x2b: {  	[sflag:s28] =	ssyncadd.s32 $0xFFFFEC00  }
0x2c: {  	[bflag:$0x0] =	sbarrier.arrive $0xFFFF  }
0x2d: {  	s1 =	simm.s32 $0x0;
	s0 =	sld [smem:$0x7FC]  }
.LBB2_2:
0x2e: {  	_ =	sdelay $0x1  }
0x2f: {  	s21 =	sadd.s32 $0x10, s0  }
0x30: {  	v5 =	vor.u32 s21, v1  }
0x31: {  	v0 =	vmulhi.u32 $0x5397829D, v5;
	_ =	sdelay $0x1  }
0x32: {  	v0 =	vshrl.u32 v0, $0x4  }
0x33: {  	v6 =	vmul.u32 $0xFFFFFFCF, v0;
	_ =	sdelay $0x1  }
0x34: {  	v5 =	vadd.s32 v5, v6  }
0x35: {  	(v2sf) =	vpush v5, $0x7  }
0x36: {  	(v2sf) =	vpush v5, $0x6  }
0x37: {  	(v2sf) =	vpush v5, $0xF  }
0x38: {  	(v2sf) =	vpush v5, $0xB  }
0x39: {  	(v2sf) =	vpush v5, $0x5  }
0x3a: {  	(v2sf) =	vpush v5, $0xE  }
0x3b: {  	(v2sf) =	vpush v5, $0xA  }
0x3c: {  	(v2sf) =	vpush v5, $0x4  }
0x3d: {  	(v2sf) =	vpush v5, $0xD  }
0x3e: {  	(v2sf) =	vpush v5, $0x9  }
0x3f: {  	(v2sf) =	vpush v5, $0x3  }
0x40: {  	(v2sf) =	vpush v5, $0xC  }
0x41: {  	(v2sf) =	vpush v5, $0x8;
	_ =	sdelay $0x1  }
0x42: {  	s20 =	smov.u32 s0;
	(v2sf) =	vpush v5, $0x2  }
0x43: {  	s14 =	smov.u32 s20;
	[smem:$0x7EE] =	sst s20;
	s20 =	spop (v2sf)  }
0x44: {  	(v2sf) =	vpush v5, $0x1;
	s12 =	spop (v2sf)  }
0x45: {  	s13 =	spop (v2sf)  }
0x46: {  	[smem:$0x7EF] =	sst s1;
	s22 =	sshra.s32 s20, $0x1F;
	s15 =	spop (v2sf)  }
0x47: {  	(v2sf) =	vpush v5, $0x0;
	s23 =	smul.u32 $0x92492493, s22;
	s5 =	spop (v2sf)  }
0x48: {  	s2 =	sshra.s32 s12, $0x1F;
	s30 =	smulhi.u32 $0x92492493, s12;
	s16 =	spop (v2sf)  }
0x49: {  	s3 =	sshra.s32 s13, $0x1F;
	s24 =	smul.u32 $0x92492493, s2;
	s9 =	spop (v2sf)  }
0x4a: {  	s25 =	smul.u32 $0x92492493, s3;
	s8 =	spop (v2sf)  }
0x4b: {  	s4 =	sshra.s32 s15, $0x1F;
	s31 =	smulhi.u32 $0x92492493, s15;
	s17 =	spop (v2sf)  }
0x4c: {  	s4 =	smul.u32 $0x92492493, s4;
	s6 =	sshra.s32 s16, $0x1F;
	s11 =	spop (v2sf)  }
0x4d: {  	s6 =	smul.u32 $0x92492493, s6;
	s7 =	sshra.s32 s17, $0x1F;
	s10 =	spop (v2sf)  }
0x4e: {  	s3 =	smul.u32 $0x92492493, s7;
	s18 =	spop (v2sf)  }
0x4f: {  	s7 =	smulhi.u32 $0x92492493, s20;
	s19 =	spop (v2sf);
	s26 =	sshra.s32 s18, $0x1F  }
0x50: {  	[smem:$0x7EC] =	sst s24;
	s22 =	smul.u32 $0x92492493, s26;
	s0 =	sshra.s32 s19, $0x1F  }
0x51: {  	s21 =	spop (v2sf);
	s24 =	smul.u32 $0x92492493, s0  }
0x52: {  	[smem:$0x7ED] =	sst s23;
	s1 =	sshra.s32 s21, $0x1F;
	s0 =	smulhi.u32 $0x92492493, s16  }
0x53: {  	v6 =	vor.u32 s14, v1;
	s23 =	spop (v2sf);
	s26 =	smul.u32 $0x92492493, s1  }
0x54: {  	v7 =	vmulhi.u32 $0x5397829D, v6;
	s2 =	sshra.s32 s23, $0x1F;
	s1 =	smulhi.u32 $0x92492493, s17  }
0x55: {  	[smem:$0x7EB] =	sst s25;
	s28 =	smul.u32 $0x92492493, s2  }
0x56: {  	v7 =	vshrl.u32 v7, $0x4;
	s25 =	spop (v2sf);
	s2 =	smulhi.u32 $0x92492493, s18  }
0x57: {  	v8 =	vmul.u32 $0xFFFFFFCF, v7;
	s14 =	sshra.s32 s25, $0x1F;
	s0 =	ssub.s32 s0, s16;
	s16 =	smulhi.u32 $0x92492493, s19  }
0x58: {  	s12 =	ssub.s32 s30, s12;
	s29 =	smul.u32 $0x92492493, s14  }
0x59: {  	v9 =	vadd.s32 v6, v8;
	s30 =	simm.s32 $0x3B10;
	s15 =	ssub.s32 s31, s15;
	s14 =	smulhi.u32 $0x92492493, s13  }
0x5a: {  	(v2sf) =	vpush v9, $0x0;
	s31 =	simm.s32 $0x4F10;
	s1 =	ssub.s32 s1, s17;
	s17 =	smulhi.u32 $0x92492493, s23  }
0x5b: {  	s0 =	sadd.s32 s6, s0;
	s2 =	ssub.s32 s2, s18;
	s18 =	smulhi.u32 $0x92492493, s5  }
0x5c: {  	(v2sf) =	vpush v9, $0x1;
	s16 =	ssub.s32 s16, s19;
	s14 =	ssub.s32 s14, s13;
	s13 =	smulhi.u32 $0x92492493, s25  }
0x5d: {  	(v2sf) =	vpush v9, $0xC;
	s1 =	sadd.s32 s3, s1;
	s17 =	ssub.s32 s17, s23;
	s23 =	smulhi.u32 $0x92492493, s11  }
0x5e: {  	(v2sf) =	vpush v9, $0x8;
	s2 =	sadd.s32 s22, s2;
	s16 =	sadd.s32 s24, s16;
	s22 =	smulhi.u32 $0x92492493, s8  }
0x5f: {  	(v2sf) =	vpush v9, $0x2;
	s17 =	sadd.s32 s28, s17;
	s13 =	ssub.s32 s13, s25;
	s19 =	ssub.s32 s23, s11  }
0x60: {  	(v2sf) =	vpush v9, $0xD;
	s11 =	sshra.s32 s11, $0x1F;
	s25 =	sadd.s32 s29, s13;
	s13 =	smulhi.u32 $0x92492493, s21  }
0x61: {  	(v2sf) =	vpush v9, $0x9;
	s18 =	ssub.s32 s18, s5;
	s22 =	ssub.s32 s22, s8;
	s24 =	smul.u32 $0x92492493, s11  }
0x62: {  	(v2sf) =	vpush v9, $0x3;
	s8 =	sshra.s32 s8, $0x1F;
	s13 =	ssub.s32 s13, s21;
	s21 =	smulhi.u32 $0x92492493, s9  }
0x63: {  	v13 =	vld.idx.msk [tilespmem:v7+s31+$0x0], $0xffff;
	(v2sf) =	vpush v9, $0xE;
	s29 =	simm.s32 $0x2710;
	s8 =	smul.u32 $0x92492493, s8;
	s23 =	sadd.s32 s26, s13  }
0x64: {  	(v2sf) =	vpush v9, $0xA;
	v11 =	vld.idx.msk [tilespmem:v7+s29+$0x0], $0xffff;
	s26 =	smulhi.u32 $0x92492493, s10;
	s21 =	ssub.s32 s21, s9;
	s9 =	sshra.s32 s9, $0x1F  }
0x65: {  	v14 =	vld.idx.msk [tilespmem:v7+s30+$0x0], $0xffff;
	(v2sf) =	vpush v9, $0x4;
	s5 =	sshra.s32 s5, $0x1F;
	s3 =	sadd.s32 s24, s19;
	s9 =	smul.u32 $0x92492493, s9  }
0x66: {  	(v2sf) =	vpush v9, $0xF;
	v8 =	vmov s2;
	v6 =	vmov s25;
	s19 =	simm.s32 $0x6310;
	s24 =	ssub.s32 s26, s10;
	s10 =	sshra.s32 s10, $0x1F  }
0x67: {  	v10 =	vmov s16;
	v8 =	vsel vm0, s1, v8;
	v6 =	vnsel vm3, $0x0, v6;
	s26 =	smul.u32 $0x92492493, s10;
	s6 =	sadd.s32 s9, s21;
	s9 =	sld [smem:$0x7EB]  }
0x68: {  	s16 =	sadd.s32 s4, s15;
	v8 =	vsel vm1, s0, v8;
	s25 =	smul.u32 $0x92492493, s5;
	s8 =	sadd.s32 s8, s22;
	v6 =	vsel vm0, s17, v6;
	v10 =	vsel vm0, s3, v10;
	v7 =	vld.idx.msk [tilespmem:v7+s19+$0x0], $0xffff  }
0x69: {  	s13 =	spop (v2sf);
	s17 =	sld [smem:$0x7EC];
	v6 =	vsel vm1, s23, v6;
	v12 =	vmul.f32 $6.250000000e-02, v11;
	v11 =	vmul.f32 $6.250000000e-02, v13;
	s26 =	sadd.s32 s26, s24  }
0x6a: {  	v16 =	vld.idx.msk [tilespmem:v0+s30+$0x0], $0xffff;
	s2 =	sadd.s32 s25, s18;
	v13 =	vmul.f32 $6.250000000e-02, v14;
	s21 =	sld [smem:$0x7ED];
	v10 =	vsel vm1, s6, v10;
	v6 =	vsel vm2, s26, v6;
	s0 =	sadd.s32 s9, s14  }
0x6b: {  	s18 =	ssub.s32 s7, s20;
	s20 =	simm.s32 $0x6310;
	s11 =	spop (v2sf);
	v14 =	vld.idx.msk [tilespmem:v0+s31+$0x0], $0xffff;
	v10 =	vsel vm2, s16, v10;
	v6 =	vsel vm4, s8, v6;
	v8 =	vsel vm2, s0, v8  }
0x6c: {  	(v2sf) =	vpush v9, $0xB;
	s24 =	sshra.s32 s11, $0x1F;
	s16 =	smulhi.u32 $0x92492493, s13;
	v6 =	vsel vm5, s2, v6;
	s0 =	sadd.s32 s17, s12;
	v8 =	vcombine.low v10, v8;
	v10 =	vld.idx.msk [tilespmem:v0+s29+$0x0], $0xffff  }
0x6d: {  	(v2sf) =	vpush v9, $0x5;
	v7 =	vmul.f32 $6.250000000e-02, v7;
	s19 =	smul.u32 $0x92492493, s24;
	v6 =	vsel vm6, s0, v6;
	s0 =	sadd.s32 s21, s18;
	v0 =	vld.idx.msk [tilespmem:v0+s20+$0x0], $0xffff  }
0x6e: {  	(v2sf) =	vpush v9, $0x6;
	s22 =	sshra.s32 s13, $0x1F;
	s23 =	sld [smem:$0x7EE];
	s17 =	smulhi.u32 $0x92492493, s11;
	v6 =	vsel vm7, s0, v6  }
0x6f: {  	s10 =	spop (v2sf);
	v7 =	vsub.f32 v7, v13;
	s18 =	smul.u32 $0x92492493, s22;
	v8 =	vperm.xlane v8, v2;
	v6 =	vperm.xlane v6, v4  }
0x70: {  	v16 =	vmul.f32 $6.250000000e-02, v16;
	s28 =	simm.s32 $0x6310;
	(v2sf) =	vpush v9, $0x7;
	s14 =	spop (v2sf);
	s20 =	smulhi.u32 $0x92492493, s10  }
0x71: {  	s8 =	sadd.s32 $0x20, s23;
	s15 =	spop (v2sf);
	v7 =	vmax.f32 v7, $1.000000000e+00;
	s21 =	smulhi.u32 $0x92492493, s14;
	v6 =	vsel vm8, v6, v8;
	v8 =	vsub.f32 v11, v12  }
0x72: {  	s26 =	sshra.s32 s10, $0x1F;
	s25 =	sadd.s32 $0x10, s8;
	s23 =	smulhi.u32 $0x92492493, s15;
	v6 =	vadd.s32 v5, v6;
	v17 =	vmul.f32 $6.250000000e-02, v10;
	v0 =	vmul.f32 $6.250000000e-02, v0  }
0x73: {  	s24 =	sshra.s32 s14, $0x1F;
	s12 =	spop (v2sf);
	s22 =	smul.u32 $0x92492493, s26;
	v11 =	vshrl.u32 v6, $0x1F;
	v6 =	vshra.s32 v6, $0x2;
	v8 =	vmax.f32 v8, $1.000000000e+00  }
0x74: {  	s13 =	ssub.s32 s16, s13;
	s16 =	smul.u32 $0x92492493, s24;
	s7 =	spop (v2sf);
	v6 =	vadd.s32 v11, v6;
	v11 =	vmul.f32 $6.250000000e-02, v14;
	v14 =	vor.u32 s25, v1  }
0x75: {  	s24 =	sshra.s32 s12, $0x1F;
	s11 =	ssub.s32 s17, s11;
	s9 =	spop (v2sf);
	v15 =	vmul.f32 v8, v3;
	v8 =	vmul.u32 $0xFFFFFFF9, v6;
	v18 =	vmulhi.u32 $0x5397829D, v14  }
0x76: {  	s13 =	sadd.s32 s18, s13;
	s10 =	ssub.s32 s20, s10;
	s20 =	smulhi.u32 $0x92492493, s7;
	v10 =	vmul.f32 v7, v3;
	v0 =	vsub.f32 v0, v16;
	v6 =	vcvt.s32.f32 v6  }
0x77: {  	s26 =	sshra.s32 s7, $0x1F;
	s14 =	ssub.s32 s21, s14;
	s24 =	smul.u32 $0x92492493, s24;
	v7 =	vsub.f32 v11, v17;
	v5 =	vadd.s32 v5, v8;
	v11 =	vshrl.u32 v18, $0x4  }
0x78: {  	s5 =	spop (v2sf);
	s18 =	sshra.s32 s9, $0x1F;
	s21 =	smulhi.u32 $0x92492493, s9;
	v0 =	vmax.f32 v0, $1.000000000e+00;
	v5 =	vcvt.s32.f32 v5;
	v8 =	vmul.u32 $0xFFFFFFCF, v11  }
0x79: {  	s26 =	smul.u32 $0x92492493, s26;
	s3 =	spop (v2sf);
	s25 =	sshra.s32 s15, $0x1F;
	v6 =	vadd.f32 $5.000000000e-01, v6;
	v0 =	vmul.f32 v0, v3  }
0x7a: {  	s10 =	sadd.s32 s22, s10;
	s0 =	spop (v2sf);
	s17 =	smul.u32 $0x92492493, s25;
	v7 =	vmax.f32 v7, $1.000000000e+00;
	v18 =	vadd.f32 $5.000000000e-01, v5;
	v5 =	vadd.s32 v14, v8  }
0x7b: {  	v21 =	vmov s10;
	s22 =	sshra.s32 s3, $0x1F;
	s6 =	spop (v2sf);
	s25 =	smulhi.u32 $0x92492493, s12;
	v7 =	vmul.f32 v7, v3;
	(v2sf) =	vpush v5, $0x7  }
0x7c: {  	s9 =	ssub.s32 s21, s9;
	s21 =	smulhi.u32 $0x92492493, s0;
	s4 =	spop (v2sf);
	v0 =	vmul.f32 v0, v6;
	v8 =	vmov s13;
	(v2sf) =	vpush v5, $0x6  }
0x7d: {  	s15 =	ssub.s32 s23, s15;
	s23 =	sshra.s32 s5, $0x1F;
	s12 =	ssub.s32 s25, s12;
	v7 =	vmul.f32 v7, v18;
	v18 =	vor.u32 s8, v1;
	(v2sf) =	vpush v5, $0xF  }
0x7e: {  	s1 =	spop (v2sf);
	s24 =	sadd.s32 s24, s12;
	s12 =	smul.u32 $0x92492493, s23;
	v0 =	vadd.f32 v0, v16;
	v6 =	vmulhi.u32 $0x5397829D, v18;
	(v2sf) =	vpush v5, $0xB  }
0x7f: {  	s15 =	sadd.s32 s17, s15;
	s17 =	sshra.s32 s6, $0x1F;
	s23 =	smul.u32 $0x92492493, s22;
	v8 =	vnsel vm3, $0x0, v8;
	v7 =	vadd.f32 v7, v17;
	(v2sf) =	vpush v5, $0x5  }
0x80: {  	s19 =	sadd.s32 s19, s11;
	s25 =	sshra.s32 s1, $0x1F;
	s17 =	smul.u32 $0x92492493, s17;
	v0 =	vadd.f32 $-5.000000000e-01, v0;
	v19 =	vshrl.u32 v6, $0x4;
	(v2sf) =	vpush v5, $0xE  }
0x81: {  	s7 =	ssub.s32 s20, s7;
	s2 =	spop (v2sf);
	s25 =	smul.u32 $0x92492493, s25;
	v6 =	vsel vm0, s19, v8;
	v7 =	vadd.f32 $-5.000000000e-01, v7;
	(v2sf) =	vpush v5, $0xA  }
0x82: {  	s11 =	spop (v2sf);
	s13 =	sadd.s32 s16, s14;
	s16 =	smul.u32 $0x92492493, s18;
	v16 =	vtrunc.f32 v0;
	v8 =	vmul.u32 $0xFFFFFFCF, v19;
	(v2sf) =	vpush v5, $0x4  }
0x83: {  	[smem:$0x7F3] =	sst s8;
	s7 =	sadd.s32 s26, s7;
	s18 =	smulhi.u32 $0x92492493, s5;
	v14 =	vtrunc.f32 v7;
	vm11 =	vlt.f32 v7, $0.0e+00;
	(v2sf) =	vpush v5, $0xD  }
0x84: {  	s20 =	sshra.s32 s4, $0x1F;
	s22 =	sshra.s32 s2, $0x1F;
	s8 =	smulhi.u32 $0x92492493, s3;
	vm9 =	vlt.f32 v7, v14;
	vm10 =	vgt.f32 v7, v14;
	(v2sf) =	vpush v5, $0x9  }
0x85: {  	s9 =	sadd.s32 s16, s9;
	s5 =	ssub.s32 s18, s5;
	s16 =	smulhi.u32 $0x92492493, s1;
	v14 =	vcvt.f32.s32 v14;
	vm9 =	vmor vm10, vm9;
	(v2sf) =	vpush v5, $0x3  }
0x86: {  	s5 =	sadd.s32 s12, s5;
	s12 =	smulhi.u32 $0x92492493, s4;
	s3 =	ssub.s32 s8, s3;
	vm10 =	vlt.f32 v0, v16;
	vm9 =	vmand vm11, vm9;
	(v2sf) =	vpush v5, $0xC  }
0x87: {  	s8 =	smulhi.u32 $0x92492493, s6;
	s19 =	sshra.s32 s0, $0x1F;
	s0 =	ssub.s32 s21, s0;
	vm11 =	vgt.f32 v0, v16;
	v17 =	vsel vm9, $0xFFFFFFFF, v30;
	(v2sf) =	vpush v5, $0x8  }
0x88: {  	s3 =	sadd.s32 s23, s3;
	s18 =	ssub.s32 s12, s4;
	s21 =	smul.u32 $0x92492493, s20;
	vm9 =	vlt.f32 v0, $0.0e+00;
	vm10 =	vmor vm11, vm10;
	(v2sf) =	vpush v5, $0x2  }
0x89: {  	s23 =	ssub.s32 s16, s1;
	s12 =	smul.u32 $0x92492493, s22;
	s22 =	sld [smem:$0x7EF];
	v16 =	vcvt.f32.s32 v16;
	vm9 =	vmand vm9, vm10;
	(v2sf) =	vpush v5, $0x1  }
0x8a: {  	s26 =	smul.u32 $0x92492493, s19;
	s6 =	ssub.s32 s8, s6;
	v14 =	vadd.s32 v14, v17;
	v17 =	vsel vm9, $0xFFFFFFFF, v30;
	s8 =	spop (v2sf);
	(v2sf) =	vpush v5, $0x0  }
0x8b: {  	v23 =	vmov s13;
	s19 =	sshra.s32 s11, $0x1F;
	s13 =	sadd.s32 s25, s23;
	v20 =	vcvt.s32.f32 v14;
	v17 =	vadd.s32 v16, v17;
	s10 =	spop (v2sf)  }
0x8c: {  	s20 =	smul.u32 $0x92492493, s19;
	s14 =	sadd.s32 s26, s0;
	v16 =	vsel vm1, s15, v6;
	v6 =	vadd.s32 v18, v8;
	v22 =	vcvt.s32.f32 v17;
	s4 =	spop (v2sf)  }
0x8d: {  	v38 =	vld.idx.msk [tilespmem:v19+s31+$0x0], $0xffff;
	s15 =	sadd.s32 s21, s18;
	v18 =	vsel vm0, s7, v23;
	s18 =	smulhi.u32 $0x92492493, s11;
	v7 =	vsub.f32 v7, v20;
	v8 =	vsel vm2, s9, v16;
	s0 =	spop (v2sf)  }
0x8e: {  	s6 =	sadd.s32 s17, s6;
	s26 =	smulhi.u32 $0x92492493, s2;
	v16 =	vsel vm0, s24, v21;
	v20 =	vld.idx.msk [tilespmem:v19+s29+$0x0], $0xffff;
	v24 =	vsel vm1, s3, v18;
	v0 =	vsub.f32 v0, v22;
	s1 =	spop (v2sf)  }
0x8f: {  	v8 =	vsel vm4, s14, v8;
	v37 =	vsel vm1, s5, v16;
	s21 =	ssub.s32 s18, s11;
	s18 =	smul.u32 $0xA0, s22;
	v7 =	vmax.f32 v7, $0.0e+00;
	s9 =	spop (v2sf)  }
0x90: {  	s2 =	ssub.s32 s26, s2;
	v25 =	vld.idx.msk [tilespmem:v19+s28+$0x0], $0xffff;
	v39 =	vsel vm2, s15, v24;
	s23 =	smulhi.u32 $0x92492493, s8;
	v16 =	vmin.f32 v7, $1.000000000e+00;
	v7 =	vmax.f32 v0, $0.0e+00;
	s7 =	spop (v2sf)  }
0x91: {  	s2 =	sadd.s32 s12, s2;
	s24 =	smulhi.u32 $0x92492493, s10;
	v18 =	vmin.f32 v7, $1.000000000e+00;
	v7 =	vsel vm5, s13, v8;
	v8 =	vsel vm2, s6, v37;
	s11 =	spop (v2sf)  }
0x92: {  	s3 =	sadd.s32 s20, s21;
	s17 =	smulhi.u32 $0x92492493, s4;
	v8 =	vcombine.low v39, v8;
	v40 =	vsel vm6, s2, v7;
	s14 =	spop (v2sf)  }
0x93: {  	v36 =	vld.idx.msk [tilespmem:v19+s30+$0x0], $0xffff;
	v42 =	vmul.f32 $6.250000000e-02, v38;
	[smem:$0x7F1] =	sst s24;
	v7 =	vmul.f32 $6.250000000e-02, v20;
	v20 =	vsel vm7, s3, v40;
	s13 =	spop (v2sf)  }
0x94: {  	s15 =	smulhi.u32 $0x92492493, s0;
	v41 =	vperm.xlane v8, v2;
	v20 =	vperm.xlane v20, v4;
	s6 =	spop (v2sf)  }
0x95: {  	v43 =	vmul.f32 $6.250000000e-02, v25;
	v47 =	vadd.s32 $0x1, v17;
	vm10 =	vgt.s32 v17, $0x0;
	s19 =	smulhi.u32 $0x92492493, s9;
	s20 =	spop (v2sf)  }
0x96: {  	vm9 =	vgt.s32 v47, $0x0;
	(v2sf) =	vpush v6, $0x0;
	s5 =	smulhi.u32 $0x92492493, s1;
	v20 =	vsel vm8, v20, v41;
	s21 =	spop (v2sf)  }
0x97: {  	v17 =	vnsel vm10, $0x0, v17;
	s19 =	ssub.s32 s19, s9;
	s9 =	sshra.s32 s9, $0x1F;
	(v2sf) =	vpush v6, $0x1;
	v20 =	vadd.s32 v9, v20;
	s16 =	spop (v2sf)  }
0x98: {  	s9 =	smul.u32 $0x92492493, s9;
	(v2sf) =	vpush v6, $0xC;
	v44 =	vshrl.u32 v20, $0x1F;
	v20 =	vshra.s32 v20, $0x2;
	s22 =	spop (v2sf)  }
0x99: {  	v48 =	vnsel vm9, $0x0, v47;
	(v2sf) =	vpush v6, $0x8;
	s24 =	smulhi.u32 $0x92492493, s6;
	v20 =	vadd.s32 v44, v20;
	s25 =	spop (v2sf)  }
0x9a: {  	[smem:$0x7F2] =	sst s23;
	v21 =	vsub.f32 v42, v7;
	(v2sf) =	vpush v6, $0x2;
	v22 =	vmul.u32 $0xFFFFFFF9, v20;
	s26 =	smulhi.u32 $0x92492493, s25  }
0x9b: {  	v0 =	vsub.f32 $1.000000000e+00, v16;
	s2 =	smov.u32 s8;
	s12 =	smulhi.u32 $0x92492493, s20;
	(v2sf) =	vpush v6, $0xD;
	v20 =	vcvt.s32.f32 v20;
	s8 =	sshra.s32 s25, $0x1F  }
0x9c: {  	s3 =	smov.u32 s10;
	v21 =	vmax.f32 v21, $1.000000000e+00;
	(v2sf) =	vpush v6, $0x9;
	v22 =	vadd.s32 v9, v22;
	s10 =	smul.u32 $0x92492493, s8;
	s23 =	ssub.s32 s26, s25  }
0x9d: {  	(v2sf) =	vpush v6, $0x3;
	v20 =	vadd.f32 $5.000000000e-01, v20;
	v45 =	vcvt.s32.f32 v22;
	s26 =	sshra.s32 s20, $0x1F;
	s20 =	ssub.s32 s12, s20;
	s12 =	smulhi.u32 $0x92492493, s21  }
0x9e: {  	v8 =	vmul.f32 $6.250000000e-02, v36;
	(v2sf) =	vpush v6, $0xE;
	v9 =	vmul.f32 v21, v3;
	s25 =	smul.u32 $0x92492493, s26  }
0x9f: {  	(v2sf) =	vpush v6, $0xA;
	v20 =	vmul.f32 v10, v20;
	s23 =	sadd.s32 s10, s23;
	v21 =	vadd.f32 $5.000000000e-01, v45;
	s10 =	smulhi.u32 $0x92492493, s22  }
0xa0: {  	v17 =	vmin.u32 v17, $0x31;
	v23 =	vsub.f32 v43, v8;
	s8 =	sshra.s32 s22, $0x1F;
	(v2sf) =	vpush v6, $0x4;
	s26 =	smulhi.u32 $0x92492493, s14  }
0xa1: {  	s28 =	sshra.s32 s21, $0x1F;
	v46 =	vmov s23;
	s23 =	smul.u32 $0x92492493, s8;
	v13 =	vadd.f32 v20, v13;
	s21 =	ssub.s32 s12, s21;
	v15 =	vmul.f32 v15, v21  }
0xa2: {  	v17 =	vmul.u32 $0x32, v17;
	v51 =	vsub.f32 $1.000000000e+00, v18;
	(v2sf) =	vpush v6, $0xF;
	s8 =	sld [smem:$0x7FA];
	s12 =	smulhi.u32 $0x92492493, s13;
	s22 =	ssub.s32 s10, s22  }
0xa3: {  	v23 =	vmax.f32 v23, $1.000000000e+00;
	s10 =	sadd.s32 s25, s20;
	v13 =	vadd.f32 $-5.000000000e-01, v13;
	s22 =	sadd.s32 s23, s22;
	s23 =	smul.u32 $0x92492493, s28;
	v12 =	vadd.f32 v15, v12  }
0xa4: {  	v10 =	vmul.f32 v23, v3;
	(v2sf) =	vpush v6, $0xB;
	s25 =	ssub.s32 s26, s14;
	s26 =	ssub.s32 s24, s6;
	s24 =	smulhi.u32 $0x92492493, s11;
	v50 =	vmov s10  }
0xa5: {  	s14 =	sshra.s32 s14, $0x1F;
	v15 =	vnsel vm3, $0x0, v46;
	s21 =	sadd.s32 s23, s21;
	s23 =	smulhi.u32 $0x92492493, s16;
	v49 =	vtrunc.f32 v13;
	v12 =	vadd.f32 $-5.000000000e-01, v12  }
0xa6: {  	s14 =	smul.u32 $0x92492493, s14;
	s20 =	ssub.s32 s12, s13;
	s13 =	sshra.s32 s13, $0x1F;
	v15 =	vsel vm0, s22, v15;
	vm9 =	vlt.f32 v13, v49;
	vm11 =	vgt.f32 v13, v49  }
0xa7: {  	s13 =	smul.u32 $0x92492493, s13;
	vm10 =	vlt.f32 v13, $0.0e+00;
	vm11 =	vmor vm11, vm9;
	s22 =	ssub.s32 s23, s16;
	s16 =	sshra.s32 s16, $0x1F;
	v52 =	vtrunc.f32 v12  }
0xa8: {  	s18 =	sadd.s32 s8, s18;
	s16 =	smul.u32 $0x92492493, s16;
	vm10 =	vmand vm10, vm11;
	vm11 =	vlt.f32 v12, v52;
	vm13 =	vgt.f32 v12, v52  }
0xa9: {  	s8 =	sshra.s32 s6, $0x1F;
	[smem:$0x7F0] =	sst s18;
	s18 =	spop (v2sf);
	v22 =	vcvt.f32.s32 v49;
	vm12 =	vlt.f32 v12, $0.0e+00;
	vm11 =	vmor vm13, vm11  }
0xaa: {  	s14 =	sadd.s32 s14, s25;
	v26 =	vsel vm10, $0xFFFFFFFF, v30;
	v25 =	vcvt.f32.s32 v52;
	s22 =	sadd.s32 s16, s22;
	s16 =	spop (v2sf);
	vm10 =	vmand vm12, vm11  }
0xab: {  	s10 =	smul.u32 $0x92492493, s8;
	v27 =	vmov s21;
	s13 =	sadd.s32 s13, s20;
	v23 =	vsel vm0, s14, v50;
	s14 =	spop (v2sf);
	v53 =	vsel vm10, $0xFFFFFFFF, v30  }
0xac: {  	s12 =	smulhi.u32 $0x92492493, s7;
	s25 =	sshra.s32 s4, $0x1F;
	v27 =	vsel vm0, s13, v27;
	v22 =	vadd.s32 v22, v26;
	s13 =	spop (v2sf);
	v25 =	vadd.s32 v25, v53  }
0xad: {  	(v2sf) =	vpush v6, $0x5;
	s8 =	sshra.s32 s0, $0x1F;
	s23 =	sadd.s32 s10, s26;
	v28 =	vcvt.s32.f32 v22;
	s10 =	spop (v2sf);
	v26 =	vcvt.s32.f32 v25  }
0xae: {  	v19 =	vmul.f32 v0, v18;
	v0 =	vmul.f32 v51, v0;
	(v2sf) =	vpush v6, $0x6;
	s4 =	ssub.s32 s17, s4;
	s26 =	smul.u32 $0x92492493, s25;
	s25 =	spop (v2sf)  }
0xaf: {  	s21 =	ssub.s32 s12, s7;
	v15 =	vsel vm1, s22, v15;
	s22 =	ssub.s32 s24, s11;
	v13 =	vsub.f32 v13, v28;
	s12 =	spop (v2sf);
	v12 =	vsub.f32 v12, v26  }
0xb0: {  	(v2sf) =	vpush v6, $0x7;
	v29 =	vadd.s32 $0x1, v22;
	s11 =	sshra.s32 s11, $0x1F;
	v15 =	vsel vm2, s23, v15;
	s23 =	smul.u32 $0x92492493, s8;
	s8 =	spop (v2sf)  }
0xb1: {  	s0 =	ssub.s32 s15, s0;
	vm12 =	vgt.s32 v29, $0x0;
	s11 =	smul.u32 $0x92492493, s11;
	v13 =	vmax.f32 v13, $0.0e+00;
	s24 =	spop (v2sf);
	v12 =	vmax.f32 v12, $0.0e+00  }
0xb2: {  	s7 =	sshra.s32 s7, $0x1F;
	s4 =	sadd.s32 s26, s4;
	v29 =	vnsel vm12, $0x0, v29;
	v13 =	vmin.f32 v13, $1.000000000e+00;
	s26 =	spop (v2sf);
	v12 =	vmin.f32 v12, $1.000000000e+00  }
0xb3: {  	s7 =	smul.u32 $0x92492493, s7;
	v54 =	vmin.u32 v29, $0x31;
	s15 =	sadd.s32 s11, s22;
	v29 =	vsub.f32 $1.000000000e+00, v13;
	s22 =	spop (v2sf);
	v31 =	vsub.f32 $1.000000000e+00, v12  }
0xb4: {  	v24 =	vmul.f32 v51, v16;
	v16 =	vmul.f32 v18, v16;
	s9 =	sadd.s32 s9, s19;
	v20 =	vadd.s32 $0x1, v14;
	s6 =	simm.s32 $0x0;
	[dreg:$0x6] =	wrdreg s22  }
0xb5: {  	s19 =	sshra.s32 s2, $0x1F;
	v21 =	vmin.u32 v48, $0x31;
	v23 =	vsel vm1, s9, v23;
	s9 =	smulhi.u32 $0x92492493, s18;
	s7 =	sadd.s32 s7, s21;
	[tilespmem:s6+$0x7AE0] =	vst v19;
	v55 =	vmul.f32 v29, v31  }
0xb6: {  	s20 =	sshra.s32 s1, $0x1F;
	vm9 =	vgt.s32 v20, $0x0;
	v27 =	vsel vm1, s7, v27;
	s7 =	smul.u32 $0x92492493, s19;
	[tilespmem:s6+$0x79A0] =	vst v0;
	v56 =	vmul.f32 v31, v13  }
0xb7: {  	v21 =	vmul.u32 $0x32, v21;
	s1 =	ssub.s32 s5, s1;
	v20 =	vnsel vm9, $0x0, v20;
	v15 =	vsel vm4, s15, v15;
	s15 =	smov.u32 s2;
	s2 =	smul.u32 $0x92492493, s20;
	[tilespmem:s6+$0x7990] =	vst v55  }
0xb8: {  	v23 =	vsel vm2, s4, v23;
	vm11 =	vgt.s32 v22, $0x0;
	vm10 =	vgt.s32 v14, $0x0;
	s0 =	sadd.s32 s23, s0;
	s23 =	sshra.s32 s3, $0x1F;
	s5 =	sld [smem:$0x7F1];
	[tilespmem:s6+$0x7AD0] =	vst v56  }
0xb9: {  	s28 =	simm.s32 $0x0;
	v22 =	vnsel vm11, $0x0, v22;
	v28 =	vadd.s32 $0x1, v25;
	v27 =	vsel vm2, s0, v27;
	s0 =	smul.u32 $0x92492493, s23;
	s1 =	sadd.s32 s2, s1;
	[tilespmem:s6+$0x7A40] =	vst v24  }
0xba: {  	vm11 =	vgt.s32 v25, $0x0;
	vm12 =	vgt.s32 v28, $0x0;
	v15 =	vsel vm5, s1, v15;
	s1 =	ssub.s32 s9, s18;
	s9 =	sshra.s32 s13, $0x1F;
	s11 =	sld [smem:$0x7F2]  }
0xbb: {  	s21 =	simm.s32 $0x2;
	v57 =	vmul.u32 $0x32, v54;
	v28 =	vnsel vm12, $0x0, v28;
	s9 =	smul.u32 $0x92492493, s9;
	s22 =	spop (v2sf);
	v18 =	vmul.f32 v29, v12  }
0xbc: {  	v12 =	vmul.f32 v13, v12;
	v19 =	vmin.u32 v22, $0x31;
	s20 =	spop (v2sf);
	v0 =	vnsel vm11, $0x0, v25;
	s3 =	ssub.s32 s5, s3;
	s5 =	smulhi.u32 $0x92492493, s16  }
0xbd: {  	v58 =	vmul.u32 $0x32, v19;
	v13 =	vmin.u32 v20, $0x31;
	v19 =	vmin.u32 v28, $0x31;
	[tilespmem:s6+$0x7B80] =	vst v16;
	s0 =	sadd.s32 s0, s3;
	s2 =	ssub.s32 s11, s15;
	s15 =	sshra.s32 s18, $0x1F  }
0xbe: {  	s23 =	spop (v2sf);
	v59 =	vadd.s32 v13, v17;
	v16 =	vcombine.low v27, v23;
	[tilespmem:s6+$0x7A30] =	vst v18;
	v15 =	vsel vm6, s0, v15;
	s2 =	sadd.s32 s7, s2;
	s4 =	smul.u32 $0x92492493, s15  }
0xbf: {  	s17 =	spop (v2sf);
	v61 =	vadd.s32 v19, v57;
	v60 =	vadd.s32 v19, v58;
	[tilespmem:s6+$0x7B70] =	vst v12;
	s11 =	sshra.s32 s16, $0x1F;
	s15 =	smulhi.u32 $0x92492493, s14;
	v15 =	vsel vm7, s2, v15  }
0xc0: {  	s19 =	spop (v2sf);
	v19 =	vadd.s32 v13, v21;
	[tilespmem:s6+$0x77C0] =	vst v59;
	v16 =	vperm.xlane v16, v2;
	s7 =	sshra.s32 s14, $0x1F;
	s18 =	smul.u32 $0x92492493, s11;
	v18 =	vperm.xlane v15, v4  }
0xc1: {  	v14 =	vnsel vm10, $0x0, v14;
	v20 =	vmin.u32 v0, $0x31;
	v0 =	vld.idx.msk [tilespmem:v11+s29+$0x0], $0xffff;
	[tilespmem:s6+$0x7900] =	vst v19;
	s3 =	ssub.s32 s5, s16;
	s16 =	smov.u32 s12;
	s11 =	smulhi.u32 $0x92492493, s13  }
0xc2: {  	v14 =	vmin.u32 v14, $0x31;
	[tilespmem:s6+$0x77B0] =	vst v60;
	s0 =	sshra.s32 s25, $0x1F;
	s7 =	smul.u32 $0x92492493, s7;
	s1 =	sadd.s32 s4, s1;
	v16 =	vsel vm8, v18, v16;
	v18 =	vld.idx.msk [tilespmem:v11+s31+$0x0], $0xffff  }
0xc3: {  	v12 =	vadd.s32 v14, v17;
	s4 =	sshra.s32 s10, $0x1F;
	s3 =	sadd.s32 s18, s3;
	s18 =	sld [smem:$0x7F3];
	v13 =	vmov s1  }
0xc4: {  	v15 =	vld.idx.msk [tilespmem:v11+s30+$0x0], $0xffff;
	s2 =	ssub.s32 s15, s14;
	s14 =	smov.u32 s10;
	s15 =	simm.s32 $0x6310;
	v17 =	vnsel vm3, $0x0, v13;
	v13 =	vadd.s32 v14, v21;
	v62 =	vadd.s32 v5, v16  }
0xc5: {  	s10 =	smulhi.u32 $0x92492493, s10;
	s5 =	ssub.s32 s11, s13;
	s1 =	sshra.s32 s12, $0x1F;
	v14 =	vadd.s32 v20, v58;
	v16 =	vld.idx.msk [tilespmem:v11+s15+$0x0], $0xffff;
	v11 =	vshrl.u32 v62, $0x1F;
	v63 =	vshra.s32 v62, $0x2  }
0xc6: {  	[tilespmem:s6+$0x78F0] =	vst v61;
	v19 =	vsel vm0, s3, v17;
	s15 =	smov.u32 s8;
	s3 =	sshra.s32 s8, $0x1F;
	s8 =	sadd.s32 $0x20, s18;
	v17 =	vadd.s32 v11, v63;
	v11 =	vadd.s32 v20, v57  }
.LBB2_3:
0xc7: {  	s11 =	sadd.s32 $0x10, s8;
	v20 =	vmul.u32 $0xFFFFFFF9, v17;
	v0 =	vmul.f32 $6.250000000e-02, v0;
	v18 =	vmul.f32 $6.250000000e-02, v18  }
0xc8: {  	s13 =	smul.u32 $0x92492493, s4;
	[tilespmem:s6+$0x7720] =	vst v12;
	v12 =	vor.u32 s11, v1  }
0xc9: {  	[tilespmem:s6+$0x7860] =	vst v13;
	s0 =	smul.u32 $0x92492493, s0;
	v13 =	vmulhi.u32 $0x5397829D, v12;
	v5 =	vadd.s32 v5, v20;
	v18 =	vsub.f32 v18, v0  }
0xca: {  	[dreg:$0x5] =	wrdreg s8;
	[tilespmem:s6+$0x7710] =	vst v14;
	s12 =	ssub.s32 s10, s14;
	s14 =	smulhi.u32 $0x92492493, s25;
	v5 =	vcvt.s32.f32 v5  }
0xcb: {  	s4 =	sshra.s32 s26, $0x1F;
	v14 =	vor.u32 s8, v1;
	[tilespmem:s6+$0x7850] =	vst v11;
	s2 =	sadd.s32 s7, s2;
	s7 =	smulhi.u32 $0x92492493, s16;
	v11 =	vshrl.u32 v13, $0x4;
	v13 =	vmax.f32 v18, $1.000000000e+00  }
0xcc: {  	s18 =	rddreg [dreg:$0x6];
	s8 =	sadd.s32 s9, s5;
	s9 =	smulhi.u32 $0x92492493, s15;
	v5 =	vadd.f32 $5.000000000e-01, v5;
	v18 =	vmul.u32 $0xFFFFFFCF, v11;
	v13 =	vmul.f32 v13, v3  }
0xcd: {  	s10 =	sshra.s32 s18, $0x1F;
	s4 =	smul.u32 $0x92492493, s4  }
0xce: {  	s10 =	smul.u32 $0x92492493, s10;
	v13 =	vmul.f32 v13, v5;
	v5 =	vadd.s32 v12, v18  }
0xcf: {  	v15 =	vmul.f32 $6.250000000e-02, v15;
	v16 =	vmul.f32 $6.250000000e-02, v16;
	s5 =	sadd.s32 s13, s12;
	s12 =	ssub.s32 s14, s25;
	s14 =	smul.u32 $0x92492493, s1;
	(v2sf) =	vpush v5, $0x7  }
0xd0: {  	s11 =	sshra.s32 s24, $0x1F;
	s25 =	smul.u32 $0x92492493, s3;
	(v2sf) =	vpush v5, $0x6  }
0xd1: {  	s13 =	ssub.s32 s7, s16;
	s16 =	ssub.s32 s9, s15;
	s15 =	smulhi.u32 $0x92492493, s24;
	v16 =	vsub.f32 v16, v15;
	(v2sf) =	vpush v5, $0xF  }
0xd2: {  	v17 =	vcvt.s32.f32 v17;
	s7 =	sshra.s32 s22, $0x1F;
	s11 =	smul.u32 $0x92492493, s11  }
0xd3: {  	s9 =	sshra.s32 s20, $0x1F;
	s7 =	smul.u32 $0x92492493, s7;
	v16 =	vmax.f32 v16, $1.000000000e+00;
	(v2sf) =	vpush v5, $0xB  }
0xd4: {  	s28 =	sadd.s32 $0x80, s28;
	v17 =	vadd.f32 $5.000000000e-01, v17;
	s3 =	sshra.s32 s23, $0x1F;
	s9 =	smul.u32 $0x92492493, s9;
	v16 =	vmul.f32 v16, v3  }
0xd5: {  	[dreg:$0x4] =	wrdreg s28;
	v20 =	vmulhi.u32 $0x5397829D, v14;
	s3 =	smul.u32 $0x92492493, s3;
	(v2sf) =	vpush v5, $0x5  }
0xd6: {  	v19 =	vsel vm1, s5, v19;
	s1 =	sadd.s32 s0, s12;
	s0 =	sadd.s32 s14, s13;
	s13 =	smulhi.u32 $0x92492493, s26;
	v12 =	vmul.f32 v16, v17  }
0xd7: {  	s5 =	sshra.s32 s17, $0x1F;
	s6 =	ssub.s32 s15, s24;
	s15 =	smulhi.u32 $0x92492493, s18;
	v16 =	vshrl.u32 v20, $0x4;
	v0 =	vadd.f32 v13, v0;
	(v2sf) =	vpush v5, $0xE  }
0xd8: {  	s25 =	sadd.s32 s25, s16;
	s16 =	smulhi.u32 $0x92492493, s22;
	s24 =	simm.s32 $0x6310;
	v18 =	vmov s2;
	v13 =	vmul.u32 $0xFFFFFFCF, v16;
	v12 =	vadd.f32 v12, v15  }
0xd9: {  	s6 =	sadd.s32 s11, s6;
	s14 =	ssub.s32 s15, s18;
	s18 =	smulhi.u32 $0x92492493, s20;
	v15 =	vmov s8;
	v17 =	vadd.f32 $-5.000000000e-01, v0;
	(v2sf) =	vpush v5, $0xA  }
0xda: {  	s12 =	ssub.s32 s13, s26;
	s11 =	ssub.s32 s16, s22;
	s22 =	smulhi.u32 $0x92492493, s23;
	v45 =	vsel vm0, s0, v15;
	v0 =	vadd.s32 v14, v13;
	(v2sf) =	vpush v5, $0x4  }
0xdb: {  	s4 =	sadd.s32 s4, s12;
	s10 =	sadd.s32 s10, s14;
	s14 =	smulhi.u32 $0x92492493, s19;
	v13 =	vadd.f32 $-5.000000000e-01, v12;
	v14 =	vsel vm2, s25, v19;
	v12 =	vtrunc.f32 v17  }
0xdc: {  	s12 =	ssub.s32 s18, s20;
	s13 =	ssub.s32 s22, s23;
	s25 =	smulhi.u32 $0x92492493, s17;
	v19 =	vld.idx.msk [tilespmem:v16+s29+$0x0], $0xffff;
	vm9 =	vlt.f32 v17, v12;
	vm10 =	vgt.f32 v17, v12;
	(v2sf) =	vpush v5, $0xD  }
0xdd: {  	s2 =	sshra.s32 s19, $0x1F;
	s9 =	sadd.s32 s9, s12;
	s26 =	sadd.s32 s3, s13;
	v21 =	vld.idx.msk [tilespmem:v16+s30+$0x0], $0xffff;
	v20 =	vtrunc.f32 v13;
	vm11 =	vlt.f32 v17, $0.0e+00;
	vm9 =	vmor vm10, vm9  }
0xde: {  	s12 =	smul.u32 $0x92492493, s5;
	v22 =	vld.idx.msk [tilespmem:v16+s31+$0x0], $0xffff;
	s13 =	ssub.s32 s25, s17;
	v12 =	vcvt.f32.s32 v12;
	vm10 =	vlt.f32 v13, v20;
	vm9 =	vmand vm11, vm9;
	s17 =	spop (v2sf)  }
0xdf: {  	s2 =	smul.u32 $0x92492493, s2;
	v23 =	vld.idx.msk [tilespmem:v16+s24+$0x0], $0xffff;
	vm11 =	vgt.f32 v13, v20;
	v16 =	vsel vm9, $0xFFFFFFFF, v30;
	(v2sf) =	vpush v5, $0x9;
	s3 =	spop (v2sf)  }
0xe0: {  	vm9 =	vlt.f32 v13, $0.0e+00;
	vm10 =	vmor vm11, vm10;
	(v2sf) =	vpush v5, $0x3;
	s20 =	smulhi.u32 $0x92492493, s17;
	s0 =	smov.u32 s17;
	s18 =	spop (v2sf)  }
0xe1: {  	v12 =	vadd.s32 v12, v16;
	v16 =	vcvt.f32.s32 v20;
	vm9 =	vmand vm9, vm10;
	[dreg:$0xd] =	wrdreg s0;
	s22 =	smulhi.u32 $0x92492493, s3  }
0xe2: {  	v20 =	vsel vm9, $0xFFFFFFFF, v30;
	v24 =	vcvt.s32.f32 v12;
	[smem:$0x7E0] =	sst s3;
	s8 =	spop (v2sf)  }
0xe3: {  	s16 =	ssub.s32 s14, s19;
	v16 =	vadd.s32 v16, v20;
	[dreg:$0x7] =	wrdreg s20;
	s14 =	smulhi.u32 $0x92492493, s18  }
0xe4: {  	v17 =	vsub.f32 v17, v24;
	v20 =	vcvt.s32.f32 v16;
	(v2sf) =	vpush v5, $0xC;
	s19 =	spop (v2sf);
	s23 =	smulhi.u32 $0x92492493, s8  }
0xe5: {  	v18 =	vsel vm0, s1, v18;
	v25 =	vsel vm4, s10, v14;
	[dreg:$0x8] =	wrdreg s22;
	s24 =	smulhi.u32 $0x92492493, s19  }
0xe6: {  	v14 =	vmax.f32 v17, $0.0e+00;
	v15 =	vsub.f32 v13, v20;
	v17 =	vsel vm1, s6, v18;
	[smem:$0x7E1] =	sst s19;
	s29 =	spop (v2sf)  }
0xe7: {  	s7 =	sadd.s32 s7, s11;
	v18 =	vsel vm1, s4, v45;
	v20 =	vsel vm5, s26, v25;
	(v2sf) =	vpush v5, $0x8;
	[dreg:$0x9] =	wrdreg s23;
	s25 =	smulhi.u32 $0x92492493, s29  }
0xe8: {  	s15 =	sadd.s32 s12, s13;
	v17 =	vsel vm2, s7, v17;
	v18 =	vsel vm2, s9, v18;
	(v2sf) =	vpush v5, $0x2;
	s5 =	spop (v2sf);
	[dreg:$0xb] =	wrdreg s24  }
0xe9: {  	s2 =	sadd.s32 s2, s16;
	v17 =	vcombine.low v18, v17;
	v18 =	vsel vm6, s15, v20;
	(v2sf) =	vpush v5, $0x1;
	s26 =	smulhi.u32 $0x92492493, s5;
	s7 =	spop (v2sf)  }
0xea: {  	v18 =	vsel vm7, s2, v18;
	s24 =	sshra.s32 s0, $0x1F;
	[dreg:$0x11] =	wrdreg s25;
	s2 =	smulhi.u32 $0x92492493, s7  }
0xeb: {  	(v2sf) =	vpush v5, $0x0;
	s16 =	spop (v2sf);
	s25 =	sshra.s32 s3, $0x1F;
	s0 =	smul.u32 $0x92492493, s24  }
0xec: {  	s3 =	sshra.s32 s18, $0x1F;
	s18 =	ssub.s32 s14, s18;
	s14 =	sld [smem:$0x7E0]  }
0xed: {  	[dreg:$0x12] =	wrdreg s26;
	s4 =	smulhi.u32 $0x92492493, s16  }
0xee: {  	(v2sf) =	vpush v0, $0x0;
	s15 =	spop (v2sf);
	[dreg:$0x13] =	wrdreg s2  }
0xef: {  	s10 =	smulhi.u32 $0x92492493, s15;
	s17 =	spop (v2sf)  }
0xf0: {  	s9 =	smov.u32 s19;
	(v2sf) =	vpush v0, $0x1;
	[dreg:$0xc] =	wrdreg s0;
	s11 =	smulhi.u32 $0x92492493, s17  }
0xf1: {  	(v2sf) =	vpush v0, $0xC;
	s2 =	sshra.s32 s29, $0x1F;
	[dreg:$0x14] =	wrdreg s4;
	s4 =	smul.u32 $0x92492493, s25  }
0xf2: {  	s24 =	sshra.s32 s9, $0x1F;
	s9 =	smul.u32 $0x92492493, s2;
	[dreg:$0x17] =	wrdreg s10  }
0xf3: {  	(v2sf) =	vpush v0, $0x8;
	[dreg:$0x16] =	wrdreg s11;
	s13 =	spop (v2sf)  }
0xf4: {  	[dreg:$0x15] =	wrdreg s4;
	s12 =	smulhi.u32 $0x92492493, s13  }
0xf5: {  	[smem:$0x7E8] =	sst s9  }
0xf6: {  	(v2sf) =	vpush v0, $0x2;
	s31 =	spop (v2sf);
	[dreg:$0x19] =	wrdreg s12  }
0xf7: {  	(v2sf) =	vpush v0, $0xD;
	s19 =	smulhi.u32 $0x92492493, s31;
	s10 =	spop (v2sf)  }
0xf8: {  	s20 =	smulhi.u32 $0x92492493, s10;
	s26 =	spop (v2sf)  }
0xf9: {  	(v2sf) =	vpush v0, $0x9;
	[dreg:$0x18] =	wrdreg s19;
	s22 =	smulhi.u32 $0x92492493, s26  }
0xfa: {  	s12 =	spop (v2sf);
	s19 =	smul.u32 $0x92492493, s3  }
0xfb: {  	(v2sf) =	vpush v0, $0x3;
	s3 =	smul.u32 $0x92492493, s24;
	[dreg:$0x1a] =	wrdreg s20  }
0xfc: {  	s6 =	sshra.s32 s28, $0x2;
	v17 =	vperm.xlane v17, v2;
	v18 =	vperm.xlane v18, v4;
	s23 =	smulhi.u32 $0x92492493, s12;
	[dreg:$0x1e] =	wrdreg s22  }
0xfd: {  	s24 =	sshra.s32 s16, $0x1F;
	s28 =	spop (v2sf);
	[dreg:$0x1b] =	wrdreg s19  }
0xfe: {  	v17 =	vsel vm8, v18, v17;
	s2 =	smul.u32 $0x92492493, s24;
	[dreg:$0x1f] =	wrdreg s3  }
0xff: {  	v19 =	vmul.f32 $6.250000000e-02, v19;
	v47 =	vmul.f32 $6.250000000e-02, v22;
	v17 =	vadd.s32 v6, v17;
	s1 =	spop (v2sf);
	[smem:$0x7E2] =	sst s23  }
0x100: {  	v49 =	vshrl.u32 v17, $0x1F;
	v17 =	vshra.s32 v17, $0x2;
	s20 =	sshra.s32 s8, $0x1F;
	[dreg:$0x10] =	wrdreg s1;
	s11 =	spop (v2sf)  }
0x101: {  	v18 =	vsub.f32 v47, v19;
	v17 =	vadd.s32 v49, v17;
	s23 =	smul.u32 $0x92492493, s20;
	[smem:$0x7E3] =	sst s2  }
0x102: {  	v20 =	vmul.f32 $6.250000000e-02, v21;
	v21 =	vmul.u32 $0xFFFFFFF9, v17;
	v17 =	vcvt.s32.f32 v17;
	[dreg:$0xa] =	wrdreg s11;
	s22 =	spop (v2sf)  }
0x103: {  	v18 =	vmax.f32 v18, $1.000000000e+00;
	(v2sf) =	vpush v0, $0xE;
	[dreg:$0xe] =	wrdreg s22  }
0x104: {  	v21 =	vadd.s32 v6, v21;
	v17 =	vadd.f32 $5.000000000e-01, v17;
	v6 =	vmovc v0;
	(v2sf) =	vpush v0, $0xA;
	s11 =	sshra.s32 s5, $0x1F;
	[dreg:$0x1c] =	wrdreg s23  }
0x105: {  	s4 =	smov.u32 s8;
	v0 =	vmul.f32 v18, v3;
	v18 =	vcvt.s32.f32 v21;
	(v2sf) =	vpush v6, $0x4;
	s25 =	spop (v2sf);
	s20 =	smul.u32 $0x92492493, s11  }
0x106: {  	s22 =	sshra.s32 s7, $0x1F;
	[dreg:$0x1d] =	wrdreg s25;
	s8 =	spop (v2sf)  }
0x107: {  	v17 =	vmul.f32 v10, v17;
	v18 =	vadd.f32 $5.000000000e-01, v18;
	s25 =	smul.u32 $0x92492493, s22;
	[smem:$0x7E7] =	sst s8  }
0x108: {  	v48 =	vmul.f32 $6.250000000e-02, v23;
	s3 =	sshra.s32 s15, $0x1F;
	s19 =	spop (v2sf);
	[smem:$0x7E9] =	sst s20  }
0x109: {  	v17 =	vadd.f32 v17, v8;
	(v2sf) =	vpush v6, $0xF;
	v18 =	vmul.f32 v9, v18;
	s8 =	smul.u32 $0x92492493, s3;
	[smem:$0x7E4] =	sst s19  }
0x10a: {  	v50 =	vadd.s32 $0x1, v16;
	vm10 =	vgt.s32 v16, $0x0;
	(v2sf) =	vpush v6, $0xB;
	s11 =	sshra.s32 s17, $0x1F;
	s23 =	spop (v2sf);
	[smem:$0x7EA] =	sst s25  }
0x10b: {  	vm9 =	vgt.s32 v50, $0x0;
	v9 =	vmovc v0;
	v0 =	vadd.f32 $-5.000000000e-01, v17;
	v18 =	vadd.f32 v18, v7;
	s22 =	sshra.s32 s13, $0x1F;
	s25 =	smul.u32 $0x92492493, s11;
	s11 =	rddreg [dreg:$0x8]  }
0x10c: {  	v16 =	vnsel vm10, $0x0, v16;
	v22 =	vsub.f32 v48, v20;
	(v2sf) =	vpush v6, $0x5;
	s0 =	smul.u32 $0x92492493, s22;
	s3 =	sshra.s32 s26, $0x1F;
	[dreg:$0xf] =	wrdreg s23  }
0x10d: {  	(v2sf) =	vpush v6, $0x6;
	v7 =	vmovc v19;
	v19 =	vtrunc.f32 v0;
	v18 =	vadd.f32 $-5.000000000e-01, v18;
	s22 =	smul.u32 $0x92492493, s3;
	s3 =	ssub.s32 s11, s14;
	s11 =	rddreg [dreg:$0x11]  }
0x10e: {  	v8 =	vmovc v20;
	v20 =	vnsel vm9, $0x0, v50;
	vm9 =	vlt.f32 v0, v19;
	vm11 =	vgt.f32 v0, v19;
	s29 =	ssub.s32 s11, s29;
	s11 =	rddreg [dreg:$0x9]  }
0x10f: {  	vm10 =	vlt.f32 v0, $0.0e+00;
	vm11 =	vmor vm11, vm9;
	v52 =	vtrunc.f32 v18;
	s14 =	ssub.s32 s11, s4;
	s11 =	sld [smem:$0x7E1]  }
0x110: {  	s21 =	sadd.s32 $0x2, s21;
	s30 =	sshra.s32 s12, $0x1F;
	vm10 =	vmand vm10, vm11;
	vm11 =	vlt.f32 v18, v52;
	vm13 =	vgt.f32 v18, v52;
	[smem:$0x7E5] =	sst s8  }
0x111: {  	p1 =	slt.u32 s21, $0x8;
	s30 =	smul.u32 $0x92492493, s30;
	vm12 =	vlt.f32 v18, $0.0e+00;
	vm11 =	vmor vm13, vm11;
	s4 =	rddreg [dreg:$0xb]  }
0x112: {  	v19 =	vcvt.f32.s32 v19;
	v53 =	vcvt.f32.s32 v52;
	vm11 =	vmand vm12, vm11;
	s1 =	spop (v2sf);
	s4 =	ssub.s32 s4, s11;
	s11 =	rddreg [dreg:$0x12]  }
0x113: {  	v22 =	vmax.f32 v22, $1.000000000e+00;
	v54 =	vsel vm10, $0xFFFFFFFF, v30;
	v55 =	vsel vm11, $0xFFFFFFFF, v30;
	s9 =	spop (v2sf);
	s5 =	ssub.s32 s11, s5;
	s11 =	sld [smem:$0x7E2]  }
0x114: {  	v10 =	vmul.f32 v22, v3;
	s24 =	sshra.s32 s10, $0x1F;
	v19 =	vadd.s32 v19, v54;
	[smem:$0x7E6] =	sst s1;
	v22 =	vadd.s32 v53, v55;
	s20 =	spop (v2sf)  }
0x115: {  	v56 =	vcvt.s32.f32 v19;
	s23 =	sshra.s32 s31, $0x1F;
	s8 =	smul.u32 $0x92492493, s24;
	v23 =	vcvt.s32.f32 v22;
	[dreg:$0x6] =	wrdreg s20  }
0x116: {  	v13 =	vmin.f32 v14, $1.000000000e+00;
	v14 =	vmax.f32 v15, $0.0e+00;
	s1 =	smov.u32 s21;
	s12 =	ssub.s32 s11, s12;
	s11 =	rddreg [dreg:$0x13]  }
0x117: {  	v14 =	vmin.f32 v14, $1.000000000e+00;
	v0 =	vsub.f32 v0, v56;
	s21 =	smul.u32 $0x92492493, s23;
	v18 =	vsub.f32 v18, v23;
	s7 =	ssub.s32 s11, s7;
	s11 =	rddreg [dreg:$0x14]  }
0x118: {  	v15 =	vsub.f32 $1.000000000e+00, v13;
	v51 =	vsub.f32 $1.000000000e+00, v14;
	s12 =	sadd.s32 s30, s12;
	s16 =	ssub.s32 s11, s16;
	s11 =	rddreg [dreg:$0x17]  }
0x119: {  	v0 =	vmax.f32 v0, $0.0e+00;
	s2 =	spop (v2sf);
	v18 =	vmax.f32 v18, $0.0e+00;
	v28 =	vmov s12;
	s12 =	rddreg [dreg:$0x16]  }
0x11a: {  	(v2sf) =	vpush v6, $0x7;
	v0 =	vmin.f32 v0, $1.000000000e+00;
	s20 =	spop (v2sf);
	v18 =	vmin.f32 v18, $1.000000000e+00;
	s15 =	ssub.s32 s11, s15;
	s11 =	rddreg [dreg:$0x19]  }
0x11b: {  	v46 =	vmul.f32 v15, v14;
	v60 =	vsub.f32 $1.000000000e+00, v0;
	s23 =	spop (v2sf);
	v26 =	vsub.f32 $1.000000000e+00, v18;
	s12 =	ssub.s32 s12, s17;
	s17 =	rddreg [dreg:$0x18]  }
0x11c: {  	v16 =	vmin.u32 v16, $0x31;
	v15 =	vmul.f32 v51, v15;
	s24 =	spop (v2sf);
	s13 =	ssub.s32 s11, s13;
	s11 =	rddreg [dreg:$0x1e]  }
0x11d: {  	v27 =	vmul.u32 $0x32, v16;
	[tilespmem:s6+$0x7AE0] =	vst v46;
	v16 =	vmul.f32 v60, v26;
	s17 =	ssub.s32 s17, s31;
	s12 =	sadd.s32 s25, s12;
	s25 =	sld [smem:$0x7E7]  }
0x11e: {  	[tilespmem:s6+$0x79A0] =	vst v15;
	s26 =	ssub.s32 s11, s26;
	s11 =	rddreg [dreg:$0x1a];
	s17 =	sadd.s32 s21, s17  }
0x11f: {  	v15 =	vmul.f32 v0, v18;
	[tilespmem:s6+$0x7990] =	vst v16;
	s13 =	sadd.s32 s0, s13;
	v16 =	vmov s17;
	s17 =	smov.u32 s24;
	s24 =	sld [smem:$0x7E6]  }
0x120: {  	v26 =	vmul.f32 v26, v0;
	v28 =	vnsel vm3, $0x0, v28;
	s22 =	sadd.s32 s22, s26;
	v0 =	vmov s13;
	s13 =	sld [smem:$0x7E8]  }
0x121: {  	v21 =	vmul.f32 v51, v13;
	v13 =	vmul.f32 v14, v13;
	s10 =	ssub.s32 s11, s10;
	v14 =	vsel vm0, s22, v28;
	s22 =	smov.u32 s2;
	s2 =	sld [smem:$0x7E3]  }
0x122: {  	s8 =	sadd.s32 s8, s10;
	s10 =	sld [smem:$0x7E5]  }
0x123: {  	v14 =	vsel vm1, s8, v14;
	s8 =	rddreg [dreg:$0xd]  }
0x124: {  	v14 =	vsel vm2, s12, v14;
	s12 =	rddreg [dreg:$0x1c]  }
0x125: {  	s26 =	smov.u32 s9;
	s9 =	sadd.s32 s2, s16;
	s16 =	sld [smem:$0x7E4]  }
0x126: {  	s2 =	sld [smem:$0x7E9]  }
0x127: {  	s11 =	sadd.s32 s10, s15;
	s10 =	rddreg [dreg:$0x1b]  }
0x128: {  	v20 =	vmin.u32 v20, $0x31;
	v17 =	vadd.s32 $0x1, v12;
	s15 =	sadd.s32 s13, s29;
	s13 =	sadd.s32 s12, s14;
	s14 =	rddreg [dreg:$0x1d]  }
0x129: {  	v20 =	vmul.u32 $0x32, v20;
	vm9 =	vgt.s32 v17, $0x0;
	s19 =	spop (v2sf);
	s12 =	rddreg [dreg:$0xc]  }
0x12a: {  	v17 =	vnsel vm9, $0x0, v17;
	vm10 =	vgt.s32 v12, $0x0;
	s30 =	simm.s32 $0x3B10;
	s31 =	simm.s32 $0x4F10;
	v0 =	vsel vm0, s9, v0;
	s9 =	sld [smem:$0x7EA]  }
0x12b: {  	v17 =	vmin.u32 v17, $0x31;
	v57 =	vadd.s32 $0x1, v19;
	s21 =	smov.u32 s1;
	v16 =	vsel vm0, s11, v16;
	s11 =	sadd.s32 s10, s18;
	s10 =	rddreg [dreg:$0x10]  }
0x12c: {  	v12 =	vnsel vm10, $0x0, v12;
	vm12 =	vgt.s32 v57, $0x0;
	s18 =	smulhi.u32 $0x92492493, s28;
	v0 =	vsel vm1, s15, v0;
	s15 =	rddreg [dreg:$0x1f];
	s5 =	sadd.s32 s2, s5  }
0x12d: {  	v62 =	vmin.u32 v12, $0x31;
	v25 =	vnsel vm12, $0x0, v57;
	s4 =	sadd.s32 s15, s4;
	v0 =	vsel vm2, s11, v0;
	s2 =	rddreg [dreg:$0x15];
	s11 =	sshra.s32 s28, $0x1F  }
0x12e: {  	vm11 =	vgt.s32 v19, $0x0;
	v59 =	vmin.u32 v25, $0x31;
	v58 =	vadd.s32 $0x1, v22;
	s15 =	ssub.s32 s18, s28;
	s28 =	rddreg [dreg:$0x4];
	s7 =	sadd.s32 s9, s7  }
0x12f: {  	vm13 =	vgt.s32 v58, $0x0;
	s0 =	sshra.s32 s25, $0x1F;
	s29 =	simm.s32 $0x2710;
	v16 =	vsel vm1, s5, v16;
	s5 =	rddreg [dreg:$0x7];
	v14 =	vsel vm4, s7, v14  }
0x130: {  	v24 =	vnsel vm13, $0x0, v58;
	v23 =	vmul.u32 $0x32, v59;
	s9 =	ssub.s32 s5, s8;
	s5 =	smulhi.u32 $0x92492493, s10;
	v14 =	vsel vm5, s4, v14;
	s4 =	sadd.s32 s2, s3  }
0x131: {  	[tilespmem:s6+$0x7B80] =	vst v13;
	v61 =	vmin.u32 v24, $0x31;
	v13 =	vsel vm2, s13, v16;
	s13 =	sshra.s32 s10, $0x1F;
	s10 =	smov.u32 s10;
	v14 =	vsel vm6, s4, v14;
	s4 =	smul.u32 $0x92492493, s11  }
0x132: {  	[tilespmem:s6+$0x7A40] =	vst v21;
	v19 =	vnsel vm11, $0x0, v19;
	vm11 =	vgt.s32 v22, $0x0;
	v21 =	vadd.s32 v61, v23;
	s1 =	sadd.s32 s12, s9;
	s2 =	rddreg [dreg:$0xa];
	s11 =	smul.u32 $0x92492493, s13  }
0x133: {  	v19 =	vmin.u32 v19, $0x31;
	v25 =	vmul.f32 v60, v18;
	[tilespmem:s6+$0x7B70] =	vst v15;
	v15 =	vld.idx.msk [tilespmem:v11+s30+$0x0], $0xffff;
	v13 =	vcombine.low v13, v0;
	s9 =	rddreg [dreg:$0xe];
	s7 =	sshra.s32 s2, $0x1F;
	s12 =	smulhi.u32 $0x92492493, s2  }
0x134: {  	v22 =	vnsel vm11, $0x0, v22;
	v19 =	vmul.u32 $0x32, v19;
	[tilespmem:s6+$0x78F0] =	vst v21;
	v18 =	vld.idx.msk [tilespmem:v11+s31+$0x0], $0xffff;
	s8 =	sshra.s32 s9, $0x1F;
	s13 =	smulhi.u32 $0x92492493, s9;
	s5 =	ssub.s32 s5, s10;
	v14 =	vsel vm7, s1, v14  }
0x135: {  	v22 =	vmin.u32 v22, $0x31;
	[tilespmem:s6+$0x7A30] =	vst v25;
	v0 =	vld.idx.msk [tilespmem:v11+s29+$0x0], $0xffff;
	s10 =	smulhi.u32 $0x92492493, s14;
	v12 =	vperm.xlane v13, v2;
	v13 =	vperm.xlane v14, v4;
	s3 =	sadd.s32 s4, s15;
	s15 =	simm.s32 $0x6310  }
.Ltmp0:
0x136: {  	s18 =	smov.u32 s2;
	s9 =	smov.u32 s9;
	v14 =	vadd.s32 v17, v27;
	v17 =	vadd.s32 v17, v20;
	v16 =	vld.idx.msk [tilespmem:v11+s15+$0x0], $0xffff;
	v11 =	vadd.s32 v61, v19;
	(pc) =	sbr.rel @p1 .LBB2_3-.Ltmp0, $4  }
0x137: {  	s1 =	sshra.s32 s16, $0x1F;
	s7 =	smul.u32 $0x92492493, s7;
	s4 =	sshra.s32 s14, $0x1F;
	v63 =	vmov s3;
	[tilespmem:s6+$0x77C0] =	vst v14;
	v13 =	vsel vm8, v13, v12;
	v12 =	vadd.s32 v62, v27  }
0x138: {  	s2 =	ssub.s32 s12, s18;
	s11 =	sadd.s32 s11, s5;
	s18 =	rddreg [dreg:$0x5];
	v25 =	vnsel vm3, $0x0, v63;
	[tilespmem:s6+$0x77B0] =	vst v11;
	v11 =	vadd.s32 v22, v23;
	v14 =	vadd.s32 v5, v13  }
0x139: {  	s5 =	ssub.s32 s13, s9;
	s9 =	smul.u32 $0x92492493, s8;
	s3 =	rddreg [dreg:$0xf];
	[tilespmem:s6+$0x7900] =	vst v17;
	v13 =	vadd.s32 v62, v20;
	v17 =	vshrl.u32 v14, $0x1F;
	v20 =	vshra.s32 v14, $0x2  }
0x13a: {  	[tilespmem:s6+$0x7AD0] =	vst v26;
	s8 =	sadd.s32 $0x20, s18;
	s15 =	smov.u32 s3;
	s3 =	sshra.s32 s3, $0x1F;
	v14 =	vadd.s32 v22, v19;
	v19 =	vsel vm0, s11, v25;
	v17 =	vadd.s32 v17, v20  }
0x13b: {  	s4 =	smul.u32 $0x92492493, s4  }
0x13c: {  	s8 =	smulhi.u32 $0x92492493, s25  }
0x13d: {  	s11 =	smulhi.u32 $0x92492493, s16  }
0x13e: {  	s12 =	smulhi.u32 $0x92492493, s15  }
0x13f: {  	s0 =	smul.u32 $0x92492493, s0  }
0x140: {  	s1 =	smul.u32 $0x92492493, s1  }
0x141: {  	s18 =	smov.u32 s15;
	s3 =	smul.u32 $0x92492493, s3  }
0x142: {  	s10 =	ssub.s32 s10, s14;
	s13 =	smulhi.u32 $0x92492493, s24;
	s2 =	sadd.s32 s7, s2  }
0x143: {  	s5 =	sadd.s32 s9, s5;
	s7 =	smulhi.u32 $0x92492493, s26;
	s15 =	sshra.s32 s24, $0x1F  }
0x144: {  	s21 =	smov.u32 s16;
	s16 =	rddreg [dreg:$0x6];
	s9 =	smul.u32 $0x92492493, s15  }
0x145: {  	s4 =	sadd.s32 s4, s10;
	s10 =	smulhi.u32 $0x92492493, s16;
	s8 =	ssub.s32 s8, s25  }
0x146: {  	s25 =	sshra.s32 s26, $0x1F;
	s12 =	ssub.s32 s12, s18;
	s18 =	smulhi.u32 $0x92492493, s23  }
0x147: {  	s11 =	ssub.s32 s11, s21;
	s21 =	sshra.s32 s16, $0x1F;
	s14 =	smul.u32 $0x92492493, s25  }
0x148: {  	s0 =	sadd.s32 s0, s8;
	s25 =	smul.u32 $0x92492493, s21  }
0x149: {  	v0 =	vmul.f32 $6.250000000e-02, v0;
	s1 =	sadd.s32 s1, s11;
	s3 =	sadd.s32 s3, s12;
	s11 =	smulhi.u32 $0x92492493, s22  }
0x14a: {  	v18 =	vmul.f32 $6.250000000e-02, v18;
	v22 =	vmul.u32 $0xFFFFFFF9, v17;
	v20 =	vmov s2;
	s12 =	ssub.s32 s13, s24;
	s13 =	smulhi.u32 $0x92492493, s20;
	s21 =	sshra.s32 s20, $0x1F  }
0x14b: {  	v15 =	vmul.f32 $6.250000000e-02, v15;
	v21 =	vmov s5;
	s24 =	sshra.s32 s23, $0x1F;
	v20 =	vsel vm0, s0, v20;
	s0 =	smul.u32 $0x92492493, s21  }
0x14c: {  	v16 =	vmul.f32 $6.250000000e-02, v16;
	v62 =	vcvt.s32.f32 v17;
	s7 =	ssub.s32 s7, s26;
	s8 =	sshra.s32 s17, $0x1F;
	v21 =	vsel vm0, s1, v21;
	s1 =	smul.u32 $0x92492493, s24  }
0x14d: {  	v18 =	vsub.f32 v18, v0;
	v5 =	vadd.s32 v5, v22;
	v19 =	vsel vm1, s4, v19;
	s15 =	ssub.s32 s10, s16;
	s4 =	sadd.s32 s9, s12;
	s9 =	smulhi.u32 $0x92492493, s17  }
0x14e: {  	v16 =	vsub.f32 v16, v15;
	v5 =	vcvt.s32.f32 v5;
	s16 =	sshra.s32 s22, $0x1F;
	v19 =	vsel vm2, s3, v19;
	s3 =	ssub.s32 s18, s23;
	s10 =	smul.u32 $0x92492493, s8  }
0x14f: {  	v17 =	vadd.f32 $5.000000000e-01, v62;
	v18 =	vmax.f32 v18, $1.000000000e+00;
	s12 =	sshra.s32 s19, $0x1F;
	s2 =	sadd.s32 s25, s15;
	s5 =	smul.u32 $0x92492493, s16  }
0x150: {  	v16 =	vmax.f32 v16, $1.000000000e+00;
	s25 =	sadd.s32 s14, s7;
	s26 =	ssub.s32 s11, s22;
	s11 =	ssub.s32 s13, s20;
	v5 =	vadd.f32 $5.000000000e-01, v5;
	v18 =	vmul.f32 v18, v3  }
0x151: {  	v20 =	vsel vm1, s4, v20;
	s13 =	smulhi.u32 $0x92492493, s19;
	v16 =	vmul.f32 v16, v3;
	v19 =	vsel vm4, s2, v19;
	s1 =	sadd.s32 s1, s3;
	s0 =	sadd.s32 s0, s11  }
0x152: {  	v21 =	vsel vm1, s25, v21;
	s2 =	ssub.s32 s9, s17;
	s5 =	sadd.s32 s5, s26;
	v19 =	vsel vm5, s1, v19;
	s1 =	smul.u32 $0x92492493, s12;
	v5 =	vmul.f32 v18, v5  }
0x153: {  	s2 =	sadd.s32 s10, s2;
	s14 =	ssub.s32 s13, s19;
	v21 =	vsel vm2, s0, v21;
	v16 =	vmul.f32 v16, v17;
	v20 =	vsel vm2, s5, v20  }
0x154: {  	v19 =	vsel vm6, s2, v19;
	s15 =	sadd.s32 s1, s14;
	v63 =	vcombine.low v21, v20;
	v0 =	vadd.f32 v5, v0  }
0x155: {  	v15 =	vadd.f32 v16, v15;
	v19 =	vsel vm7, s15, v19  }
0x156: {  	v20 =	vperm.xlane v63, v2;
	v21 =	vperm.xlane v19, v4;
	v0 =	vadd.f32 $-5.000000000e-01, v0  }
0x157: {  	v15 =	vadd.f32 $-5.000000000e-01, v15  }
0x158: {  	v5 =	vsel vm8, v21, v20;
	v22 =	vtrunc.f32 v0  }
0x159: {  	v24 =	vtrunc.f32 v15;
	vm11 =	vlt.f32 v0, $0.0e+00;
	v5 =	vadd.s32 v6, v5  }
0x15a: {  	vm9 =	vlt.f32 v0, v22;
	vm10 =	vgt.f32 v0, v22;
	v16 =	vcvt.f32.s32 v22  }
0x15b: {  	v17 =	vcvt.f32.s32 v24;
	v23 =	vshrl.u32 v5, $0x1F;
	v5 =	vshra.s32 v5, $0x2  }
0x15c: {  	vm9 =	vmor vm10, vm9;
	vm10 =	vlt.f32 v15, v24;
	v5 =	vadd.s32 v23, v5  }
0x15d: {  	vm9 =	vmand vm11, vm9;
	v25 =	vmul.u32 $0xFFFFFFF9, v5;
	v5 =	vcvt.s32.f32 v5  }
0x15e: {  	vm11 =	vgt.f32 v15, v24;
	v27 =	vsel vm9, $0xFFFFFFFF, v30;
	vm9 =	vlt.f32 v15, $0.0e+00  }
0x15f: {  	vm10 =	vmor vm11, vm10;
	v26 =	vadd.s32 v6, v25;
	v5 =	vadd.f32 $5.000000000e-01, v5  }
0x160: {  	v16 =	vadd.s32 v16, v27;
	vm9 =	vmand vm9, vm10;
	v6 =	vcvt.s32.f32 v26  }
0x161: {  	v28 =	vsel vm9, $0xFFFFFFFF, v30;
	v18 =	vcvt.s32.f32 v16;
	v5 =	vmul.f32 v10, v5  }
0x162: {  	v29 =	vadd.s32 v17, v28;
	v6 =	vadd.f32 $5.000000000e-01, v6  }
0x163: {  	v0 =	vsub.f32 v0, v18;
	v31 =	vcvt.s32.f32 v29;
	v5 =	vadd.f32 v5, v8  }
0x164: {  	v40 =	vadd.s32 $0x1, v16;
	v6 =	vmul.f32 v9, v6  }
0x165: {  	v0 =	vmax.f32 v0, $0.0e+00;
	v32 =	vsub.f32 v15, v31;
	v5 =	vadd.f32 $-5.000000000e-01, v5  }
0x166: {  	v39 =	vadd.s32 $0x1, v29;
	v0 =	vmin.f32 v0, $1.000000000e+00;
	v6 =	vadd.f32 v6, v7  }
0x167: {  	v37 =	vsub.f32 $1.000000000e+00, v0;
	v7 =	vmax.f32 v32, $0.0e+00;
	v33 =	vtrunc.f32 v5  }
0x168: {  	vm9 =	vlt.f32 v5, $0.0e+00;
	v7 =	vmin.f32 v7, $1.000000000e+00;
	v6 =	vadd.f32 $-5.000000000e-01, v6  }
0x169: {  	vm10 =	vlt.f32 v5, v33;
	vm11 =	vgt.f32 v5, v33;
	v41 =	vsub.f32 $1.000000000e+00, v7  }
0x16a: {  	v8 =	vcvt.f32.s32 v33;
	v38 =	vmul.f32 v37, v7;
	vm10 =	vmor vm11, vm10  }
0x16b: {  	v34 =	vtrunc.f32 v6;
	vm11 =	vlt.f32 v6, $0.0e+00;
	v45 =	vmul.f32 v41, v37  }
0x16c: {  	vm9 =	vmand vm9, vm10;
	v49 =	vmul.f32 v41, v0;
	v0 =	vmul.f32 v7, v0  }
0x16d: {  	vm12 =	vlt.f32 v6, v34;
	vm13 =	vgt.f32 v6, v34;
	v10 =	vcvt.f32.s32 v34  }
0x16e: {  	v35 =	vsel vm9, $0xFFFFFFFF, v30;
	vm9 =	vgt.s32 v39, $0x0;
	vm12 =	vmor vm13, vm12  }
0x16f: {  	v8 =	vadd.s32 v8, v35;
	v42 =	vnsel vm9, $0x0, v39;
	vm9 =	vgt.s32 v16, $0x0  }
0x170: {  	[tilespmem:s6+$0x7860] =	vst v13;
	vm10 =	vmand vm11, vm12;
	v15 =	vcvt.s32.f32 v8;
	v13 =	vmin.u32 v42, $0x31  }
0x171: {  	v46 =	vadd.s32 $0x1, v8;
	vm11 =	vgt.s32 v8, $0x0;
	v59 =	vnsel vm9, $0x0, v16  }
0x172: {  	v36 =	vsel vm10, $0xFFFFFFFF, v30;
	vm10 =	vgt.s32 v29, $0x0;
	vm12 =	vgt.s32 v46, $0x0  }
0x173: {  	v8 =	vnsel vm11, $0x0, v8;
	v55 =	vmul.u32 $0x32, v13;
	v10 =	vadd.s32 v10, v36  }
0x174: {  	[tilespmem:s6+$0x7720] =	vst v12;
	v5 =	vsub.f32 v5, v15;
	v9 =	vnsel vm10, $0x0, v29;
	vm10 =	vgt.s32 v40, $0x0  }
0x175: {  	[tilespmem:s6+$0x7710] =	vst v14;
	s16 =	sadd.s32 $0x80, s28;
	v50 =	vnsel vm12, $0x0, v46;
	v54 =	vmin.u32 v8, $0x31;
	v17 =	vcvt.s32.f32 v10  }
0x176: {  	[tilespmem:s6+$0x7850] =	vst v11;
	s0 =	sshra.s32 s16, $0x2;
	v48 =	vadd.s32 $0x1, v10;
	v51 =	vmin.u32 v50, $0x31;
	v9 =	vmin.u32 v9, $0x31  }
0x177: {  	[tilespmem:s0+$0x7B80] =	vst v0;
	v53 =	vnsel vm10, $0x0, v40;
	v0 =	vmul.u32 $0x32, v54;
	vm9 =	vgt.s32 v10, $0x0  }
0x178: {  	[tilespmem:s0+$0x7AE0] =	vst v38;
	v5 =	vmax.f32 v5, $0.0e+00;
	vm13 =	vgt.s32 v48, $0x0;
	v9 =	vmul.u32 $0x32, v9  }
0x179: {  	[tilespmem:s0+$0x79A0] =	vst v45;
	v56 =	vmin.u32 v53, $0x31;
	v7 =	vmul.u32 $0x32, v51;
	v10 =	vnsel vm9, $0x0, v10  }
0x17a: {  	[tilespmem:s0+$0x7A40] =	vst v49;
	v6 =	vsub.f32 v6, v17;
	v5 =	vmin.f32 v5, $1.000000000e+00;
	v8 =	vadd.s32 v56, v55  }
0x17b: {  	v57 =	vnsel vm13, $0x0, v48;
	v62 =	vmin.u32 v10, $0x31;
	v58 =	vadd.s32 v56, v9;
	[tilespmem:s0+$0x7900] =	vst v8  }
0x17c: {  	v11 =	vmin.u32 v57, $0x31;
	v63 =	vadd.s32 v62, v7;
	v6 =	vmax.f32 v6, $0.0e+00;
	[tilespmem:s0+$0x77C0] =	vst v58  }
0x17d: {  	v43 =	vsub.f32 $1.000000000e+00, v5;
	v60 =	vadd.s32 v11, v0;
	[tilespmem:s0+$0x7850] =	vst v63;
	v6 =	vmin.f32 v6, $1.000000000e+00  }
0x17e: {  	v61 =	vadd.s32 v11, v7;
	[tilespmem:s0+$0x77B0] =	vst v60;
	v44 =	vsub.f32 $1.000000000e+00, v6  }
0x17f: {  	v0 =	vadd.s32 v62, v0;
	[tilespmem:s0+$0x78F0] =	vst v61;
	v52 =	vmul.f32 v43, v6  }
0x180: {  	[tilespmem:s0+$0x7710] =	vst v0;
	v47 =	vmul.f32 v43, v44  }
0x181: {  	v17 =	vmul.f32 v44, v5;
	v5 =	vmul.f32 v5, v6;
	[tilespmem:s0+$0x7A30] =	vst v52  }
0x182: {  	[tilespmem:s0+$0x7990] =	vst v47  }
0x183: {  	[tilespmem:s0+$0x7B70] =	vst v5;
	v5 =	vmin.u32 v59, $0x31  }
0x184: {  	[tilespmem:s0+$0x7AD0] =	vst v17;
	v9 =	vadd.s32 v5, v9  }
0x185: {  	s18 =	simm.s32 $0xA0;
	v5 =	vadd.s32 v5, v55;
	[tilespmem:s0+$0x7720] =	vst v9  }
0x186: {  	s20 =	simm.s32 $0x7C10;
	s17 =	rddreg [dreg:$0x2];
	s19 =	simm.s32 $0x7710;
	[tilespmem:s0+$0x7860] =	vst v5  }
0x187: {  	[tilespmem:s20], [sflag:$0x1] =	stream.indirect.gather [spmem:s17], $0x40, s19, s18, $0xb8;
	[tilespmem:$0x14410] =	vst v63  }
0x188: {  	s21 =	simm.s32 $0x77B0;
	s22 =	simm.s32 $0xA410  }
0x189: {  	[tilespmem:s22], [sflag:$0x1] =	stream.indirect.gather [spmem:s17], $0x40, s21, s18, $0xb8;
	[tilespmem:$0x14410] =	vst v63  }
0x18a: {  	s23 =	simm.s32 $0x7850;
	s24 =	simm.s32 $0xCC10  }
0x18b: {  	[tilespmem:s24], [sflag:$0x1] =	stream.indirect.gather [spmem:s17], $0x40, s23, s18, $0xb8;
	[tilespmem:$0x14410] =	vst v63  }
0x18c: {  	s28 =	simm.s32 $0x1;
	s25 =	simm.s32 $0x78F0;
	s26 =	simm.s32 $0xF410  }
0x18d: {  	[tilespmem:s26], [sflag:$0x1] =	stream.indirect.gather [spmem:s17], $0x40, s25, s18, $0xb8;
	[tilespmem:$0x14410] =	vst v63  }
0x18e: {  	_ =	swait.ge [sflag:s28], $0x2800  }
0x18f: {  	[sflag:s28] =	ssyncset.done $0x0  }
0x190: {  	[sflag:s28] =	ssyncadd.s32 $0xFFFFD800  }
0x191: {  	_ =	swait.ge [sflag:s28], $0x2800  }
0x192: {  	[sflag:s28] =	ssyncset.done $0x0  }
0x193: {  	[sflag:s28] =	ssyncadd.s32 $0xFFFFD800  }
0x194: {  	_ =	swait.ge [sflag:s28], $0x2800  }
0x195: {  	[sflag:s28] =	ssyncset.done $0x0  }
0x196: {  	[sflag:s28] =	ssyncadd.s32 $0xFFFFD800  }
0x197: {  	_ =	swait.ge [sflag:s28], $0x2800  }
0x198: {  	[sflag:s28] =	ssyncset.done $0x0  }
0x199: {  	s5 =	simm.s32 $0x0;
	[sflag:s28] =	ssyncadd.s32 $0xFFFFD800  }
.LBB2_5:
0x19a: {  	s7 =	sshll.u32 s5, $0x4  }
0x19b: {  	v12 =	vld [tilespmem:s7+$0x7990]  }
0x19c: {  	v11 =	vld [tilespmem:s7+$0x7A30]  }
0x19d: {  	v10 =	vld [tilespmem:s7+$0x7AD0]  }
0x19e: {  	s6 =	sshll.u32 s5, $0xA;
	v9 =	vld [tilespmem:s7+$0x7B70]  }
0x19f: {  	v0 =	vld [tilespmem:s6+$0x7C10]  }
0x1a0: {  	v5 =	vld [tilespmem:s6+$0xA410]  }
0x1a1: {  	v6 =	vld [tilespmem:s6+$0xCC10]  }
0x1a2: {  	v7 =	vld [tilespmem:s6+$0xF410]  }
0x1a3: {  	v8 =	vld [tilespmem:s6+$0x7C20]  }
0x1a4: {  	v13 =	vld [tilespmem:s6+$0xA420]  }
0x1a5: {  	v14 =	vld [tilespmem:s6+$0xCC20]  }
0x1a6: {  	v15 =	vld [tilespmem:s6+$0xF420]  }
0x1a7: {  	v16 =	vld [tilespmem:s6+$0x7C30]  }
0x1a8: {  	v17 =	vld [tilespmem:s6+$0xA430]  }
0x1a9: {  	v18 =	vld [tilespmem:s6+$0xCC30]  }
0x1aa: {  	v19 =	vld [tilespmem:s6+$0xF430]  }
0x1ab: {  	v20 =	vld [tilespmem:s6+$0x7C40]  }
0x1ac: {  	v21 =	vld [tilespmem:s6+$0xA440]  }
0x1ad: {  	v22 =	vld [tilespmem:s6+$0xCC40]  }
0x1ae: {  	v23 =	vld [tilespmem:s6+$0xF440]  }
0x1af: {  	v24 =	vld [tilespmem:s6+$0x7C50]  }
0x1b0: {  	v25 =	vld [tilespmem:s6+$0xA450]  }
0x1b1: {  	v26 =	vld [tilespmem:s6+$0xCC50]  }
0x1b2: {  	v27 =	vld [tilespmem:s6+$0xF450]  }
0x1b3: {  	v28 =	vld [tilespmem:s6+$0x7C60]  }
0x1b4: {  	v29 =	vld [tilespmem:s6+$0xA460]  }
0x1b5: {  	v31 =	vld [tilespmem:s6+$0xCC60]  }
0x1b6: {  	v32 =	vld [tilespmem:s6+$0xF460]  }
0x1b7: {  	v33 =	vld [tilespmem:s6+$0x7C70]  }
0x1b8: {  	v34 =	vld [tilespmem:s6+$0xA470]  }
0x1b9: {  	v35 =	vld [tilespmem:s6+$0xCC70]  }
0x1ba: {  	v36 =	vld [tilespmem:s6+$0xF470]  }
0x1bb: {  	v37 =	vld [tilespmem:s6+$0x7C80]  }
0x1bc: {  	v38 =	vld [tilespmem:s6+$0xA480]  }
0x1bd: {  	v39 =	vld [tilespmem:s6+$0xCC80]  }
0x1be: {  	v40 =	vld [tilespmem:s6+$0xF480]  }
0x1bf: {  	v41 =	vld [tilespmem:s6+$0x7C90]  }
0x1c0: {  	v4 =	vld [tilespmem:s6+$0xA490]  }
0x1c1: {  	v43 =	vld [tilespmem:s6+$0xCC90]  }
0x1c2: {  	v44 =	vld [tilespmem:s6+$0xF490]  }
0x1c3: {  	v45 =	vld [tilespmem:s6+$0x7CA0]  }
0x1c4: {  	v46 =	vld [tilespmem:s6+$0xA4A0]  }
0x1c5: {  	v42 =	vld [tilespmem:s6+$0xCCA0]  }
0x1c6: {  	v49 =	vld [tilespmem:s6+$0xF4A0]  }
0x1c7: {  	v2 =	vld [tilespmem:s6+$0x7CB0]  }
0x1c8: {  	v52 =	vld [tilespmem:s6+$0xA4B0]  }
0x1c9: {  	v54 =	vld [tilespmem:s6+$0xCCB0];
	v48 =	vbroadcast v12, $0x0;
	v50 =	vbroadcast v11, $0x0  }
0x1ca: {  	v56 =	vld [tilespmem:s6+$0xF4B0];
	v53 =	vbroadcast v10, $0x0;
	v55 =	vbroadcast v9, $0x0  }
0x1cb: {  	v58 =	vld [tilespmem:s6+$0x7CC0];
	v0 =	vmul.f32 v0, v48;
	v5 =	vmul.f32 v5, v50  }
0x1cc: {  	v30 =	vld [tilespmem:s6+$0xA4C0];
	v62 =	vmul.f32 v6, v53;
	v63 =	vmul.f32 v7, v55  }
0x1cd: {  	v59 =	vld [tilespmem:s6+$0xCCC0];
	v47 =	vmul.f32 v8, v48;
	v51 =	vmul.f32 v13, v50  }
0x1ce: {  	v1 =	vld [tilespmem:s6+$0xF4C0];
	v57 =	vmul.f32 v14, v53;
	v60 =	vmul.f32 v15, v55  }
0x1cf: {  	v3 =	vld [tilespmem:s6+$0x7CD0];
	v61 =	vmul.f32 v16, v48;
	v16 =	vbroadcast v11, $0x1  }
0x1d0: {  	v0 =	vadd.f32 v5, v0;
	v7 =	vadd.f32 v51, v47;
	v47 =	vmul.f32 v20, v48;
	v20 =	vld [tilespmem:s6+$0xCCD0]  }
0x1d1: {  	v15 =	vbroadcast v12, $0x1;
	v48 =	vmul.f32 v21, v50;
	v21 =	vld [tilespmem:s6+$0xF4D0]  }
0x1d2: {  	v51 =	vmul.f32 v25, v16;
	v25 =	vld [tilespmem:s6+$0x7CE0];
	v0 =	vadd.f32 v62, v0;
	v62 =	vmul.f32 v17, v50  }
0x1d3: {  	v7 =	vadd.f32 v57, v7;
	v50 =	vmul.f32 v24, v15;
	v57 =	vmul.f32 v23, v55;
	v23 =	vld [tilespmem:s6+$0xF4E0]  }
0x1d4: {  	v24 =	vbroadcast v10, $0x1;
	v6 =	vadd.f32 v48, v47;
	v47 =	vmul.f32 v33, v15;
	v33 =	vld [tilespmem:s6+$0xA500]  }
0x1d5: {  	v48 =	vbroadcast v9, $0x1;
	v5 =	vadd.f32 v63, v0;
	v63 =	vmul.f32 v18, v53;
	v18 =	vld [tilespmem:s6+$0xA4D0]  }
0x1d6: {  	v19 =	vmul.f32 v19, v55;
	v0 =	vadd.f32 v62, v61;
	v53 =	vmul.f32 v22, v53;
	v22 =	vld [tilespmem:s6+$0xA4E0]  }
0x1d7: {  	v17 =	vadd.f32 v51, v50;
	v26 =	vmul.f32 v26, v24;
	v50 =	vld [tilespmem:s6+$0xCCE0];
	v61 =	vmul.f32 v27, v48  }
0x1d8: {  	v62 =	vmul.f32 v28, v15;
	v51 =	vmul.f32 v34, v16;
	v28 =	vld [tilespmem:s6+$0xCCF0]  }
0x1d9: {  	v8 =	vadd.f32 v60, v7;
	v55 =	vmul.f32 v32, v48;
	v15 =	vmul.f32 v37, v15;
	v32 =	vld [tilespmem:s6+$0x7D00]  }
0x1da: {  	v37 =	vld [tilespmem:s6+$0xF500];
	v34 =	vbroadcast v9, $0x2;
	v0 =	vadd.f32 v63, v0;
	v6 =	vadd.f32 v53, v6  }
0x1db: {  	v60 =	vadd.f32 v26, v17;
	v63 =	vmul.f32 v29, v16;
	v26 =	vld [tilespmem:s6+$0xA4F0];
	v53 =	vmul.f32 v31, v24  }
0x1dc: {  	v31 =	vld [tilespmem:s6+$0xF4F0];
	v16 =	vmul.f32 v38, v16;
	v17 =	vbroadcast v12, $0x2  }
0x1dd: {  	v38 =	vbroadcast v10, $0x2;
	v29 =	vld [tilespmem:s6+$0x7D40];
	v7 =	vadd.f32 v19, v0;
	v6 =	vadd.f32 v57, v6  }
0x1de: {  	v19 =	vld [tilespmem:s6+$0x7CF0];
	v0 =	vadd.f32 v61, v60;
	v57 =	vmul.f32 v35, v24;
	v60 =	vmul.f32 v36, v48  }
0x1df: {  	v14 =	vadd.f32 v51, v47;
	v35 =	vbroadcast v11, $0x2;
	v36 =	vld [tilespmem:s6+$0xCD00];
	v61 =	vmul.f32 v39, v24  }
0x1e0: {  	v13 =	vadd.f32 v63, v62;
	v62 =	vmul.f32 v41, v17;
	v39 =	vld [tilespmem:s6+$0x7D10];
	v47 =	vmul.f32 v43, v38  }
0x1e1: {  	v15 =	vadd.f32 v16, v15;
	v43 =	vld [tilespmem:s6+$0xA550];
	v63 =	vmul.f32 v4, v35;
	v4 =	vmul.f32 v40, v48  }
0x1e2: {  	v13 =	vadd.f32 v53, v13;
	v40 =	vld [tilespmem:s6+$0xCD10];
	v48 =	vmul.f32 v45, v17;
	v51 =	vmul.f32 v46, v35  }
0x1e3: {  	v27 =	vadd.f32 v57, v14;
	v53 =	vmul.f32 v44, v34;
	v44 =	vld [tilespmem:s6+$0x7D20];
	v45 =	vmul.f32 v49, v34  }
0x1e4: {  	v15 =	vadd.f32 v61, v15;
	v57 =	vmul.f32 v2, v17;
	v61 =	vmul.f32 v54, v38;
	v2 =	vld [tilespmem:s6+$0xF520]  }
0x1e5: {  	v49 =	vbroadcast v12, $0x3;
	v14 =	vadd.f32 v55, v13;
	v13 =	vadd.f32 v60, v27;
	v27 =	vld [tilespmem:s6+$0xA510]  }
0x1e6: {  	v54 =	vbroadcast v10, $0x3;
	v15 =	vadd.f32 v4, v15;
	v4 =	vld [tilespmem:s6+$0xF510];
	v55 =	vmul.f32 v42, v38  }
0x1e7: {  	v24 =	vadd.f32 v63, v62;
	v42 =	vld [tilespmem:s6+$0xA520];
	v60 =	vmul.f32 v52, v35;
	v62 =	vmul.f32 v56, v34  }
0x1e8: {  	v41 =	vadd.f32 v51, v48;
	v48 =	vld [tilespmem:s6+$0xCD20];
	v63 =	vmul.f32 v58, v17;
	v52 =	vbroadcast v11, $0x3  }
0x1e9: {  	v35 =	vmul.f32 v30, v35;
	v3 =	vmul.f32 v3, v49;
	v56 =	vld [tilespmem:s6+$0xF530]  }
0x1ea: {  	v38 =	vmul.f32 v59, v38;
	v58 =	vmul.f32 v36, v54;
	v36 =	vld [tilespmem:s6+$0xA560]  }
0x1eb: {  	v20 =	vmul.f32 v20, v54;
	v34 =	vmul.f32 v1, v34;
	v41 =	vadd.f32 v55, v41;
	v55 =	vld [tilespmem:s6+$0xCD30]  }
0x1ec: {  	v19 =	vmul.f32 v19, v49;
	v24 =	vadd.f32 v47, v24;
	v1 =	vmul.f32 v26, v52;
	v26 =	vld [tilespmem:s6+$0x7D50]  }
0x1ed: {  	v51 =	vmul.f32 v18, v52;
	v35 =	vadd.f32 v35, v63;
	v63 =	vmul.f32 v50, v54;
	v50 =	vld [tilespmem:s6+$0x7D60]  }
0x1ee: {  	v22 =	vmul.f32 v22, v52;
	v16 =	vadd.f32 v53, v24;
	v24 =	vadd.f32 v60, v57;
	v53 =	vld [tilespmem:s6+$0x7D30]  }
0x1ef: {  	v47 =	vmul.f32 v32, v49;
	v32 =	vbroadcast v11, $0x4;
	v17 =	vadd.f32 v45, v41;
	v45 =	vld [tilespmem:s6+$0xA530]  }
0x1f0: {  	v33 =	vmul.f32 v33, v52;
	v35 =	vadd.f32 v38, v35;
	v38 =	vld [tilespmem:s6+$0xA540];
	v24 =	vadd.f32 v61, v24  }
0x1f1: {  	v41 =	vld [tilespmem:s6+$0xF540];
	v61 =	vadd.f32 v51, v3;
	v3 =	vmul.f32 v28, v54;
	v28 =	vbroadcast v12, $0x4  }
0x1f2: {  	v60 =	vbroadcast v9, $0x3;
	v18 =	vadd.f32 v62, v24;
	v62 =	vmul.f32 v25, v49;
	v25 =	vld [tilespmem:s6+$0xCD40]  }
0x1f3: {  	v57 =	vmul.f32 v27, v32;
	v49 =	vld [tilespmem:s6+$0xCD50];
	v52 =	vmul.f32 v39, v28  }
0x1f4: {  	v21 =	vmul.f32 v21, v60;
	v20 =	vadd.f32 v20, v61;
	v39 =	vld [tilespmem:s6+$0xF550]  }
0x1f5: {  	v19 =	vadd.f32 v1, v19;
	v24 =	vadd.f32 v57, v52;
	v52 =	vld [tilespmem:s6+$0xCD60]  }
0x1f6: {  	v27 =	vbroadcast v10, $0x4;
	v20 =	vadd.f32 v21, v20;
	v21 =	vadd.f32 v33, v47;
	v33 =	vld [tilespmem:s6+$0xF560]  }
0x1f7: {  	v34 =	vadd.f32 v34, v35;
	v35 =	vld [tilespmem:s6+$0x7D70]  }
0x1f8: {  	v59 =	vmul.f32 v40, v27;
	v40 =	vbroadcast v9, $0x4;
	v19 =	vadd.f32 v3, v19;
	v3 =	vld [tilespmem:s6+$0xA570]  }
0x1f9: {  	v51 =	vmul.f32 v53, v28;
	v53 =	vmul.f32 v45, v32;
	v45 =	vld [tilespmem:s6+$0xCD70]  }
0x1fa: {  	v57 =	vmul.f32 v2, v40;
	v2 =	vld [tilespmem:s6+$0xF570]  }
0x1fb: {  	v22 =	vadd.f32 v22, v62;
	v62 =	vmul.f32 v44, v28;
	v28 =	vmul.f32 v29, v28;
	v29 =	vld [tilespmem:s6+$0x7D80]  }
0x1fc: {  	v1 =	vld [tilespmem:s6+$0xCD80]  }
0x1fd: {  	v54 =	vmul.f32 v48, v27;
	v48 =	vbroadcast v11, $0x5;
	v46 =	vld [tilespmem:s6+$0xF590]  }
0x1fe: {  	[tilespmem:s6+$0x11CC0] =	vst v34;
	v34 =	vld [tilespmem:s6+$0xF5B0]  }
0x1ff: {  	v44 =	vmul.f32 v36, v48;
	v36 =	vld [tilespmem:s6+$0xCDD0]  }
0x200: {  	[tilespmem:s6+$0x11CA0] =	vst v17;
	v17 =	vld [tilespmem:s6+$0x7E00]  }
0x201: {  	v31 =	vmul.f32 v31, v60;
	v61 =	vmul.f32 v4, v40;
	v4 =	vld [tilespmem:s6+$0xCE10]  }
0x202: {  	v23 =	vmul.f32 v23, v60;
	[tilespmem:s6+$0x11C80] =	vst v15;
	v15 =	vld [tilespmem:s6+$0xCE40]  }
0x203: {  	v60 =	vmul.f32 v37, v60;
	v37 =	vbroadcast v12, $0x5;
	v19 =	vadd.f32 v31, v19;
	v30 =	vld [tilespmem:s6+$0xA6B0]  }
0x204: {  	v22 =	vadd.f32 v63, v22;
	v63 =	vmul.f32 v42, v32;
	v32 =	vmul.f32 v38, v32;
	v38 =	vld [tilespmem:s6+$0xA580]  }
0x205: {  	v42 =	vmul.f32 v50, v37;
	v50 =	vld [tilespmem:s6+$0xCDA0]  }
0x206: {  	v21 =	vadd.f32 v58, v21;
	[tilespmem:s6+$0x11CF0] =	vst v19;
	v19 =	vld [tilespmem:s6+$0x7E80]  }
0x207: {  	v24 =	vadd.f32 v59, v24;
	v58 =	vmul.f32 v55, v27;
	v25 =	vmul.f32 v25, v27;
	v27 =	vld [tilespmem:s6+$0xF580]  }
0x208: {  	v31 =	vadd.f32 v53, v51;
	v21 =	vadd.f32 v60, v21;
	v60 =	vmul.f32 v43, v48;
	v43 =	vld [tilespmem:s6+$0x7D90]  }
0x209: {  	v59 =	vmul.f32 v56, v40;
	v24 =	vadd.f32 v61, v24;
	v61 =	vmul.f32 v41, v40;
	v40 =	vld [tilespmem:s6+$0xCD90]  }
0x20a: {  	v31 =	vadd.f32 v58, v31;
	v58 =	vld [tilespmem:s6+$0xA5A0]  }
0x20b: {  	v41 =	vld [tilespmem:s6+$0xF5D0]  }
0x20c: {  	[tilespmem:$0x1F230] =	vst v30;
	v30 =	vld [tilespmem:s6+$0x7ED0]  }
0x20d: {  	[tilespmem:s6+$0x11C20] =	vst v8;
	v28 =	vadd.f32 v32, v28;
	v8 =	vadd.f32 v59, v31;
	v31 =	vld [tilespmem:s6+$0xA590]  }
0x20e: {  	v22 =	vadd.f32 v23, v22;
	v59 =	vld [tilespmem:s6+$0x7DB0]  }
0x20f: {  	v26 =	vmul.f32 v26, v37;
	v25 =	vadd.f32 v25, v28;
	v28 =	vld [tilespmem:s6+$0xF600]  }
0x210: {  	v32 =	vbroadcast v10, $0x5;
	[tilespmem:s6+$0x11CE0] =	vst v22;
	v22 =	vld [tilespmem:s6+$0x7E10]  }
0x211: {  	v23 =	vadd.f32 v63, v62;
	v62 =	vadd.f32 v60, v26;
	v26 =	vbroadcast v9, $0x5;
	[tilespmem:s6+$0x11D00] =	vst v21;
	v21 =	vld [tilespmem:s6+$0xF650]  }
0x212: {  	v63 =	vmul.f32 v49, v32;
	[tilespmem:s6+$0x11D10] =	vst v24;
	v24 =	vld [tilespmem:s6+$0xA680]  }
0x213: {  	v53 =	vmul.f32 v39, v26;
	v39 =	vld [tilespmem:s6+$0x7DA0]  }
0x214: {  	v23 =	vadd.f32 v54, v23;
	v51 =	vadd.f32 v63, v62;
	v62 =	vld [tilespmem:s6+$0xA5B0]  }
0x215: {  	v55 =	vadd.f32 v44, v42;
	v54 =	vmul.f32 v52, v32;
	v44 =	vmul.f32 v27, v26;
	v27 =	vld [tilespmem:s6+$0xF5E0]  }
0x216: {  	[tilespmem:s6+$0x11C10] =	vst v5;
	v49 =	vmul.f32 v45, v32;
	v52 =	vbroadcast v12, $0x6;
	v5 =	vadd.f32 v57, v23;
	v23 =	vld [tilespmem:s6+$0xA610]  }
0x217: {  	[tilespmem:s6+$0x11C40] =	vst v6;
	v60 =	vmul.f32 v38, v48;
	v38 =	vmul.f32 v1, v32;
	v6 =	vadd.f32 v61, v25;
	v25 =	vld [tilespmem:s6+$0x7E60]  }
0x218: {  	[tilespmem:s6+$0x11C60] =	vst v14;
	v32 =	vbroadcast v9, $0x6;
	v14 =	vadd.f32 v54, v55;
	v54 =	vmul.f32 v29, v37;
	v29 =	vld [tilespmem:s6+$0xA670]  }
0x219: {  	v61 =	vmul.f32 v43, v52;
	v43 =	vld [tilespmem:s6+$0x7DC0]  }
0x21a: {  	v45 =	vmul.f32 v46, v32;
	v46 =	vld [tilespmem:s6+$0xA5C0]  }
0x21b: {  	[tilespmem:s6+$0x11C50] =	vst v0;
	v0 =	vadd.f32 v53, v51;
	v53 =	vld [tilespmem:s6+$0xF5A0]  }
0x21c: {  	v56 =	vmul.f32 v33, v26;
	v51 =	vmul.f32 v2, v26;
	v2 =	vld [tilespmem:s6+$0xCDB0]  }
0x21d: {  	[tilespmem:s6+$0x11C90] =	vst v16;
	v16 =	vadd.f32 v60, v54;
	v60 =	vld [tilespmem:s6+$0xA5D0]  }
0x21e: {  	v14 =	vadd.f32 v56, v14;
	v56 =	vld [tilespmem:s6+$0x7DF0]  }
0x21f: {  	v55 =	vbroadcast v11, $0x6;
	v54 =	vld [tilespmem:s6+$0xF620]  }
0x220: {  	v47 =	vmul.f32 v3, v48;
	v57 =	vmul.f32 v35, v37;
	v26 =	vld [tilespmem:s6+$0xF640]  }
0x221: {  	v48 =	vmul.f32 v58, v55;
	v58 =	vld [tilespmem:s6+$0xF680]  }
0x222: {  	[tilespmem:s6+$0x11C30] =	vst v7;
	v7 =	vadd.f32 v47, v57;
	v57 =	vld [tilespmem:s6+$0xA6A0]  }
0x223: {  	[tilespmem:$0x1F2B0] =	vst v30;
	v30 =	vld [tilespmem:s6+$0xF6E0]  }
0x224: {  	v63 =	vmul.f32 v31, v55;
	v31 =	vld [tilespmem:s6+$0x7E30]  }
0x225: {  	v7 =	vadd.f32 v49, v7;
	v49 =	vld [tilespmem:s6+$0x7DD0]  }
0x226: {  	[tilespmem:s6+$0x11CB0] =	vst v18;
	v16 =	vadd.f32 v38, v16;
	v38 =	vld [tilespmem:s6+$0xF5C0]  }
0x227: {  	v18 =	vbroadcast v10, $0x6;
	[tilespmem:s6+$0x11D60] =	vst v14;
	v14 =	vld [tilespmem:s6+$0xF630]  }
0x228: {  	[tilespmem:s6+$0x11C70] =	vst v13;
	v3 =	vbroadcast v11, $0x7;
	v13 =	vadd.f32 v63, v61;
	v47 =	vmul.f32 v39, v52;
	v63 =	vld [tilespmem:s6+$0xCDC0]  }
0x229: {  	[tilespmem:s6+$0x11CD0] =	vst v20;
	v61 =	vmul.f32 v59, v52;
	v20 =	vmul.f32 v43, v52;
	v52 =	vld [tilespmem:s6+$0xCE30]  }
0x22a: {  	[tilespmem:s6+$0x11D50] =	vst v0;
	v0 =	vbroadcast v9, $0x7;
	v43 =	vmul.f32 v34, v32;
	v34 =	vld [tilespmem:s6+$0x7E90]  }
0x22b: {  	v62 =	vmul.f32 v62, v55;
	v7 =	vadd.f32 v51, v7;
	v51 =	vmul.f32 v53, v32;
	v53 =	vld [tilespmem:s6+$0xF5F0]  }
0x22c: {  	v42 =	vmul.f32 v40, v18;
	v33 =	vadd.f32 v48, v47;
	v48 =	vmul.f32 v41, v0;
	v41 =	vld [tilespmem:s6+$0xCE20]  }
0x22d: {  	v37 =	vadd.f32 v62, v61;
	v62 =	vld [tilespmem:s6+$0xA630]  }
0x22e: {  	v13 =	vadd.f32 v42, v13;
	v42 =	vmul.f32 v60, v3;
	v60 =	vld [tilespmem:s6+$0xA650]  }
0x22f: {  	v35 =	vmul.f32 v2, v18;
	v2 =	vld [tilespmem:s6+$0xF690]  }
0x230: {  	v61 =	vld [tilespmem:s6+$0xCEA0]  }
0x231: {  	v39 =	vmul.f32 v46, v55;
	v55 =	vbroadcast v10, $0x7;
	[tilespmem:$0x1F210] =	vst v57;
	v57 =	vld [tilespmem:s6+$0x7EC0]  }
0x232: {  	[tilespmem:$0x1F370] =	vst v30;
	v30 =	vld [tilespmem:s6+$0xCF00]  }
0x233: {  	v16 =	vadd.f32 v44, v16;
	v46 =	vmul.f32 v36, v55;
	v36 =	vld [tilespmem:s6+$0xF610]  }
0x234: {  	[tilespmem:s6+$0x11D40] =	vst v6;
	v6 =	vadd.f32 v39, v20;
	v39 =	vld [tilespmem:s6+$0xA620]  }
0x235: {  	[tilespmem:s6+$0x11D80] =	vst v16;
	v16 =	vld [tilespmem:s6+$0xCE50]  }
0x236: {  	v20 =	vld [tilespmem:s6+$0x7E70]  }
0x237: {  	v50 =	vmul.f32 v50, v18;
	v47 =	vmul.f32 v38, v32;
	v32 =	vld [tilespmem:s6+$0x7E20]  }
0x238: {  	[tilespmem:s6+$0x11D30] =	vst v8;
	v8 =	vadd.f32 v35, v37;
	v35 =	vld [tilespmem:s6+$0xA640]  }
0x239: {  	[tilespmem:s6+$0x11D20] =	vst v5;
	v5 =	vadd.f32 v50, v33;
	v33 =	vld [tilespmem:s6+$0xA660]  }
0x23a: {  	v37 =	vld [tilespmem:s6+$0xCE60]  }
0x23b: {  	v38 =	vld [tilespmem:s6+$0xCE70]  }
0x23c: {  	v59 =	vbroadcast v12, $0x7;
	v13 =	vadd.f32 v45, v13;
	v44 =	vmul.f32 v63, v18;
	v63 =	vld [tilespmem:s6+$0xA5F0]  }
0x23d: {  	v18 =	vld [tilespmem:s6+$0xA600]  }
0x23e: {  	v40 =	vmul.f32 v49, v59;
	[tilespmem:s6+$0x11D90] =	vst v13;
	v13 =	vld [tilespmem:s6+$0xCDE0]  }
0x23f: {  	v8 =	vadd.f32 v43, v8;
	v43 =	vld [tilespmem:s6+$0xCE00]  }
0x240: {  	v45 =	vadd.f32 v42, v40;
	v42 =	vld [tilespmem:s6+$0x7E50]  }
0x241: {  	v40 =	vld [tilespmem:s6+$0xCE80]  }
0x242: {  	v5 =	vadd.f32 v51, v5;
	v51 =	vld [tilespmem:s6+$0x7EA0]  }
0x243: {  	v6 =	vadd.f32 v44, v6;
	v44 =	vld [tilespmem:s6+$0xA690]  }
0x244: {  	[tilespmem:$0x1F250] =	vst v61;
	v61 =	vld [tilespmem:s6+$0xA6C0]  }
0x245: {  	[tilespmem:$0x1F240] =	vst v57;
	v57 =	vld [tilespmem:s6+$0xF6D0]  }
0x246: {  	[tilespmem:$0x1F3C0] =	vst v30;
	v30 =	vld [tilespmem:s6+$0xA720]  }
0x247: {  	[tilespmem:s6+$0x11DA0] =	vst v5;
	v5 =	vld [tilespmem:s6+$0x7DE0]  }
0x248: {  	[tilespmem:s6+$0x11D70] =	vst v7;
	v7 =	vadd.f32 v46, v45;
	v46 =	vld [tilespmem:s6+$0xF670]  }
0x249: {  	v45 =	vld [tilespmem:s6+$0xCE90]  }
0x24a: {  	[tilespmem:s6+$0x11DB0] =	vst v8;
	v8 =	vld [tilespmem:s6+$0x7EB0]  }
0x24b: {  	v49 =	vadd.f32 v47, v6;
	v6 =	vld [tilespmem:s6+$0xA5E0]  }
0x24c: {  	v47 =	vld [tilespmem:s6+$0xCEB0]  }
0x24d: {  	v50 =	vadd.f32 v48, v7;
	v48 =	vld [tilespmem:s6+$0xCDF0]  }
0x24e: {  	v7 =	vld [tilespmem:s6+$0xF6A0]  }
0x24f: {  	[tilespmem:s6+$0x11DC0] =	vst v49;
	v49 =	vld [tilespmem:s6+$0xF660]  }
0x250: {  	[tilespmem:$0x1F200] =	vst v51;
	v51 =	vld [tilespmem:s6+$0xF6B0]  }
0x251: {  	[tilespmem:s6+$0x11DD0] =	vst v50;
	v50 =	vld [tilespmem:s6+$0x7E40]  }
0x252: {  	[tilespmem:$0x1F260] =	vst v61;
	v61 =	vld [tilespmem:s6+$0x7EE0]  }
0x253: {  	v56 =	vmul.f32 v56, v59;
	v63 =	vmul.f32 v63, v3;
	[tilespmem:$0x1F310] =	vst v57;
	v57 =	vld [tilespmem:s6+$0xCEF0]  }
0x254: {  	[tilespmem:$0x1F430] =	vst v30;
	v30 =	vld [tilespmem:s6+$0x7F40]  }
0x255: {  	v56 =	vadd.f32 v63, v56;
	v63 =	vld [tilespmem:s6+$0xA810]  }
0x256: {  	[tilespmem:$0x1F220] =	vst v8;
	v8 =	vld [tilespmem:s6+$0xF6C0]  }
0x257: {  	[tilespmem:$0x1F270] =	vst v47;
	v47 =	vld [tilespmem:s6+$0xA6D0]  }
0x258: {  	[tilespmem:$0x1F290] =	vst v7;
	v7 =	vld [tilespmem:s6+$0xCEC0]  }
0x259: {  	[tilespmem:$0x1F2A0] =	vst v51;
	v51 =	vld [tilespmem:s6+$0xCED0]  }
0x25a: {  	[tilespmem:$0x1F2F0] =	vst v61;
	v61 =	vld [tilespmem:s6+$0xF6F0]  }
0x25b: {  	[tilespmem:$0x1F380] =	vst v57;
	v57 =	vld [tilespmem:s6+$0xA710]  }
0x25c: {  	[tilespmem:$0x1F420] =	vst v30;
	v30 =	vld [tilespmem:s6+$0xF750]  }
0x25d: {  	[tilespmem:$0x1F790] =	vst v63;
	v63 =	vld [tilespmem:s6+$0xA820]  }
0x25e: {  	[tilespmem:$0x1F2D0] =	vst v8;
	v8 =	vld [tilespmem:s6+$0xCEE0]  }
0x25f: {  	[tilespmem:$0x1F2C0] =	vst v47;
	v47 =	vld [tilespmem:s6+$0x7EF0]  }
0x260: {  	[tilespmem:$0x1F280] =	vst v7;
	v7 =	vld [tilespmem:s6+$0xA6E0]  }
0x261: {  	[tilespmem:$0x1F2E0] =	vst v51;
	v51 =	vld [tilespmem:s6+$0xA6F0]  }
0x262: {  	[tilespmem:$0x1F390] =	vst v61;
	v61 =	vld [tilespmem:s6+$0xCF10]  }
0x263: {  	[tilespmem:$0x1F3B0] =	vst v57;
	v57 =	vld [tilespmem:s6+$0x7F30]  }
0x264: {  	[tilespmem:$0x1F4F0] =	vst v30;
	v30 =	vld [tilespmem:s6+$0xCF70]  }
0x265: {  	[tilespmem:$0x1F340] =	vst v8;
	v8 =	vld [tilespmem:s6+$0xA700]  }
0x266: {  	[tilespmem:$0x1F320] =	vst v47;
	v47 =	vld [tilespmem:s6+$0xF700]  }
0x267: {  	[tilespmem:$0x1F300] =	vst v7;
	v7 =	vld [tilespmem:s6+$0x7F00]  }
0x268: {  	[tilespmem:$0x1F350] =	vst v51;
	v51 =	vld [tilespmem:s6+$0x7F10]  }
0x269: {  	[tilespmem:$0x1F3D0] =	vst v61;
	v61 =	vld [tilespmem:s6+$0xA730]  }
0x26a: {  	[tilespmem:$0x1F410] =	vst v57;
	v57 =	vld [tilespmem:s6+$0xF740]  }
0x26b: {  	[tilespmem:$0x1F570] =	vst v30;
	v30 =	vld [tilespmem:s6+$0xA790]  }
0x26c: {  	[tilespmem:$0x1F360] =	vst v8;
	v8 =	vld [tilespmem:s6+$0x7F20]  }
0x26d: {  	[tilespmem:$0x1F3E0] =	vst v47;
	v47 =	vld [tilespmem:s6+$0xCF20]  }
0x26e: {  	[tilespmem:$0x1F330] =	vst v7;
	v7 =	vld [tilespmem:s6+$0xF710]  }
0x26f: {  	[tilespmem:$0x1F3A0] =	vst v51;
	v51 =	vld [tilespmem:s6+$0xF720]  }
0x270: {  	[tilespmem:$0x1F440] =	vst v61;
	v61 =	vld [tilespmem:s6+$0x7F50]  }
0x271: {  	[tilespmem:$0x1F4E0] =	vst v57;
	v57 =	vld [tilespmem:s6+$0xCF60]  }
0x272: {  	[tilespmem:$0x1F5C0] =	vst v30;
	v30 =	vld [tilespmem:s6+$0x7FB0]  }
0x273: {  	[tilespmem:$0x1F400] =	vst v8;
	v8 =	vld [tilespmem:s6+$0xF730]  }
0x274: {  	[tilespmem:$0x1F460] =	vst v47;
	v47 =	vld [tilespmem:s6+$0xA740]  }
0x275: {  	[tilespmem:$0x1F3F0] =	vst v7;
	v7 =	vld [tilespmem:s6+$0xCF30]  }
0x276: {  	[tilespmem:$0x1F4B0] =	vst v51;
	v51 =	vld [tilespmem:s6+$0xCF40]  }
0x277: {  	[tilespmem:$0x1F490] =	vst v61;
	v61 =	vld [tilespmem:s6+$0xF760]  }
0x278: {  	[tilespmem:$0x1F550] =	vst v57;
	v57 =	vld [tilespmem:s6+$0xA780]  }
0x279: {  	[tilespmem:$0x1F620] =	vst v30;
	v30 =	vld [tilespmem:s6+$0xF7C0]  }
0x27a: {  	[tilespmem:$0x1F4C0] =	vst v8;
	v8 =	vld [tilespmem:s6+$0xCF50]  }
0x27b: {  	[tilespmem:$0x1F450] =	vst v47;
	v47 =	vld [tilespmem:s6+$0x7F60]  }
0x27c: {  	[tilespmem:$0x1F470] =	vst v7;
	v7 =	vld [tilespmem:s6+$0xA750]  }
0x27d: {  	[tilespmem:$0x1F480] =	vst v51;
	v51 =	vld [tilespmem:s6+$0xA760]  }
0x27e: {  	[tilespmem:$0x1F590] =	vst v61;
	v61 =	vld [tilespmem:s6+$0xCF80]  }
0x27f: {  	[tilespmem:$0x1F560] =	vst v57;
	v57 =	vld [tilespmem:s6+$0x7FA0]  }
0x280: {  	[tilespmem:$0x1F6E0] =	vst v30;
	v30 =	vld [tilespmem:s6+$0xCFE0]  }
0x281: {  	[tilespmem:$0x1F4D0] =	vst v8;
	v8 =	vld [tilespmem:s6+$0xA770]  }
0x282: {  	[tilespmem:$0x1F500] =	vst v47;
	v47 =	vld [tilespmem:s6+$0xF770]  }
0x283: {  	[tilespmem:$0x1F4A0] =	vst v7;
	v7 =	vld [tilespmem:s6+$0x7F70]  }
0x284: {  	[tilespmem:$0x1F510] =	vst v51;
	v51 =	vld [tilespmem:s6+$0x7F80]  }
0x285: {  	[tilespmem:$0x1F580] =	vst v61;
	v61 =	vld [tilespmem:s6+$0xA7A0]  }
0x286: {  	[tilespmem:$0x1F5F0] =	vst v57;
	v57 =	vld [tilespmem:s6+$0xF7B0]  }
0x287: {  	[tilespmem:$0x1F760] =	vst v30;
	v30 =	vld [tilespmem:s6+$0xD000]  }
0x288: {  	[tilespmem:$0x1F530] =	vst v8;
	v8 =	vld [tilespmem:s6+$0x7F90]  }
0x289: {  	[tilespmem:$0x1F5A0] =	vst v47;
	v47 =	vld [tilespmem:s6+$0xCF90]  }
0x28a: {  	[tilespmem:$0x1F520] =	vst v7;
	v7 =	vld [tilespmem:s6+$0xF780]  }
0x28b: {  	[tilespmem:$0x1F540] =	vst v51;
	v51 =	vld [tilespmem:s6+$0xF790]  }
0x28c: {  	[tilespmem:$0x1F600] =	vst v61;
	v61 =	vld [tilespmem:s6+$0x7FC0]  }
0x28d: {  	[tilespmem:$0x1F690] =	vst v57;
	v57 =	vld [tilespmem:s6+$0xCFD0]  }
0x28e: {  	[tilespmem:$0x1F780] =	vst v30;
	v30 =	vmul.f32 v5, v59;
	v5 =	vld [tilespmem:s7+$0x7B80]  }
0x28f: {  	v17 =	vmul.f32 v17, v59;
	v59 =	vld [tilespmem:s6+$0x8010]  }
0x290: {  	[tilespmem:$0x1F5B0] =	vst v8;
	v8 =	vld [tilespmem:s6+$0xF7A0]  }
0x291: {  	[tilespmem:$0x1F5E0] =	vst v47;
	v47 =	vld [tilespmem:s6+$0xA7B0]  }
0x292: {  	[tilespmem:$0x1F5D0] =	vst v7;
	v7 =	vld [tilespmem:s6+$0xCFA0]  }
0x293: {  	[tilespmem:$0x1F610] =	vst v51;
	v51 =	vld [tilespmem:s6+$0xCFB0]  }
0x294: {  	[tilespmem:$0x1F630] =	vst v61;
	v61 =	vld [tilespmem:s6+$0xF7D0]  }
0x295: {  	[tilespmem:$0x1F6D0] =	vst v57;
	v57 =	vld [tilespmem:s6+$0xF7E0]  }
0x296: {  	[tilespmem:$0x1F670] =	vst v8;
	v8 =	vld [tilespmem:s6+$0xCFC0]  }
0x297: {  	[tilespmem:$0x1F650] =	vst v47;
	v47 =	vld [tilespmem:s6+$0x7FD0]  }
0x298: {  	[tilespmem:$0x1F640] =	vst v7;
	v7 =	vld [tilespmem:s6+$0xA7C0]  }
0x299: {  	[tilespmem:$0x1F680] =	vst v51;
	v51 =	vld [tilespmem:s6+$0xA7D0]  }
0x29a: {  	[tilespmem:$0x1F6F0] =	vst v61;
	v61 =	vld [tilespmem:s6+$0xCFF0]  }
0x29b: {  	[tilespmem:$0x1F6C0] =	vst v8;
	v8 =	vld [tilespmem:s6+$0xA7E0]  }
0x29c: {  	[tilespmem:$0x1F6A0] =	vst v47;
	v47 =	vld [tilespmem:s6+$0x7FF0]  }
0x29d: {  	[tilespmem:$0x1F660] =	vst v7;
	v7 =	vld [tilespmem:s6+$0x7FE0]  }
0x29e: {  	[tilespmem:$0x1F6B0] =	vst v51;
	v51 =	vld [tilespmem:s6+$0xA7F0]  }
0x29f: {  	[tilespmem:$0x1F770] =	vst v61;
	v61 =	vld [tilespmem:s6+$0xF7F0]  }
0x2a0: {  	[tilespmem:$0x1F730] =	vst v8;
	v8 =	vld [tilespmem:s6+$0xA800]  }
0x2a1: {  	[tilespmem:$0x1F710] =	vst v47;
	v47 =	vmul.f32 v6, v3;
	v6 =	vld [tilespmem:s7+$0x7AE0]  }
0x2a2: {  	v18 =	vmul.f32 v18, v3;
	v3 =	vld [tilespmem:s6+$0xD100]  }
0x2a3: {  	v48 =	vmul.f32 v48, v55;
	[tilespmem:$0x1F700] =	vst v7;
	v7 =	vld [tilespmem:s6+$0x8000]  }
0x2a4: {  	v27 =	vmul.f32 v27, v0;
	v13 =	vmul.f32 v13, v55;
	[tilespmem:$0x1F740] =	vst v51;
	v51 =	vld [tilespmem:s6+$0xF800];
	v1 =	vadd.f32 v47, v30  }
0x2a5: {  	v53 =	vmul.f32 v53, v0;
	v47 =	vld [tilespmem:s6+$0xD010];
	v30 =	vadd.f32 v48, v56;
	v48 =	vbroadcast v11, $0x8  }
0x2a6: {  	v56 =	vld [tilespmem:s6+$0x8020];
	v1 =	vadd.f32 v13, v1;
	v13 =	vmul.f32 v43, v55;
	v43 =	vbroadcast v12, $0x8  }
0x2a7: {  	v0 =	vmul.f32 v28, v0;
	v17 =	vadd.f32 v18, v17;
	v18 =	vbroadcast v9, $0x8;
	[tilespmem:$0x1F750] =	vst v8;
	v8 =	vld [tilespmem:s7+$0x79A0]  }
0x2a8: {  	v55 =	vld [tilespmem:s6+$0xF810];
	v22 =	vmul.f32 v22, v43;
	v1 =	vadd.f32 v27, v1;
	v27 =	vmul.f32 v23, v48  }
0x2a9: {  	[tilespmem:$0x1F720] =	vst v7;
	v7 =	vld [tilespmem:s7+$0x7A40];
	v23 =	vbroadcast v10, $0x8;
	v13 =	vadd.f32 v13, v17;
	v17 =	vmul.f32 v36, v18  }
0x2aa: {  	v36 =	vld [tilespmem:s6+$0xA830];
	[tilespmem:$0x1F7A0] =	vst v47;
	v47 =	vadd.f32 v53, v30;
	v30 =	vmul.f32 v32, v43;
	v32 =	vmul.f32 v39, v48  }
0x2ab: {  	v53 =	vld [tilespmem:s6+$0xD020];
	[tilespmem:$0x1FB70] =	vst v1;
	v1 =	vadd.f32 v27, v22;
	v28 =	vmul.f32 v4, v23;
	v22 =	vmul.f32 v31, v43  }
0x2ac: {  	v39 =	vld [tilespmem:s6+$0x8030];
	v0 =	vadd.f32 v0, v13;
	v13 =	vmul.f32 v50, v43;
	v41 =	vmul.f32 v41, v23  }
0x2ad: {  	v4 =	vld [tilespmem:s6+$0xF820];
	v43 =	vmul.f32 v62, v48;
	v50 =	vmul.f32 v35, v48  }
0x2ae: {  	v31 =	vld [tilespmem:s6+$0xF830];
	v62 =	vmul.f32 v54, v18;
	v35 =	vmul.f32 v52, v23  }
0x2af: {  	v54 =	vld [tilespmem:s6+$0x8040];
	v15 =	vmul.f32 v15, v23;
	[tilespmem:$0x1FB90] =	vst v0;
	v1 =	vadd.f32 v28, v1;
	v0 =	vadd.f32 v32, v30  }
0x2b0: {  	v52 =	vld [tilespmem:s6+$0xA840];
	v48 =	vmul.f32 v26, v18;
	v30 =	vbroadcast v11, $0x9;
	v13 =	vadd.f32 v50, v13  }
0x2b1: {  	v32 =	vld [tilespmem:s6+$0xD030];
	v28 =	vbroadcast v12, $0x9;
	v1 =	vadd.f32 v17, v1;
	v0 =	vadd.f32 v41, v0  }
0x2b2: {  	v50 =	vld [tilespmem:s6+$0x8050];
	v41 =	vmul.f32 v14, v18;
	v60 =	vmul.f32 v60, v30;
	v13 =	vadd.f32 v15, v13  }
0x2b3: {  	v18 =	vbroadcast v12, $0xA;
	[tilespmem:$0x1FBA0] =	vst v1;
	v1 =	vadd.f32 v43, v22;
	v0 =	vadd.f32 v62, v0;
	v62 =	vld [tilespmem:s6+$0xD040]  }
0x2b4: {  	v43 =	vmul.f32 v42, v28;
	v26 =	vadd.f32 v48, v13;
	v48 =	vmul.f32 v24, v30;
	v24 =	vld [tilespmem:s6+$0xA860]  }
0x2b5: {  	v42 =	vmul.f32 v29, v30;
	v29 =	vmul.f32 v34, v18;
	v34 =	vld [tilespmem:s6+$0xA870]  }
0x2b6: {  	v1 =	vadd.f32 v35, v1;
	v35 =	vld [tilespmem:s6+$0xF840]  }
0x2b7: {  	v27 =	vbroadcast v10, $0x9;
	v22 =	vadd.f32 v60, v43;
	v60 =	vld [tilespmem:s6+$0xA850]  }
0x2b8: {  	v17 =	vbroadcast v9, $0x9;
	v13 =	vmul.f32 v19, v28;
	v43 =	vld [tilespmem:s6+$0xD050]  }
0x2b9: {  	v23 =	vmul.f32 v16, v27;
	[tilespmem:$0x1FBE0] =	vst v26;
	v26 =	vmul.f32 v38, v27;
	v38 =	vld [tilespmem:s6+$0x8070]  }
0x2ba: {  	[tilespmem:$0x1FBC0] =	vst v0;
	v13 =	vadd.f32 v48, v13;
	v48 =	vmul.f32 v46, v17;
	v46 =	vld [tilespmem:$0x1F220];
	v0 =	vadd.f32 v41, v1  }
0x2bb: {  	v41 =	vld [tilespmem:s6+$0xF850];
	[tilespmem:$0x1F7E0] =	vst v34  }
0x2bc: {  	v21 =	vmul.f32 v21, v17;
	v34 =	vld [tilespmem:$0x1F210];
	[tilespmem:$0x1FBD0] =	vst v0;
	v0 =	vadd.f32 v23, v22;
	v22 =	vmul.f32 v25, v28  }
0x2bd: {  	v23 =	vmul.f32 v20, v28;
	v28 =	vmul.f32 v33, v30;
	v33 =	vld [tilespmem:s6+$0x8060]  }
0x2be: {  	v25 =	vmul.f32 v37, v27;
	v37 =	vld [tilespmem:s6+$0xD060]  }
0x2bf: {  	v30 =	vld [tilespmem:s6+$0xF860];
	v0 =	vadd.f32 v21, v0;
	v21 =	vbroadcast v10, $0xA  }
0x2c0: {  	v20 =	vld [tilespmem:$0x1F240];
	v1 =	vadd.f32 v28, v22;
	v28 =	vmul.f32 v40, v27  }
0x2c1: {  	v40 =	vmul.f32 v49, v17;
	v49 =	vmul.f32 v45, v21;
	v45 =	vld [tilespmem:s6+$0xF870]  }
0x2c2: {  	v19 =	vbroadcast v11, $0xA;
	[tilespmem:$0x1FC00] =	vst v0;
	v0 =	vadd.f32 v42, v23;
	v42 =	vld [tilespmem:s6+$0xD080]  }
0x2c3: {  	v1 =	vadd.f32 v25, v1;
	v25 =	vmul.f32 v58, v17;
	v58 =	vld [tilespmem:s6+$0xF880]  }
0x2c4: {  	[tilespmem:$0x1F7B0] =	vst v33;
	v33 =	vmul.f32 v44, v19;
	v44 =	vld [tilespmem:s6+$0xD070]  }
0x2c5: {  	v22 =	vmul.f32 v20, v18;
	v20 =	vld [tilespmem:$0x1F300]  }
0x2c6: {  	v0 =	vadd.f32 v26, v0;
	v26 =	vld [tilespmem:s6+$0x8080]  }
0x2c7: {  	v1 =	vadd.f32 v40, v1;
	v40 =	vmul.f32 v34, v19;
	v34 =	vld [tilespmem:s6+$0xA890]  }
0x2c8: {  	v16 =	vadd.f32 v33, v29;
	v29 =	vld [tilespmem:s6+$0xA880]  }
0x2c9: {  	[tilespmem:$0x1F7C0] =	vst v24;
	v23 =	vbroadcast v9, $0xA;
	v24 =	vadd.f32 v28, v13;
	v33 =	vld [tilespmem:$0x1F200];
	v0 =	vadd.f32 v48, v0  }
0x2ca: {  	[tilespmem:$0x1FC10] =	vst v1;
	v48 =	vld [tilespmem:$0x1F230]  }
0x2cb: {  	v28 =	vmul.f32 v2, v23;
	v1 =	vadd.f32 v25, v24;
	v24 =	vld [tilespmem:$0x1F250];
	v27 =	vadd.f32 v49, v16;
	[tilespmem:$0x1FC30] =	vst v0  }
0x2cc: {  	[tilespmem:$0x1F7D0] =	vst v26;
	v26 =	vld [tilespmem:s6+$0x8090]  }
0x2cd: {  	[tilespmem:$0x1FC40] =	vst v1;
	v0 =	vadd.f32 v28, v27;
	v27 =	vld [tilespmem:$0x1F260]  }
0x2ce: {  	[tilespmem:$0x1F810] =	vst v34;
	v34 =	vld [tilespmem:$0x1F2D0]  }
0x2cf: {  	[tilespmem:$0x1F7F0] =	vst v29;
	v1 =	vmul.f32 v33, v18;
	v29 =	vld [tilespmem:$0x1F270]  }
0x2d0: {  	[tilespmem:$0x1FC60] =	vst v0;
	v0 =	vmul.f32 v46, v18;
	v46 =	vld [tilespmem:s6+$0xD090]  }
0x2d1: {  	v49 =	vmul.f32 v48, v19;
	v25 =	vmul.f32 v24, v21;
	v48 =	vld [tilespmem:$0x1F290];
	v1 =	vadd.f32 v40, v1  }
0x2d2: {  	v40 =	vld [tilespmem:$0x1F280]  }
0x2d3: {  	v1 =	vadd.f32 v25, v1;
	v25 =	vld [tilespmem:$0x1F2B0]  }
0x2d4: {  	v28 =	vmul.f32 v27, v19;
	v27 =	vld [tilespmem:s6+$0x80A0]  }
0x2d5: {  	v19 =	vld [tilespmem:$0x1F2F0]  }
0x2d6: {  	v33 =	vmul.f32 v29, v21;
	v29 =	vld [tilespmem:s6+$0xA8A0]  }
0x2d7: {  	v13 =	vadd.f32 v28, v22;
	v22 =	vld [tilespmem:$0x1F2A0]  }
0x2d8: {  	v28 =	vld [tilespmem:$0x1F2C0]  }
0x2d9: {  	[tilespmem:$0x1F830] =	vst v46;
	v46 =	vld [tilespmem:$0x1F2E0]  }
0x2da: {  	[tilespmem:$0x1F820] =	vst v42;
	v0 =	vadd.f32 v49, v0;
	v49 =	vmul.f32 v48, v23;
	v42 =	vmul.f32 v40, v21;
	v21 =	vld [tilespmem:s6+$0xF890]  }
0x2db: {  	v40 =	vmul.f32 v34, v23;
	v34 =	vld [tilespmem:s6+$0xD0B0]  }
0x2dc: {  	v17 =	vbroadcast v12, $0xB;
	v1 =	vadd.f32 v49, v1;
	v49 =	vld [tilespmem:s6+$0xF8A0]  }
0x2dd: {  	v0 =	vadd.f32 v33, v0;
	v33 =	vadd.f32 v42, v13;
	v42 =	vld [tilespmem:s6+$0xD0A0]  }
0x2de: {  	[tilespmem:$0x1F800] =	vst v26;
	v26 =	vmul.f32 v25, v17;
	v25 =	vld [tilespmem:$0x1F320]  }
0x2df: {  	[tilespmem:$0x1F850] =	vst v27;
	v27 =	vld [tilespmem:s6+$0xA8B0]  }
0x2e0: {  	v13 =	vld [tilespmem:s6+$0x80C0]  }
0x2e1: {  	[tilespmem:$0x1F870] =	vst v29;
	v29 =	vld [tilespmem:$0x1F340]  }
0x2e2: {  	v18 =	vbroadcast v11, $0xB;
	v24 =	vmul.f32 v22, v23;
	v22 =	vld [tilespmem:s6+$0x80B0]  }
0x2e3: {  	v16 =	vbroadcast v10, $0xB;
	v23 =	vld [tilespmem:$0x1F310]  }
0x2e4: {  	[tilespmem:$0x1FC70] =	vst v1;
	v1 =	vmul.f32 v28, v18;
	v28 =	vld [tilespmem:$0x1F330]  }
0x2e5: {  	v48 =	vmul.f32 v46, v16;
	v46 =	vld [tilespmem:s6+$0xF8B0]  }
0x2e6: {  	[tilespmem:$0x1F8B0] =	vst v34;
	v34 =	vld [tilespmem:$0x1F3B0]  }
0x2e7: {  	v0 =	vadd.f32 v24, v0;
	[tilespmem:$0x1F8A0] =	vst v42;
	v42 =	vld [tilespmem:$0x1F360]  }
0x2e8: {  	v1 =	vadd.f32 v1, v26;
	[tilespmem:$0x1F880] =	vst v27;
	v27 =	vld [tilespmem:$0x1F390]  }
0x2e9: {  	[tilespmem:$0x1FC90] =	vst v0;
	v0 =	vadd.f32 v40, v33;
	v40 =	vld [tilespmem:$0x1F350]  }
0x2ea: {  	v15 =	vbroadcast v9, $0xB;
	v1 =	vadd.f32 v48, v1;
	v48 =	vld [tilespmem:$0x1F370]  }
0x2eb: {  	[tilespmem:$0x1F900] =	vst v46;
	v46 =	vld [tilespmem:$0x1F3C0]  }
0x2ec: {  	v26 =	vmul.f32 v25, v17;
	v24 =	vmul.f32 v23, v15;
	v23 =	vld [tilespmem:$0x1F3D0]  }
0x2ed: {  	[tilespmem:$0x1FCA0] =	vst v0;
	v0 =	vmul.f32 v19, v17;
	v17 =	vmul.f32 v28, v17;
	v28 =	vld [tilespmem:$0x1F3A0]  }
0x2ee: {  	[tilespmem:$0x1F840] =	vst v21;
	v21 =	vmul.f32 v20, v18;
	v19 =	vld [tilespmem:s6+$0x80E0]  }
0x2ef: {  	v1 =	vadd.f32 v24, v1;
	v24 =	vld [tilespmem:$0x1F380]  }
0x2f0: {  	[tilespmem:$0x1F8F0] =	vst v49;
	v33 =	vmul.f32 v29, v16;
	v0 =	vadd.f32 v21, v0;
	v14 =	vmul.f32 v42, v18;
	v42 =	vld [tilespmem:s6+$0xF8C0]  }
0x2f1: {  	[tilespmem:$0x1FCB0] =	vst v1;
	v1 =	vmul.f32 v40, v18;
	v49 =	vmul.f32 v48, v15;
	v48 =	vld [tilespmem:s6+$0x80D0]  }
0x2f2: {  	v20 =	vbroadcast v12, $0xC;
	v0 =	vadd.f32 v33, v0;
	v33 =	vld [tilespmem:s6+$0xD0C0]  }
0x2f3: {  	v21 =	vbroadcast v11, $0xC;
	v1 =	vadd.f32 v1, v26;
	v26 =	vld [tilespmem:s6+$0xA8C0]  }
0x2f4: {  	v29 =	vmul.f32 v28, v20;
	v28 =	vld [tilespmem:s6+$0xD0D0]  }
0x2f5: {  	v40 =	vmul.f32 v34, v21;
	v25 =	vmul.f32 v24, v16;
	v24 =	vld [tilespmem:s6+$0xA8D0]  }
0x2f6: {  	v16 =	vmul.f32 v46, v16;
	v46 =	vld [tilespmem:$0x1F420]  }
0x2f7: {  	v0 =	vadd.f32 v49, v0;
	v49 =	vadd.f32 v40, v29;
	v29 =	vld [tilespmem:$0x1F400]  }
0x2f8: {  	[tilespmem:$0x1F860] =	vst v22;
	v40 =	vld [tilespmem:s6+$0xF8D0]  }
0x2f9: {  	[tilespmem:$0x1FCC0] =	vst v0;
	v1 =	vadd.f32 v25, v1;
	v25 =	vld [tilespmem:$0x1F3E0]  }
0x2fa: {  	[tilespmem:$0x1F8D0] =	vst v48;
	v48 =	vld [tilespmem:$0x1F430]  }
0x2fb: {  	v22 =	vbroadcast v10, $0xC;
	v0 =	vmul.f32 v27, v15;
	[tilespmem:$0x1F8C0] =	vst v33;
	v33 =	vld [tilespmem:$0x1F410]  }
0x2fc: {  	[tilespmem:$0x1F890] =	vst v26;
	v26 =	vld [tilespmem:$0x1F3F0]  }
0x2fd: {  	v0 =	vadd.f32 v0, v1;
	v1 =	vmul.f32 v23, v22;
	v23 =	vld [tilespmem:$0x1F450]  }
0x2fe: {  	[tilespmem:$0x1F910] =	vst v28;
	v28 =	vld [tilespmem:$0x1F470]  }
0x2ff: {  	v14 =	vadd.f32 v14, v17;
	[tilespmem:$0x1F8E0] =	vst v24;
	v24 =	vld [tilespmem:s6+$0xA8E0]  }
0x300: {  	[tilespmem:$0x1F930] =	vst v40;
	v40 =	vld [tilespmem:$0x1F490]  }
0x301: {  	v17 =	vbroadcast v9, $0xC;
	v14 =	vadd.f32 v16, v14;
	v15 =	vmul.f32 v25, v15;
	v25 =	vld [tilespmem:$0x1F460]  }
0x302: {  	[tilespmem:$0x1FCD0] =	vst v0;
	v0 =	vadd.f32 v1, v49;
	v1 =	vmul.f32 v29, v20;
	v49 =	vmul.f32 v48, v21;
	v48 =	vld [tilespmem:$0x1F4A0]  }
0x303: {  	[tilespmem:$0x1F920] =	vst v42;
	v34 =	vmul.f32 v33, v20;
	v42 =	vadd.f32 v15, v14;
	v14 =	vmul.f32 v46, v20;
	v20 =	vld [tilespmem:$0x1F440]  }
0x304: {  	v33 =	vld [tilespmem:s6+$0xF8E0];
	v27 =	vmul.f32 v26, v17  }
0x305: {  	[tilespmem:$0x1F940] =	vst v19;
	v19 =	vbroadcast v12, $0xD;
	v46 =	vld [tilespmem:s6+$0x80F0]  }
0x306: {  	v29 =	vmul.f32 v28, v22;
	v28 =	vld [tilespmem:$0x1F4B0];
	v0 =	vadd.f32 v27, v0  }
0x307: {  	[tilespmem:$0x1FCE0] =	vst v42;
	v42 =	vmul.f32 v40, v19;
	v40 =	vld [tilespmem:s6+$0xD0F0]  }
0x308: {  	v27 =	vld [tilespmem:s6+$0xD0E0];
	[tilespmem:$0x1FCF0] =	vst v0;
	v0 =	vmul.f32 v20, v21  }
0x309: {  	v16 =	vmul.f32 v23, v21;
	[tilespmem:$0x1F9A0] =	vst v33;
	v33 =	vld [tilespmem:$0x1F4C0];
	v21 =	vbroadcast v11, $0xD  }
0x30a: {  	v0 =	vadd.f32 v0, v34;
	v34 =	vld [tilespmem:$0x1F480]  }
0x30b: {  	v1 =	vadd.f32 v49, v1;
	v49 =	vmul.f32 v48, v21;
	v48 =	vld [tilespmem:s6+$0xF8F0]  }
0x30c: {  	[tilespmem:$0x1F990] =	vst v40;
	v40 =	vld [tilespmem:$0x1F510]  }
0x30d: {  	v18 =	vadd.f32 v49, v42;
	v42 =	vld [tilespmem:$0x1F4D0]  }
0x30e: {  	v0 =	vadd.f32 v29, v0;
	v29 =	vmul.f32 v28, v17;
	v28 =	vld [tilespmem:$0x1F4F0]  }
0x30f: {  	v20 =	vmul.f32 v34, v22;
	v34 =	vmul.f32 v33, v17;
	v33 =	vld [tilespmem:s6+$0xA900]  }
0x310: {  	v14 =	vadd.f32 v16, v14;
	[tilespmem:$0x1F9B0] =	vst v48;
	v48 =	vld [tilespmem:$0x1F530]  }
0x311: {  	v23 =	vbroadcast v10, $0xD;
	v26 =	vmul.f32 v25, v22;
	v22 =	vld [tilespmem:$0x1F550]  }
0x312: {  	v49 =	vadd.f32 v20, v14;
	v20 =	vld [tilespmem:$0x1F4E0]  }
0x313: {  	[tilespmem:$0x1F960] =	vst v46;
	v46 =	vmul.f32 v42, v23;
	v0 =	vadd.f32 v34, v0;
	v34 =	vld [tilespmem:$0x1F500]  }
0x314: {  	v25 =	vbroadcast v9, $0xD;
	v1 =	vadd.f32 v26, v1;
	v42 =	vmul.f32 v40, v21;
	v40 =	vld [tilespmem:$0x1F580]  }
0x315: {  	[tilespmem:$0x1F970] =	vst v27;
	v27 =	vadd.f32 v46, v18;
	v46 =	vld [tilespmem:$0x1F520]  }
0x316: {  	v1 =	vadd.f32 v29, v1;
	v29 =	vmul.f32 v28, v25;
	v18 =	vld [tilespmem:$0x1F540]  }
0x317: {  	[tilespmem:$0x1F950] =	vst v24;
	v24 =	vmul.f32 v22, v23;
	v22 =	vld [tilespmem:s6+$0xF910]  }
0x318: {  	[tilespmem:$0x1FD20] =	vst v0;
	v0 =	vadd.f32 v29, v27;
	v27 =	vld [tilespmem:$0x1F560]  }
0x319: {  	v29 =	vld [tilespmem:$0x1F570];
	v26 =	vmul.f32 v20, v17  }
0x31a: {  	v17 =	vld [tilespmem:s6+$0xF900]  }
0x31b: {  	[tilespmem:$0x1FD00] =	vst v1;
	v1 =	vadd.f32 v26, v49;
	v26 =	vld [tilespmem:s6+$0x8110]  }
0x31c: {  	[tilespmem:$0x1FD40] =	vst v0;
	v0 =	vmul.f32 v46, v19;
	v49 =	vmul.f32 v48, v21;
	v46 =	vld [tilespmem:s6+$0xD110]  }
0x31d: {  	v48 =	vld [tilespmem:$0x1F590];
	[tilespmem:$0x1FD30] =	vst v1;
	v1 =	vmul.f32 v34, v19  }
0x31e: {  	v14 =	vmul.f32 v18, v19;
	v0 =	vadd.f32 v49, v0;
	v28 =	vmul.f32 v27, v21;
	v34 =	vld [tilespmem:s6+$0xA910]  }
0x31f: {  	[tilespmem:$0x1F980] =	vst v33;
	v33 =	vmul.f32 v29, v23;
	v1 =	vadd.f32 v42, v1;
	v42 =	vmul.f32 v40, v23;
	v23 =	vld [tilespmem:$0x1F5A0]  }
0x320: {  	v14 =	vadd.f32 v28, v14;
	v28 =	vld [tilespmem:s6+$0x8120]  }
0x321: {  	[tilespmem:$0x1FA20] =	vst v22;
	v0 =	vadd.f32 v33, v0;
	v33 =	vld [tilespmem:s6+$0xA920]  }
0x322: {  	[tilespmem:$0x1F9E0] =	vst v17;
	v40 =	vld [tilespmem:$0x1F5D0]  }
0x323: {  	v15 =	vld [tilespmem:s6+$0xA8F0];
	[tilespmem:$0x1F9C0] =	vst v26  }
0x324: {  	v20 =	vld [tilespmem:s6+$0x8100];
	[tilespmem:$0x1F9F0] =	vst v46;
	v49 =	vmul.f32 v48, v25;
	v1 =	vadd.f32 v24, v1  }
0x325: {  	v46 =	vld [tilespmem:s6+$0xD120];
	[tilespmem:$0x1F9D0] =	vst v34;
	v24 =	vmul.f32 v23, v25  }
0x326: {  	v26 =	vld [tilespmem:$0x1F5B0];
	v1 =	vadd.f32 v49, v1;
	[tilespmem:$0x1FA00] =	vst v28  }
0x327: {  	v34 =	vadd.f32 v42, v14;
	[tilespmem:$0x1FA10] =	vst v33;
	v42 =	vmul.f32 v40, v25;
	v0 =	vadd.f32 v24, v0;
	v24 =	vld [tilespmem:s6+$0xF920]  }
0x328: {  	v22 =	vld [tilespmem:s6+$0x8130];
	[tilespmem:$0x1FD50] =	vst v1  }
0x329: {  	v29 =	vld [tilespmem:$0x1F5C0];
	[tilespmem:$0x1FD60] =	vst v0;
	v0 =	vadd.f32 v42, v34  }
0x32a: {  	v19 =	vbroadcast v12, $0xE;
	v48 =	vld [tilespmem:$0x1F5E0];
	[tilespmem:$0x1FA30] =	vst v46  }
0x32b: {  	v25 =	vld [tilespmem:$0x1F5F0];
	[tilespmem:$0x1FD70] =	vst v0  }
0x32c: {  	v21 =	vbroadcast v11, $0xE;
	v27 =	vmul.f32 v26, v19;
	v26 =	vld [tilespmem:$0x1F600];
	[tilespmem:$0x1FA50] =	vst v24  }
0x32d: {  	v28 =	vld [tilespmem:$0x1F610]  }
0x32e: {  	v18 =	vbroadcast v10, $0xE;
	v1 =	vmul.f32 v29, v21;
	v33 =	vld [tilespmem:$0x1F620]  }
0x32f: {  	v40 =	vld [tilespmem:s6+$0xA930]  }
0x330: {  	v49 =	vmul.f32 v48, v18;
	v1 =	vadd.f32 v1, v27;
	v42 =	vld [tilespmem:$0x1F630]  }
0x331: {  	v46 =	vld [tilespmem:$0x1F640]  }
0x332: {  	v1 =	vadd.f32 v49, v1;
	v49 =	vld [tilespmem:s6+$0xD130]  }
0x333: {  	v24 =	vld [tilespmem:$0x1F650]  }
0x334: {  	v0 =	vmul.f32 v25, v19;
	v27 =	vmul.f32 v26, v21;
	v25 =	vld [tilespmem:$0x1F660]  }
0x335: {  	v26 =	vld [tilespmem:s6+$0xF930]  }
0x336: {  	v0 =	vadd.f32 v27, v0;
	v27 =	vld [tilespmem:$0x1F670]  }
0x337: {  	v2 =	vld [tilespmem:s6+$0x8140]  }
0x338: {  	v23 =	vld [tilespmem:$0x1F6F0]  }
0x339: {  	[tilespmem:$0x1FA40] =	vst v40;
	v40 =	vld [tilespmem:$0x1F690]  }
0x33a: {  	v17 =	vbroadcast v9, $0xE;
	v48 =	vmul.f32 v46, v18;
	v46 =	vld [tilespmem:$0x1F6A0]  }
0x33b: {  	[tilespmem:$0x1FA70] =	vst v26;
	v26 =	vld [tilespmem:s6+$0xD140]  }
0x33c: {  	v29 =	vmul.f32 v28, v17;
	v28 =	vmul.f32 v27, v17;
	v27 =	vld [tilespmem:$0x1F6B0]  }
0x33d: {  	v16 =	vmul.f32 v25, v21;
	v25 =	vbroadcast v9, $0xF;
	v9 =	vld [tilespmem:s6+$0x8150]  }
0x33e: {  	v14 =	vmul.f32 v42, v19;
	v1 =	vadd.f32 v29, v1;
	v29 =	vld [tilespmem:$0x1F680]  }
0x33f: {  	v34 =	vmul.f32 v33, v19;
	v19 =	vadd.f32 v48, v0;
	v48 =	vld [tilespmem:s6+$0xA940]  }
0x340: {  	v12 =	vbroadcast v12, $0xF;
	v14 =	vadd.f32 v16, v14;
	v16 =	vld [tilespmem:s6+$0x8160]  }
0x341: {  	[tilespmem:$0x1FD80] =	vst v1;
	v1 =	vmul.f32 v24, v21;
	v24 =	vbroadcast v10, $0xF;
	v10 =	vld [tilespmem:s6+$0xA950]  }
0x342: {  	v11 =	vbroadcast v11, $0xF;
	[tilespmem:$0x1FA60] =	vst v49;
	v49 =	vmul.f32 v46, v12;
	v46 =	vld [tilespmem:$0x1F6D0]  }
0x343: {  	v1 =	vadd.f32 v1, v34;
	v34 =	vadd.f32 v28, v19;
	v19 =	vld [tilespmem:$0x1F6E0];
	v33 =	vmul.f32 v29, v18  }
0x344: {  	v28 =	vmul.f32 v27, v11;
	v27 =	vld [tilespmem:s6+$0xD150]  }
0x345: {  	v42 =	vmul.f32 v40, v17;
	v29 =	vld [tilespmem:s6+$0xF940];
	v1 =	vadd.f32 v33, v1  }
0x346: {  	v33 =	vld [tilespmem:$0x1F6C0]  }
0x347: {  	v40 =	vadd.f32 v42, v1;
	v42 =	vadd.f32 v28, v49;
	v28 =	vld [tilespmem:$0x1F700]  }
0x348: {  	v49 =	vmul.f32 v46, v24;
	v46 =	vld [tilespmem:$0x1F730]  }
0x349: {  	[tilespmem:$0x1FA90] =	vst v27;
	v27 =	vld [tilespmem:s6+$0xA960]  }
0x34a: {  	[tilespmem:$0x1FA80] =	vst v26;
	v26 =	vmul.f32 v23, v25;
	v1 =	vadd.f32 v49, v42;
	v42 =	vld [tilespmem:$0x1F720]  }
0x34b: {  	[tilespmem:$0x1FD90] =	vst v34;
	v34 =	vmul.f32 v33, v18;
	v33 =	vld [tilespmem:$0x1F710]  }
0x34c: {  	v21 =	vmul.f32 v19, v17;
	v17 =	vadd.f32 v26, v1;
	v26 =	vld [tilespmem:$0x1F750]  }
0x34d: {  	v14 =	vadd.f32 v34, v14;
	v34 =	vld [tilespmem:s6+$0xF950]  }
0x34e: {  	[tilespmem:$0x1FAA0] =	vst v29;
	v29 =	vmul.f32 v28, v12;
	v28 =	vld [tilespmem:$0x1F760]  }
0x34f: {  	v49 =	vmul.f32 v46, v11;
	v46 =	vld [tilespmem:$0x1F780]  }
0x350: {  	[tilespmem:$0x1FDA0] =	vst v40;
	v40 =	vadd.f32 v21, v14;
	v21 =	vld [tilespmem:$0x1F740]  }
0x351: {  	v19 =	vmul.f32 v33, v12;
	v33 =	vld [tilespmem:s6+$0xD160]  }
0x352: {  	[tilespmem:$0x1FDC0] =	vst v17;
	v12 =	vmul.f32 v42, v12;
	v42 =	vld [tilespmem:s6+$0xF960]  }
0x353: {  	v17 =	vbroadcast v8, $0x0;
	[tilespmem:$0x1FAB0] =	vst v34;
	v34 =	vld [tilespmem:$0x1F770]  }
0x354: {  	[tilespmem:$0x1FAC0] =	vst v16;
	v14 =	vadd.f32 v49, v29;
	v29 =	vmul.f32 v28, v24;
	v28 =	vld [tilespmem:$0x1F790]  }
0x355: {  	[tilespmem:$0x1FAD0] =	vst v27;
	v49 =	vmul.f32 v59, v17;
	v59 =	vld [tilespmem:s6+$0x8170];
	v23 =	vmul.f32 v21, v11  }
0x356: {  	[tilespmem:$0x1FDB0] =	vst v40;
	v11 =	vmul.f32 v26, v11;
	v26 =	vmul.f32 v61, v25;
	v61 =	vld [tilespmem:s6+$0xF970]  }
0x357: {  	v27 =	vbroadcast v5, $0x0;
	v21 =	vbroadcast v7, $0x0;
	[tilespmem:$0x1FAF0] =	vst v33;
	v33 =	vld [tilespmem:s6+$0xA970]  }
0x358: {  	v16 =	vmul.f32 v46, v24;
	[tilespmem:$0x1FB10] =	vst v42;
	v42 =	vld [tilespmem:$0x1F7A0];
	v1 =	vadd.f32 v23, v19;
	v40 =	vmul.f32 v34, v24  }
0x359: {  	v14 =	vadd.f32 v29, v14;
	v29 =	vmul.f32 v28, v21;
	v34 =	vmul.f32 v57, v25;
	v28 =	vld [tilespmem:s6+$0xA980]  }
0x35a: {  	v11 =	vadd.f32 v11, v12;
	v57 =	vmul.f32 v51, v25;
	v51 =	vld [tilespmem:s6+$0xD180];
	v1 =	vadd.f32 v40, v1  }
0x35b: {  	v40 =	vld [tilespmem:s6+$0xD170];
	v19 =	vadd.f32 v29, v49;
	v49 =	vadd.f32 v34, v14;
	v34 =	vmul.f32 v39, v17  }
0x35c: {  	v39 =	vmul.f32 v36, v21;
	v36 =	vmul.f32 v35, v27;
	v35 =	vld [tilespmem:$0x1F7F0]  }
0x35d: {  	v24 =	vbroadcast v6, $0x0;
	v11 =	vadd.f32 v16, v11;
	v14 =	vld [tilespmem:s6+$0x8200]  }
0x35e: {  	[tilespmem:$0x1FAE0] =	vst v33;
	v33 =	vld [tilespmem:s6+$0x8180]  }
0x35f: {  	v46 =	vmul.f32 v42, v24;
	v23 =	vadd.f32 v57, v11;
	v42 =	vld [tilespmem:s6+$0xF980];
	v57 =	vmul.f32 v62, v24  }
0x360: {  	v62 =	vmul.f32 v4, v27;
	v4 =	vmul.f32 v31, v27;
	v31 =	vld [tilespmem:$0x1F7E0]  }
0x361: {  	[tilespmem:$0x1FDD0] =	vst v49;
	v49 =	vld [tilespmem:s6+$0xD190]  }
0x362: {  	v16 =	vadd.f32 v26, v1;
	v26 =	vmul.f32 v63, v21;
	v63 =	vld [tilespmem:s6+$0xF990]  }
0x363: {  	v25 =	vmul.f32 v56, v17;
	v56 =	vmul.f32 v32, v24;
	v1 =	vadd.f32 v39, v34;
	v39 =	vld [tilespmem:s6+$0xD1A0]  }
0x364: {  	v18 =	vadd.f32 v46, v19;
	v46 =	vmul.f32 v54, v17;
	v54 =	vmul.f32 v53, v24;
	v24 =	vld [tilespmem:s6+$0x81A0]  }
0x365: {  	v19 =	vmul.f32 v55, v27;
	v55 =	vmul.f32 v52, v21;
	v52 =	vld [tilespmem:s6+$0xF9A0]  }
0x366: {  	v17 =	vld [tilespmem:s6+$0xA9B0]  }
0x367: {  	[tilespmem:$0x1FDF0] =	vst v23;
	v23 =	vld [tilespmem:$0x1F840]  }
0x368: {  	v1 =	vadd.f32 v56, v1;
	v56 =	vld [tilespmem:$0x1F7C0]  }
0x369: {  	[tilespmem:$0x1FB00] =	vst v40;
	v40 =	vld [tilespmem:s6+$0xA990]  }
0x36a: {  	v11 =	vadd.f32 v26, v25;
	v12 =	vadd.f32 v55, v46;
	v46 =	vld [tilespmem:s6+$0xA9A0]  }
0x36b: {  	[tilespmem:$0x1FB20] =	vst v42;
	v42 =	vld [tilespmem:s6+$0x8190]  }
0x36c: {  	v29 =	vadd.f32 v19, v18;
	v19 =	vbroadcast v8, $0x1;
	v11 =	vadd.f32 v54, v11;
	v54 =	vld [tilespmem:$0x1F7B0]  }
0x36d: {  	v21 =	vbroadcast v7, $0x1;
	[tilespmem:$0x1FB30] =	vst v63;
	v63 =	vld [tilespmem:$0x1F7D0]  }
0x36e: {  	[tilespmem:$0x1FE00] =	vst v29;
	v34 =	vadd.f32 v57, v12;
	v25 =	vadd.f32 v62, v11;
	v62 =	vmul.f32 v38, v19;
	v38 =	vld [tilespmem:s6+$0xD1B0]  }
0x36f: {  	v26 =	vmul.f32 v60, v21;
	v29 =	vbroadcast v6, $0x1;
	[tilespmem:$0x1FB40] =	vst v24;
	v24 =	vld [tilespmem:s6+$0x81C0]  }
0x370: {  	v32 =	vadd.f32 v4, v1;
	v18 =	vmul.f32 v50, v19;
	v53 =	vadd.f32 v36, v34;
	v34 =	vld [tilespmem:s6+$0x81B0]  }
0x371: {  	[tilespmem:$0x1FB50] =	vst v39;
	v39 =	vmul.f32 v44, v29;
	v44 =	vld [tilespmem:$0x1F800]  }
0x372: {  	[tilespmem:$0x1FE20] =	vst v32;
	v32 =	vmul.f32 v31, v21;
	v31 =	vbroadcast v5, $0x2;
	v11 =	vadd.f32 v26, v18;
	v18 =	vld [tilespmem:s6+$0xF9F0]  }
0x373: {  	v50 =	vmul.f32 v43, v29;
	[tilespmem:$0x1FE10] =	vst v25;
	v25 =	vld [tilespmem:s6+$0xA9C0]  }
0x374: {  	v36 =	vmul.f32 v35, v21;
	v35 =	vmul.f32 v23, v31;
	v23 =	vld [tilespmem:$0x1F8A0]  }
0x375: {  	[tilespmem:$0x1FDE0] =	vst v16;
	v11 =	vadd.f32 v50, v11;
	v50 =	vld [tilespmem:$0x1F810]  }
0x376: {  	v16 =	vbroadcast v5, $0x1;
	[tilespmem:$0x1FE30] =	vst v53;
	v53 =	vld [tilespmem:s6+$0xF9C0]  }
0x377: {  	v57 =	vmul.f32 v56, v21;
	v55 =	vmul.f32 v54, v19;
	v54 =	vld [tilespmem:$0x1F820]  }
0x378: {  	v60 =	vmul.f32 v41, v16;
	v4 =	vmul.f32 v63, v19;
	v19 =	vld [tilespmem:s6+$0x81F0]  }
0x379: {  	v1 =	vadd.f32 v57, v55;
	v55 =	vld [tilespmem:s6+$0xF9B0]  }
0x37a: {  	v21 =	vbroadcast v8, $0x2;
	v27 =	vadd.f32 v60, v11;
	v11 =	vadd.f32 v32, v62;
	v32 =	vld [tilespmem:s6+$0x81D0]  }
0x37b: {  	v62 =	vld [tilespmem:$0x1F830]  }
0x37c: {  	v43 =	vmul.f32 v45, v16;
	v45 =	vmul.f32 v44, v21;
	v44 =	vld [tilespmem:$0x1F860]  }
0x37d: {  	v26 =	vmul.f32 v37, v29;
	v12 =	vadd.f32 v36, v4;
	v36 =	vld [tilespmem:s6+$0x81E0]  }
0x37e: {  	[tilespmem:$0x1FC20] =	vst v18;
	v18 =	vld [tilespmem:s6+$0xAA00]  }
0x37f: {  	v1 =	vadd.f32 v26, v1;
	v26 =	vld [tilespmem:s6+$0xD1C0]  }
0x380: {  	v37 =	vmul.f32 v30, v16;
	[tilespmem:$0x1FE40] =	vst v27;
	v56 =	vmul.f32 v54, v29;
	v29 =	vld [tilespmem:s6+$0xA9D0]  }
0x381: {  	v27 =	vbroadcast v7, $0x2;
	[tilespmem:$0x1FB80] =	vst v53;
	v53 =	vld [tilespmem:s6+$0xF9D0]  }
0x382: {  	v41 =	vadd.f32 v37, v1;
	v37 =	vld [tilespmem:s6+$0xD1D0]  }
0x383: {  	[tilespmem:$0x1FB60] =	vst v52;
	v30 =	vbroadcast v6, $0x2;
	v52 =	vmul.f32 v50, v27;
	v50 =	vld [tilespmem:s6+$0xA9E0]  }
0x384: {  	v12 =	vadd.f32 v56, v12;
	v56 =	vld [tilespmem:$0x1F870]  }
0x385: {  	v63 =	vmul.f32 v62, v30;
	[tilespmem:$0x1FE50] =	vst v41;
	v60 =	vadd.f32 v52, v45;
	v41 =	vld [tilespmem:$0x1F850]  }
0x386: {  	v4 =	vmul.f32 v58, v16;
	v45 =	vmul.f32 v44, v21;
	v44 =	vld [tilespmem:$0x1F8D0]  }
0x387: {  	v11 =	vadd.f32 v39, v11;
	v1 =	vadd.f32 v63, v60;
	v60 =	vld [tilespmem:$0x1F880]  }
0x388: {  	v54 =	vadd.f32 v4, v12;
	v63 =	vld [tilespmem:$0x1F890]  }
0x389: {  	v57 =	vadd.f32 v43, v11;
	[tilespmem:$0x1FBB0] =	vst v53;
	v53 =	vld [tilespmem:$0x1F8E0]  }
0x38a: {  	[tilespmem:$0x1FE70] =	vst v54;
	v54 =	vld [tilespmem:s6+$0xD1E0]  }
0x38b: {  	[tilespmem:$0x1FE60] =	vst v57;
	v57 =	vmul.f32 v56, v27;
	v58 =	vadd.f32 v35, v1;
	v35 =	vld [tilespmem:$0x1F8B0];
	v43 =	vmul.f32 v41, v21  }
0x38c: {  	v41 =	vld [tilespmem:s6+$0xF9E0]  }
0x38d: {  	v16 =	vbroadcast v8, $0x3;
	v11 =	vadd.f32 v57, v43;
	v57 =	vld [tilespmem:$0x1F8F0]  }
0x38e: {  	v62 =	vmul.f32 v60, v27;
	v4 =	vmul.f32 v63, v27;
	v43 =	vld [tilespmem:$0x1F8C0]  }
0x38f: {  	v27 =	vmul.f32 v23, v30;
	v23 =	vbroadcast v7, $0x3;
	v60 =	vld [tilespmem:$0x1F900]  }
0x390: {  	v63 =	vld [tilespmem:$0x1F910]  }
0x391: {  	[tilespmem:$0x1FE80] =	vst v58;
	v1 =	vadd.f32 v62, v45;
	v45 =	vmul.f32 v44, v16;
	v56 =	vmul.f32 v53, v23;
	v53 =	vld [tilespmem:s6+$0xA9F0]  }
0x392: {  	v11 =	vadd.f32 v27, v11;
	[tilespmem:$0x1FBF0] =	vst v41;
	v41 =	vld [tilespmem:s6+$0xD1F0];
	v58 =	vmul.f32 v57, v31  }
0x393: {  	v12 =	vmul.f32 v13, v21;
	v39 =	vmul.f32 v35, v30;
	v21 =	vadd.f32 v56, v45;
	v45 =	vld [tilespmem:$0x1F920]  }
0x394: {  	v13 =	vmul.f32 v43, v30;
	v30 =	vbroadcast v6, $0x3;
	v35 =	vadd.f32 v58, v11;
	v58 =	vld [tilespmem:$0x1F930]  }
0x395: {  	v12 =	vadd.f32 v4, v12;
	v1 =	vadd.f32 v39, v1;
	v39 =	vld [tilespmem:$0x1F960]  }
0x396: {  	v4 =	vmul.f32 v63, v30;
	v63 =	vld [tilespmem:$0x1F940]  }
0x397: {  	v44 =	vbroadcast v5, $0x3;
	v62 =	vmul.f32 v60, v31;
	v43 =	vadd.f32 v13, v12;
	v13 =	vld [tilespmem:$0x1F950]  }
0x398: {  	v52 =	vmul.f32 v45, v31;
	v31 =	vld [tilespmem:s6+$0xD200]  }
0x399: {  	v56 =	vadd.f32 v62, v1;
	v60 =	vmul.f32 v58, v44;
	v58 =	vld [tilespmem:$0x1F980]  }
0x39a: {  	v45 =	vld [tilespmem:s6+$0xFA00]  }
0x39b: {  	[tilespmem:$0x1FEA0] =	vst v56;
	v56 =	vld [tilespmem:$0x1F970];
	v62 =	vadd.f32 v52, v43  }
0x39c: {  	[tilespmem:$0x1FE90] =	vst v35;
	v57 =	vadd.f32 v4, v21;
	v43 =	vmul.f32 v39, v16;
	v39 =	vld [tilespmem:$0x1F9B0]  }
0x39d: {  	[tilespmem:$0x1FEB0] =	vst v62;
	v62 =	vld [tilespmem:$0x1F990]  }
0x39e: {  	v52 =	vmul.f32 v20, v16;
	[tilespmem:$0x1FC50] =	vst v31;
	v35 =	vadd.f32 v60, v57;
	v31 =	vld [tilespmem:$0x1F9A0];
	v60 =	vmul.f32 v58, v23  }
0x39f: {  	v21 =	vld [tilespmem:s6+$0xFA10];
	v4 =	vmul.f32 v63, v16;
	v27 =	vmul.f32 v13, v23  }
0x3a0: {  	v15 =	vmul.f32 v15, v23;
	v12 =	vadd.f32 v60, v52;
	v60 =	vld [tilespmem:$0x1F9C0]  }
0x3a1: {  	v11 =	vadd.f32 v27, v4;
	v57 =	vmul.f32 v56, v30;
	v52 =	vmul.f32 v39, v44;
	v39 =	vld [tilespmem:$0x1F9E0]  }
0x3a2: {  	v20 =	vld [tilespmem:s6+$0xAA10];
	v1 =	vadd.f32 v15, v43;
	v4 =	vmul.f32 v3, v30;
	v0 =	vmul.f32 v62, v30  }
0x3a3: {  	v13 =	vld [tilespmem:$0x1F9D0];
	[tilespmem:$0x1FEC0] =	vst v35;
	v11 =	vadd.f32 v57, v11;
	v30 =	vbroadcast v8, $0x4;
	v35 =	vmul.f32 v31, v44  }
0x3a4: {  	v63 =	vld [tilespmem:s6+$0x8210];
	v1 =	vadd.f32 v0, v1  }
0x3a5: {  	[tilespmem:$0x1FC80] =	vst v45;
	v45 =	vbroadcast v7, $0x4;
	v11 =	vadd.f32 v35, v11;
	v62 =	vmul.f32 v60, v30;
	v60 =	vld [tilespmem:$0x1F9F0]  }
0x3a6: {  	v27 =	vld [tilespmem:s6+$0xFA20];
	v35 =	vadd.f32 v4, v12;
	v1 =	vadd.f32 v52, v1;
	v52 =	vmul.f32 v39, v44  }
0x3a7: {  	v44 =	vld [tilespmem:$0x1FA10]  }
0x3a8: {  	v16 =	vmul.f32 v13, v45;
	v0 =	vbroadcast v6, $0x4;
	[tilespmem:$0x1FEE0] =	vst v1;
	v1 =	vadd.f32 v52, v35;
	v35 =	vld [tilespmem:$0x1FA00]  }
0x3a9: {  	v57 =	vld [tilespmem:$0x1FA20]  }
0x3aa: {  	[tilespmem:$0x1FED0] =	vst v11;
	v11 =	vadd.f32 v16, v62;
	v62 =	vmul.f32 v60, v0;
	v60 =	vld [tilespmem:$0x1FA30]  }
0x3ab: {  	v43 =	vld [tilespmem:s6+$0xD210]  }
0x3ac: {  	v56 =	vbroadcast v5, $0x4;
	[tilespmem:$0x1FD10] =	vst v27;
	v27 =	vld [tilespmem:$0x1FA50]  }
0x3ad: {  	v23 =	vld [tilespmem:s6+$0xAA20];
	[tilespmem:$0x1FEF0] =	vst v1;
	v52 =	vmul.f32 v44, v45;
	v1 =	vmul.f32 v35, v30  }
0x3ae: {  	v13 =	vld [tilespmem:$0x1FA40];
	v58 =	vmul.f32 v57, v56;
	v11 =	vadd.f32 v62, v11  }
0x3af: {  	v31 =	vld [tilespmem:s6+$0x8220];
	v1 =	vadd.f32 v52, v1;
	v4 =	vmul.f32 v60, v0  }
0x3b0: {  	v48 =	vmul.f32 v48, v45;
	v62 =	vmul.f32 v2, v30;
	v11 =	vadd.f32 v58, v11;
	v58 =	vld [tilespmem:$0x1FA60]  }
0x3b1: {  	v12 =	vld [tilespmem:s6+$0x8230];
	v35 =	vmul.f32 v27, v56;
	v1 =	vadd.f32 v4, v1  }
0x3b2: {  	v48 =	vadd.f32 v48, v62;
	v62 =	vld [tilespmem:$0x1FA80]  }
0x3b3: {  	v22 =	vmul.f32 v22, v30;
	v15 =	vmul.f32 v13, v45;
	v1 =	vadd.f32 v35, v1;
	v35 =	vld [tilespmem:$0x1FA70]  }
0x3b4: {  	v13 =	vld [tilespmem:$0x1FA90]  }
0x3b5: {  	v39 =	vld [tilespmem:s6+$0xD220];
	v60 =	vadd.f32 v15, v22;
	v4 =	vmul.f32 v58, v0  }
0x3b6: {  	v16 =	vld [tilespmem:s6+$0xAA30]  }
0x3b7: {  	v57 =	vbroadcast v7, $0x5;
	v58 =	vadd.f32 v4, v60;
	v4 =	vmul.f32 v62, v0;
	v62 =	vld [tilespmem:$0x1FAA0]  }
0x3b8: {  	v45 =	vbroadcast v8, $0x5;
	v44 =	vld [tilespmem:s6+$0x8240];
	[tilespmem:$0x1FF10] =	vst v1;
	v1 =	vmul.f32 v35, v56  }
0x3b9: {  	v10 =	vmul.f32 v10, v57;
	v48 =	vadd.f32 v4, v48;
	v4 =	vld [tilespmem:$0x1FAB0]  }
0x3ba: {  	v30 =	vld [tilespmem:s6+$0xD230];
	v9 =	vmul.f32 v9, v45;
	v60 =	vbroadcast v6, $0x5;
	v1 =	vadd.f32 v1, v58  }
0x3bb: {  	v27 =	vld [tilespmem:s6+$0xFA40];
	v0 =	vbroadcast v5, $0x5  }
0x3bc: {  	v52 =	vld [tilespmem:s6+$0xFA30];
	v35 =	vmul.f32 v13, v60;
	v62 =	vmul.f32 v62, v56;
	[tilespmem:$0x1FF20] =	vst v1;
	v1 =	vadd.f32 v10, v9  }
0x3bd: {  	v22 =	vld [tilespmem:s6+$0xAA40]  }
0x3be: {  	v9 =	vmul.f32 v4, v0;
	v48 =	vadd.f32 v62, v48;
	v62 =	vld [tilespmem:$0x1FAD0];
	v58 =	vadd.f32 v35, v1  }
0x3bf: {  	v35 =	vld [tilespmem:$0x1FAC0]  }
0x3c0: {  	v4 =	vadd.f32 v9, v58;
	v9 =	vld [tilespmem:$0x1FAE0]  }
0x3c1: {  	v15 =	vld [tilespmem:s6+$0xD240]  }
0x3c2: {  	[tilespmem:$0x1FF00] =	vst v11;
	v11 =	vld [tilespmem:s6+$0x8250]  }
0x3c3: {  	v59 =	vmul.f32 v59, v45;
	v33 =	vmul.f32 v33, v45;
	v13 =	vld [tilespmem:s6+$0xD250]  }
0x3c4: {  	[tilespmem:$0x1FF40] =	vst v4;
	v4 =	vld [tilespmem:$0x1FB00];
	v1 =	vmul.f32 v35, v45;
	v45 =	vmul.f32 v62, v57  }
0x3c5: {  	v62 =	vmul.f32 v28, v57;
	v35 =	vmul.f32 v9, v57;
	v57 =	vld [tilespmem:$0x1FAF0]  }
0x3c6: {  	v56 =	vld [tilespmem:s6+$0xFA50]  }
0x3c7: {  	v2 =	vbroadcast v7, $0x6;
	v33 =	vadd.f32 v62, v33;
	v62 =	vld [tilespmem:$0x1FB10]  }
0x3c8: {  	v10 =	vld [tilespmem:s6+$0xAA50];
	v28 =	vbroadcast v8, $0x6  }
0x3c9: {  	v40 =	vmul.f32 v40, v2;
	[tilespmem:$0x1FF30] =	vst v48;
	v48 =	vld [tilespmem:s6+$0x8260];
	v59 =	vadd.f32 v35, v59;
	v9 =	vmul.f32 v4, v60  }
0x3ca: {  	v58 =	vld [tilespmem:s6+$0xAA60];
	v1 =	vadd.f32 v45, v1;
	v3 =	vmul.f32 v42, v28;
	v45 =	vmul.f32 v57, v60  }
0x3cb: {  	v61 =	vmul.f32 v61, v0;
	v35 =	vld [tilespmem:s6+$0xFA60];
	v4 =	vadd.f32 v9, v59  }
0x3cc: {  	v40 =	vadd.f32 v40, v3;
	v3 =	vld [tilespmem:s6+$0xFA70];
	v62 =	vmul.f32 v62, v0;
	v45 =	vadd.f32 v45, v1  }
0x3cd: {  	v4 =	vadd.f32 v61, v4;
	v61 =	vld [tilespmem:$0x1FB30]  }
0x3ce: {  	v9 =	vld [tilespmem:s6+$0xAA70];
	v1 =	vmul.f32 v51, v60;
	v51 =	vbroadcast v6, $0x6;
	v45 =	vadd.f32 v62, v45  }
0x3cf: {  	v59 =	vld [tilespmem:s6+$0xD270]  }
0x3d0: {  	v42 =	vbroadcast v5, $0x6;
	v49 =	vmul.f32 v49, v51;
	[tilespmem:$0x1FF50] =	vst v45;
	v45 =	vld [tilespmem:$0x1FB20]  }
0x3d1: {  	v57 =	vld [tilespmem:s6+$0xD260]  }
0x3d2: {  	v60 =	vld [tilespmem:s6+$0x8270];
	[tilespmem:$0x1FF60] =	vst v4;
	v4 =	vadd.f32 v49, v40;
	v62 =	vmul.f32 v61, v42  }
0x3d3: {  	v1 =	vadd.f32 v1, v33;
	v33 =	vld [tilespmem:s6+$0x8280]  }
0x3d4: {  	v40 =	vld [tilespmem:s6+$0xAA80];
	v4 =	vadd.f32 v62, v4;
	v62 =	vmul.f32 v34, v28  }
0x3d5: {  	v49 =	vld [tilespmem:$0x1FB40];
	v0 =	vmul.f32 v45, v0;
	v45 =	vmul.f32 v17, v2  }
0x3d6: {  	v61 =	vmul.f32 v46, v2;
	v46 =	vld [tilespmem:s6+$0xD280]  }
0x3d7: {  	v34 =	vld [tilespmem:$0x1FB60];
	[tilespmem:$0x1FF80] =	vst v4;
	v4 =	vadd.f32 v45, v62;
	v62 =	vmul.f32 v38, v51  }
0x3d8: {  	v17 =	vld [tilespmem:s6+$0xFA80];
	v2 =	vmul.f32 v25, v2;
	v0 =	vadd.f32 v0, v1  }
0x3d9: {  	v25 =	vld [tilespmem:s6+$0xAA90];
	v1 =	vmul.f32 v24, v28;
	v38 =	vmul.f32 v55, v42;
	v4 =	vadd.f32 v62, v4  }
0x3da: {  	[tilespmem:$0x1FF70] =	vst v0;
	v0 =	vmul.f32 v49, v28;
	v49 =	vld [tilespmem:$0x1FB50]  }
0x3db: {  	v1 =	vadd.f32 v2, v1;
	v2 =	vadd.f32 v38, v4;
	v38 =	vld [tilespmem:$0x1FB80]  }
0x3dc: {  	v24 =	vld [tilespmem:s6+$0x8290]  }
0x3dd: {  	v55 =	vld [tilespmem:s6+$0x82A0];
	v62 =	vbroadcast v6, $0x7  }
0x3de: {  	v28 =	vmul.f32 v26, v51;
	v26 =	vmul.f32 v34, v42;
	v34 =	vld [tilespmem:s6+$0xFA90]  }
0x3df: {  	v0 =	vadd.f32 v61, v0;
	v4 =	vmul.f32 v37, v62;
	v37 =	vld [tilespmem:s6+$0xFAA0];
	v61 =	vmul.f32 v49, v51  }
0x3e0: {  	v1 =	vadd.f32 v28, v1;
	[tilespmem:$0x1FFA0] =	vst v2;
	v49 =	vld [tilespmem:s6+$0xD290];
	v2 =	vmul.f32 v38, v42  }
0x3e1: {  	v51 =	vld [tilespmem:$0x1FB70];
	v0 =	vadd.f32 v61, v0  }
0x3e2: {  	v45 =	vbroadcast v8, $0x7;
	v38 =	vld [tilespmem:s6+$0xD2A0];
	v1 =	vadd.f32 v2, v1  }
0x3e3: {  	v61 =	vbroadcast v7, $0x7;
	v42 =	vld [tilespmem:$0x1FB90];
	v0 =	vadd.f32 v26, v0  }
0x3e4: {  	[tilespmem:$0x1FFB0] =	vst v1;
	v1 =	vmul.f32 v36, v45;
	v36 =	vld [tilespmem:$0x1FBB0]  }
0x3e5: {  	v32 =	vmul.f32 v32, v45;
	v26 =	vld [tilespmem:s6+$0xAAA0];
	[tilespmem:$0x1FF90] =	vst v0;
	v0 =	vmul.f32 v29, v61  }
0x3e6: {  	[tilespmem:s6+$0x11DF0] =	vst v47;
	v47 =	vmul.f32 v50, v61;
	v50 =	vld [tilespmem:s6+$0x82B0]  }
0x3e7: {  	v28 =	vbroadcast v5, $0x7;
	v2 =	vld [tilespmem:s6+$0xAAC0];
	v0 =	vadd.f32 v0, v32  }
0x3e8: {  	[tilespmem:s6+$0x11E00] =	vst v42;
	v42 =	vld [tilespmem:$0x1FBC0]  }
0x3e9: {  	v32 =	vld [tilespmem:$0x1FBA0];
	v0 =	vadd.f32 v4, v0;
	v4 =	vmul.f32 v36, v28  }
0x3ea: {  	v36 =	vld [tilespmem:$0x1FBF0]  }
0x3eb: {  	v0 =	vadd.f32 v4, v0;
	v4 =	vmul.f32 v18, v61;
	v18 =	vld [tilespmem:$0x1FBE0]  }
0x3ec: {  	[tilespmem:s6+$0x11DE0] =	vst v51;
	v51 =	vld [tilespmem:s6+$0xAAB0]  }
0x3ed: {  	[tilespmem:$0x1FFC0] =	vst v0;
	v0 =	vmul.f32 v53, v61;
	v61 =	vld [tilespmem:$0x1FC00]  }
0x3ee: {  	v1 =	vadd.f32 v47, v1;
	v47 =	vmul.f32 v54, v62;
	v54 =	vld [tilespmem:$0x1FBD0];
	[tilespmem:s6+$0x11E20] =	vst v42  }
0x3ef: {  	v29 =	vld [tilespmem:s6+$0xFAB0];
	[tilespmem:s6+$0x11E10] =	vst v32  }
0x3f0: {  	v32 =	vmul.f32 v19, v45;
	v19 =	vld [tilespmem:s6+$0xD2B0];
	v42 =	vmul.f32 v36, v28;
	[tilespmem:s6+$0x11E40] =	vst v18;
	v18 =	vadd.f32 v47, v1  }
0x3f1: {  	v53 =	vld [tilespmem:$0x1FC30]  }
0x3f2: {  	v14 =	vmul.f32 v14, v45;
	[tilespmem:s6+$0x11E50] =	vst v61;
	v61 =	vadd.f32 v42, v18;
	v42 =	vld [tilespmem:$0x1FC20]  }
0x3f3: {  	[tilespmem:s6+$0x11E30] =	vst v54;
	v45 =	vbroadcast v8, $0x8;
	v54 =	vld [tilespmem:s6+$0x82C0]  }
0x3f4: {  	v4 =	vadd.f32 v4, v14;
	v14 =	vld [tilespmem:$0x1FC60];
	v0 =	vadd.f32 v0, v32;
	v32 =	vmul.f32 v41, v62  }
0x3f5: {  	v41 =	vld [tilespmem:$0x1FC10];
	v47 =	vbroadcast v7, $0x8  }
0x3f6: {  	v63 =	vmul.f32 v63, v45;
	v0 =	vadd.f32 v32, v0;
	v32 =	vbroadcast v6, $0x8;
	[tilespmem:s6+$0x11E70] =	vst v53;
	v53 =	vld [tilespmem:$0x1FC50]  }
0x3f7: {  	v36 =	vld [tilespmem:s6+$0xFAC0];
	v20 =	vmul.f32 v20, v47;
	v42 =	vmul.f32 v42, v28  }
0x3f8: {  	v18 =	vld [tilespmem:$0x1FC40]  }
0x3f9: {  	v42 =	vadd.f32 v42, v0;
	v0 =	vadd.f32 v20, v63;
	v20 =	vmul.f32 v43, v32;
	v43 =	vld [tilespmem:$0x1FC80]  }
0x3fa: {  	[tilespmem:s6+$0x11E90] =	vst v14;
	v14 =	vld [tilespmem:s6+$0xAAD0]  }
0x3fb: {  	[tilespmem:s6+$0x11E60] =	vst v41;
	v41 =	vld [tilespmem:s6+$0xD2C0];
	v62 =	vmul.f32 v53, v62  }
0x3fc: {  	v63 =	vld [tilespmem:$0x1FC70]  }
0x3fd: {  	v4 =	vadd.f32 v62, v4;
	v62 =	vld [tilespmem:$0x1FC90]  }
0x3fe: {  	v28 =	vmul.f32 v43, v28;
	v43 =	vld [tilespmem:$0x1FCA0]  }
0x3ff: {  	[tilespmem:s6+$0x11E80] =	vst v18;
	v18 =	vbroadcast v5, $0x8;
	v53 =	vld [tilespmem:s6+$0x82D0]  }
0x400: {  	v0 =	vadd.f32 v20, v0;
	v20 =	vld [tilespmem:s6+$0xFAD0]  }
0x401: {  	[tilespmem:s6+$0x11EA0] =	vst v63;
	v63 =	vmul.f32 v21, v18;
	v21 =	vld [tilespmem:s6+$0xD2D0]  }
0x402: {  	v31 =	vmul.f32 v31, v45;
	v12 =	vmul.f32 v12, v45;
	[tilespmem:s6+$0x11EB0] =	vst v62;
	v62 =	vld [tilespmem:s6+$0x82E0]  }
0x403: {  	v23 =	vmul.f32 v23, v47;
	[tilespmem:s6+$0x11EC0] =	vst v43;
	v43 =	vadd.f32 v28, v4;
	v4 =	vmul.f32 v44, v45;
	v45 =	vld [tilespmem:$0x1FCB0]  }
0x404: {  	v44 =	vadd.f32 v63, v0;
	v0 =	vmul.f32 v16, v47;
	v16 =	vmul.f32 v22, v47;
	v47 =	vld [tilespmem:$0x1FCC0]  }
0x405: {  	v28 =	vadd.f32 v23, v31;
	v23 =	vld [tilespmem:s6+$0xD2E0]  }
0x406: {  	v63 =	vld [tilespmem:$0x1FCD0]  }
0x407: {  	v31 =	vmul.f32 v39, v32;
	v22 =	vld [tilespmem:s6+$0xFAE0]  }
0x408: {  	v30 =	vmul.f32 v30, v32;
	v0 =	vadd.f32 v0, v12;
	v12 =	vld [tilespmem:$0x1FCE0]  }
0x409: {  	v15 =	vmul.f32 v15, v32;
	v28 =	vadd.f32 v31, v28;
	v4 =	vadd.f32 v16, v4;
	v31 =	vld [tilespmem:$0x1FD10]  }
0x40a: {  	v1 =	vadd.f32 v30, v0;
	v30 =	vld [tilespmem:$0x1FD00]  }
0x40b: {  	v4 =	vadd.f32 v15, v4;
	v15 =	vmul.f32 v27, v18;
	v27 =	vld [tilespmem:s6+$0x8300];
	[tilespmem:s6+$0x11ED0] =	vst v45  }
0x40c: {  	v39 =	vbroadcast v7, $0x9;
	v45 =	vld [tilespmem:s6+$0xAAE0];
	[tilespmem:s6+$0x11EE0] =	vst v47  }
0x40d: {  	v47 =	vbroadcast v8, $0x9;
	[tilespmem:s6+$0x11EF0] =	vst v63;
	v63 =	vld [tilespmem:$0x1FCF0]  }
0x40e: {  	v10 =	vmul.f32 v10, v39;
	[tilespmem:s6+$0x11F00] =	vst v12;
	v12 =	vld [tilespmem:s6+$0x82F0]  }
0x40f: {  	v11 =	vmul.f32 v11, v47;
	v16 =	vmul.f32 v31, v18;
	v31 =	vld [tilespmem:s6+$0xD2F0]  }
0x410: {  	v32 =	vbroadcast v6, $0x9;
	[tilespmem:s6+$0x11F20] =	vst v30;
	v30 =	vmul.f32 v52, v18;
	v52 =	vld [tilespmem:$0x1FD20]  }
0x411: {  	v10 =	vadd.f32 v10, v11;
	v11 =	vld [tilespmem:$0x1FD30]  }
0x412: {  	v13 =	vmul.f32 v13, v32;
	v18 =	vmul.f32 v58, v39;
	v58 =	vld [tilespmem:$0x1FD70]  }
0x413: {  	[tilespmem:s6+$0x11F10] =	vst v63;
	v63 =	vld [tilespmem:s6+$0xAAF0]  }
0x414: {  	v13 =	vadd.f32 v13, v10;
	v10 =	vadd.f32 v15, v4;
	v4 =	vmul.f32 v48, v47;
	v48 =	vld [tilespmem:s6+$0xD300]  }
0x415: {  	v1 =	vadd.f32 v30, v1;
	v30 =	vld [tilespmem:$0x1FD60]  }
0x416: {  	v0 =	vbroadcast v5, $0x9;
	[tilespmem:s6+$0x11F30] =	vst v52;
	v52 =	vld [tilespmem:s6+$0xFAF0]  }
0x417: {  	[tilespmem:s6+$0x11F40] =	vst v11;
	v11 =	vadd.f32 v16, v28;
	v28 =	vld [tilespmem:$0x1FD40]  }
0x418: {  	v16 =	vmul.f32 v56, v0;
	v56 =	vld [tilespmem:s6+$0xAB00]  }
0x419: {  	v35 =	vmul.f32 v35, v0;
	[tilespmem:s6+$0x11F80] =	vst v58;
	v58 =	vld [tilespmem:$0x1FD90]  }
0x41a: {  	v3 =	vmul.f32 v3, v0;
	v0 =	vmul.f32 v17, v0;
	v17 =	vld [tilespmem:s6+$0xD320]  }
0x41b: {  	[tilespmem:s6+$0x11F70] =	vst v30;
	v30 =	vld [tilespmem:s6+$0xFB00]  }
0x41c: {  	v15 =	vadd.f32 v16, v13;
	v16 =	vadd.f32 v18, v4;
	v4 =	vld [tilespmem:s6+$0x8310]  }
0x41d: {  	v13 =	vmul.f32 v60, v47;
	v18 =	vmul.f32 v33, v47;
	v47 =	vld [tilespmem:$0x1FD80]  }
0x41e: {  	v9 =	vmul.f32 v9, v39;
	v33 =	vld [tilespmem:s6+$0xD310]  }
0x41f: {  	v60 =	vmul.f32 v57, v32;
	v57 =	vmul.f32 v59, v32;
	v59 =	vld [tilespmem:$0x1FDA0]  }
0x420: {  	v9 =	vadd.f32 v9, v13;
	v13 =	vmul.f32 v40, v39;
	v40 =	vld [tilespmem:s6+$0xAB10]  }
0x421: {  	v16 =	vadd.f32 v60, v16;
	v60 =	vld [tilespmem:$0x1FDB0]  }
0x422: {  	[tilespmem:s6+$0x11F50] =	vst v28;
	v28 =	vld [tilespmem:$0x1FD50]  }
0x423: {  	v32 =	vmul.f32 v46, v32;
	[tilespmem:s6+$0x11FA0] =	vst v58;
	v58 =	vld [tilespmem:$0x1FDD0]  }
0x424: {  	v46 =	vbroadcast v8, $0xA;
	v39 =	vbroadcast v7, $0xA;
	v9 =	vadd.f32 v57, v9;
	v57 =	vld [tilespmem:$0x1FDC0]  }
0x425: {  	v13 =	vadd.f32 v13, v18;
	[tilespmem:s6+$0x11F90] =	vst v47;
	v47 =	vld [tilespmem:s6+$0x8320]  }
0x426: {  	v24 =	vmul.f32 v24, v46;
	v16 =	vadd.f32 v35, v16;
	v25 =	vmul.f32 v25, v39;
	[tilespmem:s6+$0x11FB0] =	vst v59;
	v59 =	vld [tilespmem:$0x1FDE0]  }
0x427: {  	v35 =	vbroadcast v6, $0xA;
	v18 =	vadd.f32 v3, v9;
	v3 =	vadd.f32 v32, v13;
	v32 =	vld [tilespmem:s6+$0xFB20]  }
0x428: {  	v9 =	vadd.f32 v25, v24;
	v24 =	vld [tilespmem:s6+$0xFB30]  }
0x429: {  	[tilespmem:s6+$0x11FC0] =	vst v60;
	v60 =	vmul.f32 v49, v35;
	v49 =	vld [tilespmem:s6+$0xAB30]  }
0x42a: {  	[tilespmem:s6+$0x11F60] =	vst v28;
	v28 =	vld [tilespmem:s6+$0xFB10]  }
0x42b: {  	[tilespmem:s6+$0x11FE0] =	vst v58;
	v58 =	vld [tilespmem:$0x1FDF0]  }
0x42c: {  	v25 =	vbroadcast v5, $0xA;
	v13 =	vadd.f32 v0, v3;
	v3 =	vmul.f32 v26, v39;
	v26 =	vld [tilespmem:s6+$0x8330]  }
0x42d: {  	v0 =	vmul.f32 v55, v46;
	v55 =	vmul.f32 v50, v46;
	v50 =	vld [tilespmem:s6+$0xD330]  }
0x42e: {  	v2 =	vmul.f32 v2, v39;
	v46 =	vmul.f32 v54, v46;
	v54 =	vld [tilespmem:$0x1FE40]  }
0x42f: {  	v37 =	vmul.f32 v37, v25;
	v29 =	vmul.f32 v29, v25;
	[tilespmem:s6+$0x11FD0] =	vst v57;
	v57 =	vld [tilespmem:s6+$0xAB20]  }
0x430: {  	v9 =	vadd.f32 v60, v9;
	v60 =	vmul.f32 v34, v25;
	v25 =	vmul.f32 v36, v25;
	v36 =	vld [tilespmem:s6+$0x8350]  }
0x431: {  	[tilespmem:s6+$0x11FF0] =	vst v59;
	v59 =	vld [tilespmem:$0x1FE00]  }
0x432: {  	v2 =	vadd.f32 v2, v46;
	v46 =	vld [tilespmem:s6+$0xAB50]  }
0x433: {  	v3 =	vadd.f32 v3, v0;
	v0 =	vadd.f32 v60, v9;
	v60 =	vmul.f32 v51, v39;
	v51 =	vld [tilespmem:$0x1FE30]  }
0x434: {  	v39 =	vld [tilespmem:s6+$0x8340]  }
0x435: {  	v38 =	vmul.f32 v38, v35;
	[tilespmem:s6+$0x12000] =	vst v58;
	v58 =	vld [tilespmem:$0x1FE10]  }
0x436: {  	[tilespmem:s6+$0x12050] =	vst v54;
	v54 =	vld [tilespmem:s6+$0xAB40]  }
0x437: {  	v3 =	vadd.f32 v38, v3;
	v34 =	vadd.f32 v60, v55;
	v55 =	vld [tilespmem:$0x1FE50]  }
0x438: {  	v60 =	vld [tilespmem:$0x1FE70]  }
0x439: {  	v19 =	vmul.f32 v19, v35;
	v9 =	vadd.f32 v37, v3;
	v37 =	vld [tilespmem:s6+$0xD340]  }
0x43a: {  	v38 =	vbroadcast v8, $0xB;
	v3 =	vmul.f32 v41, v35;
	v41 =	vld [tilespmem:s6+$0xFB40]  }
0x43b: {  	[tilespmem:s6+$0x12010] =	vst v59;
	v59 =	vld [tilespmem:$0x1FE20];
	v19 =	vadd.f32 v19, v34  }
0x43c: {  	[tilespmem:s6+$0x12040] =	vst v51;
	v2 =	vadd.f32 v3, v2;
	v3 =	vmul.f32 v27, v38;
	v27 =	vld [tilespmem:s6+$0xD360]  }
0x43d: {  	v19 =	vadd.f32 v29, v19;
	v29 =	vld [tilespmem:s6+$0xFB50];
	[tilespmem:s6+$0x12020] =	vst v58  }
0x43e: {  	v51 =	vbroadcast v7, $0xB;
	[tilespmem:s6+$0x12060] =	vst v55;
	v55 =	vld [tilespmem:$0x1FE80]  }
0x43f: {  	[tilespmem:s6+$0x12080] =	vst v60;
	v60 =	vld [tilespmem:$0x1FEA0]  }
0x440: {  	v58 =	vmul.f32 v53, v38;
	v14 =	vmul.f32 v14, v51;
	[tilespmem:s6+$0x12030] =	vst v59;
	v59 =	vld [tilespmem:$0x1FE60]  }
0x441: {  	v53 =	vld [tilespmem:s6+$0xD350]  }
0x442: {  	v34 =	vbroadcast v6, $0xB;
	v14 =	vadd.f32 v14, v58;
	v58 =	vld [tilespmem:$0x1FE90]  }
0x443: {  	v35 =	vbroadcast v5, $0xB;
	[tilespmem:s6+$0x12090] =	vst v55;
	v55 =	vld [tilespmem:$0x1FEB0]  }
0x444: {  	v21 =	vmul.f32 v21, v34;
	v45 =	vmul.f32 v45, v51;
	[tilespmem:s6+$0x120B0] =	vst v60;
	v60 =	vld [tilespmem:$0x1FEC0]  }
0x445: {  	[tilespmem:s6+$0x12070] =	vst v59;
	v59 =	vmul.f32 v62, v38;
	v62 =	vmul.f32 v20, v35;
	v20 =	vadd.f32 v25, v2;
	v25 =	vld [tilespmem:s6+$0xAB60]  }
0x446: {  	v12 =	vmul.f32 v12, v38;
	v14 =	vadd.f32 v21, v14;
	v38 =	vld [tilespmem:s6+$0xFB60]  }
0x447: {  	[tilespmem:s6+$0x120A0] =	vst v58;
	v58 =	vadd.f32 v45, v59;
	v59 =	vmul.f32 v23, v34;
	v23 =	vld [tilespmem:s6+$0x8360]  }
0x448: {  	v21 =	vadd.f32 v62, v14;
	v62 =	vmul.f32 v63, v51;
	v63 =	vld [tilespmem:$0x1FED0]  }
0x449: {  	v45 =	vld [tilespmem:s6+$0x8370]  }
0x44a: {  	v14 =	vmul.f32 v30, v35;
	v30 =	vld [tilespmem:s6+$0xD370]  }
0x44b: {  	[tilespmem:s6+$0x120C0] =	vst v55;
	v55 =	vld [tilespmem:$0x1FEE0]  }
0x44c: {  	[tilespmem:s6+$0x120D0] =	vst v60;
	v60 =	vld [tilespmem:$0x1FF00]  }
0x44d: {  	v2 =	vadd.f32 v59, v58;
	v59 =	vld [tilespmem:$0x1FEF0]  }
0x44e: {  	v22 =	vmul.f32 v22, v35;
	v58 =	vmul.f32 v56, v51;
	v51 =	vld [tilespmem:s6+$0xAB70]  }
0x44f: {  	v12 =	vadd.f32 v62, v12;
	v62 =	vmul.f32 v52, v35;
	v56 =	vld [tilespmem:$0x1FF20]  }
0x450: {  	v52 =	vld [tilespmem:s6+$0x8380];
	v22 =	vadd.f32 v22, v2;
	v2 =	vmul.f32 v48, v34;
	v48 =	vbroadcast v7, $0xC  }
0x451: {  	v31 =	vmul.f32 v31, v34;
	[tilespmem:s6+$0x120E0] =	vst v63;
	v63 =	vld [tilespmem:$0x1FF10]  }
0x452: {  	v34 =	vbroadcast v8, $0xC;
	v3 =	vadd.f32 v58, v3;
	v58 =	vmul.f32 v40, v48;
	v40 =	vld [tilespmem:s6+$0xFB70]  }
0x453: {  	[tilespmem:s6+$0x12110] =	vst v60;
	v60 =	vld [tilespmem:$0x1FF40]  }
0x454: {  	[tilespmem:s6+$0x120F0] =	vst v55;
	v2 =	vadd.f32 v2, v3;
	v3 =	vmul.f32 v47, v34;
	v55 =	vld [tilespmem:s6+$0xAB80]  }
0x455: {  	v47 =	vmul.f32 v57, v48;
	v57 =	vmul.f32 v49, v48;
	v49 =	vld [tilespmem:s6+$0xFB90]  }
0x456: {  	v35 =	vbroadcast v6, $0xC;
	v4 =	vmul.f32 v4, v34;
	[tilespmem:s6+$0x12100] =	vst v59;
	v59 =	vld [tilespmem:$0x1FF30]  }
0x457: {  	v12 =	vadd.f32 v31, v12;
	[tilespmem:s6+$0x12130] =	vst v56;
	v56 =	vmul.f32 v26, v34;
	v34 =	vmul.f32 v39, v34;
	v39 =	vld [tilespmem:s6+$0xAB90]  }
0x458: {  	v26 =	vbroadcast v8, $0xD;
	v4 =	vadd.f32 v58, v4;
	v58 =	vadd.f32 v47, v3;
	v47 =	vld [tilespmem:s6+$0x8390]  }
0x459: {  	v12 =	vadd.f32 v62, v12;
	v62 =	vmul.f32 v33, v35;
	v3 =	vadd.f32 v57, v56;
	v56 =	vld [tilespmem:$0x1FFC0]  }
0x45a: {  	v33 =	vbroadcast v5, $0xC;
	v57 =	vmul.f32 v36, v26;
	v36 =	vld [tilespmem:s6+$0x83B0]  }
0x45b: {  	[tilespmem:s6+$0x12120] =	vst v63;
	v63 =	vld [tilespmem:$0x1FF50]  }
0x45c: {  	[tilespmem:s6+$0x121E0] =	vst v61;
	v28 =	vmul.f32 v28, v33;
	v4 =	vadd.f32 v62, v4;
	v62 =	vmul.f32 v32, v33;
	v32 =	vld [tilespmem:s6+$0xFB80]  }
0x45d: {  	v24 =	vmul.f32 v24, v33;
	v33 =	vmul.f32 v41, v33;
	v41 =	vld [tilespmem:s6+$0xABA0];
	[tilespmem:s6+$0x12150] =	vst v60  }
0x45e: {  	v60 =	vld [tilespmem:$0x1FF60];
	[tilespmem:s6+$0x12140] =	vst v59;
	v59 =	vmul.f32 v17, v35  }
0x45f: {  	[tilespmem:s6+$0x121F0] =	vst v42;
	v17 =	vld [tilespmem:s6+$0xD380]  }
0x460: {  	[tilespmem:s6+$0x12200] =	vst v43;
	v14 =	vadd.f32 v14, v2;
	v2 =	vadd.f32 v59, v58;
	v58 =	vld [tilespmem:$0x1FF80]  }
0x461: {  	[tilespmem:s6+$0x12210] =	vst v44;
	v59 =	vmul.f32 v50, v35;
	v35 =	vmul.f32 v37, v35;
	v37 =	vld [tilespmem:s6+$0xD390]  }
0x462: {  	v23 =	vmul.f32 v23, v26;
	[tilespmem:s6+$0x121D0] =	vst v56;
	v50 =	vld [tilespmem:s6+$0xD3A0]  }
0x463: {  	v44 =	vmul.f32 v45, v26;
	v26 =	vmul.f32 v52, v26;
	[tilespmem:s6+$0x12160] =	vst v63;
	v63 =	vld [tilespmem:$0x1FF70]  }
0x464: {  	v56 =	vbroadcast v8, $0xE;
	[tilespmem:s6+$0x12170] =	vst v60;
	v60 =	vld [tilespmem:$0x1FF90];
	v2 =	vadd.f32 v62, v2;
	v62 =	vmul.f32 v54, v48  }
0x465: {  	[tilespmem:s6+$0x12230] =	vst v1;
	v48 =	vbroadcast v7, $0xD;
	v54 =	vld [tilespmem:$0x1FFB0];
	v3 =	vadd.f32 v59, v3;
	v59 =	vbroadcast v6, $0xD  }
0x466: {  	[tilespmem:s6+$0x12220] =	vst v11;
	v8 =	vbroadcast v8, $0xF;
	v52 =	vmul.f32 v36, v56;
	v31 =	vadd.f32 v62, v34;
	v34 =	vld [tilespmem:s6+$0x83A0]  }
0x467: {  	[tilespmem:s6+$0x12240] =	vst v10;
	v61 =	vmul.f32 v25, v48;
	v25 =	vld [tilespmem:s6+$0xFBA0];
	v62 =	vmul.f32 v53, v59  }
0x468: {  	[tilespmem:s6+$0x12250] =	vst v15;
	v4 =	vadd.f32 v28, v4;
	v51 =	vmul.f32 v51, v48;
	v53 =	vmul.f32 v30, v59;
	v30 =	vld [tilespmem:s6+$0xFBB0]  }
0x469: {  	v3 =	vadd.f32 v24, v3;
	v55 =	vmul.f32 v55, v48;
	v17 =	vmul.f32 v17, v59;
	[tilespmem:s6+$0x12180] =	vst v63;
	v63 =	vld [tilespmem:$0x1FFA0]  }
0x46a: {  	v24 =	vbroadcast v6, $0xE;
	[tilespmem:s6+$0x12190] =	vst v58;
	v58 =	vmul.f32 v46, v48;
	v46 =	vld [tilespmem:s6+$0xD3D0];
	v31 =	vadd.f32 v35, v31  }
0x46b: {  	v6 =	vbroadcast v6, $0xF;
	v23 =	vadd.f32 v61, v23;
	v35 =	vld [tilespmem:s6+$0x83D0];
	[tilespmem:s6+$0x121A0] =	vst v60;
	v60 =	vbroadcast v5, $0xD  }
0x46c: {  	[tilespmem:s6+$0x12260] =	vst v16;
	v48 =	vmul.f32 v50, v24;
	v28 =	vadd.f32 v58, v57;
	v31 =	vadd.f32 v33, v31;
	v33 =	vld [tilespmem:s6+$0xD3C0]  }
0x46d: {  	[tilespmem:s6+$0x12270] =	vst v18;
	v50 =	vld [tilespmem:s6+$0x83E0];
	v57 =	vadd.f32 v51, v44;
	v44 =	vmul.f32 v37, v24;
	v29 =	vmul.f32 v29, v60  }
0x46e: {  	v15 =	vadd.f32 v55, v26;
	v43 =	vmul.f32 v38, v60;
	v38 =	vld [tilespmem:s6+$0xD3B0];
	[tilespmem:s6+$0x121B0] =	vst v63;
	v63 =	vmul.f32 v27, v59  }
0x46f: {  	[tilespmem:s6+$0x121C0] =	vst v54;
	v42 =	vadd.f32 v62, v28;
	v54 =	vmul.f32 v40, v60;
	v40 =	vld [tilespmem:s6+$0xABC0];
	v58 =	vmul.f32 v32, v60  }
0x470: {  	[tilespmem:s6+$0x12280] =	vst v13;
	v27 =	vld [tilespmem:s6+$0xABB0];
	v59 =	vmul.f32 v47, v56;
	v45 =	vadd.f32 v63, v23;
	v23 =	vbroadcast v7, $0xE  }
0x471: {  	[tilespmem:s6+$0x12290] =	vst v0;
	v10 =	vadd.f32 v29, v42;
	v29 =	vld [tilespmem:s6+$0x83C0];
	v63 =	vmul.f32 v34, v56;
	v28 =	vmul.f32 v33, v24  }
0x472: {  	[tilespmem:s6+$0x122A0] =	vst v9;
	v60 =	vadd.f32 v53, v57;
	v42 =	vld [tilespmem:s6+$0xABD0];
	v7 =	vbroadcast v7, $0xF;
	v33 =	vmul.f32 v35, v8  }
0x473: {  	[tilespmem:s6+$0x122B0] =	vst v19;
	v32 =	vld [tilespmem:s6+$0xFBC0];
	v62 =	vadd.f32 v17, v15;
	v57 =	vmul.f32 v38, v24;
	v61 =	vmul.f32 v39, v23  }
0x474: {  	[tilespmem:s6+$0x122C0] =	vst v20;
	v53 =	vld [tilespmem:s6+$0xABE0];
	v1 =	vadd.f32 v43, v45;
	v41 =	vmul.f32 v41, v23;
	v45 =	vbroadcast v5, $0xE  }
0x475: {  	[tilespmem:s6+$0x122D0] =	vst v21;
	v17 =	vld [tilespmem:s6+$0xFBD0];
	v0 =	vadd.f32 v58, v62;
	v58 =	vmul.f32 v40, v23;
	v40 =	vmul.f32 v50, v8  }
0x476: {  	[tilespmem:s6+$0x122E0] =	vst v22;
	v11 =	vadd.f32 v54, v60;
	v35 =	vld [tilespmem:s6+$0x8400];
	v54 =	vmul.f32 v27, v23;
	v55 =	vmul.f32 v29, v56  }
0x477: {  	[tilespmem:s6+$0x122F0] =	vst v12;
	v62 =	vld [tilespmem:s6+$0x83F0];
	v38 =	vmul.f32 v42, v7;
	v49 =	vmul.f32 v49, v45  }
0x478: {  	[tilespmem:s6+$0x12300] =	vst v14;
	v39 =	vld [tilespmem:s6+$0xAC00];
	v43 =	vadd.f32 v61, v59;
	v51 =	vmul.f32 v25, v45;
	v61 =	vmul.f32 v30, v45  }
0x479: {  	[tilespmem:s6+$0x12310] =	vst v4;
	v56 =	vld [tilespmem:s6+$0xD3E0];
	v47 =	vadd.f32 v41, v63;
	v32 =	vmul.f32 v32, v45;
	v41 =	vmul.f32 v53, v7  }
0x47a: {  	[tilespmem:s6+$0x12320] =	vst v2;
	v29 =	vld [tilespmem:s6+$0xABF0];
	v45 =	vbroadcast v5, $0xF;
	v60 =	vadd.f32 v54, v52;
	v63 =	vadd.f32 v58, v55  }
0x47b: {  	[tilespmem:s6+$0x12330] =	vst v3;
	v42 =	vld [tilespmem:s6+$0xD3F0];
	v4 =	vadd.f32 v38, v33;
	v53 =	vmul.f32 v35, v8;
	v9 =	vadd.f32 v44, v43  }
0x47c: {  	[tilespmem:s6+$0x12340] =	vst v31;
	v59 =	vld [tilespmem:s6+$0xFBE0];
	v13 =	vadd.f32 v48, v47;
	v43 =	vmul.f32 v46, v6;
	v46 =	vadd.f32 v41, v40  }
0x47d: {  	[tilespmem:s6+$0x12350] =	vst v10;
	v44 =	vld [tilespmem:s6+$0xD400];
	v55 =	vmul.f32 v17, v45;
	v30 =	vadd.f32 v57, v60;
	v36 =	vadd.f32 v28, v63  }
0x47e: {  	[tilespmem:s6+$0x12370] =	vst v11;
	v48 =	vld [tilespmem:s6+$0xFBF0];
	v9 =	vadd.f32 v49, v9;
	v12 =	vadd.f32 v51, v13;
	v47 =	vmul.f32 v56, v6  }
0x47f: {  	[tilespmem:s6+$0x12380] =	vst v0;
	v4 =	vadd.f32 v43, v4;
	v49 =	vmul.f32 v62, v8;
	v50 =	vmul.f32 v29, v7;
	v51 =	vld [tilespmem:s6+$0xFC00]  }
0x480: {  	[tilespmem:s6+$0x12360] =	vst v1;
	v7 =	vmul.f32 v39, v7;
	v56 =	vmul.f32 v42, v6;
	v2 =	vadd.f32 v61, v30  }
0x481: {  	v3 =	vadd.f32 v32, v36;
	v57 =	vmul.f32 v59, v45;
	[tilespmem:s6+$0x12390] =	vst v9;
	v54 =	vadd.f32 v50, v49  }
0x482: {  	v52 =	vadd.f32 v47, v46;
	[tilespmem:s6+$0x123A0] =	vst v12;
	v5 =	vadd.f32 v7, v53;
	v6 =	vmul.f32 v44, v6  }
0x483: {  	p1 =	slt.u32 s5, $0x8;
	v58 =	vadd.f32 v55, v4;
	[tilespmem:s6+$0x123B0] =	vst v2;
	v60 =	vmul.f32 v48, v45;
	v59 =	vadd.f32 v56, v54  }
.Ltmp1:
0x484: {  	[tilespmem:s6+$0x123C0] =	vst v3;
	v0 =	vadd.f32 v57, v52;
	v61 =	vadd.f32 v6, v5;
	v1 =	vmul.f32 v51, v45;
	(pc) =	sbr.rel @p1 .LBB2_5-.Ltmp1, $4  }
0x485: {  	[tilespmem:s6+$0x123D0] =	vst v58;
	v62 =	vadd.f32 v60, v59  }
0x486: {  	[tilespmem:s6+$0x123E0] =	vst v0;
	v63 =	vadd.f32 v1, v61  }
0x487: {  	s0 =	sadd.s32 $0x2, s5;
	[tilespmem:s6+$0x123F0] =	vst v62  }
0x488: {  	s5 =	smov.u32 s0;
	[tilespmem:s6+$0x12400] =	vst v63  }
0x489: {  	s0 =	sld [smem:$0x7F0];
	_ =	sdelay $0x2  }
0x48a: {  	s1 =	rddreg [dreg:$0x1];
	s24 =	simm.s32 $0x0;
	s0 =	sshll.u32 s0, $0x3  }
0x48b: {  	s2 =	simm.s32 $0x11C10;
	s25 =	simm.s32 $0x2;
	s0 =	sadd.s32 s1, s0  }
0x48c: {  	[hbm4b:s0+s24] =	stream.linear.scatter [tilespmem:s2], [sflag:$0x2], $0x2800, $0x38;
	[tilespmem:$0x14410] =	vst v63  }
0x48d: {  	_ =	swait.ge [sflag:s25], $0x2800  }
0x48e: {  	s26 =	sld [smem:$0x7EF];
	_ =	sdelay $0x2  }
0x48f: {  	s1 =	sadd.s32 $0x1, s26  }
0x490: {  	p1 =	sne.s32 s1, $0x31  }
.Ltmp2:
0x491: {  	_ = 	snop;
	(pc) =	sbr.rel @p1 .LBB2_2-.Ltmp2, $4  }
0x492: {  	s28 =	sld [smem:$0x7EE]  }
0x493: {  	v2 =	vld [tilespmem:$0x1FFD0]  }
0x494: {  	[sflag:s25] =	ssyncset.done $0x0;
	v3 =	vld [tilespmem:$0x1FFE0]  }
0x495: {  	v1 =	vlaneseq.u32;
	v30 =	vimm.s32 $0x0;
	v4 =	vld [tilespmem:$0x1FFF0];
	[sflag:s25] =	ssyncadd.s32 $0xFFFFD800;
	s0 =	sadd.s32 $0xA0, s28  }
0x496: {  	s1 =	sld [smem:$0x7F4]  }
0x497: {  	s0 =	sld [smem:$0x7FB];
	_ =	sdelay $0x1  }
0x498: {  	s1 =	sadd.s32 $0x1, s1  }
0x499: {  	p1 =	sne.s32 s1, s0  }
.Ltmp3:
0x49a: {  	_ = 	snop;
	(pc) =	sbr.rel @p1 .LBB2_1-.Ltmp3, $2  }
0x49b: {  	_ =	sdelay $0x2  }
0x49c: {  	s3 =	simm.s32 $0x6310  }
0x49d: {  	_ =	sfence.sel $0x180000  }
0x49e: {  	[bflag:$0x0] =	sbarrier.arrive $0xFFFF  }
0x49f: {  	_ =	strace $0x90000047  }
0x4a0: {  	[bflag:$0x2] =	sbarrier.arrive $0xFFFF  }
0x4a1: {  	s0 =	rddreg [dreg:$0x3]  }
0x4a2: {  	s0 =	sadd.s32 @!p0 $0x100000, s0  }
0x4a3: {  	[sflag:s0] =	ssyncadd.tile.s32 @!p0 $0x1;
	_ =	shalt  }
.Lfunc_end2:
_tile_overlayer_lowered:
.L_overlay_start_2:
0x4a4: {  	(tag) =	ssettag $0x2  }
0x4a5: {  	s0 =	rddreg [dreg:$0x0];
	s2 =	stileid.u32  }
0x4a6: {  	s1 =	rddreg [dreg:$0x1];
	p0 =	sne.s32 s2, $0x0  }
0x4a7: {  	s3 =	rddreg [dreg:$0x2];
	[bflag:$0x3] =	sbarrier.arrive $0xFFFF;
	s2 =	simm.s32 @!p0 $0x1C02  }
0x4a8: {  	[timem:s3], [sflag:s2] =	dma.local @!p0 [hbm:s0], s1  }
0x4a9: {  	s0 =	simm.s32 @!p0 $0x2  }
0x4aa: {  	_ =	swait.ge @!p0 [sflag:s0], s1  }
0x4ab: {  	s1 =	ssub.s32 @!p0 $0x0, s1;
	[sflag:s0] =	ssyncset.done @!p0 $0x0  }
0x4ac: {  	[sflag:s0] =	ssyncadd.s32 @!p0 s1  }
0x4ad: {  	[bflag:$0x3] =	sbarrier.arrive $0xFFFF  }
0x4ae: {  	_ =	shalt  }

// kernel: sparse-core-data-format-call.cloned.1.call-start
scs
called_computation_lowered:
.L_overlay_start_0:
0x0: {  	s2 =	sld [smem:$0x3FD9]  }
0x1: {  	s3 =	sld [smem:$0x3FFE];
	_ =	sdelay $0x1  }
0x2: {  	s1 =	srdreg.scid  }
0x3: {  	s0 =	sand.u32 $0x1, s1  }
0x4: {  	s18 =	sshll.u32 s0, $0xA;
	s2 =	sadd.s32 s3, s2  }
0x5: {  	s2 =	sadd.s32 s2, s18  }
0x6: {  	[smem:$0x3FC6] =	sst s2  }
0x7: {  	_ = 	snop  }
0x8: {  	s2 =	sld [smem:$0x3FD0];
	(tm) =	ssettm $0x1  }
0x9: {  	s19 =	sld [smem:$0x3FFB];
	_ =	sdelay $0x3  }
0xa: {  	_ =	strace s19  }
0xb: {  	s3 =	sld [smem:$0x3FFC];
	_ =	sdelay $0x3  }
0xc: {  	_ =	strace s3  }
0xd: {  	s3 =	sld [smem:$0x3FFD];
	_ =	sdelay $0x3  }
0xe: {  	_ =	strace s3  }
0xf: {  	_ =	strace $0x8FFFFFFF  }
0x10: {  	s20 =	sld [smem:$0x3FDB];
	_ =	sdelay $0x1  }
0x11: {  	s4 =	simm.s32 $_scs_section_size  }
0x12: {  	s5 =	simm.s32 $_size__tile_overlayer_lowered;
	s6 =	simm.s32 $_tile_overlayer_lowered  }
0x13: {  	s23 =	simm.s32 $0x1BFF;
	s22 =	sshll.u32 s6, $0x1;
	s3 =	sadd.s32 s4, s20  }
0x14: {  	s7 =	simm.s32 $0x0;
	s21 =	sshll.u32 s5, $0x1;
	s5 =	sadd.s32 s22, s3  }
0x15: {  	[timem:s7], [sflag:s23] =	dma.local [hbm:s5], s21  }
0x16: {  	_ =	swait.ge [sflag:s23], s21  }
0x17: {  	s4 =	ssub.s32 $0x0, s21;
	[sflag:s23] =	ssyncset.done $0x0  }
0x18: {  	[sflag:s23] =	ssyncadd.s32 s4;
	_ =	sdelay $0x1  }
0x19: {  	s24 =	simm.s32 $0x1B8B  }
0x1a: {  	_ =	swait.ge [sflag:s24], $0x1  }
0x1b: {  	[sflag:s24] =	ssyncset.done $0x0  }
0x1c: {  	s26 =	simm.s32 $0x1B8E;
	s25 =	sld [smem:$0x3FFE];
	[sflag:s24] =	ssyncadd.s32 $0xFFFFFFFF  }
0x1d: {  	s27 =	simm.s32 $execute0_lowered;
	[smem:$0x3FD2] =	sst s26  }
0x1e: {  	s5 =	sshll.u32 s27, $0x1;
	_ =	strace $0x80000049;
	[dreg:$0x1] =	wrdreg $0xFFFFFFFF  }
0x1f: {  	s28 =	simm.s32 $_size_execute0_lowered;
	s3 =	sadd.s32 s3, s5;
	[dreg:$0x0] =	wrdreg $0x0  }
0x20: {  	s5 =	sshll.u32 s28, $0x1;
	[dreg:$0x2] =	wrdreg s3  }
0x21: {  	[dreg:$0x3] =	wrdreg s5  }
0x22: {  	[dreg:$0x4] =	wrdreg $0xC0  }
0x23: {  	_ =	task [dreg:s7], $0x5FFFF  }
0x24: {  	[dreg:$0x1] =	wrdreg $0xFFFFFFFF  }
0x25: {  	[dreg:$0x0] =	wrdreg $0x60  }
0x26: {  	[dreg:$0x2] =	wrdreg s25  }
0x27: {  	[dreg:$0x3] =	wrdreg s2  }
0x28: {  	[dreg:$0x4] =	wrdreg $0x9  }
0x29: {  	_ =	task.clear_ibuf [dreg:s7], $0x5FFFF;
	_ =	strace $0x90000049  }
0x2a: {  	s29 =	simm.s32 $0x9;
	_ =	strace $0x8000004B  }
0x2b: {  	_ =	swait.ge [sflag:s29], $0x1  }
0x2c: {  	[sflag:s29] =	ssyncadd.s32 $0xFFFFFFFF  }
0x2d: {  	_ =	strace $0x9000004B  }
0x2e: {  	_ =	sfence  }
0x2f: {  	s30 =	sld [smem:$0x0];
	_ =	sdelay $0x2  }
0x30: {  	s31 =	sshll.u32 s1, $0xD;
	s1 =	sshrl.u32 s1, $0x2  }
0x31: {  	s3 =	sand.u32 $0x4000, s31;
	s1 =	sadd.s32 s1, s30  }
0x32: {  	s0 =	sor.u32 s3, s0;
	s1 =	sshll.u32 s1, $0x11  }
0x33: {  	s0 =	sor.u32 s1, s0  }
0x34: {  	s0 =	sadd.s32 $0x8F2B, s0  }
0x35: {  	[sflag:s0] =	ssyncadd.remote.s32 $0x1  }
0x36: {  	_ =	sfence.sel $0xFFFF  }
0x37: {  	[dreg:$0x0] =	wrdreg $0xFFFFFFFF;
	(pc) =	sbr.abs _section_cstart, $3  }
0x38: {  	[dreg:$0x1] =	wrdreg $0xFFFFFFFF  }
0x39: {  	_ =	task.clear_ibuf [dreg:s7], $0x2FFFF;
	_ =	strace $0x9FFFFFFF  }
0x3a: {  	(tm) =	ssettm $0x7FFFFFFF  }
0x3b: {  	_ =	shalt  }
tec
execute0_lowered:
.L_overlay_start_1:
0x0: {  	(tag) =	ssettag $0x1  }
0x1: {  	s0 =	srdreg.scid  }
0x2: {  	s1 =	sshll.u32 s0, $0x4  }
0x3: {  	s4 =	rddreg [dreg:$0x0];
	s0 =	stileid.u32;
	s1 =	sand.u32 $0x10, s1  }
0x4: {  	s2 =	rddreg [dreg:$0x1];
	s7 =	simm.s32 $0x1;
	s1 =	sor.u32 s0, s1  }
0x5: {  	s8 =	simm.s32 $0x2;
	s11 =	simm.s32 $0x0;
	s3 =	sshll.u32 s1, $0x7  }
0x6: {  	s10 =	simm.s32 $0x0;
	s4 =	sadd.s32 $0xA00, s4;
	s6 =	ssub.s32 $0x3D400, s3  }
.Ltmp0:
0x7: {  	s1 =	rddreg [dreg:$0x2];
	s5 =	sand.u32 $0xF80, s6;
	(pc) =	sbr.rel .LBB1_1-.Ltmp0, $4  }
0x8: {  	_ =	strace $0x8000004A;
	s9 =	smov.u32 s3;
	p0 =	sne.s32 s5, $0x0  }
0x9: {  	s6 =	sshrl.u32 s6, $0xC;
	s5 =	simm.s32 $0x1;
	s7 =	simm.s32 @!p0 $0x0  }
0xa: {  	[sflag:s5] =	ssyncpa.u1 $0x0;
	p0 =	por $0x0, $0x0;
	s6 =	sadd.s32 s7, s6  }
0xb: {  	[sflag:s8] =	ssyncpa.u1 $0x0;
	s8 =	simm.s32 $0x1EA000;
	s7 =	sadd.s32 $0x1, s6  }
.LBB1_4:
0xc: {  	s14 =	sshll.u32 s11, $0x3  }
0xd: {  	s15 =	sshrl.u32 s14, $0xA  }
0xe: {  	s15 =	smulhi.u32 $0x10B7E6F, s15;
	_ =	sdelay $0x1  }
0xf: {  	s28 =	sand.u32 $0x7F, s11;
	s14 =	sand.u32 $0xFFFFFC00, s14;
	s16 =	smul.u32 $0x3D400, s15  }
0x10: {  	s11 =	sor.u32 s28, s14;
	s29 =	sand.u32 $0x3F, s15  }
0x11: {  	s14 =	smul.u32 $0x7A80, s29;
	s11 =	ssub.s32 s11, s16  }
0x12: {  	[tilespmem:s13+$0x810 ss:$0x81] =	vst.msk $0xffff, v2;
	s30 =	sand.u32 $0x7, s11  }
0x13: {  	[tilespmem:s13+$0x1020 ss:$0x81] =	vst.msk $0xffff, v0;
	s11 =	sshrl.u32 s11, $0x3;
	s14 =	sadd.s32 s2, s14;
	s15 =	sshll.u32 s30, $0x12  }
0x14: {  	[tilespmem:s13+$0x0 ss:$0x81] =	vst.msk $0xffff, v1;
	s11 =	sadd.s32 s11, s14;
	s31 =	sor.u32 $0x400, s15  }
0x15: {  	[hbm4b:s11+s31] =	stream.strided.scatter [tilespmem:s12], [sflag:$0x2], $0x2000, s8, s31, $0x20;
	[tilespmem:$0x8080] =	vst v63  }
.LBB1_5:
0x16: {  	s13 =	sadd.s32 $0x1000, s9  }
0x17: {  	p2 =	sgt.s32 s13, $0x3D3FF  }
0x18: {  	s13 =	smov.u32 @p2 s3;
	p2 =	sne.s32 s10, s7  }
.Ltmp1:
0x19: {  	p1 =	slt.u32 s10, $0x2;
	(pc) =	sbr.rel @!p2 .LBB1_6-.Ltmp1, $4  }
0x1a: {  	s12 =	simm.s32 @!p1 $0x2  }
0x1b: {  	s14 =	sadd.s32 $0x1, s10;
	_ =	swait.ge @!p1 [sflag:s12], $0x2000  }
0x1c: {  	s11 =	smov.u32 s9;
	p0 =	por !p0, !p0;
	[sflag:s12] =	ssyncset.done @!p1 $0x0  }
0x1d: {  	s10 =	smov.u32 s14;
	s9 =	smov.u32 s13;
	[sflag:s12] =	ssyncadd.s32 @!p1 $0xFFFFE000  }
.LBB1_1:
0x1e: {  	p1 =	sge.u32 s10, s6  }
0x1f: {  	s12 =	sand.u32 @!p1 $0x1FFFFFF, s9  }
0x20: {  	s13 =	smulhi.u32 @!p1 $0x10B7E6F, s12;
	_ =	sdelay $0x1  }
0x21: {  	s13 =	sshrl.u32 @!p1 s13, $0xA  }
0x22: {  	s13 =	smul.u32 @!p1 $0x3D400, s13;
	_ =	sdelay $0x1  }
0x23: {  	s31 =	sadd.s32 $0xFFFFFFFF, s10;
	s14 =	sxor.u32 @!p1 $0xFFFFFFFF, s10;
	s12 =	ssub.s32 @!p1 s12, s13  }
0x24: {  	s15 =	simm.s32 @!p1 $0x80;
	s14 =	sshll.u32 @!p1 s14, $0xD;
	s12 =	sshll.u32 @!p1 s12, $0x4  }
0x25: {  	s13 =	sand.u32 @!p1 $0x2000, s14;
	s14 =	simm.s32 @!p1 $0x40;
	s12 =	sadd.s32 @!p1 s4, s12  }
0x26: {  	[tilespmem:s13], [sflag:$0x1] =	stream.strided.gather @!p1 [hbm4b:s12+s14], $0x2000, s15, s14, $0x38;
	[tilespmem:$0x8080] =	vst v63  }
0x27: {  	p1 =	sge.u32 s31, s6  }
.Ltmp2:
0x28: {  	_ = 	snop;
	(pc) =	sbr.rel @p1 .LBB1_5-.Ltmp2, $1  }
0x29: {  	_ =	sdelay $0x3  }
0x2a: {  	s12 =	simm.s32 $0x1  }
0x2b: {  	_ =	swait.ge [sflag:s5], $0x2000;
	s12 =	simm.s32 @!p0 $0x0  }
0x2c: {  	[sflag:s5] =	ssyncset.done $0x0;
	s13 =	sshll.u32 s12, $0xD  }
0x2d: {  	[sflag:s5] =	ssyncadd.s32 $0xFFFFE000;
	s16 =	sor.u32 $0x20, s13  }
0x2e: {  	s12 =	smul.u32 $0x8100, s12;
	v3 =	vld [tilespmem:s16+$0x10]  }
0x2f: {  	s30 =	sand.u32 $0x1, s10;
	v2 =	vld [tilespmem:s16+$0xFFFFFFF0]  }
0x30: {  	s13 =	smul.u32 $0x8100, s30;
	s12 =	sshrl.u32 s12, $0x2;
	v0 =	vld [tilespmem:s16+$0x0]  }
0x31: {  	v1 =	vld [tilespmem:s16+$0xFFFFFFE0];
	s14 =	sor.u32 $0x4000, s12  }
0x32: {  	s31 =	sshrl.u32 s13, $0x2;
	s13 =	sadd.s32 $0x0, s14  }
0x33: {  	s15 =	simm.s32 $0x4;
	s16 =	sadd.s32 $0x40, s16;
	s12 =	sor.u32 $0x4000, s31;
	[tilespmem:s13+$0x1830 ss:$0x81] =	vst.msk $0xffff, v3  }
.LBB1_3:
0x34: {  	v3 =	vld [tilespmem:s16+$0x10];
	p1 =	sne.s32 s15, $0x1FC;
	[tilespmem:s13+$0x810 ss:$0x81] =	vst.msk $0xffff, v2;
	s17 =	smov.u32 s15;
	s15 =	sadd.s32 $0x4, s15  }
.Ltmp3:
0x35: {  	v2 =	vld [tilespmem:s16+$0xFFFFFFF0];
	[tilespmem:s13+$0x1020 ss:$0x81] =	vst.msk $0xffff, v0;
	(pc) =	sbr.rel @p1 .LBB1_3-.Ltmp3, $4  }
0x36: {  	v0 =	vld [tilespmem:s16+$0x0];
	[tilespmem:s13+$0x0 ss:$0x81] =	vst.msk $0xffff, v1  }
0x37: {  	s13 =	sshra.s32 s17, $0x2;
	v1 =	vld [tilespmem:s16+$0xFFFFFFE0]  }
0x38: {  	s13 =	sadd.s32 s13, s14  }
0x39: {  	s16 =	sadd.s32 $0x40, s16;
	[tilespmem:s13+$0x1830 ss:$0x81] =	vst.msk $0xffff, v3  }
.Ltmp4:
0x3a: {  	_ = 	snop;
	(pc) =	sbr.rel .LBB1_4-.Ltmp4, $1  }
0x3b: {  	_ =	sdelay $0x3  }
.LBB1_6:
0x3c: {  	_ =	sfence.sel $0x180000  }
0x3d: {  	s2 =	simm.s32 $0x1;
	[bflag:$0x0] =	sbarrier.arrive $0xFFFF  }
0x3e: {  	s31 =	simm.s32 $0x2;
	[sflag:s2] =	ssyncpa.u1 $0x1  }
0x3f: {  	[sflag:s31] =	ssyncpa.u1 $0x1  }
0x40: {  	p0 =	sne.s32 s0, $0x0;
	_ =	strace $0x9000004A  }
0x41: {  	s0 =	sadd.s32 @!p0 $0x100000, s1;
	[bflag:$0x2] =	sbarrier.arrive $0xFFFF  }
0x42: {  	[sflag:s0] =	ssyncadd.tile.s32 @!p0 $0x1;
	_ =	shalt  }
.Lfunc_end1:
_tile_overlayer_lowered:
.L_overlay_start_2:
0x43: {  	(tag) =	ssettag $0x2  }
0x44: {  	s0 =	rddreg [dreg:$0x0];
	s2 =	stileid.u32  }
0x45: {  	s1 =	rddreg [dreg:$0x1];
	p0 =	sne.s32 s2, $0x0  }
0x46: {  	s3 =	rddreg [dreg:$0x2];
	[bflag:$0x3] =	sbarrier.arrive $0xFFFF;
	s2 =	simm.s32 @!p0 $0x1C01  }
0x47: {  	[timem:s3], [sflag:s2] =	dma.local @!p0 [hbm:s0], s1  }
0x48: {  	s0 =	simm.s32 @!p0 $0x1  }
0x49: {  	_ =	swait.ge @!p0 [sflag:s0], s1  }
0x4a: {  	s1 =	ssub.s32 @!p0 $0x0, s1;
	[sflag:s0] =	ssyncset.done @!p0 $0x0  }
0x4b: {  	[sflag:s0] =	ssyncadd.s32 @!p0 s1  }
0x4c: {  	[bflag:$0x3] =	sbarrier.arrive $0xFFFF  }
0x4d: {  	_ =	shalt  }

</sc_bundles>
